<compile_context>
chip_gen: v7x
topology: tpu7x:2x2x1
jax: 0.10.2.dev20260603
libtpu: 0.0.44.dev20260713+nightly
codegen_flags: <defaults>
</compile_context>

<pallas_src>
import functools

import jax
import jax.numpy as jnp
from jax import lax
from jax.experimental import pallas as pl
from jax.experimental.pallas import tpu as pltpu
from jax.experimental.pallas import tpu_sc as plsc

_NC, _NS, _L = 2, 16, 16
_NW = _NC * _NS
_CHR = 64
_W = 512


def _compute_chunk(inb, outb, idx0):
    i_e = idx0
    i_o = idx0 + 1

    def row_body(q, carry):
        for kk in range(0, 16, 8):
            ks = range(kk, kk + 8)
            wins = [(inb.at[2 * q, pl.ds(32 * k, 32)],
                     inb.at[2 * q + 1, pl.ds(32 * k, 32)]) for k in ks]
            g = [[jnp.maximum(plsc.load_gather(w, [i]), 0.0)
                  for w, i in ((we, i_e), (we, i_o), (wo, i_e), (wo, i_o))]
                 for we, wo in wins]
            dens = [jnp.maximum((e1 + o1) + (e2 + o2), 1.2e-38)
                    for e1, o1, e2, o2 in g]
            nums = [(e1 * e1 + o1 * o1) + (e2 * e2 + o2 * o2)
                    for e1, o1, e2, o2 in g]
            for k, num, den in zip(ks, nums, dens):
                outb[q, pl.ds(16 * k, 16)] = num / den
        return carry

    lax.fori_loop(0, _CHR // 2, row_body, 0)


def _sc_pool_body(x_hbm, o_hbm, ib0, ib1, ob0, ob1,
                  isem0, isem1, osem0, osem1):
    c = lax.axis_index("c")
    s = lax.axis_index("s")
    wid = s * _NC + c
    nplanes = x_hbm.shape[0]
    h = x_hbm.shape[1]
    planes_per_w = nplanes // _NW
    chunks_per_plane = h // _CHR
    nch = planes_per_w * chunks_per_plane
    idx0 = lax.iota(jnp.int32, 16) * 2
    inbufs = (ib0, ib1)
    outbufs = (ob0, ob1)
    isems = (isem0, isem1)
    osems = (osem0, osem1)

    def in_src(g):
        plane = wid * planes_per_w + g // chunks_per_plane
        r0 = (g % chunks_per_plane) * _CHR
        return x_hbm.at[plane, pl.ds(r0, _CHR), :]

    def out_dst(g):
        plane = wid * planes_per_w + g // chunks_per_plane
        r0 = (g % chunks_per_plane) * (_CHR // 2)
        return o_hbm.at[plane, pl.ds(r0, _CHR // 2), :]

    for b in range(2):
        pltpu.make_async_copy(in_src(jnp.int32(b)), inbufs[b], isems[b]).start()

    def pair_body(g0, carry):
        for b in range(2):
            g = 2 * g0 + b
            pltpu.make_async_copy(in_src(g), inbufs[b], isems[b]).wait()

            @pl.when(g >= 2)
            def _():
                pltpu.make_async_copy(outbufs[b], out_dst(g), osems[b]).wait()

            _compute_chunk(inbufs[b], outbufs[b], idx0)
            pltpu.make_async_copy(outbufs[b], out_dst(g), osems[b]).start()
            pltpu.make_async_copy(in_src(g + 2), inbufs[b], isems[b]).start()
        return carry

    lax.fori_loop(0, nch // 2 - 1, pair_body, 0)

    for b in range(2):
        g = nch - 2 + b
        pltpu.make_async_copy(in_src(g), inbufs[b], isems[b]).wait()
        pltpu.make_async_copy(outbufs[b], out_dst(g), osems[b]).wait()
        _compute_chunk(inbufs[b], outbufs[b], idx0)
        pltpu.make_async_copy(outbufs[b], out_dst(g), osems[b]).start()
    for b in range(2):
        g = nch - 2 + b
        pltpu.make_async_copy(outbufs[b], out_dst(g), osems[b]).wait()


def kernel(tensor):
    B, C, H, W = tensor.shape
    x = tensor.reshape(B * C, H, W)
    sc_pool = functools.partial(
        pl.kernel,
        out_type=jax.ShapeDtypeStruct((B * C, H // 2, W // 2), jnp.float32),
        mesh=plsc.VectorSubcoreMesh(core_axis_name="c", subcore_axis_name="s"),
        compiler_params=pltpu.CompilerParams(needs_layout_passes=False),
        scratch_types=[
            pltpu.VMEM((_CHR, _W), jnp.float32),
            pltpu.VMEM((_CHR, _W), jnp.float32),
            pltpu.VMEM((_CHR // 2, _W // 2), jnp.float32),
            pltpu.VMEM((_CHR // 2, _W // 2), jnp.float32),
            pltpu.SemaphoreType.DMA,
            pltpu.SemaphoreType.DMA,
            pltpu.SemaphoreType.DMA,
            pltpu.SemaphoreType.DMA,
        ],
    )(_sc_pool_body)
    out = sc_pool(x)
    return out.reshape(B, C, H // 2, W // 2)

# --- scband reference (transcript-rebuilt; emitter-appended) ---
"""Pipeline reference for scband-stochastic-pool2-dlayer-43044162241228 (READ-ONLY COPY).

The authoritative reference and input builder live on the scoring server;
editing this copy changes nothing except your own understanding.
"""

import jax, jax.numpy as jnp
import numpy as np

KH, KW = 2, 2
SH, SW = 2, 2


def setup_inputs(seed: int = 0) -> dict:
    key = jax.random.key(seed)
    x = jax.random.normal(key, (8, 96, 512, 512), dtype=jnp.float32)
    return {"tensor": x}


def reference(tensor):
    # StochasticPool2DLayer, eval branch (deterministic expected pooling):
    #   t = relu(x); windows of kernel 2x2 stride 2 (non-overlapping, padding=0)
    #   probabilities = t / sum(t)  (sum==0 -> 1)
    #   out = sum(t * probabilities) over window
    t = jnp.maximum(tensor, 0.0)
    B, C, H, W = t.shape
    Ho, Wo = (H - KH) // SH + 1, (W - KW) // SW + 1
    # kernel == stride, padding 0 -> exact unfold via reshape/transpose
    t = t.reshape(B, C, Ho, KH, Wo, KW)
    t = jnp.transpose(t, (0, 1, 2, 4, 3, 5)).reshape(B, C, Ho, Wo, KH * KW)
    sum_t = jnp.sum(t, axis=-1, keepdims=True)
    sum_t = jnp.where(sum_t == 0, 1.0, sum_t)
    probabilities = t / sum_t
    out = jnp.sum(t * probabilities, axis=-1)
    return out

if __name__ == "__main__":
    import jax
    _d = setup_inputs()
    print(jax.jit(kernel)(*tuple(_d.values())))

</pallas_src>

<mosaic_0001>
#map = affine_map<(d0, d1) -> (0, 0, 0)>
module attributes {stable_mosaic.version = 14 : i64} {
  func.func @_sc_pool_body(%arg0: i32, %arg1: i32, %arg2: memref<768x512x512xf32, #tpu.memory_space<hbm>>, %arg3: memref<768x256x256xf32, #tpu.memory_space<hbm>>, %arg4: memref<64x512xf32, #tpu.memory_space<vmem>>, %arg5: memref<64x512xf32, #tpu.memory_space<vmem>>, %arg6: memref<32x256xf32, #tpu.memory_space<vmem>>, %arg7: memref<32x256xf32, #tpu.memory_space<vmem>>, %arg8: memref<!tpu.dma_semaphore, #tpu.memory_space<semaphore_mem>>, %arg9: memref<!tpu.dma_semaphore, #tpu.memory_space<semaphore_mem>>, %arg10: memref<!tpu.dma_semaphore, #tpu.memory_space<semaphore_mem>>, %arg11: memref<!tpu.dma_semaphore, #tpu.memory_space<semaphore_mem>>) attributes {dimension_semantics = [#tpu.dimension_semantics<core_parallel>, #tpu.dimension_semantics<subcore_parallel>], iteration_bounds = array<i64: 2, 16>, scalar_prefetch = 0 : i64, scratch_operands = 8 : i64, tpu.core_type = #tpu.core_type<sc_vector_subcore>, window_params = [{transform_indices = #map}, {transform_indices = #map}]} {
    %mul3A = arith.constant 2 : i32
    %mul3A_0 = arith.muli %arg1, %mul3A : i32
    %add3A = arith.addi %mul3A_0, %arg0 : i32
    %iota3A = tpu.iota {dimensions = array<i32: 0>} : vector<16xi32>
    %mul3A_1 = arith.constant 2 : i32
    %mul3A_2 = vector.broadcast %mul3A_1 : i32 to vector<16xi32>
    %mul3A_3 = arith.muli %iota3A, %mul3A_2 : vector<16xi32>
    %mul3A_4 = arith.constant 24 : i32
    %mul3A_5 = arith.muli %add3A, %mul3A_4 : i32
    %jit3A = arith.constant 0 : i32
    %jit3A_6 = arith.constant 8 : i32
    %div3A = arith.divsi %jit3A, %jit3A_6 : i32
    %sign3A = arith.constant 0 : i32
    %sign3A_7 = arith.cmpi sgt, %jit3A, %sign3A : i32
    %sign3A_8 = arith.extui %sign3A_7 : i1 to i32
    %sign3A_9 = arith.constant 0 : i32
    %sign3A_10 = arith.cmpi slt, %jit3A, %sign3A_9 : i32
    %sign3A_11 = arith.extui %sign3A_10 : i1 to i32
    %sign3A_12 = arith.subi %sign3A_8, %sign3A_11 : i32
    %sign3A_13 = arith.constant 0 : i32
    %sign3A_14 = arith.cmpi sgt, %jit3A_6, %sign3A_13 : i32
    %sign3A_15 = arith.extui %sign3A_14 : i1 to i32
    %sign3A_16 = arith.constant 0 : i32
    %sign3A_17 = arith.cmpi slt, %jit3A_6, %sign3A_16 : i32
    %sign3A_18 = arith.extui %sign3A_17 : i1 to i32
    %sign3A_19 = arith.subi %sign3A_15, %sign3A_18 : i32
    %ne3A = arith.cmpi ne, %sign3A_12, %sign3A_19 : i32
    %rem3A = arith.remsi %jit3A, %jit3A_6 : i32
    %ne3A_20 = arith.constant 0 : i32
    %ne3A_21 = arith.cmpi ne, %rem3A, %ne3A_20 : i32
    %and3A = arith.andi %ne3A, %ne3A_21 : i1
    %sub3A = arith.constant 1 : i32
    %sub3A_22 = arith.subi %div3A, %sub3A : i32
    %select_n3A = arith.select %and3A, %sub3A_22, %div3A : i32
    %add3A_23 = arith.addi %mul3A_5, %select_n3A : i32
    %jit3A_24 = arith.constant 0 : i32
    %jit3A_25 = arith.constant 8 : i32
    %eq3A = arith.constant 0 : i32
    %eq3A_26 = arith.cmpi eq, %jit3A_25, %eq3A : i32
    %jit3A_27 = arith.constant 1 : i32
    %select_n3A_28 = arith.select %eq3A_26, %jit3A_27, %jit3A_25 : i32
    %rem3A_29 = arith.remsi %jit3A_24, %select_n3A_28 : i32
    %ne3A_30 = arith.constant 0 : i32
    %ne3A_31 = arith.cmpi ne, %rem3A_29, %ne3A_30 : i32
    %lt3A = arith.constant 0 : i32
    %lt3A_32 = arith.cmpi slt, %rem3A_29, %lt3A : i32
    %lt3A_33 = arith.constant 0 : i32
    %lt3A_34 = arith.cmpi slt, %select_n3A_28, %lt3A_33 : i32
    %ne3A_35 = arith.xori %lt3A_32, %lt3A_34 : i1
    %and3A_36 = arith.andi %ne3A_35, %ne3A_31 : i1
    %add3A_37 = arith.addi %rem3A_29, %select_n3A_28 : i32
    %select_n3A_38 = arith.select %and3A_36, %add3A_37, %rem3A_29 : i32
    %mul3A_39 = arith.constant 64 : i32
    %mul3A_40 = arith.muli %select_n3A_38, %mul3A_39 : i32
    %dma_start3A = arith.constant 0 : i32
    %dma_start3A_41 = tpu.memref_slice %arg2[%add3A_23, %mul3A_40, %dma_start3A] : memref<768x512x512xf32, #tpu.memory_space<hbm>> -> memref<1x64x512xf32, #tpu.memory_space<hbm>>
    %dma_start3A_42 = tpu.memref_squeeze %dma_start3A_41 : memref<1x64x512xf32, #tpu.memory_space<hbm>> -> memref<64x512xf32, #tpu.memory_space<hbm>>
    %dma_start3A_43 = arith.constant 0 : i32
    %dma_start3A_44 = tpu.memref_slice %arg2[%add3A_23, %mul3A_40, %dma_start3A_43] : memref<768x512x512xf32, #tpu.memory_space<hbm>> -> memref<1x64x512xf32, #tpu.memory_space<hbm>>
    %dma_start3A_45 = tpu.memref_squeeze %dma_start3A_44 : memref<1x64x512xf32, #tpu.memory_space<hbm>> -> memref<64x512xf32, #tpu.memory_space<hbm>>
    tpu.enqueue_dma source(%dma_start3A_45 : memref<64x512xf32, #tpu.memory_space<hbm>>) target(%arg4 : memref<64x512xf32, #tpu.memory_space<vmem>>) target_semaphore(%arg8 : memref<!tpu.dma_semaphore, #tpu.memory_space<semaphore_mem>>)
    %mul3A_46 = arith.constant 24 : i32
    %mul3A_47 = arith.muli %add3A, %mul3A_46 : i32
    %jit3A_48 = arith.constant 1 : i32
    %jit3A_49 = arith.constant 8 : i32
    %div3A_50 = arith.divsi %jit3A_48, %jit3A_49 : i32
    %sign3A_51 = arith.constant 0 : i32
    %sign3A_52 = arith.cmpi sgt, %jit3A_48, %sign3A_51 : i32
    %sign3A_53 = arith.extui %sign3A_52 : i1 to i32
    %sign3A_54 = arith.constant 0 : i32
    %sign3A_55 = arith.cmpi slt, %jit3A_48, %sign3A_54 : i32
    %sign3A_56 = arith.extui %sign3A_55 : i1 to i32
    %sign3A_57 = arith.subi %sign3A_53, %sign3A_56 : i32
    %sign3A_58 = arith.constant 0 : i32
    %sign3A_59 = arith.cmpi sgt, %jit3A_49, %sign3A_58 : i32
    %sign3A_60 = arith.extui %sign3A_59 : i1 to i32
    %sign3A_61 = arith.constant 0 : i32
    %sign3A_62 = arith.cmpi slt, %jit3A_49, %sign3A_61 : i32
    %sign3A_63 = arith.extui %sign3A_62 : i1 to i32
    %sign3A_64 = arith.subi %sign3A_60, %sign3A_63 : i32
    %ne3A_65 = arith.cmpi ne, %sign3A_57, %sign3A_64 : i32
    %rem3A_66 = arith.remsi %jit3A_48, %jit3A_49 : i32
    %ne3A_67 = arith.constant 0 : i32
    %ne3A_68 = arith.cmpi ne, %rem3A_66, %ne3A_67 : i32
    %and3A_69 = arith.andi %ne3A_65, %ne3A_68 : i1
    %sub3A_70 = arith.constant 1 : i32
    %sub3A_71 = arith.subi %div3A_50, %sub3A_70 : i32
    %select_n3A_72 = arith.select %and3A_69, %sub3A_71, %div3A_50 : i32
    %add3A_73 = arith.addi %mul3A_47, %select_n3A_72 : i32
    %jit3A_74 = arith.constant 1 : i32
    %jit3A_75 = arith.constant 8 : i32
    %eq3A_76 = arith.constant 0 : i32
    %eq3A_77 = arith.cmpi eq, %jit3A_75, %eq3A_76 : i32
    %jit3A_78 = arith.constant 1 : i32
    %select_n3A_79 = arith.select %eq3A_77, %jit3A_78, %jit3A_75 : i32
    %rem3A_80 = arith.remsi %jit3A_74, %select_n3A_79 : i32
    %ne3A_81 = arith.constant 0 : i32
    %ne3A_82 = arith.cmpi ne, %rem3A_80, %ne3A_81 : i32
    %lt3A_83 = arith.constant 0 : i32
    %lt3A_84 = arith.cmpi slt, %rem3A_80, %lt3A_83 : i32
    %lt3A_85 = arith.constant 0 : i32
    %lt3A_86 = arith.cmpi slt, %select_n3A_79, %lt3A_85 : i32
    %ne3A_87 = arith.xori %lt3A_84, %lt3A_86 : i1
    %and3A_88 = arith.andi %ne3A_87, %ne3A_82 : i1
    %add3A_89 = arith.addi %rem3A_80, %select_n3A_79 : i32
    %select_n3A_90 = arith.select %and3A_88, %add3A_89, %rem3A_80 : i32
    %mul3A_91 = arith.constant 64 : i32
    %mul3A_92 = arith.muli %select_n3A_90, %mul3A_91 : i32
    %dma_start3A_93 = arith.constant 0 : i32
    %dma_start3A_94 = tpu.memref_slice %arg2[%add3A_73, %mul3A_92, %dma_start3A_93] : memref<768x512x512xf32, #tpu.memory_space<hbm>> -> memref<1x64x512xf32, #tpu.memory_space<hbm>>
    %dma_start3A_95 = tpu.memref_squeeze %dma_start3A_94 : memref<1x64x512xf32, #tpu.memory_space<hbm>> -> memref<64x512xf32, #tpu.memory_space<hbm>>
    %dma_start3A_96 = arith.constant 0 : i32
    %dma_start3A_97 = tpu.memref_slice %arg2[%add3A_73, %mul3A_92, %dma_start3A_96] : memref<768x512x512xf32, #tpu.memory_space<hbm>> -> memref<1x64x512xf32, #tpu.memory_space<hbm>>
    %dma_start3A_98 = tpu.memref_squeeze %dma_start3A_97 : memref<1x64x512xf32, #tpu.memory_space<hbm>> -> memref<64x512xf32, #tpu.memory_space<hbm>>
    tpu.enqueue_dma source(%dma_start3A_98 : memref<64x512xf32, #tpu.memory_space<hbm>>) target(%arg5 : memref<64x512xf32, #tpu.memory_space<vmem>>) target_semaphore(%arg9 : memref<!tpu.dma_semaphore, #tpu.memory_space<semaphore_mem>>)
    %scan3A = arith.constant 0 : i32
    %scan3A_99 = arith.constant 0 : i32
    %scan3A_100 = arith.constant 95 : i32
    %scan3A_101 = arith.addi %scan3A_99, %scan3A_100 : i32
    %scan3A_102 = arith.constant 1 : i32
    scf.for %scan3A_217 = %scan3A_99 to %scan3A_101 step %scan3A_102  : i32 {
      %mul3A_218 = arith.constant 2 : i32
      %mul3A_219 = arith.muli %mul3A_218, %scan3A_217 : i32
      %add3A_220 = arith.constant 0 : i32
      %add3A_221 = arith.addi %mul3A_219, %add3A_220 : i32
      %mul3A_222 = arith.constant 24 : i32
      %mul3A_223 = arith.muli %add3A, %mul3A_222 : i32
      %jit3A_224 = arith.constant 8 : i32
      %div3A_225 = arith.divsi %add3A_221, %jit3A_224 : i32
      %sign3A_226 = arith.constant 0 : i32
      %sign3A_227 = arith.cmpi sgt, %add3A_221, %sign3A_226 : i32
      %sign3A_228 = arith.extui %sign3A_227 : i1 to i32
      %sign3A_229 = arith.constant 0 : i32
      %sign3A_230 = arith.cmpi slt, %add3A_221, %sign3A_229 : i32
      %sign3A_231 = arith.extui %sign3A_230 : i1 to i32
      %sign3A_232 = arith.subi %sign3A_228, %sign3A_231 : i32
      %sign3A_233 = arith.constant 0 : i32
      %sign3A_234 = arith.cmpi sgt, %jit3A_224, %sign3A_233 : i32
      %sign3A_235 = arith.extui %sign3A_234 : i1 to i32
      %sign3A_236 = arith.constant 0 : i32
      %sign3A_237 = arith.cmpi slt, %jit3A_224, %sign3A_236 : i32
      %sign3A_238 = arith.extui %sign3A_237 : i1 to i32
      %sign3A_239 = arith.subi %sign3A_235, %sign3A_238 : i32
      %ne3A_240 = arith.cmpi ne, %sign3A_232, %sign3A_239 : i32
      %rem3A_241 = arith.remsi %add3A_221, %jit3A_224 : i32
      %ne3A_242 = arith.constant 0 : i32
      %ne3A_243 = arith.cmpi ne, %rem3A_241, %ne3A_242 : i32
      %and3A_244 = arith.andi %ne3A_240, %ne3A_243 : i1
      %sub3A_245 = arith.constant 1 : i32
      %sub3A_246 = arith.subi %div3A_225, %sub3A_245 : i32
      %select_n3A_247 = arith.select %and3A_244, %sub3A_246, %div3A_225 : i32
      %add3A_248 = arith.addi %mul3A_223, %select_n3A_247 : i32
      %jit3A_249 = arith.constant 8 : i32
      %eq3A_250 = arith.constant 0 : i32
      %eq3A_251 = arith.cmpi eq, %jit3A_249, %eq3A_250 : i32
      %jit3A_252 = arith.constant 1 : i32
      %select_n3A_253 = arith.select %eq3A_251, %jit3A_252, %jit3A_249 : i32
      %rem3A_254 = arith.remsi %add3A_221, %select_n3A_253 : i32
      %ne3A_255 = arith.constant 0 : i32
      %ne3A_256 = arith.cmpi ne, %rem3A_254, %ne3A_255 : i32
      %lt3A_257 = arith.constant 0 : i32
      %lt3A_258 = arith.cmpi slt, %rem3A_254, %lt3A_257 : i32
      %lt3A_259 = arith.constant 0 : i32
      %lt3A_260 = arith.cmpi slt, %select_n3A_253, %lt3A_259 : i32
      %ne3A_261 = arith.xori %lt3A_258, %lt3A_260 : i1
      %and3A_262 = arith.andi %ne3A_261, %ne3A_256 : i1
      %add3A_263 = arith.addi %rem3A_254, %select_n3A_253 : i32
      %select_n3A_264 = arith.select %and3A_262, %add3A_263, %rem3A_254 : i32
      %mul3A_265 = arith.constant 64 : i32
      %mul3A_266 = arith.muli %select_n3A_264, %mul3A_265 : i32
      %dma_wait3A_267 = arith.constant 0 : i32
      %dma_wait3A_268 = tpu.memref_slice %arg2[%add3A_248, %mul3A_266, %dma_wait3A_267] : memref<768x512x512xf32, #tpu.memory_space<hbm>> -> memref<1x64x512xf32, #tpu.memory_space<hbm>>
      %dma_wait3A_269 = tpu.memref_squeeze %dma_wait3A_268 : memref<1x64x512xf32, #tpu.memory_space<hbm>> -> memref<64x512xf32, #tpu.memory_space<hbm>>
      %dma_wait3A_270 = arith.constant 0 : i32
      %dma_wait3A_271 = tpu.memref_slice %arg2[%add3A_248, %mul3A_266, %dma_wait3A_270] : memref<768x512x512xf32, #tpu.memory_space<hbm>> -> memref<1x64x512xf32, #tpu.memory_space<hbm>>
      %dma_wait3A_272 = tpu.memref_squeeze %dma_wait3A_271 : memref<1x64x512xf32, #tpu.memory_space<hbm>> -> memref<64x512xf32, #tpu.memory_space<hbm>>
      tpu.wait_dma2 semaphore(%arg8 : memref<!tpu.dma_semaphore, #tpu.memory_space<semaphore_mem>>) src(%dma_wait3A_272 : memref<64x512xf32, #tpu.memory_space<hbm>>) dst(%arg4 : memref<64x512xf32, #tpu.memory_space<vmem>>)
      %ge3A = arith.constant 2 : i32
      %ge3A_273 = arith.cmpi sge, %add3A_221, %ge3A : i32
      %convert_element_type3A = arith.extui %ge3A_273 : i1 to i32
      %cond3A = arith.constant 0 : i32
      %cond3A_274 = arith.cmpi ne, %convert_element_type3A, %cond3A : i32
      scf.if %cond3A_274 {
        %mul3A_561 = arith.constant 24 : i32
        %mul3A_562 = arith.muli %add3A, %mul3A_561 : i32
        %jit3A_563 = arith.constant 8 : i32
        %div3A_564 = arith.divsi %add3A_221, %jit3A_563 : i32
        %sign3A_565 = arith.constant 0 : i32
        %sign3A_566 = arith.cmpi sgt, %add3A_221, %sign3A_565 : i32
        %sign3A_567 = arith.extui %sign3A_566 : i1 to i32
        %sign3A_568 = arith.constant 0 : i32
        %sign3A_569 = arith.cmpi slt, %add3A_221, %sign3A_568 : i32
        %sign3A_570 = arith.extui %sign3A_569 : i1 to i32
        %sign3A_571 = arith.subi %sign3A_567, %sign3A_570 : i32
        %sign3A_572 = arith.constant 0 : i32
        %sign3A_573 = arith.cmpi sgt, %jit3A_563, %sign3A_572 : i32
        %sign3A_574 = arith.extui %sign3A_573 : i1 to i32
        %sign3A_575 = arith.constant 0 : i32
        %sign3A_576 = arith.cmpi slt, %jit3A_563, %sign3A_575 : i32
        %sign3A_577 = arith.extui %sign3A_576 : i1 to i32
        %sign3A_578 = arith.subi %sign3A_574, %sign3A_577 : i32
        %ne3A_579 = arith.cmpi ne, %sign3A_571, %sign3A_578 : i32
        %rem3A_580 = arith.remsi %add3A_221, %jit3A_563 : i32
        %ne3A_581 = arith.constant 0 : i32
        %ne3A_582 = arith.cmpi ne, %rem3A_580, %ne3A_581 : i32
        %and3A_583 = arith.andi %ne3A_579, %ne3A_582 : i1
        %sub3A_584 = arith.constant 1 : i32
        %sub3A_585 = arith.subi %div3A_564, %sub3A_584 : i32
        %select_n3A_586 = arith.select %and3A_583, %sub3A_585, %div3A_564 : i32
        %add3A_587 = arith.addi %mul3A_562, %select_n3A_586 : i32
        %jit3A_588 = arith.constant 8 : i32
        %eq3A_589 = arith.constant 0 : i32
        %eq3A_590 = arith.cmpi eq, %jit3A_588, %eq3A_589 : i32
        %jit3A_591 = arith.constant 1 : i32
        %select_n3A_592 = arith.select %eq3A_590, %jit3A_591, %jit3A_588 : i32
        %rem3A_593 = arith.remsi %add3A_221, %select_n3A_592 : i32
        %ne3A_594 = arith.constant 0 : i32
        %ne3A_595 = arith.cmpi ne, %rem3A_593, %ne3A_594 : i32
        %lt3A_596 = arith.constant 0 : i32
        %lt3A_597 = arith.cmpi slt, %rem3A_593, %lt3A_596 : i32
        %lt3A_598 = arith.constant 0 : i32
        %lt3A_599 = arith.cmpi slt, %select_n3A_592, %lt3A_598 : i32
        %ne3A_600 = arith.xori %lt3A_597, %lt3A_599 : i1
        %and3A_601 = arith.andi %ne3A_600, %ne3A_595 : i1
        %add3A_602 = arith.addi %rem3A_593, %select_n3A_592 : i32
        %select_n3A_603 = arith.select %and3A_601, %add3A_602, %rem3A_593 : i32
        %mul3A_604 = arith.constant 32 : i32
        %mul3A_605 = arith.muli %select_n3A_603, %mul3A_604 : i32
        %dma_wait3A_606 = arith.constant 0 : i32
        %dma_wait3A_607 = tpu.memref_slice %arg3[%add3A_587, %mul3A_605, %dma_wait3A_606] : memref<768x256x256xf32, #tpu.memory_space<hbm>> -> memref<1x32x256xf32, #tpu.memory_space<hbm>>
        %dma_wait3A_608 = tpu.memref_squeeze %dma_wait3A_607 : memref<1x32x256xf32, #tpu.memory_space<hbm>> -> memref<32x256xf32, #tpu.memory_space<hbm>>
        %dma_wait3A_609 = arith.constant 0 : i32
        %dma_wait3A_610 = tpu.memref_slice %arg3[%add3A_587, %mul3A_605, %dma_wait3A_609] : memref<768x256x256xf32, #tpu.memory_space<hbm>> -> memref<1x32x256xf32, #tpu.memory_space<hbm>>
        %dma_wait3A_611 = tpu.memref_squeeze %dma_wait3A_610 : memref<1x32x256xf32, #tpu.memory_space<hbm>> -> memref<32x256xf32, #tpu.memory_space<hbm>>
        tpu.wait_dma2 semaphore(%arg10 : memref<!tpu.dma_semaphore, #tpu.memory_space<semaphore_mem>>) src(%arg6 : memref<32x256xf32, #tpu.memory_space<vmem>>) dst(%dma_wait3A_611 : memref<32x256xf32, #tpu.memory_space<hbm>>)
      } else {
      }
      %add3A_275 = arith.constant 1 : i32
      %add3A_276 = vector.broadcast %add3A_275 : i32 to vector<16xi32>
      %add3A_277 = arith.addi %mul3A_3, %add3A_276 : vector<16xi32>
      %scan3A_278 = arith.constant 0 : i32
      %scan3A_279 = arith.constant 0 : i32
      %scan3A_280 = arith.constant 32 : i32
      %scan3A_281 = arith.addi %scan3A_279, %scan3A_280 : i32
      %scan3A_282 = arith.constant 1 : i32
      scf.for %scan3A_561 = %scan3A_279 to %scan3A_281 step %scan3A_282  : i32 {
        %mul3A_562 = arith.constant 2 : i32
        %mul3A_563 = arith.muli %mul3A_562, %scan3A_561 : i32
        %mul3A_564 = arith.constant 2 : i32
        %mul3A_565 = arith.muli %mul3A_564, %scan3A_561 : i32
        %add3A_566 = arith.constant 1 : i32
        %add3A_567 = arith.addi %mul3A_565, %add3A_566 : i32
        %mul3A_568 = arith.constant 2 : i32
        %mul3A_569 = arith.muli %mul3A_568, %scan3A_561 : i32
        %mul3A_570 = arith.constant 2 : i32
        %mul3A_571 = arith.muli %mul3A_570, %scan3A_561 : i32
        %add3A_572 = arith.constant 1 : i32
        %add3A_573 = arith.addi %mul3A_571, %add3A_572 : i32
        %mul3A_574 = arith.constant 2 : i32
        %mul3A_575 = arith.muli %mul3A_574, %scan3A_561 : i32
        %mul3A_576 = arith.constant 2 : i32
        %mul3A_577 = arith.muli %mul3A_576, %scan3A_561 : i32
        %add3A_578 = arith.constant 1 : i32
        %add3A_579 = arith.addi %mul3A_577, %add3A_578 : i32
        %mul3A_580 = arith.constant 2 : i32
        %mul3A_581 = arith.muli %mul3A_580, %scan3A_561 : i32
        %mul3A_582 = arith.constant 2 : i32
        %mul3A_583 = arith.muli %mul3A_582, %scan3A_561 : i32
        %add3A_584 = arith.constant 1 : i32
        %add3A_585 = arith.addi %mul3A_583, %add3A_584 : i32
        %mul3A_586 = arith.constant 2 : i32
        %mul3A_587 = arith.muli %mul3A_586, %scan3A_561 : i32
        %mul3A_588 = arith.constant 2 : i32
        %mul3A_589 = arith.muli %mul3A_588, %scan3A_561 : i32
        %add3A_590 = arith.constant 1 : i32
        %add3A_591 = arith.addi %mul3A_589, %add3A_590 : i32
        %mul3A_592 = arith.constant 2 : i32
        %mul3A_593 = arith.muli %mul3A_592, %scan3A_561 : i32
        %mul3A_594 = arith.constant 2 : i32
        %mul3A_595 = arith.muli %mul3A_594, %scan3A_561 : i32
        %add3A_596 = arith.constant 1 : i32
        %add3A_597 = arith.addi %mul3A_595, %add3A_596 : i32
        %mul3A_598 = arith.constant 2 : i32
        %mul3A_599 = arith.muli %mul3A_598, %scan3A_561 : i32
        %mul3A_600 = arith.constant 2 : i32
        %mul3A_601 = arith.muli %mul3A_600, %scan3A_561 : i32
        %add3A_602 = arith.constant 1 : i32
        %add3A_603 = arith.addi %mul3A_601, %add3A_602 : i32
        %mul3A_604 = arith.constant 2 : i32
        %mul3A_605 = arith.muli %mul3A_604, %scan3A_561 : i32
        %mul3A_606 = arith.constant 2 : i32
        %mul3A_607 = arith.muli %mul3A_606, %scan3A_561 : i32
        %add3A_608 = arith.constant 1 : i32
        %add3A_609 = arith.addi %mul3A_607, %add3A_608 : i32
        %gather3A = arith.constant 0 : i32
        %gather3A_610 = tpu.memref_slice %arg4[%mul3A_563, %gather3A] : memref<64x512xf32, #tpu.memory_space<vmem>> -> memref<1x32xf32, #tpu.memory_space<vmem>>
        %gather3A_611 = tpu.memref_squeeze %gather3A_610 : memref<1x32xf32, #tpu.memory_space<vmem>> -> memref<32xf32, #tpu.memory_space<vmem>>
        %gather3A_612 = tpu.vector_load_idx %gather3A_611[%mul3A_3] : memref<32xf32, #tpu.memory_space<vmem>>[vector<16xi32>], vector<16xf32>,
        %max3A = arith.constant 0.000000e+00 : f32
        %max3A_613 = vector.broadcast %max3A : f32 to vector<16xf32>
        %max3A_614 = arith.maximumf %gather3A_612, %max3A_613 : vector<16xf32>
        %gather3A_615 = arith.constant 0 : i32
        %gather3A_616 = tpu.memref_slice %arg4[%mul3A_563, %gather3A_615] : memref<64x512xf32, #tpu.memory_space<vmem>> -> memref<1x32xf32, #tpu.memory_space<vmem>>
        %gather3A_617 = tpu.memref_squeeze %gather3A_616 : memref<1x32xf32, #tpu.memory_space<vmem>> -> memref<32xf32, #tpu.memory_space<vmem>>
        %gather3A_618 = tpu.vector_load_idx %gather3A_617[%add3A_277] : memref<32xf32, #tpu.memory_space<vmem>>[vector<16xi32>], vector<16xf32>,
        %max3A_619 = arith.constant 0.000000e+00 : f32
        %max3A_620 = vector.broadcast %max3A_619 : f32 to vector<16xf32>
        %max3A_621 = arith.maximumf %gather3A_618, %max3A_620 : vector<16xf32>
        %gather3A_622 = arith.constant 0 : i32
        %gather3A_623 = tpu.memref_slice %arg4[%add3A_567, %gather3A_622] : memref<64x512xf32, #tpu.memory_space<vmem>> -> memref<1x32xf32, #tpu.memory_space<vmem>>
        %gather3A_624 = tpu.memref_squeeze %gather3A_623 : memref<1x32xf32, #tpu.memory_space<vmem>> -> memref<32xf32, #tpu.memory_space<vmem>>
        %gather3A_625 = tpu.vector_load_idx %gather3A_624[%mul3A_3] : memref<32xf32, #tpu.memory_space<vmem>>[vector<16xi32>], vector<16xf32>,
        %max3A_626 = arith.constant 0.000000e+00 : f32
        %max3A_627 = vector.broadcast %max3A_626 : f32 to vector<16xf32>
        %max3A_628 = arith.maximumf %gather3A_625, %max3A_627 : vector<16xf32>
        %gather3A_629 = arith.constant 0 : i32
        %gather3A_630 = tpu.memref_slice %arg4[%add3A_567, %gather3A_629] : memref<64x512xf32, #tpu.memory_space<vmem>> -> memref<1x32xf32, #tpu.memory_space<vmem>>
        %gather3A_631 = tpu.memref_squeeze %gather3A_630 : memref<1x32xf32, #tpu.memory_space<vmem>> -> memref<32xf32, #tpu.memory_space<vmem>>
        %gather3A_632 = tpu.vector_load_idx %gather3A_631[%add3A_277] : memref<32xf32, #tpu.memory_space<vmem>>[vector<16xi32>], vector<16xf32>,
        %max3A_633 = arith.constant 0.000000e+00 : f32
        %max3A_634 = vector.broadcast %max3A_633 : f32 to vector<16xf32>
        %max3A_635 = arith.maximumf %gather3A_632, %max3A_634 : vector<16xf32>
        %gather3A_636 = arith.constant 32 : i32
        %gather3A_637 = tpu.memref_slice %arg4[%mul3A_569, %gather3A_636] : memref<64x512xf32, #tpu.memory_space<vmem>> -> memref<1x32xf32, #tpu.memory_space<vmem>>
        %gather3A_638 = tpu.memref_squeeze %gather3A_637 : memref<1x32xf32, #tpu.memory_space<vmem>> -> memref<32xf32, #tpu.memory_space<vmem>>
        %gather3A_639 = tpu.vector_load_idx %gather3A_638[%mul3A_3] : memref<32xf32, #tpu.memory_space<vmem>>[vector<16xi32>], vector<16xf32>,
        %max3A_640 = arith.constant 0.000000e+00 : f32
        %max3A_641 = vector.broadcast %max3A_640 : f32 to vector<16xf32>
        %max3A_642 = arith.maximumf %gather3A_639, %max3A_641 : vector<16xf32>
        %gather3A_643 = arith.constant 32 : i32
        %gather3A_644 = tpu.memref_slice %arg4[%mul3A_569, %gather3A_643] : memref<64x512xf32, #tpu.memory_space<vmem>> -> memref<1x32xf32, #tpu.memory_space<vmem>>
        %gather3A_645 = tpu.memref_squeeze %gather3A_644 : memref<1x32xf32, #tpu.memory_space<vmem>> -> memref<32xf32, #tpu.memory_space<vmem>>
        %gather3A_646 = tpu.vector_load_idx %gather3A_645[%add3A_277] : memref<32xf32, #tpu.memory_space<vmem>>[vector<16xi32>], vector<16xf32>,
        %max3A_647 = arith.constant 0.000000e+00 : f32
        %max3A_648 = vector.broadcast %max3A_647 : f32 to vector<16xf32>
        %max3A_649 = arith.maximumf %gather3A_646, %max3A_648 : vector<16xf32>
        %gather3A_650 = arith.constant 32 : i32
        %gather3A_651 = tpu.memref_slice %arg4[%add3A_573, %gather3A_650] : memref<64x512xf32, #tpu.memory_space<vmem>> -> memref<1x32xf32, #tpu.memory_space<vmem>>
        %gather3A_652 = tpu.memref_squeeze %gather3A_651 : memref<1x32xf32, #tpu.memory_space<vmem>> -> memref<32xf32, #tpu.memory_space<vmem>>
        %gather3A_653 = tpu.vector_load_idx %gather3A_652[%mul3A_3] : memref<32xf32, #tpu.memory_space<vmem>>[vector<16xi32>], vector<16xf32>,
        %max3A_654 = arith.constant 0.000000e+00 : f32
        %max3A_655 = vector.broadcast %max3A_654 : f32 to vector<16xf32>
        %max3A_656 = arith.maximumf %gather3A_653, %max3A_655 : vector<16xf32>
        %gather3A_657 = arith.constant 32 : i32
        %gather3A_658 = tpu.memref_slice %arg4[%add3A_573, %gather3A_657] : memref<64x512xf32, #tpu.memory_space<vmem>> -> memref<1x32xf32, #tpu.memory_space<vmem>>
        %gather3A_659 = tpu.memref_squeeze %gather3A_658 : memref<1x32xf32, #tpu.memory_space<vmem>> -> memref<32xf32, #tpu.memory_space<vmem>>
        %gather3A_660 = tpu.vector_load_idx %gather3A_659[%add3A_277] : memref<32xf32, #tpu.memory_space<vmem>>[vector<16xi32>], vector<16xf32>,
        %max3A_661 = arith.constant 0.000000e+00 : f32
        %max3A_662 = vector.broadcast %max3A_661 : f32 to vector<16xf32>
        %max3A_663 = arith.maximumf %gather3A_660, %max3A_662 : vector<16xf32>
        %gather3A_664 = arith.constant 64 : i32
        %gather3A_665 = tpu.memref_slice %arg4[%mul3A_575, %gather3A_664] : memref<64x512xf32, #tpu.memory_space<vmem>> -> memref<1x32xf32, #tpu.memory_space<vmem>>
        %gather3A_666 = tpu.memref_squeeze %gather3A_665 : memref<1x32xf32, #tpu.memory_space<vmem>> -> memref<32xf32, #tpu.memory_space<vmem>>
        %gather3A_667 = tpu.vector_load_idx %gather3A_666[%mul3A_3] : memref<32xf32, #tpu.memory_space<vmem>>[vector<16xi32>], vector<16xf32>,
        %max3A_668 = arith.constant 0.000000e+00 : f32
        %max3A_669 = vector.broadcast %max3A_668 : f32 to vector<16xf32>
        %max3A_670 = arith.maximumf %gather3A_667, %max3A_669 : vector<16xf32>
        %gather3A_671 = arith.constant 64 : i32
        %gather3A_672 = tpu.memref_slice %arg4[%mul3A_575, %gather3A_671] : memref<64x512xf32, #tpu.memory_space<vmem>> -> memref<1x32xf32, #tpu.memory_space<vmem>>
        %gather3A_673 = tpu.memref_squeeze %gather3A_672 : memref<1x32xf32, #tpu.memory_space<vmem>> -> memref<32xf32, #tpu.memory_space<vmem>>
        %gather3A_674 = tpu.vector_load_idx %gather3A_673[%add3A_277] : memref<32xf32, #tpu.memory_space<vmem>>[vector<16xi32>], vector<16xf32>,
        %max3A_675 = arith.constant 0.000000e+00 : f32
        %max3A_676 = vector.broadcast %max3A_675 : f32 to vector<16xf32>
        %max3A_677 = arith.maximumf %gather3A_674, %max3A_676 : vector<16xf32>
        %gather3A_678 = arith.constant 64 : i32
        %gather3A_679 = tpu.memref_slice %arg4[%add3A_579, %gather3A_678] : memref<64x512xf32, #tpu.memory_space<vmem>> -> memref<1x32xf32, #tpu.memory_space<vmem>>
        %gather3A_680 = tpu.memref_squeeze %gather3A_679 : memref<1x32xf32, #tpu.memory_space<vmem>> -> memref<32xf32, #tpu.memory_space<vmem>>
        %gather3A_681 = tpu.vector_load_idx %gather3A_680[%mul3A_3] : memref<32xf32, #tpu.memory_space<vmem>>[vector<16xi32>], vector<16xf32>,
        %max3A_682 = arith.constant 0.000000e+00 : f32
        %max3A_683 = vector.broadcast %max3A_682 : f32 to vector<16xf32>
        %max3A_684 = arith.maximumf %gather3A_681, %max3A_683 : vector<16xf32>
        %gather3A_685 = arith.constant 64 : i32
        %gather3A_686 = tpu.memref_slice %arg4[%add3A_579, %gather3A_685] : memref<64x512xf32, #tpu.memory_space<vmem>> -> memref<1x32xf32, #tpu.memory_space<vmem>>
        %gather3A_687 = tpu.memref_squeeze %gather3A_686 : memref<1x32xf32, #tpu.memory_space<vmem>> -> memref<32xf32, #tpu.memory_space<vmem>>
        %gather3A_688 = tpu.vector_load_idx %gather3A_687[%add3A_277] : memref<32xf32, #tpu.memory_space<vmem>>[vector<16xi32>], vector<16xf32>,
        %max3A_689 = arith.constant 0.000000e+00 : f32
        %max3A_690 = vector.broadcast %max3A_689 : f32 to vector<16xf32>
        %max3A_691 = arith.maximumf %gather3A_688, %max3A_690 : vector<16xf32>
        %gather3A_692 = arith.constant 96 : i32
        %gather3A_693 = tpu.memref_slice %arg4[%mul3A_581, %gather3A_692] : memref<64x512xf32, #tpu.memory_space<vmem>> -> memref<1x32xf32, #tpu.memory_space<vmem>>
        %gather3A_694 = tpu.memref_squeeze %gather3A_693 : memref<1x32xf32, #tpu.memory_space<vmem>> -> memref<32xf32, #tpu.memory_space<vmem>>
        %gather3A_695 = tpu.vector_load_idx %gather3A_694[%mul3A_3] : memref<32xf32, #tpu.memory_space<vmem>>[vector<16xi32>], vector<16xf32>,
        %max3A_696 = arith.constant 0.000000e+00 : f32
        %max3A_697 = vector.broadcast %max3A_696 : f32 to vector<16xf32>
        %max3A_698 = arith.maximumf %gather3A_695, %max3A_697 : vector<16xf32>
        %gather3A_699 = arith.constant 96 : i32
        %gather3A_700 = tpu.memref_slice %arg4[%mul3A_581, %gather3A_699] : memref<64x512xf32, #tpu.memory_space<vmem>> -> memref<1x32xf32, #tpu.memory_space<vmem>>
        %gather3A_701 = tpu.memref_squeeze %gather3A_700 : memref<1x32xf32, #tpu.memory_space<vmem>> -> memref<32xf32, #tpu.memory_space<vmem>>
        %gather3A_702 = tpu.vector_load_idx %gather3A_701[%add3A_277] : memref<32xf32, #tpu.memory_space<vmem>>[vector<16xi32>], vector<16xf32>,
        %max3A_703 = arith.constant 0.000000e+00 : f32
        %max3A_704 = vector.broadcast %max3A_703 : f32 to vector<16xf32>
        %max3A_705 = arith.maximumf %gather3A_702, %max3A_704 : vector<16xf32>
        %gather3A_706 = arith.constant 96 : i32
        %gather3A_707 = tpu.memref_slice %arg4[%add3A_585, %gather3A_706] : memref<64x512xf32, #tpu.memory_space<vmem>> -> memref<1x32xf32, #tpu.memory_space<vmem>>
        %gather3A_708 = tpu.memref_squeeze %gather3A_707 : memref<1x32xf32, #tpu.memory_space<vmem>> -> memref<32xf32, #tpu.memory_space<vmem>>
        %gather3A_709 = tpu.vector_load_idx %gather3A_708[%mul3A_3] : memref<32xf32, #tpu.memory_space<vmem>>[vector<16xi32>], vector<16xf32>,
        %max3A_710 = arith.constant 0.000000e+00 : f32
        %max3A_711 = vector.broadcast %max3A_710 : f32 to vector<16xf32>
        %max3A_712 = arith.maximumf %gather3A_709, %max3A_711 : vector<16xf32>
        %gather3A_713 = arith.constant 96 : i32
        %gather3A_714 = tpu.memref_slice %arg4[%add3A_585, %gather3A_713] : memref<64x512xf32, #tpu.memory_space<vmem>> -> memref<1x32xf32, #tpu.memory_space<vmem>>
        %gather3A_715 = tpu.memref_squeeze %gather3A_714 : memref<1x32xf32, #tpu.memory_space<vmem>> -> memref<32xf32, #tpu.memory_space<vmem>>
        %gather3A_716 = tpu.vector_load_idx %gather3A_715[%add3A_277] : memref<32xf32, #tpu.memory_space<vmem>>[vector<16xi32>], vector<16xf32>,
        %max3A_717 = arith.constant 0.000000e+00 : f32
        %max3A_718 = vector.broadcast %max3A_717 : f32 to vector<16xf32>
        %max3A_719 = arith.maximumf %gather3A_716, %max3A_718 : vector<16xf32>
        %gather3A_720 = arith.constant 128 : i32
        %gather3A_721 = tpu.memref_slice %arg4[%mul3A_587, %gather3A_720] : memref<64x512xf32, #tpu.memory_space<vmem>> -> memref<1x32xf32, #tpu.memory_space<vmem>>
        %gather3A_722 = tpu.memref_squeeze %gather3A_721 : memref<1x32xf32, #tpu.memory_space<vmem>> -> memref<32xf32, #tpu.memory_space<vmem>>
        %gather3A_723 = tpu.vector_load_idx %gather3A_722[%mul3A_3] : memref<32xf32, #tpu.memory_space<vmem>>[vector<16xi32>], vector<16xf32>,
        %max3A_724 = arith.constant 0.000000e+00 : f32
        %max3A_725 = vector.broadcast %max3A_724 : f32 to vector<16xf32>
        %max3A_726 = arith.maximumf %gather3A_723, %max3A_725 : vector<16xf32>
        %gather3A_727 = arith.constant 128 : i32
        %gather3A_728 = tpu.memref_slice %arg4[%mul3A_587, %gather3A_727] : memref<64x512xf32, #tpu.memory_space<vmem>> -> memref<1x32xf32, #tpu.memory_space<vmem>>
        %gather3A_729 = tpu.memref_squeeze %gather3A_728 : memref<1x32xf32, #tpu.memory_space<vmem>> -> memref<32xf32, #tpu.memory_space<vmem>>
        %gather3A_730 = tpu.vector_load_idx %gather3A_729[%add3A_277] : memref<32xf32, #tpu.memory_space<vmem>>[vector<16xi32>], vector<16xf32>,
        %max3A_731 = arith.constant 0.000000e+00 : f32
        %max3A_732 = vector.broadcast %max3A_731 : f32 to vector<16xf32>
        %max3A_733 = arith.maximumf %gather3A_730, %max3A_732 : vector<16xf32>
        %gather3A_734 = arith.constant 128 : i32
        %gather3A_735 = tpu.memref_slice %arg4[%add3A_591, %gather3A_734] : memref<64x512xf32, #tpu.memory_space<vmem>> -> memref<1x32xf32, #tpu.memory_space<vmem>>
        %gather3A_736 = tpu.memref_squeeze %gather3A_735 : memref<1x32xf32, #tpu.memory_space<vmem>> -> memref<32xf32, #tpu.memory_space<vmem>>
        %gather3A_737 = tpu.vector_load_idx %gather3A_736[%mul3A_3] : memref<32xf32, #tpu.memory_space<vmem>>[vector<16xi32>], vector<16xf32>,
        %max3A_738 = arith.constant 0.000000e+00 : f32
        %max3A_739 = vector.broadcast %max3A_738 : f32 to vector<16xf32>
        %max3A_740 = arith.maximumf %gather3A_737, %max3A_739 : vector<16xf32>
        %gather3A_741 = arith.constant 128 : i32
        %gather3A_742 = tpu.memref_slice %arg4[%add3A_591, %gather3A_741] : memref<64x512xf32, #tpu.memory_space<vmem>> -> memref<1x32xf32, #tpu.memory_space<vmem>>
        %gather3A_743 = tpu.memref_squeeze %gather3A_742 : memref<1x32xf32, #tpu.memory_space<vmem>> -> memref<32xf32, #tpu.memory_space<vmem>>
        %gather3A_744 = tpu.vector_load_idx %gather3A_743[%add3A_277] : memref<32xf32, #tpu.memory_space<vmem>>[vector<16xi32>], vector<16xf32>,
        %max3A_745 = arith.constant 0.000000e+00 : f32
        %max3A_746 = vector.broadcast %max3A_745 : f32 to vector<16xf32>
        %max3A_747 = arith.maximumf %gather3A_744, %max3A_746 : vector<16xf32>
        %gather3A_748 = arith.constant 160 : i32
        %gather3A_749 = tpu.memref_slice %arg4[%mul3A_593, %gather3A_748] : memref<64x512xf32, #tpu.memory_space<vmem>> -> memref<1x32xf32, #tpu.memory_space<vmem>>
        %gather3A_750 = tpu.memref_squeeze %gather3A_749 : memref<1x32xf32, #tpu.memory_space<vmem>> -> memref<32xf32, #tpu.memory_space<vmem>>
        %gather3A_751 = tpu.vector_load_idx %gather3A_750[%mul3A_3] : memref<32xf32, #tpu.memory_space<vmem>>[vector<16xi32>], vector<16xf32>,
        %max3A_752 = arith.constant 0.000000e+00 : f32
        %max3A_753 = vector.broadcast %max3A_752 : f32 to vector<16xf32>
        %max3A_754 = arith.maximumf %gather3A_751, %max3A_753 : vector<16xf32>
        %gather3A_755 = arith.constant 160 : i32
        %gather3A_756 = tpu.memref_slice %arg4[%mul3A_593, %gather3A_755] : memref<64x512xf32, #tpu.memory_space<vmem>> -> memref<1x32xf32, #tpu.memory_space<vmem>>
        %gather3A_757 = tpu.memref_squeeze %gather3A_756 : memref<1x32xf32, #tpu.memory_space<vmem>> -> memref<32xf32, #tpu.memory_space<vmem>>
        %gather3A_758 = tpu.vector_load_idx %gather3A_757[%add3A_277] : memref<32xf32, #tpu.memory_space<vmem>>[vector<16xi32>], vector<16xf32>,
        %max3A_759 = arith.constant 0.000000e+00 : f32
        %max3A_760 = vector.broadcast %max3A_759 : f32 to vector<16xf32>
        %max3A_761 = arith.maximumf %gather3A_758, %max3A_760 : vector<16xf32>
        %gather3A_762 = arith.constant 160 : i32
        %gather3A_763 = tpu.memref_slice %arg4[%add3A_597, %gather3A_762] : memref<64x512xf32, #tpu.memory_space<vmem>> -> memref<1x32xf32, #tpu.memory_space<vmem>>
        %gather3A_764 = tpu.memref_squeeze %gather3A_763 : memref<1x32xf32, #tpu.memory_space<vmem>> -> memref<32xf32, #tpu.memory_space<vmem>>
        %gather3A_765 = tpu.vector_load_idx %gather3A_764[%mul3A_3] : memref<32xf32, #tpu.memory_space<vmem>>[vector<16xi32>], vector<16xf32>,
        %max3A_766 = arith.constant 0.000000e+00 : f32
        %max3A_767 = vector.broadcast %max3A_766 : f32 to vector<16xf32>
        %max3A_768 = arith.maximumf %gather3A_765, %max3A_767 : vector<16xf32>
        %gather3A_769 = arith.constant 160 : i32
        %gather3A_770 = tpu.memref_slice %arg4[%add3A_597, %gather3A_769] : memref<64x512xf32, #tpu.memory_space<vmem>> -> memref<1x32xf32, #tpu.memory_space<vmem>>
        %gather3A_771 = tpu.memref_squeeze %gather3A_770 : memref<1x32xf32, #tpu.memory_space<vmem>> -> memref<32xf32, #tpu.memory_space<vmem>>
        %gather3A_772 = tpu.vector_load_idx %gather3A_771[%add3A_277] : memref<32xf32, #tpu.memory_space<vmem>>[vector<16xi32>], vector<16xf32>,
        %max3A_773 = arith.constant 0.000000e+00 : f32
        %max3A_774 = vector.broadcast %max3A_773 : f32 to vector<16xf32>
        %max3A_775 = arith.maximumf %gather3A_772, %max3A_774 : vector<16xf32>
        %gather3A_776 = arith.constant 192 : i32
        %gather3A_777 = tpu.memref_slice %arg4[%mul3A_599, %gather3A_776] : memref<64x512xf32, #tpu.memory_space<vmem>> -> memref<1x32xf32, #tpu.memory_space<vmem>>
        %gather3A_778 = tpu.memref_squeeze %gather3A_777 : memref<1x32xf32, #tpu.memory_space<vmem>> -> memref<32xf32, #tpu.memory_space<vmem>>
        %gather3A_779 = tpu.vector_load_idx %gather3A_778[%mul3A_3] : memref<32xf32, #tpu.memory_space<vmem>>[vector<16xi32>], vector<16xf32>,
        %max3A_780 = arith.constant 0.000000e+00 : f32
        %max3A_781 = vector.broadcast %max3A_780 : f32 to vector<16xf32>
        %max3A_782 = arith.maximumf %gather3A_779, %max3A_781 : vector<16xf32>
        %gather3A_783 = arith.constant 192 : i32
        %gather3A_784 = tpu.memref_slice %arg4[%mul3A_599, %gather3A_783] : memref<64x512xf32, #tpu.memory_space<vmem>> -> memref<1x32xf32, #tpu.memory_space<vmem>>
        %gather3A_785 = tpu.memref_squeeze %gather3A_784 : memref<1x32xf32, #tpu.memory_space<vmem>> -> memref<32xf32, #tpu.memory_space<vmem>>
        %gather3A_786 = tpu.vector_load_idx %gather3A_785[%add3A_277] : memref<32xf32, #tpu.memory_space<vmem>>[vector<16xi32>], vector<16xf32>,
        %max3A_787 = arith.constant 0.000000e+00 : f32
        %max3A_788 = vector.broadcast %max3A_787 : f32 to vector<16xf32>
        %max3A_789 = arith.maximumf %gather3A_786, %max3A_788 : vector<16xf32>
        %gather3A_790 = arith.constant 192 : i32
        %gather3A_791 = tpu.memref_slice %arg4[%add3A_603, %gather3A_790] : memref<64x512xf32, #tpu.memory_space<vmem>> -> memref<1x32xf32, #tpu.memory_space<vmem>>
        %gather3A_792 = tpu.memref_squeeze %gather3A_791 : memref<1x32xf32, #tpu.memory_space<vmem>> -> memref<32xf32, #tpu.memory_space<vmem>>
        %gather3A_793 = tpu.vector_load_idx %gather3A_792[%mul3A_3] : memref<32xf32, #tpu.memory_space<vmem>>[vector<16xi32>], vector<16xf32>,
        %max3A_794 = arith.constant 0.000000e+00 : f32
        %max3A_795 = vector.broadcast %max3A_794 : f32 to vector<16xf32>
        %max3A_796 = arith.maximumf %gather3A_793, %max3A_795 : vector<16xf32>
        %gather3A_797 = arith.constant 192 : i32
        %gather3A_798 = tpu.memref_slice %arg4[%add3A_603, %gather3A_797] : memref<64x512xf32, #tpu.memory_space<vmem>> -> memref<1x32xf32, #tpu.memory_space<vmem>>
        %gather3A_799 = tpu.memref_squeeze %gather3A_798 : memref<1x32xf32, #tpu.memory_space<vmem>> -> memref<32xf32, #tpu.memory_space<vmem>>
        %gather3A_800 = tpu.vector_load_idx %gather3A_799[%add3A_277] : memref<32xf32, #tpu.memory_space<vmem>>[vector<16xi32>], vector<16xf32>,
        %max3A_801 = arith.constant 0.000000e+00 : f32
        %max3A_802 = vector.broadcast %max3A_801 : f32 to vector<16xf32>
        %max3A_803 = arith.maximumf %gather3A_800, %max3A_802 : vector<16xf32>
        %gather3A_804 = arith.constant 224 : i32
        %gather3A_805 = tpu.memref_slice %arg4[%mul3A_605, %gather3A_804] : memref<64x512xf32, #tpu.memory_space<vmem>> -> memref<1x32xf32, #tpu.memory_space<vmem>>
        %gather3A_806 = tpu.memref_squeeze %gather3A_805 : memref<1x32xf32, #tpu.memory_space<vmem>> -> memref<32xf32, #tpu.memory_space<vmem>>
        %gather3A_807 = tpu.vector_load_idx %gather3A_806[%mul3A_3] : memref<32xf32, #tpu.memory_space<vmem>>[vector<16xi32>], vector<16xf32>,
        %max3A_808 = arith.constant 0.000000e+00 : f32
        %max3A_809 = vector.broadcast %max3A_808 : f32 to vector<16xf32>
        %max3A_810 = arith.maximumf %gather3A_807, %max3A_809 : vector<16xf32>
        %gather3A_811 = arith.constant 224 : i32
        %gather3A_812 = tpu.memref_slice %arg4[%mul3A_605, %gather3A_811] : memref<64x512xf32, #tpu.memory_space<vmem>> -> memref<1x32xf32, #tpu.memory_space<vmem>>
        %gather3A_813 = tpu.memref_squeeze %gather3A_812 : memref<1x32xf32, #tpu.memory_space<vmem>> -> memref<32xf32, #tpu.memory_space<vmem>>
        %gather3A_814 = tpu.vector_load_idx %gather3A_813[%add3A_277] : memref<32xf32, #tpu.memory_space<vmem>>[vector<16xi32>], vector<16xf32>,
        %max3A_815 = arith.constant 0.000000e+00 : f32
        %max3A_816 = vector.broadcast %max3A_815 : f32 to vector<16xf32>
        %max3A_817 = arith.maximumf %gather3A_814, %max3A_816 : vector<16xf32>
        %gather3A_818 = arith.constant 224 : i32
        %gather3A_819 = tpu.memref_slice %arg4[%add3A_609, %gather3A_818] : memref<64x512xf32, #tpu.memory_space<vmem>> -> memref<1x32xf32, #tpu.memory_space<vmem>>
        %gather3A_820 = tpu.memref_squeeze %gather3A_819 : memref<1x32xf32, #tpu.memory_space<vmem>> -> memref<32xf32, #tpu.memory_space<vmem>>
        %gather3A_821 = tpu.vector_load_idx %gather3A_820[%mul3A_3] : memref<32xf32, #tpu.memory_space<vmem>>[vector<16xi32>], vector<16xf32>,
        %max3A_822 = arith.constant 0.000000e+00 : f32
        %max3A_823 = vector.broadcast %max3A_822 : f32 to vector<16xf32>
        %max3A_824 = arith.maximumf %gather3A_821, %max3A_823 : vector<16xf32>
        %gather3A_825 = arith.constant 224 : i32
        %gather3A_826 = tpu.memref_slice %arg4[%add3A_609, %gather3A_825] : memref<64x512xf32, #tpu.memory_space<vmem>> -> memref<1x32xf32, #tpu.memory_space<vmem>>
        %gather3A_827 = tpu.memref_squeeze %gather3A_826 : memref<1x32xf32, #tpu.memory_space<vmem>> -> memref<32xf32, #tpu.memory_space<vmem>>
        %gather3A_828 = tpu.vector_load_idx %gather3A_827[%add3A_277] : memref<32xf32, #tpu.memory_space<vmem>>[vector<16xi32>], vector<16xf32>,
        %max3A_829 = arith.constant 0.000000e+00 : f32
        %max3A_830 = vector.broadcast %max3A_829 : f32 to vector<16xf32>
        %max3A_831 = arith.maximumf %gather3A_828, %max3A_830 : vector<16xf32>
        %add3A_832 = arith.addf %max3A_614, %max3A_621 : vector<16xf32>
        %add3A_833 = arith.addf %max3A_628, %max3A_635 : vector<16xf32>
        %add3A_834 = arith.addf %add3A_832, %add3A_833 : vector<16xf32>
        %max3A_835 = arith.constant 1.200000e-38 : f32
        %max3A_836 = vector.broadcast %max3A_835 : f32 to vector<16xf32>
        %max3A_837 = arith.maximumf %add3A_834, %max3A_836 : vector<16xf32>
        %add3A_838 = arith.addf %max3A_642, %max3A_649 : vector<16xf32>
        %add3A_839 = arith.addf %max3A_656, %max3A_663 : vector<16xf32>
        %add3A_840 = arith.addf %add3A_838, %add3A_839 : vector<16xf32>
        %max3A_841 = arith.constant 1.200000e-38 : f32
        %max3A_842 = vector.broadcast %max3A_841 : f32 to vector<16xf32>
        %max3A_843 = arith.maximumf %add3A_840, %max3A_842 : vector<16xf32>
        %add3A_844 = arith.addf %max3A_670, %max3A_677 : vector<16xf32>
        %add3A_845 = arith.addf %max3A_684, %max3A_691 : vector<16xf32>
        %add3A_846 = arith.addf %add3A_844, %add3A_845 : vector<16xf32>
        %max3A_847 = arith.constant 1.200000e-38 : f32
        %max3A_848 = vector.broadcast %max3A_847 : f32 to vector<16xf32>
        %max3A_849 = arith.maximumf %add3A_846, %max3A_848 : vector<16xf32>
        %add3A_850 = arith.addf %max3A_698, %max3A_705 : vector<16xf32>
        %add3A_851 = arith.addf %max3A_712, %max3A_719 : vector<16xf32>
        %add3A_852 = arith.addf %add3A_850, %add3A_851 : vector<16xf32>
        %max3A_853 = arith.constant 1.200000e-38 : f32
        %max3A_854 = vector.broadcast %max3A_853 : f32 to vector<16xf32>
        %max3A_855 = arith.maximumf %add3A_852, %max3A_854 : vector<16xf32>
        %add3A_856 = arith.addf %max3A_726, %max3A_733 : vector<16xf32>
        %add3A_857 = arith.addf %max3A_740, %max3A_747 : vector<16xf32>
        %add3A_858 = arith.addf %add3A_856, %add3A_857 : vector<16xf32>
        %max3A_859 = arith.constant 1.200000e-38 : f32
        %max3A_860 = vector.broadcast %max3A_859 : f32 to vector<16xf32>
        %max3A_861 = arith.maximumf %add3A_858, %max3A_860 : vector<16xf32>
        %add3A_862 = arith.addf %max3A_754, %max3A_761 : vector<16xf32>
        %add3A_863 = arith.addf %max3A_768, %max3A_775 : vector<16xf32>
        %add3A_864 = arith.addf %add3A_862, %add3A_863 : vector<16xf32>
        %max3A_865 = arith.constant 1.200000e-38 : f32
        %max3A_866 = vector.broadcast %max3A_865 : f32 to vector<16xf32>
        %max3A_867 = arith.maximumf %add3A_864, %max3A_866 : vector<16xf32>
        %add3A_868 = arith.addf %max3A_782, %max3A_789 : vector<16xf32>
        %add3A_869 = arith.addf %max3A_796, %max3A_803 : vector<16xf32>
        %add3A_870 = arith.addf %add3A_868, %add3A_869 : vector<16xf32>
        %max3A_871 = arith.constant 1.200000e-38 : f32
        %max3A_872 = vector.broadcast %max3A_871 : f32 to vector<16xf32>
        %max3A_873 = arith.maximumf %add3A_870, %max3A_872 : vector<16xf32>
        %add3A_874 = arith.addf %max3A_810, %max3A_817 : vector<16xf32>
        %add3A_875 = arith.addf %max3A_824, %max3A_831 : vector<16xf32>
        %add3A_876 = arith.addf %add3A_874, %add3A_875 : vector<16xf32>
        %max3A_877 = arith.constant 1.200000e-38 : f32
        %max3A_878 = vector.broadcast %max3A_877 : f32 to vector<16xf32>
        %max3A_879 = arith.maximumf %add3A_876, %max3A_878 : vector<16xf32>
        %mul3A_880 = arith.mulf %max3A_614, %max3A_614 : vector<16xf32>
        %mul3A_881 = arith.mulf %max3A_621, %max3A_621 : vector<16xf32>
        %add3A_882 = arith.addf %mul3A_880, %mul3A_881 : vector<16xf32>
        %mul3A_883 = arith.mulf %max3A_628, %max3A_628 : vector<16xf32>
        %mul3A_884 = arith.mulf %max3A_635, %max3A_635 : vector<16xf32>
        %add3A_885 = arith.addf %mul3A_883, %mul3A_884 : vector<16xf32>
        %add3A_886 = arith.addf %add3A_882, %add3A_885 : vector<16xf32>
        %mul3A_887 = arith.mulf %max3A_642, %max3A_642 : vector<16xf32>
        %mul3A_888 = arith.mulf %max3A_649, %max3A_649 : vector<16xf32>
        %add3A_889 = arith.addf %mul3A_887, %mul3A_888 : vector<16xf32>
        %mul3A_890 = arith.mulf %max3A_656, %max3A_656 : vector<16xf32>
        %mul3A_891 = arith.mulf %max3A_663, %max3A_663 : vector<16xf32>
        %add3A_892 = arith.addf %mul3A_890, %mul3A_891 : vector<16xf32>
        %add3A_893 = arith.addf %add3A_889, %add3A_892 : vector<16xf32>
        %mul3A_894 = arith.mulf %max3A_670, %max3A_670 : vector<16xf32>
        %mul3A_895 = arith.mulf %max3A_677, %max3A_677 : vector<16xf32>
        %add3A_896 = arith.addf %mul3A_894, %mul3A_895 : vector<16xf32>
        %mul3A_897 = arith.mulf %max3A_684, %max3A_684 : vector<16xf32>
        %mul3A_898 = arith.mulf %max3A_691, %max3A_691 : vector<16xf32>
        %add3A_899 = arith.addf %mul3A_897, %mul3A_898 : vector<16xf32>
        %add3A_900 = arith.addf %add3A_896, %add3A_899 : vector<16xf32>
        %mul3A_901 = arith.mulf %max3A_698, %max3A_698 : vector<16xf32>
        %mul3A_902 = arith.mulf %max3A_705, %max3A_705 : vector<16xf32>
        %add3A_903 = arith.addf %mul3A_901, %mul3A_902 : vector<16xf32>
        %mul3A_904 = arith.mulf %max3A_712, %max3A_712 : vector<16xf32>
        %mul3A_905 = arith.mulf %max3A_719, %max3A_719 : vector<16xf32>
        %add3A_906 = arith.addf %mul3A_904, %mul3A_905 : vector<16xf32>
        %add3A_907 = arith.addf %add3A_903, %add3A_906 : vector<16xf32>
        %mul3A_908 = arith.mulf %max3A_726, %max3A_726 : vector<16xf32>
        %mul3A_909 = arith.mulf %max3A_733, %max3A_733 : vector<16xf32>
        %add3A_910 = arith.addf %mul3A_908, %mul3A_909 : vector<16xf32>
        %mul3A_911 = arith.mulf %max3A_740, %max3A_740 : vector<16xf32>
        %mul3A_912 = arith.mulf %max3A_747, %max3A_747 : vector<16xf32>
        %add3A_913 = arith.addf %mul3A_911, %mul3A_912 : vector<16xf32>
        %add3A_914 = arith.addf %add3A_910, %add3A_913 : vector<16xf32>
        %mul3A_915 = arith.mulf %max3A_754, %max3A_754 : vector<16xf32>
        %mul3A_916 = arith.mulf %max3A_761, %max3A_761 : vector<16xf32>
        %add3A_917 = arith.addf %mul3A_915, %mul3A_916 : vector<16xf32>
        %mul3A_918 = arith.mulf %max3A_768, %max3A_768 : vector<16xf32>
        %mul3A_919 = arith.mulf %max3A_775, %max3A_775 : vector<16xf32>
        %add3A_920 = arith.addf %mul3A_918, %mul3A_919 : vector<16xf32>
        %add3A_921 = arith.addf %add3A_917, %add3A_920 : vector<16xf32>
        %mul3A_922 = arith.mulf %max3A_782, %max3A_782 : vector<16xf32>
        %mul3A_923 = arith.mulf %max3A_789, %max3A_789 : vector<16xf32>
        %add3A_924 = arith.addf %mul3A_922, %mul3A_923 : vector<16xf32>
        %mul3A_925 = arith.mulf %max3A_796, %max3A_796 : vector<16xf32>
        %mul3A_926 = arith.mulf %max3A_803, %max3A_803 : vector<16xf32>
        %add3A_927 = arith.addf %mul3A_925, %mul3A_926 : vector<16xf32>
        %add3A_928 = arith.addf %add3A_924, %add3A_927 : vector<16xf32>
        %mul3A_929 = arith.mulf %max3A_810, %max3A_810 : vector<16xf32>
        %mul3A_930 = arith.mulf %max3A_817, %max3A_817 : vector<16xf32>
        %add3A_931 = arith.addf %mul3A_929, %mul3A_930 : vector<16xf32>
        %mul3A_932 = arith.mulf %max3A_824, %max3A_824 : vector<16xf32>
        %mul3A_933 = arith.mulf %max3A_831, %max3A_831 : vector<16xf32>
        %add3A_934 = arith.addf %mul3A_932, %mul3A_933 : vector<16xf32>
        %add3A_935 = arith.addf %add3A_931, %add3A_934 : vector<16xf32>
        %div3A_936 = arith.divf %add3A_886, %max3A_837 : vector<16xf32>
        %swap3A = arith.index_cast %scan3A_561 : i32 to index
        %swap3A_937 = arith.constant 0 : index
        %swap3A_938 = tpu.vector_load %arg6[%swap3A, %swap3A_937] {strides = array<i32>} : memref<32x256xf32, #tpu.memory_space<vmem>>, vector<16xf32>,
        tpu.vector_store %arg6[%swap3A, %swap3A_937], %div3A_936 {strides = array<i32>} : memref<32x256xf32, #tpu.memory_space<vmem>>, vector<16xf32>,
        %div3A_939 = arith.divf %add3A_893, %max3A_843 : vector<16xf32>
        %swap3A_940 = arith.index_cast %scan3A_561 : i32 to index
        %swap3A_941 = arith.constant 16 : index
        %swap3A_942 = tpu.vector_load %arg6[%swap3A_940, %swap3A_941] {strides = array<i32>} : memref<32x256xf32, #tpu.memory_space<vmem>>, vector<16xf32>,
        tpu.vector_store %arg6[%swap3A_940, %swap3A_941], %div3A_939 {strides = array<i32>} : memref<32x256xf32, #tpu.memory_space<vmem>>, vector<16xf32>,
        %div3A_943 = arith.divf %add3A_900, %max3A_849 : vector<16xf32>
        %swap3A_944 = arith.index_cast %scan3A_561 : i32 to index
        %swap3A_945 = arith.constant 32 : index
        %swap3A_946 = tpu.vector_load %arg6[%swap3A_944, %swap3A_945] {strides = array<i32>} : memref<32x256xf32, #tpu.memory_space<vmem>>, vector<16xf32>,
        tpu.vector_store %arg6[%swap3A_944, %swap3A_945], %div3A_943 {strides = array<i32>} : memref<32x256xf32, #tpu.memory_space<vmem>>, vector<16xf32>,
        %div3A_947 = arith.divf %add3A_907, %max3A_855 : vector<16xf32>
        %swap3A_948 = arith.index_cast %scan3A_561 : i32 to index
        %swap3A_949 = arith.constant 48 : index
        %swap3A_950 = tpu.vector_load %arg6[%swap3A_948, %swap3A_949] {strides = array<i32>} : memref<32x256xf32, #tpu.memory_space<vmem>>, vector<16xf32>,
        tpu.vector_store %arg6[%swap3A_948, %swap3A_949], %div3A_947 {strides = array<i32>} : memref<32x256xf32, #tpu.memory_space<vmem>>, vector<16xf32>,
        %div3A_951 = arith.divf %add3A_914, %max3A_861 : vector<16xf32>
        %swap3A_952 = arith.index_cast %scan3A_561 : i32 to index
        %swap3A_953 = arith.constant 64 : index
        %swap3A_954 = tpu.vector_load %arg6[%swap3A_952, %swap3A_953] {strides = array<i32>} : memref<32x256xf32, #tpu.memory_space<vmem>>, vector<16xf32>,
        tpu.vector_store %arg6[%swap3A_952, %swap3A_953], %div3A_951 {strides = array<i32>} : memref<32x256xf32, #tpu.memory_space<vmem>>, vector<16xf32>,
        %div3A_955 = arith.divf %add3A_921, %max3A_867 : vector<16xf32>
        %swap3A_956 = arith.index_cast %scan3A_561 : i32 to index
        %swap3A_957 = arith.constant 80 : index
        %swap3A_958 = tpu.vector_load %arg6[%swap3A_956, %swap3A_957] {strides = array<i32>} : memref<32x256xf32, #tpu.memory_space<vmem>>, vector<16xf32>,
        tpu.vector_store %arg6[%swap3A_956, %swap3A_957], %div3A_955 {strides = array<i32>} : memref<32x256xf32, #tpu.memory_space<vmem>>, vector<16xf32>,
        %div3A_959 = arith.divf %add3A_928, %max3A_873 : vector<16xf32>
        %swap3A_960 = arith.index_cast %scan3A_561 : i32 to index
        %swap3A_961 = arith.constant 96 : index
        %swap3A_962 = tpu.vector_load %arg6[%swap3A_960, %swap3A_961] {strides = array<i32>} : memref<32x256xf32, #tpu.memory_space<vmem>>, vector<16xf32>,
        tpu.vector_store %arg6[%swap3A_960, %swap3A_961], %div3A_959 {strides = array<i32>} : memref<32x256xf32, #tpu.memory_space<vmem>>, vector<16xf32>,
        %div3A_963 = arith.divf %add3A_935, %max3A_879 : vector<16xf32>
        %swap3A_964 = arith.index_cast %scan3A_561 : i32 to index
        %swap3A_965 = arith.constant 112 : index
        %swap3A_966 = tpu.vector_load %arg6[%swap3A_964, %swap3A_965] {strides = array<i32>} : memref<32x256xf32, #tpu.memory_space<vmem>>, vector<16xf32>,
        tpu.vector_store %arg6[%swap3A_964, %swap3A_965], %div3A_963 {strides = array<i32>} : memref<32x256xf32, #tpu.memory_space<vmem>>, vector<16xf32>,
        %mul3A_967 = arith.constant 2 : i32
        %mul3A_968 = arith.muli %mul3A_967, %scan3A_561 : i32
        %mul3A_969 = arith.constant 2 : i32
        %mul3A_970 = arith.muli %mul3A_969, %scan3A_561 : i32
        %add3A_971 = arith.constant 1 : i32
        %add3A_972 = arith.addi %mul3A_970, %add3A_971 : i32
        %mul3A_973 = arith.constant 2 : i32
        %mul3A_974 = arith.muli %mul3A_973, %scan3A_561 : i32
        %mul3A_975 = arith.constant 2 : i32
        %mul3A_976 = arith.muli %mul3A_975, %scan3A_561 : i32
        %add3A_977 = arith.constant 1 : i32
        %add3A_978 = arith.addi %mul3A_976, %add3A_977 : i32
        %mul3A_979 = arith.constant 2 : i32
        %mul3A_980 = arith.muli %mul3A_979, %scan3A_561 : i32
        %mul3A_981 = arith.constant 2 : i32
        %mul3A_982 = arith.muli %mul3A_981, %scan3A_561 : i32
        %add3A_983 = arith.constant 1 : i32
        %add3A_984 = arith.addi %mul3A_982, %add3A_983 : i32
        %mul3A_985 = arith.constant 2 : i32
        %mul3A_986 = arith.muli %mul3A_985, %scan3A_561 : i32
        %mul3A_987 = arith.constant 2 : i32
        %mul3A_988 = arith.muli %mul3A_987, %scan3A_561 : i32
        %add3A_989 = arith.constant 1 : i32
        %add3A_990 = arith.addi %mul3A_988, %add3A_989 : i32
        %mul3A_991 = arith.constant 2 : i32
        %mul3A_992 = arith.muli %mul3A_991, %scan3A_561 : i32
        %mul3A_993 = arith.constant 2 : i32
        %mul3A_994 = arith.muli %mul3A_993, %scan3A_561 : i32
        %add3A_995 = arith.constant 1 : i32
        %add3A_996 = arith.addi %mul3A_994, %add3A_995 : i32
        %mul3A_997 = arith.constant 2 : i32
        %mul3A_998 = arith.muli %mul3A_997, %scan3A_561 : i32
        %mul3A_999 = arith.constant 2 : i32
        %mul3A_1000 = arith.muli %mul3A_999, %scan3A_561 : i32
        %add3A_1001 = arith.constant 1 : i32
        %add3A_1002 = arith.addi %mul3A_1000, %add3A_1001 : i32
        %mul3A_1003 = arith.constant 2 : i32
        %mul3A_1004 = arith.muli %mul3A_1003, %scan3A_561 : i32
        %mul3A_1005 = arith.constant 2 : i32
        %mul3A_1006 = arith.muli %mul3A_1005, %scan3A_561 : i32
        %add3A_1007 = arith.constant 1 : i32
        %add3A_1008 = arith.addi %mul3A_1006, %add3A_1007 : i32
        %mul3A_1009 = arith.constant 2 : i32
        %mul3A_1010 = arith.muli %mul3A_1009, %scan3A_561 : i32
        %mul3A_1011 = arith.constant 2 : i32
        %mul3A_1012 = arith.muli %mul3A_1011, %scan3A_561 : i32
        %add3A_1013 = arith.constant 1 : i32
        %add3A_1014 = arith.addi %mul3A_1012, %add3A_1013 : i32
        %gather3A_1015 = arith.constant 256 : i32
        %gather3A_1016 = tpu.memref_slice %arg4[%mul3A_968, %gather3A_1015] : memref<64x512xf32, #tpu.memory_space<vmem>> -> memref<1x32xf32, #tpu.memory_space<vmem>>
        %gather3A_1017 = tpu.memref_squeeze %gather3A_1016 : memref<1x32xf32, #tpu.memory_space<vmem>> -> memref<32xf32, #tpu.memory_space<vmem>>
        %gather3A_1018 = tpu.vector_load_idx %gather3A_1017[%mul3A_3] : memref<32xf32, #tpu.memory_space<vmem>>[vector<16xi32>], vector<16xf32>,
        %max3A_1019 = arith.constant 0.000000e+00 : f32
        %max3A_1020 = vector.broadcast %max3A_1019 : f32 to vector<16xf32>
        %max3A_1021 = arith.maximumf %gather3A_1018, %max3A_1020 : vector<16xf32>
        %gather3A_1022 = arith.constant 256 : i32
        %gather3A_1023 = tpu.memref_slice %arg4[%mul3A_968, %gather3A_1022] : memref<64x512xf32, #tpu.memory_space<vmem>> -> memref<1x32xf32, #tpu.memory_space<vmem>>
        %gather3A_1024 = tpu.memref_squeeze %gather3A_1023 : memref<1x32xf32, #tpu.memory_space<vmem>> -> memref<32xf32, #tpu.memory_space<vmem>>
        %gather3A_1025 = tpu.vector_load_idx %gather3A_1024[%add3A_277] : memref<32xf32, #tpu.memory_space<vmem>>[vector<16xi32>], vector<16xf32>,
        %max3A_1026 = arith.constant 0.000000e+00 : f32
        %max3A_1027 = vector.broadcast %max3A_1026 : f32 to vector<16xf32>
        %max3A_1028 = arith.maximumf %gather3A_1025, %max3A_1027 : vector<16xf32>
        %gather3A_1029 = arith.constant 256 : i32
        %gather3A_1030 = tpu.memref_slice %arg4[%add3A_972, %gather3A_1029] : memref<64x512xf32, #tpu.memory_space<vmem>> -> memref<1x32xf32, #tpu.memory_space<vmem>>
        %gather3A_1031 = tpu.memref_squeeze %gather3A_1030 : memref<1x32xf32, #tpu.memory_space<vmem>> -> memref<32xf32, #tpu.memory_space<vmem>>
        %gather3A_1032 = tpu.vector_load_idx %gather3A_1031[%mul3A_3] : memref<32xf32, #tpu.memory_space<vmem>>[vector<16xi32>], vector<16xf32>,
        %max3A_1033 = arith.constant 0.000000e+00 : f32
        %max3A_1034 = vector.broadcast %max3A_1033 : f32 to vector<16xf32>
        %max3A_1035 = arith.maximumf %gather3A_1032, %max3A_1034 : vector<16xf32>
        %gather3A_1036 = arith.constant 256 : i32
        %gather3A_1037 = tpu.memref_slice %arg4[%add3A_972, %gather3A_1036] : memref<64x512xf32, #tpu.memory_space<vmem>> -> memref<1x32xf32, #tpu.memory_space<vmem>>
        %gather3A_1038 = tpu.memref_squeeze %gather3A_1037 : memref<1x32xf32, #tpu.memory_space<vmem>> -> memref<32xf32, #tpu.memory_space<vmem>>
        %gather3A_1039 = tpu.vector_load_idx %gather3A_1038[%add3A_277] : memref<32xf32, #tpu.memory_space<vmem>>[vector<16xi32>], vector<16xf32>,
        %max3A_1040 = arith.constant 0.000000e+00 : f32
        %max3A_1041 = vector.broadcast %max3A_1040 : f32 to vector<16xf32>
        %max3A_1042 = arith.maximumf %gather3A_1039, %max3A_1041 : vector<16xf32>
        %gather3A_1043 = arith.constant 288 : i32
        %gather3A_1044 = tpu.memref_slice %arg4[%mul3A_974, %gather3A_1043] : memref<64x512xf32, #tpu.memory_space<vmem>> -> memref<1x32xf32, #tpu.memory_space<vmem>>
        %gather3A_1045 = tpu.memref_squeeze %gather3A_1044 : memref<1x32xf32, #tpu.memory_space<vmem>> -> memref<32xf32, #tpu.memory_space<vmem>>
        %gather3A_1046 = tpu.vector_load_idx %gather3A_1045[%mul3A_3] : memref<32xf32, #tpu.memory_space<vmem>>[vector<16xi32>], vector<16xf32>,
        %max3A_1047 = arith.constant 0.000000e+00 : f32
        %max3A_1048 = vector.broadcast %max3A_1047 : f32 to vector<16xf32>
        %max3A_1049 = arith.maximumf %gather3A_1046, %max3A_1048 : vector<16xf32>
        %gather3A_1050 = arith.constant 288 : i32
        %gather3A_1051 = tpu.memref_slice %arg4[%mul3A_974, %gather3A_1050] : memref<64x512xf32, #tpu.memory_space<vmem>> -> memref<1x32xf32, #tpu.memory_space<vmem>>
        %gather3A_1052 = tpu.memref_squeeze %gather3A_1051 : memref<1x32xf32, #tpu.memory_space<vmem>> -> memref<32xf32, #tpu.memory_space<vmem>>
        %gather3A_1053 = tpu.vector_load_idx %gather3A_1052[%add3A_277] : memref<32xf32, #tpu.memory_space<vmem>>[vector<16xi32>], vector<16xf32>,
        %max3A_1054 = arith.constant 0.000000e+00 : f32
        %max3A_1055 = vector.broadcast %max3A_1054 : f32 to vector<16xf32>
        %max3A_1056 = arith.maximumf %gather3A_1053, %max3A_1055 : vector<16xf32>
        %gather3A_1057 = arith.constant 288 : i32
        %gather3A_1058 = tpu.memref_slice %arg4[%add3A_978, %gather3A_1057] : memref<64x512xf32, #tpu.memory_space<vmem>> -> memref<1x32xf32, #tpu.memory_space<vmem>>
        %gather3A_1059 = tpu.memref_squeeze %gather3A_1058 : memref<1x32xf32, #tpu.memory_space<vmem>> -> memref<32xf32, #tpu.memory_space<vmem>>
        %gather3A_1060 = tpu.vector_load_idx %gather3A_1059[%mul3A_3] : memref<32xf32, #tpu.memory_space<vmem>>[vector<16xi32>], vector<16xf32>,
        %max3A_1061 = arith.constant 0.000000e+00 : f32
        %max3A_1062 = vector.broadcast %max3A_1061 : f32 to vector<16xf32>
        %max3A_1063 = arith.maximumf %gather3A_1060, %max3A_1062 : vector<16xf32>
        %gather3A_1064 = arith.constant 288 : i32
        %gather3A_1065 = tpu.memref_slice %arg4[%add3A_978, %gather3A_1064] : memref<64x512xf32, #tpu.memory_space<vmem>> -> memref<1x32xf32, #tpu.memory_space<vmem>>
        %gather3A_1066 = tpu.memref_squeeze %gather3A_1065 : memref<1x32xf32, #tpu.memory_space<vmem>> -> memref<32xf32, #tpu.memory_space<vmem>>
        %gather3A_1067 = tpu.vector_load_idx %gather3A_1066[%add3A_277] : memref<32xf32, #tpu.memory_space<vmem>>[vector<16xi32>], vector<16xf32>,
        %max3A_1068 = arith.constant 0.000000e+00 : f32
        %max3A_1069 = vector.broadcast %max3A_1068 : f32 to vector<16xf32>
        %max3A_1070 = arith.maximumf %gather3A_1067, %max3A_1069 : vector<16xf32>
        %gather3A_1071 = arith.constant 320 : i32
        %gather3A_1072 = tpu.memref_slice %arg4[%mul3A_980, %gather3A_1071] : memref<64x512xf32, #tpu.memory_space<vmem>> -> memref<1x32xf32, #tpu.memory_space<vmem>>
        %gather3A_1073 = tpu.memref_squeeze %gather3A_1072 : memref<1x32xf32, #tpu.memory_space<vmem>> -> memref<32xf32, #tpu.memory_space<vmem>>
        %gather3A_1074 = tpu.vector_load_idx %gather3A_1073[%mul3A_3] : memref<32xf32, #tpu.memory_space<vmem>>[vector<16xi32>], vector<16xf32>,
        %max3A_1075 = arith.constant 0.000000e+00 : f32
        %max3A_1076 = vector.broadcast %max3A_1075 : f32 to vector<16xf32>
        %max3A_1077 = arith.maximumf %gather3A_1074, %max3A_1076 : vector<16xf32>
        %gather3A_1078 = arith.constant 320 : i32
        %gather3A_1079 = tpu.memref_slice %arg4[%mul3A_980, %gather3A_1078] : memref<64x512xf32, #tpu.memory_space<vmem>> -> memref<1x32xf32, #tpu.memory_space<vmem>>
        %gather3A_1080 = tpu.memref_squeeze %gather3A_1079 : memref<1x32xf32, #tpu.memory_space<vmem>> -> memref<32xf32, #tpu.memory_space<vmem>>
        %gather3A_1081 = tpu.vector_load_idx %gather3A_1080[%add3A_277] : memref<32xf32, #tpu.memory_space<vmem>>[vector<16xi32>], vector<16xf32>,
        %max3A_1082 = arith.constant 0.000000e+00 : f32
        %max3A_1083 = vector.broadcast %max3A_1082 : f32 to vector<16xf32>
        %max3A_1084 = arith.maximumf %gather3A_1081, %max3A_1083 : vector<16xf32>
        %gather3A_1085 = arith.constant 320 : i32
        %gather3A_1086 = tpu.memref_slice %arg4[%add3A_984, %gather3A_1085] : memref<64x512xf32, #tpu.memory_space<vmem>> -> memref<1x32xf32, #tpu.memory_space<vmem>>
        %gather3A_1087 = tpu.memref_squeeze %gather3A_1086 : memref<1x32xf32, #tpu.memory_space<vmem>> -> memref<32xf32, #tpu.memory_space<vmem>>
        %gather3A_1088 = tpu.vector_load_idx %gather3A_1087[%mul3A_3] : memref<32xf32, #tpu.memory_space<vmem>>[vector<16xi32>], vector<16xf32>,
        %max3A_1089 = arith.constant 0.000000e+00 : f32
        %max3A_1090 = vector.broadcast %max3A_1089 : f32 to vector<16xf32>
        %max3A_1091 = arith.maximumf %gather3A_1088, %max3A_1090 : vector<16xf32>
        %gather3A_1092 = arith.constant 320 : i32
        %gather3A_1093 = tpu.memref_slice %arg4[%add3A_984, %gather3A_1092] : memref<64x512xf32, #tpu.memory_space<vmem>> -> memref<1x32xf32, #tpu.memory_space<vmem>>
        %gather3A_1094 = tpu.memref_squeeze %gather3A_1093 : memref<1x32xf32, #tpu.memory_space<vmem>> -> memref<32xf32, #tpu.memory_space<vmem>>
        %gather3A_1095 = tpu.vector_load_idx %gather3A_1094[%add3A_277] : memref<32xf32, #tpu.memory_space<vmem>>[vector<16xi32>], vector<16xf32>,
        %max3A_1096 = arith.constant 0.000000e+00 : f32
        %max3A_1097 = vector.broadcast %max3A_1096 : f32 to vector<16xf32>
        %max3A_1098 = arith.maximumf %gather3A_1095, %max3A_1097 : vector<16xf32>
        %gather3A_1099 = arith.constant 352 : i32
        %gather3A_1100 = tpu.memref_slice %arg4[%mul3A_986, %gather3A_1099] : memref<64x512xf32, #tpu.memory_space<vmem>> -> memref<1x32xf32, #tpu.memory_space<vmem>>
        %gather3A_1101 = tpu.memref_squeeze %gather3A_1100 : memref<1x32xf32, #tpu.memory_space<vmem>> -> memref<32xf32, #tpu.memory_space<vmem>>
        %gather3A_1102 = tpu.vector_load_idx %gather3A_1101[%mul3A_3] : memref<32xf32, #tpu.memory_space<vmem>>[vector<16xi32>], vector<16xf32>,
        %max3A_1103 = arith.constant 0.000000e+00 : f32
        %max3A_1104 = vector.broadcast %max3A_1103 : f32 to vector<16xf32>
        %max3A_1105 = arith.maximumf %gather3A_1102, %max3A_1104 : vector<16xf32>
        %gather3A_1106 = arith.constant 352 : i32
        %gather3A_1107 = tpu.memref_slice %arg4[%mul3A_986, %gather3A_1106] : memref<64x512xf32, #tpu.memory_space<vmem>> -> memref<1x32xf32, #tpu.memory_space<vmem>>
        %gather3A_1108 = tpu.memref_squeeze %gather3A_1107 : memref<1x32xf32, #tpu.memory_space<vmem>> -> memref<32xf32, #tpu.memory_space<vmem>>
        %gather3A_1109 = tpu.vector_load_idx %gather3A_1108[%add3A_277] : memref<32xf32, #tpu.memory_space<vmem>>[vector<16xi32>], vector<16xf32>,
        %max3A_1110 = arith.constant 0.000000e+00 : f32
        %max3A_1111 = vector.broadcast %max3A_1110 : f32 to vector<16xf32>
        %max3A_1112 = arith.maximumf %gather3A_1109, %max3A_1111 : vector<16xf32>
        %gather3A_1113 = arith.constant 352 : i32
        %gather3A_1114 = tpu.memref_slice %arg4[%add3A_990, %gather3A_1113] : memref<64x512xf32, #tpu.memory_space<vmem>> -> memref<1x32xf32, #tpu.memory_space<vmem>>
        %gather3A_1115 = tpu.memref_squeeze %gather3A_1114 : memref<1x32xf32, #tpu.memory_space<vmem>> -> memref<32xf32, #tpu.memory_space<vmem>>
        %gather3A_1116 = tpu.vector_load_idx %gather3A_1115[%mul3A_3] : memref<32xf32, #tpu.memory_space<vmem>>[vector<16xi32>], vector<16xf32>,
        %max3A_1117 = arith.constant 0.000000e+00 : f32
        %max3A_1118 = vector.broadcast %max3A_1117 : f32 to vector<16xf32>
        %max3A_1119 = arith.maximumf %gather3A_1116, %max3A_1118 : vector<16xf32>
        %gather3A_1120 = arith.constant 352 : i32
        %gather3A_1121 = tpu.memref_slice %arg4[%add3A_990, %gather3A_1120] : memref<64x512xf32, #tpu.memory_space<vmem>> -> memref<1x32xf32, #tpu.memory_space<vmem>>
        %gather3A_1122 = tpu.memref_squeeze %gather3A_1121 : memref<1x32xf32, #tpu.memory_space<vmem>> -> memref<32xf32, #tpu.memory_space<vmem>>
        %gather3A_1123 = tpu.vector_load_idx %gather3A_1122[%add3A_277] : memref<32xf32, #tpu.memory_space<vmem>>[vector<16xi32>], vector<16xf32>,
        %max3A_1124 = arith.constant 0.000000e+00 : f32
        %max3A_1125 = vector.broadcast %max3A_1124 : f32 to vector<16xf32>
        %max3A_1126 = arith.maximumf %gather3A_1123, %max3A_1125 : vector<16xf32>
        %gather3A_1127 = arith.constant 384 : i32
        %gather3A_1128 = tpu.memref_slice %arg4[%mul3A_992, %gather3A_1127] : memref<64x512xf32, #tpu.memory_space<vmem>> -> memref<1x32xf32, #tpu.memory_space<vmem>>
        %gather3A_1129 = tpu.memref_squeeze %gather3A_1128 : memref<1x32xf32, #tpu.memory_space<vmem>> -> memref<32xf32, #tpu.memory_space<vmem>>
        %gather3A_1130 = tpu.vector_load_idx %gather3A_1129[%mul3A_3] : memref<32xf32, #tpu.memory_space<vmem>>[vector<16xi32>], vector<16xf32>,
        %max3A_1131 = arith.constant 0.000000e+00 : f32
        %max3A_1132 = vector.broadcast %max3A_1131 : f32 to vector<16xf32>
        %max3A_1133 = arith.maximumf %gather3A_1130, %max3A_1132 : vector<16xf32>
        %gather3A_1134 = arith.constant 384 : i32
        %gather3A_1135 = tpu.memref_slice %arg4[%mul3A_992, %gather3A_1134] : memref<64x512xf32, #tpu.memory_space<vmem>> -> memref<1x32xf32, #tpu.memory_space<vmem>>
        %gather3A_1136 = tpu.memref_squeeze %gather3A_1135 : memref<1x32xf32, #tpu.memory_space<vmem>> -> memref<32xf32, #tpu.memory_space<vmem>>
        %gather3A_1137 = tpu.vector_load_idx %gather3A_1136[%add3A_277] : memref<32xf32, #tpu.memory_space<vmem>>[vector<16xi32>], vector<16xf32>,
        %max3A_1138 = arith.constant 0.000000e+00 : f32
        %max3A_1139 = vector.broadcast %max3A_1138 : f32 to vector<16xf32>
        %max3A_1140 = arith.maximumf %gather3A_1137, %max3A_1139 : vector<16xf32>
        %gather3A_1141 = arith.constant 384 : i32
        %gather3A_1142 = tpu.memref_slice %arg4[%add3A_996, %gather3A_1141] : memref<64x512xf32, #tpu.memory_space<vmem>> -> memref<1x32xf32, #tpu.memory_space<vmem>>
        %gather3A_1143 = tpu.memref_squeeze %gather3A_1142 : memref<1x32xf32, #tpu.memory_space<vmem>> -> memref<32xf32, #tpu.memory_space<vmem>>
        %gather3A_1144 = tpu.vector_load_idx %gather3A_1143[%mul3A_3] : memref<32xf32, #tpu.memory_space<vmem>>[vector<16xi32>], vector<16xf32>,
        %max3A_1145 = arith.constant 0.000000e+00 : f32
        %max3A_1146 = vector.broadcast %max3A_1145 : f32 to vector<16xf32>
        %max3A_1147 = arith.maximumf %gather3A_1144, %max3A_1146 : vector<16xf32>
        %gather3A_1148 = arith.constant 384 : i32
        %gather3A_1149 = tpu.memref_slice %arg4[%add3A_996, %gather3A_1148] : memref<64x512xf32, #tpu.memory_space<vmem>> -> memref<1x32xf32, #tpu.memory_space<vmem>>
        %gather3A_1150 = tpu.memref_squeeze %gather3A_1149 : memref<1x32xf32, #tpu.memory_space<vmem>> -> memref<32xf32, #tpu.memory_space<vmem>>
        %gather3A_1151 = tpu.vector_load_idx %gather3A_1150[%add3A_277] : memref<32xf32, #tpu.memory_space<vmem>>[vector<16xi32>], vector<16xf32>,
        %max3A_1152 = arith.constant 0.000000e+00 : f32
        %max3A_1153 = vector.broadcast %max3A_1152 : f32 to vector<16xf32>
        %max3A_1154 = arith.maximumf %gather3A_1151, %max3A_1153 : vector<16xf32>
        %gather3A_1155 = arith.constant 416 : i32
        %gather3A_1156 = tpu.memref_slice %arg4[%mul3A_998, %gather3A_1155] : memref<64x512xf32, #tpu.memory_space<vmem>> -> memref<1x32xf32, #tpu.memory_space<vmem>>
        %gather3A_1157 = tpu.memref_squeeze %gather3A_1156 : memref<1x32xf32, #tpu.memory_space<vmem>> -> memref<32xf32, #tpu.memory_space<vmem>>
        %gather3A_1158 = tpu.vector_load_idx %gather3A_1157[%mul3A_3] : memref<32xf32, #tpu.memory_space<vmem>>[vector<16xi32>], vector<16xf32>,
        %max3A_1159 = arith.constant 0.000000e+00 : f32
        %max3A_1160 = vector.broadcast %max3A_1159 : f32 to vector<16xf32>
        %max3A_1161 = arith.maximumf %gather3A_1158, %max3A_1160 : vector<16xf32>
        %gather3A_1162 = arith.constant 416 : i32
        %gather3A_1163 = tpu.memref_slice %arg4[%mul3A_998, %gather3A_1162] : memref<64x512xf32, #tpu.memory_space<vmem>> -> memref<1x32xf32, #tpu.memory_space<vmem>>
        %gather3A_1164 = tpu.memref_squeeze %gather3A_1163 : memref<1x32xf32, #tpu.memory_space<vmem>> -> memref<32xf32, #tpu.memory_space<vmem>>
        %gather3A_1165 = tpu.vector_load_idx %gather3A_1164[%add3A_277] : memref<32xf32, #tpu.memory_space<vmem>>[vector<16xi32>], vector<16xf32>,
        %max3A_1166 = arith.constant 0.000000e+00 : f32
        %max3A_1167 = vector.broadcast %max3A_1166 : f32 to vector<16xf32>
        %max3A_1168 = arith.maximumf %gather3A_1165, %max3A_1167 : vector<16xf32>
        %gather3A_1169 = arith.constant 416 : i32
        %gather3A_1170 = tpu.memref_slice %arg4[%add3A_1002, %gather3A_1169] : memref<64x512xf32, #tpu.memory_space<vmem>> -> memref<1x32xf32, #tpu.memory_space<vmem>>
        %gather3A_1171 = tpu.memref_squeeze %gather3A_1170 : memref<1x32xf32, #tpu.memory_space<vmem>> -> memref<32xf32, #tpu.memory_space<vmem>>
        %gather3A_1172 = tpu.vector_load_idx %gather3A_1171[%mul3A_3] : memref<32xf32, #tpu.memory_space<vmem>>[vector<16xi32>], vector<16xf32>,
        %max3A_1173 = arith.constant 0.000000e+00 : f32
        %max3A_1174 = vector.broadcast %max3A_1173 : f32 to vector<16xf32>
        %max3A_1175 = arith.maximumf %gather3A_1172, %max3A_1174 : vector<16xf32>
        %gather3A_1176 = arith.constant 416 : i32
        %gather3A_1177 = tpu.memref_slice %arg4[%add3A_1002, %gather3A_1176] : memref<64x512xf32, #tpu.memory_space<vmem>> -> memref<1x32xf32, #tpu.memory_space<vmem>>
        %gather3A_1178 = tpu.memref_squeeze %gather3A_1177 : memref<1x32xf32, #tpu.memory_space<vmem>> -> memref<32xf32, #tpu.memory_space<vmem>>
        %gather3A_1179 = tpu.vector_load_idx %gather3A_1178[%add3A_277] : memref<32xf32, #tpu.memory_space<vmem>>[vector<16xi32>], vector<16xf32>,
        %max3A_1180 = arith.constant 0.000000e+00 : f32
        %max3A_1181 = vector.broadcast %max3A_1180 : f32 to vector<16xf32>
        %max3A_1182 = arith.maximumf %gather3A_1179, %max3A_1181 : vector<16xf32>
        %gather3A_1183 = arith.constant 448 : i32
        %gather3A_1184 = tpu.memref_slice %arg4[%mul3A_1004, %gather3A_1183] : memref<64x512xf32, #tpu.memory_space<vmem>> -> memref<1x32xf32, #tpu.memory_space<vmem>>
        %gather3A_1185 = tpu.memref_squeeze %gather3A_1184 : memref<1x32xf32, #tpu.memory_space<vmem>> -> memref<32xf32, #tpu.memory_space<vmem>>
        %gather3A_1186 = tpu.vector_load_idx %gather3A_1185[%mul3A_3] : memref<32xf32, #tpu.memory_space<vmem>>[vector<16xi32>], vector<16xf32>,
        %max3A_1187 = arith.constant 0.000000e+00 : f32
        %max3A_1188 = vector.broadcast %max3A_1187 : f32 to vector<16xf32>
        %max3A_1189 = arith.maximumf %gather3A_1186, %max3A_1188 : vector<16xf32>
        %gather3A_1190 = arith.constant 448 : i32
        %gather3A_1191 = tpu.memref_slice %arg4[%mul3A_1004, %gather3A_1190] : memref<64x512xf32, #tpu.memory_space<vmem>> -> memref<1x32xf32, #tpu.memory_space<vmem>>
        %gather3A_1192 = tpu.memref_squeeze %gather3A_1191 : memref<1x32xf32, #tpu.memory_space<vmem>> -> memref<32xf32, #tpu.memory_space<vmem>>
        %gather3A_1193 = tpu.vector_load_idx %gather3A_1192[%add3A_277] : memref<32xf32, #tpu.memory_space<vmem>>[vector<16xi32>], vector<16xf32>,
        %max3A_1194 = arith.constant 0.000000e+00 : f32
        %max3A_1195 = vector.broadcast %max3A_1194 : f32 to vector<16xf32>
        %max3A_1196 = arith.maximumf %gather3A_1193, %max3A_1195 : vector<16xf32>
        %gather3A_1197 = arith.constant 448 : i32
        %gather3A_1198 = tpu.memref_slice %arg4[%add3A_1008, %gather3A_1197] : memref<64x512xf32, #tpu.memory_space<vmem>> -> memref<1x32xf32, #tpu.memory_space<vmem>>
        %gather3A_1199 = tpu.memref_squeeze %gather3A_1198 : memref<1x32xf32, #tpu.memory_space<vmem>> -> memref<32xf32, #tpu.memory_space<vmem>>
        %gather3A_1200 = tpu.vector_load_idx %gather3A_1199[%mul3A_3] : memref<32xf32, #tpu.memory_space<vmem>>[vector<16xi32>], vector<16xf32>,
        %max3A_1201 = arith.constant 0.000000e+00 : f32
        %max3A_1202 = vector.broadcast %max3A_1201 : f32 to vector<16xf32>
        %max3A_1203 = arith.maximumf %gather3A_1200, %max3A_1202 : vector<16xf32>
        %gather3A_1204 = arith.constant 448 : i32
        %gather3A_1205 = tpu.memref_slice %arg4[%add3A_1008, %gather3A_1204] : memref<64x512xf32, #tpu.memory_space<vmem>> -> memref<1x32xf32, #tpu.memory_space<vmem>>
        %gather3A_1206 = tpu.memref_squeeze %gather3A_1205 : memref<1x32xf32, #tpu.memory_space<vmem>> -> memref<32xf32, #tpu.memory_space<vmem>>
        %gather3A_1207 = tpu.vector_load_idx %gather3A_1206[%add3A_277] : memref<32xf32, #tpu.memory_space<vmem>>[vector<16xi32>], vector<16xf32>,
        %max3A_1208 = arith.constant 0.000000e+00 : f32
        %max3A_1209 = vector.broadcast %max3A_1208 : f32 to vector<16xf32>
        %max3A_1210 = arith.maximumf %gather3A_1207, %max3A_1209 : vector<16xf32>
        %gather3A_1211 = arith.constant 480 : i32
        %gather3A_1212 = tpu.memref_slice %arg4[%mul3A_1010, %gather3A_1211] : memref<64x512xf32, #tpu.memory_space<vmem>> -> memref<1x32xf32, #tpu.memory_space<vmem>>
        %gather3A_1213 = tpu.memref_squeeze %gather3A_1212 : memref<1x32xf32, #tpu.memory_space<vmem>> -> memref<32xf32, #tpu.memory_space<vmem>>
        %gather3A_1214 = tpu.vector_load_idx %gather3A_1213[%mul3A_3] : memref<32xf32, #tpu.memory_space<vmem>>[vector<16xi32>], vector<16xf32>,
        %max3A_1215 = arith.constant 0.000000e+00 : f32
        %max3A_1216 = vector.broadcast %max3A_1215 : f32 to vector<16xf32>
        %max3A_1217 = arith.maximumf %gather3A_1214, %max3A_1216 : vector<16xf32>
        %gather3A_1218 = arith.constant 480 : i32
        %gather3A_1219 = tpu.memref_slice %arg4[%mul3A_1010, %gather3A_1218] : memref<64x512xf32, #tpu.memory_space<vmem>> -> memref<1x32xf32, #tpu.memory_space<vmem>>
        %gather3A_1220 = tpu.memref_squeeze %gather3A_1219 : memref<1x32xf32, #tpu.memory_space<vmem>> -> memref<32xf32, #tpu.memory_space<vmem>>
        %gather3A_1221 = tpu.vector_load_idx %gather3A_1220[%add3A_277] : memref<32xf32, #tpu.memory_space<vmem>>[vector<16xi32>], vector<16xf32>,
        %max3A_1222 = arith.constant 0.000000e+00 : f32
        %max3A_1223 = vector.broadcast %max3A_1222 : f32 to vector<16xf32>
        %max3A_1224 = arith.maximumf %gather3A_1221, %max3A_1223 : vector<16xf32>
        %gather3A_1225 = arith.constant 480 : i32
        %gather3A_1226 = tpu.memref_slice %arg4[%add3A_1014, %gather3A_1225] : memref<64x512xf32, #tpu.memory_space<vmem>> -> memref<1x32xf32, #tpu.memory_space<vmem>>
        %gather3A_1227 = tpu.memref_squeeze %gather3A_1226 : memref<1x32xf32, #tpu.memory_space<vmem>> -> memref<32xf32, #tpu.memory_space<vmem>>
        %gather3A_1228 = tpu.vector_load_idx %gather3A_1227[%mul3A_3] : memref<32xf32, #tpu.memory_space<vmem>>[vector<16xi32>], vector<16xf32>,
        %max3A_1229 = arith.constant 0.000000e+00 : f32
        %max3A_1230 = vector.broadcast %max3A_1229 : f32 to vector<16xf32>
        %max3A_1231 = arith.maximumf %gather3A_1228, %max3A_1230 : vector<16xf32>
        %gather3A_1232 = arith.constant 480 : i32
        %gather3A_1233 = tpu.memref_slice %arg4[%add3A_1014, %gather3A_1232] : memref<64x512xf32, #tpu.memory_space<vmem>> -> memref<1x32xf32, #tpu.memory_space<vmem>>
        %gather3A_1234 = tpu.memref_squeeze %gather3A_1233 : memref<1x32xf32, #tpu.memory_space<vmem>> -> memref<32xf32, #tpu.memory_space<vmem>>
        %gather3A_1235 = tpu.vector_load_idx %gather3A_1234[%add3A_277] : memref<32xf32, #tpu.memory_space<vmem>>[vector<16xi32>], vector<16xf32>,
        %max3A_1236 = arith.constant 0.000000e+00 : f32
        %max3A_1237 = vector.broadcast %max3A_1236 : f32 to vector<16xf32>
        %max3A_1238 = arith.maximumf %gather3A_1235, %max3A_1237 : vector<16xf32>
        %add3A_1239 = arith.addf %max3A_1021, %max3A_1028 : vector<16xf32>
        %add3A_1240 = arith.addf %max3A_1035, %max3A_1042 : vector<16xf32>
        %add3A_1241 = arith.addf %add3A_1239, %add3A_1240 : vector<16xf32>
        %max3A_1242 = arith.constant 1.200000e-38 : f32
        %max3A_1243 = vector.broadcast %max3A_1242 : f32 to vector<16xf32>
        %max3A_1244 = arith.maximumf %add3A_1241, %max3A_1243 : vector<16xf32>
        %add3A_1245 = arith.addf %max3A_1049, %max3A_1056 : vector<16xf32>
        %add3A_1246 = arith.addf %max3A_1063, %max3A_1070 : vector<16xf32>
        %add3A_1247 = arith.addf %add3A_1245, %add3A_1246 : vector<16xf32>
        %max3A_1248 = arith.constant 1.200000e-38 : f32
        %max3A_1249 = vector.broadcast %max3A_1248 : f32 to vector<16xf32>
        %max3A_1250 = arith.maximumf %add3A_1247, %max3A_1249 : vector<16xf32>
        %add3A_1251 = arith.addf %max3A_1077, %max3A_1084 : vector<16xf32>
        %add3A_1252 = arith.addf %max3A_1091, %max3A_1098 : vector<16xf32>
        %add3A_1253 = arith.addf %add3A_1251, %add3A_1252 : vector<16xf32>
        %max3A_1254 = arith.constant 1.200000e-38 : f32
        %max3A_1255 = vector.broadcast %max3A_1254 : f32 to vector<16xf32>
        %max3A_1256 = arith.maximumf %add3A_1253, %max3A_1255 : vector<16xf32>
        %add3A_1257 = arith.addf %max3A_1105, %max3A_1112 : vector<16xf32>
        %add3A_1258 = arith.addf %max3A_1119, %max3A_1126 : vector<16xf32>
        %add3A_1259 = arith.addf %add3A_1257, %add3A_1258 : vector<16xf32>
        %max3A_1260 = arith.constant 1.200000e-38 : f32
        %max3A_1261 = vector.broadcast %max3A_1260 : f32 to vector<16xf32>
        %max3A_1262 = arith.maximumf %add3A_1259, %max3A_1261 : vector<16xf32>
        %add3A_1263 = arith.addf %max3A_1133, %max3A_1140 : vector<16xf32>
        %add3A_1264 = arith.addf %max3A_1147, %max3A_1154 : vector<16xf32>
        %add3A_1265 = arith.addf %add3A_1263, %add3A_1264 : vector<16xf32>
        %max3A_1266 = arith.constant 1.200000e-38 : f32
        %max3A_1267 = vector.broadcast %max3A_1266 : f32 to vector<16xf32>
        %max3A_1268 = arith.maximumf %add3A_1265, %max3A_1267 : vector<16xf32>
        %add3A_1269 = arith.addf %max3A_1161, %max3A_1168 : vector<16xf32>
        %add3A_1270 = arith.addf %max3A_1175, %max3A_1182 : vector<16xf32>
        %add3A_1271 = arith.addf %add3A_1269, %add3A_1270 : vector<16xf32>
        %max3A_1272 = arith.constant 1.200000e-38 : f32
        %max3A_1273 = vector.broadcast %max3A_1272 : f32 to vector<16xf32>
        %max3A_1274 = arith.maximumf %add3A_1271, %max3A_1273 : vector<16xf32>
        %add3A_1275 = arith.addf %max3A_1189, %max3A_1196 : vector<16xf32>
        %add3A_1276 = arith.addf %max3A_1203, %max3A_1210 : vector<16xf32>
        %add3A_1277 = arith.addf %add3A_1275, %add3A_1276 : vector<16xf32>
        %max3A_1278 = arith.constant 1.200000e-38 : f32
        %max3A_1279 = vector.broadcast %max3A_1278 : f32 to vector<16xf32>
        %max3A_1280 = arith.maximumf %add3A_1277, %max3A_1279 : vector<16xf32>
        %add3A_1281 = arith.addf %max3A_1217, %max3A_1224 : vector<16xf32>
        %add3A_1282 = arith.addf %max3A_1231, %max3A_1238 : vector<16xf32>
        %add3A_1283 = arith.addf %add3A_1281, %add3A_1282 : vector<16xf32>
        %max3A_1284 = arith.constant 1.200000e-38 : f32
        %max3A_1285 = vector.broadcast %max3A_1284 : f32 to vector<16xf32>
        %max3A_1286 = arith.maximumf %add3A_1283, %max3A_1285 : vector<16xf32>
        %mul3A_1287 = arith.mulf %max3A_1021, %max3A_1021 : vector<16xf32>
        %mul3A_1288 = arith.mulf %max3A_1028, %max3A_1028 : vector<16xf32>
        %add3A_1289 = arith.addf %mul3A_1287, %mul3A_1288 : vector<16xf32>
        %mul3A_1290 = arith.mulf %max3A_1035, %max3A_1035 : vector<16xf32>
        %mul3A_1291 = arith.mulf %max3A_1042, %max3A_1042 : vector<16xf32>
        %add3A_1292 = arith.addf %mul3A_1290, %mul3A_1291 : vector<16xf32>
        %add3A_1293 = arith.addf %add3A_1289, %add3A_1292 : vector<16xf32>
        %mul3A_1294 = arith.mulf %max3A_1049, %max3A_1049 : vector<16xf32>
        %mul3A_1295 = arith.mulf %max3A_1056, %max3A_1056 : vector<16xf32>
        %add3A_1296 = arith.addf %mul3A_1294, %mul3A_1295 : vector<16xf32>
        %mul3A_1297 = arith.mulf %max3A_1063, %max3A_1063 : vector<16xf32>
        %mul3A_1298 = arith.mulf %max3A_1070, %max3A_1070 : vector<16xf32>
        %add3A_1299 = arith.addf %mul3A_1297, %mul3A_1298 : vector<16xf32>
        %add3A_1300 = arith.addf %add3A_1296, %add3A_1299 : vector<16xf32>
        %mul3A_1301 = arith.mulf %max3A_1077, %max3A_1077 : vector<16xf32>
        %mul3A_1302 = arith.mulf %max3A_1084, %max3A_1084 : vector<16xf32>
        %add3A_1303 = arith.addf %mul3A_1301, %mul3A_1302 : vector<16xf32>
        %mul3A_1304 = arith.mulf %max3A_1091, %max3A_1091 : vector<16xf32>
        %mul3A_1305 = arith.mulf %max3A_1098, %max3A_1098 : vector<16xf32>
        %add3A_1306 = arith.addf %mul3A_1304, %mul3A_1305 : vector<16xf32>
        %add3A_1307 = arith.addf %add3A_1303, %add3A_1306 : vector<16xf32>
        %mul3A_1308 = arith.mulf %max3A_1105, %max3A_1105 : vector<16xf32>
        %mul3A_1309 = arith.mulf %max3A_1112, %max3A_1112 : vector<16xf32>
        %add3A_1310 = arith.addf %mul3A_1308, %mul3A_1309 : vector<16xf32>
        %mul3A_1311 = arith.mulf %max3A_1119, %max3A_1119 : vector<16xf32>
        %mul3A_1312 = arith.mulf %max3A_1126, %max3A_1126 : vector<16xf32>
        %add3A_1313 = arith.addf %mul3A_1311, %mul3A_1312 : vector<16xf32>
        %add3A_1314 = arith.addf %add3A_1310, %add3A_1313 : vector<16xf32>
        %mul3A_1315 = arith.mulf %max3A_1133, %max3A_1133 : vector<16xf32>
        %mul3A_1316 = arith.mulf %max3A_1140, %max3A_1140 : vector<16xf32>
        %add3A_1317 = arith.addf %mul3A_1315, %mul3A_1316 : vector<16xf32>
        %mul3A_1318 = arith.mulf %max3A_1147, %max3A_1147 : vector<16xf32>
        %mul3A_1319 = arith.mulf %max3A_1154, %max3A_1154 : vector<16xf32>
        %add3A_1320 = arith.addf %mul3A_1318, %mul3A_1319 : vector<16xf32>
        %add3A_1321 = arith.addf %add3A_1317, %add3A_1320 : vector<16xf32>
        %mul3A_1322 = arith.mulf %max3A_1161, %max3A_1161 : vector<16xf32>
        %mul3A_1323 = arith.mulf %max3A_1168, %max3A_1168 : vector<16xf32>
        %add3A_1324 = arith.addf %mul3A_1322, %mul3A_1323 : vector<16xf32>
        %mul3A_1325 = arith.mulf %max3A_1175, %max3A_1175 : vector<16xf32>
        %mul3A_1326 = arith.mulf %max3A_1182, %max3A_1182 : vector<16xf32>
        %add3A_1327 = arith.addf %mul3A_1325, %mul3A_1326 : vector<16xf32>
        %add3A_1328 = arith.addf %add3A_1324, %add3A_1327 : vector<16xf32>
        %mul3A_1329 = arith.mulf %max3A_1189, %max3A_1189 : vector<16xf32>
        %mul3A_1330 = arith.mulf %max3A_1196, %max3A_1196 : vector<16xf32>
        %add3A_1331 = arith.addf %mul3A_1329, %mul3A_1330 : vector<16xf32>
        %mul3A_1332 = arith.mulf %max3A_1203, %max3A_1203 : vector<16xf32>
        %mul3A_1333 = arith.mulf %max3A_1210, %max3A_1210 : vector<16xf32>
        %add3A_1334 = arith.addf %mul3A_1332, %mul3A_1333 : vector<16xf32>
        %add3A_1335 = arith.addf %add3A_1331, %add3A_1334 : vector<16xf32>
        %mul3A_1336 = arith.mulf %max3A_1217, %max3A_1217 : vector<16xf32>
        %mul3A_1337 = arith.mulf %max3A_1224, %max3A_1224 : vector<16xf32>
        %add3A_1338 = arith.addf %mul3A_1336, %mul3A_1337 : vector<16xf32>
        %mul3A_1339 = arith.mulf %max3A_1231, %max3A_1231 : vector<16xf32>
        %mul3A_1340 = arith.mulf %max3A_1238, %max3A_1238 : vector<16xf32>
        %add3A_1341 = arith.addf %mul3A_1339, %mul3A_1340 : vector<16xf32>
        %add3A_1342 = arith.addf %add3A_1338, %add3A_1341 : vector<16xf32>
        %div3A_1343 = arith.divf %add3A_1293, %max3A_1244 : vector<16xf32>
        %swap3A_1344 = arith.index_cast %scan3A_561 : i32 to index
        %swap3A_1345 = arith.constant 128 : index
        %swap3A_1346 = tpu.vector_load %arg6[%swap3A_1344, %swap3A_1345] {strides = array<i32>} : memref<32x256xf32, #tpu.memory_space<vmem>>, vector<16xf32>,
        tpu.vector_store %arg6[%swap3A_1344, %swap3A_1345], %div3A_1343 {strides = array<i32>} : memref<32x256xf32, #tpu.memory_space<vmem>>, vector<16xf32>,
        %div3A_1347 = arith.divf %add3A_1300, %max3A_1250 : vector<16xf32>
        %swap3A_1348 = arith.index_cast %scan3A_561 : i32 to index
        %swap3A_1349 = arith.constant 144 : index
        %swap3A_1350 = tpu.vector_load %arg6[%swap3A_1348, %swap3A_1349] {strides = array<i32>} : memref<32x256xf32, #tpu.memory_space<vmem>>, vector<16xf32>,
        tpu.vector_store %arg6[%swap3A_1348, %swap3A_1349], %div3A_1347 {strides = array<i32>} : memref<32x256xf32, #tpu.memory_space<vmem>>, vector<16xf32>,
        %div3A_1351 = arith.divf %add3A_1307, %max3A_1256 : vector<16xf32>
        %swap3A_1352 = arith.index_cast %scan3A_561 : i32 to index
        %swap3A_1353 = arith.constant 160 : index
        %swap3A_1354 = tpu.vector_load %arg6[%swap3A_1352, %swap3A_1353] {strides = array<i32>} : memref<32x256xf32, #tpu.memory_space<vmem>>, vector<16xf32>,
        tpu.vector_store %arg6[%swap3A_1352, %swap3A_1353], %div3A_1351 {strides = array<i32>} : memref<32x256xf32, #tpu.memory_space<vmem>>, vector<16xf32>,
        %div3A_1355 = arith.divf %add3A_1314, %max3A_1262 : vector<16xf32>
        %swap3A_1356 = arith.index_cast %scan3A_561 : i32 to index
        %swap3A_1357 = arith.constant 176 : index
        %swap3A_1358 = tpu.vector_load %arg6[%swap3A_1356, %swap3A_1357] {strides = array<i32>} : memref<32x256xf32, #tpu.memory_space<vmem>>, vector<16xf32>,
        tpu.vector_store %arg6[%swap3A_1356, %swap3A_1357], %div3A_1355 {strides = array<i32>} : memref<32x256xf32, #tpu.memory_space<vmem>>, vector<16xf32>,
        %div3A_1359 = arith.divf %add3A_1321, %max3A_1268 : vector<16xf32>
        %swap3A_1360 = arith.index_cast %scan3A_561 : i32 to index
        %swap3A_1361 = arith.constant 192 : index
        %swap3A_1362 = tpu.vector_load %arg6[%swap3A_1360, %swap3A_1361] {strides = array<i32>} : memref<32x256xf32, #tpu.memory_space<vmem>>, vector<16xf32>,
        tpu.vector_store %arg6[%swap3A_1360, %swap3A_1361], %div3A_1359 {strides = array<i32>} : memref<32x256xf32, #tpu.memory_space<vmem>>, vector<16xf32>,
        %div3A_1363 = arith.divf %add3A_1328, %max3A_1274 : vector<16xf32>
        %swap3A_1364 = arith.index_cast %scan3A_561 : i32 to index
        %swap3A_1365 = arith.constant 208 : index
        %swap3A_1366 = tpu.vector_load %arg6[%swap3A_1364, %swap3A_1365] {strides = array<i32>} : memref<32x256xf32, #tpu.memory_space<vmem>>, vector<16xf32>,
        tpu.vector_store %arg6[%swap3A_1364, %swap3A_1365], %div3A_1363 {strides = array<i32>} : memref<32x256xf32, #tpu.memory_space<vmem>>, vector<16xf32>,
        %div3A_1367 = arith.divf %add3A_1335, %max3A_1280 : vector<16xf32>
        %swap3A_1368 = arith.index_cast %scan3A_561 : i32 to index
        %swap3A_1369 = arith.constant 224 : index
        %swap3A_1370 = tpu.vector_load %arg6[%swap3A_1368, %swap3A_1369] {strides = array<i32>} : memref<32x256xf32, #tpu.memory_space<vmem>>, vector<16xf32>,
        tpu.vector_store %arg6[%swap3A_1368, %swap3A_1369], %div3A_1367 {strides = array<i32>} : memref<32x256xf32, #tpu.memory_space<vmem>>, vector<16xf32>,
        %div3A_1371 = arith.divf %add3A_1342, %max3A_1286 : vector<16xf32>
        %swap3A_1372 = arith.index_cast %scan3A_561 : i32 to index
        %swap3A_1373 = arith.constant 240 : index
        %swap3A_1374 = tpu.vector_load %arg6[%swap3A_1372, %swap3A_1373] {strides = array<i32>} : memref<32x256xf32, #tpu.memory_space<vmem>>, vector<16xf32>,
        tpu.vector_store %arg6[%swap3A_1372, %swap3A_1373], %div3A_1371 {strides = array<i32>} : memref<32x256xf32, #tpu.memory_space<vmem>>, vector<16xf32>,
      }
      %scan3A_283 = arith.constant 32 : i32
      %mul3A_284 = arith.constant 24 : i32
      %mul3A_285 = arith.muli %add3A, %mul3A_284 : i32
      %jit3A_286 = arith.constant 8 : i32
      %div3A_287 = arith.divsi %add3A_221, %jit3A_286 : i32
      %sign3A_288 = arith.constant 0 : i32
      %sign3A_289 = arith.cmpi sgt, %add3A_221, %sign3A_288 : i32
      %sign3A_290 = arith.extui %sign3A_289 : i1 to i32
      %sign3A_291 = arith.constant 0 : i32
      %sign3A_292 = arith.cmpi slt, %add3A_221, %sign3A_291 : i32
      %sign3A_293 = arith.extui %sign3A_292 : i1 to i32
      %sign3A_294 = arith.subi %sign3A_290, %sign3A_293 : i32
      %sign3A_295 = arith.constant 0 : i32
      %sign3A_296 = arith.cmpi sgt, %jit3A_286, %sign3A_295 : i32
      %sign3A_297 = arith.extui %sign3A_296 : i1 to i32
      %sign3A_298 = arith.constant 0 : i32
      %sign3A_299 = arith.cmpi slt, %jit3A_286, %sign3A_298 : i32
      %sign3A_300 = arith.extui %sign3A_299 : i1 to i32
      %sign3A_301 = arith.subi %sign3A_297, %sign3A_300 : i32
      %ne3A_302 = arith.cmpi ne, %sign3A_294, %sign3A_301 : i32
      %rem3A_303 = arith.remsi %add3A_221, %jit3A_286 : i32
      %ne3A_304 = arith.constant 0 : i32
      %ne3A_305 = arith.cmpi ne, %rem3A_303, %ne3A_304 : i32
      %and3A_306 = arith.andi %ne3A_302, %ne3A_305 : i1
      %sub3A_307 = arith.constant 1 : i32
      %sub3A_308 = arith.subi %div3A_287, %sub3A_307 : i32
      %select_n3A_309 = arith.select %and3A_306, %sub3A_308, %div3A_287 : i32
      %add3A_310 = arith.addi %mul3A_285, %select_n3A_309 : i32
      %jit3A_311 = arith.constant 8 : i32
      %eq3A_312 = arith.constant 0 : i32
      %eq3A_313 = arith.cmpi eq, %jit3A_311, %eq3A_312 : i32
      %jit3A_314 = arith.constant 1 : i32
      %select_n3A_315 = arith.select %eq3A_313, %jit3A_314, %jit3A_311 : i32
      %rem3A_316 = arith.remsi %add3A_221, %select_n3A_315 : i32
      %ne3A_317 = arith.constant 0 : i32
      %ne3A_318 = arith.cmpi ne, %rem3A_316, %ne3A_317 : i32
      %lt3A_319 = arith.constant 0 : i32
      %lt3A_320 = arith.cmpi slt, %rem3A_316, %lt3A_319 : i32
      %lt3A_321 = arith.constant 0 : i32
      %lt3A_322 = arith.cmpi slt, %select_n3A_315, %lt3A_321 : i32
      %ne3A_323 = arith.xori %lt3A_320, %lt3A_322 : i1
      %and3A_324 = arith.andi %ne3A_323, %ne3A_318 : i1
      %add3A_325 = arith.addi %rem3A_316, %select_n3A_315 : i32
      %select_n3A_326 = arith.select %and3A_324, %add3A_325, %rem3A_316 : i32
      %mul3A_327 = arith.constant 32 : i32
      %mul3A_328 = arith.muli %select_n3A_326, %mul3A_327 : i32
      %dma_start3A_329 = arith.constant 0 : i32
      %dma_start3A_330 = tpu.memref_slice %arg3[%add3A_310, %mul3A_328, %dma_start3A_329] : memref<768x256x256xf32, #tpu.memory_space<hbm>> -> memref<1x32x256xf32, #tpu.memory_space<hbm>>
      %dma_start3A_331 = tpu.memref_squeeze %dma_start3A_330 : memref<1x32x256xf32, #tpu.memory_space<hbm>> -> memref<32x256xf32, #tpu.memory_space<hbm>>
      %dma_start3A_332 = arith.constant 0 : i32
      %dma_start3A_333 = tpu.memref_slice %arg3[%add3A_310, %mul3A_328, %dma_start3A_332] : memref<768x256x256xf32, #tpu.memory_space<hbm>> -> memref<1x32x256xf32, #tpu.memory_space<hbm>>
      %dma_start3A_334 = tpu.memref_squeeze %dma_start3A_333 : memref<1x32x256xf32, #tpu.memory_space<hbm>> -> memref<32x256xf32, #tpu.memory_space<hbm>>
      tpu.enqueue_dma source(%arg6 : memref<32x256xf32, #tpu.memory_space<vmem>>) target(%dma_start3A_334 : memref<32x256xf32, #tpu.memory_space<hbm>>) target_semaphore(%arg10 : memref<!tpu.dma_semaphore, #tpu.memory_space<semaphore_mem>>)
      %add3A_335 = arith.constant 2 : i32
      %add3A_336 = arith.addi %add3A_221, %add3A_335 : i32
      %mul3A_337 = arith.constant 24 : i32
      %mul3A_338 = arith.muli %add3A, %mul3A_337 : i32
      %jit3A_339 = arith.constant 8 : i32
      %div3A_340 = arith.divsi %add3A_336, %jit3A_339 : i32
      %sign3A_341 = arith.constant 0 : i32
      %sign3A_342 = arith.cmpi sgt, %add3A_336, %sign3A_341 : i32
      %sign3A_343 = arith.extui %sign3A_342 : i1 to i32
      %sign3A_344 = arith.constant 0 : i32
      %sign3A_345 = arith.cmpi slt, %add3A_336, %sign3A_344 : i32
      %sign3A_346 = arith.extui %sign3A_345 : i1 to i32
      %sign3A_347 = arith.subi %sign3A_343, %sign3A_346 : i32
      %sign3A_348 = arith.constant 0 : i32
      %sign3A_349 = arith.cmpi sgt, %jit3A_339, %sign3A_348 : i32
      %sign3A_350 = arith.extui %sign3A_349 : i1 to i32
      %sign3A_351 = arith.constant 0 : i32
      %sign3A_352 = arith.cmpi slt, %jit3A_339, %sign3A_351 : i32
      %sign3A_353 = arith.extui %sign3A_352 : i1 to i32
      %sign3A_354 = arith.subi %sign3A_350, %sign3A_353 : i32
      %ne3A_355 = arith.cmpi ne, %sign3A_347, %sign3A_354 : i32
      %rem3A_356 = arith.remsi %add3A_336, %jit3A_339 : i32
      %ne3A_357 = arith.constant 0 : i32
      %ne3A_358 = arith.cmpi ne, %rem3A_356, %ne3A_357 : i32
      %and3A_359 = arith.andi %ne3A_355, %ne3A_358 : i1
      %sub3A_360 = arith.constant 1 : i32
      %sub3A_361 = arith.subi %div3A_340, %sub3A_360 : i32
      %select_n3A_362 = arith.select %and3A_359, %sub3A_361, %div3A_340 : i32
      %add3A_363 = arith.addi %mul3A_338, %select_n3A_362 : i32
      %jit3A_364 = arith.constant 8 : i32
      %eq3A_365 = arith.constant 0 : i32
      %eq3A_366 = arith.cmpi eq, %jit3A_364, %eq3A_365 : i32
      %jit3A_367 = arith.constant 1 : i32
      %select_n3A_368 = arith.select %eq3A_366, %jit3A_367, %jit3A_364 : i32
      %rem3A_369 = arith.remsi %add3A_336, %select_n3A_368 : i32
      %ne3A_370 = arith.constant 0 : i32
      %ne3A_371 = arith.cmpi ne, %rem3A_369, %ne3A_370 : i32
      %lt3A_372 = arith.constant 0 : i32
      %lt3A_373 = arith.cmpi slt, %rem3A_369, %lt3A_372 : i32
      %lt3A_374 = arith.constant 0 : i32
      %lt3A_375 = arith.cmpi slt, %select_n3A_368, %lt3A_374 : i32
      %ne3A_376 = arith.xori %lt3A_373, %lt3A_375 : i1
      %and3A_377 = arith.andi %ne3A_376, %ne3A_371 : i1
      %add3A_378 = arith.addi %rem3A_369, %select_n3A_368 : i32
      %select_n3A_379 = arith.select %and3A_377, %add3A_378, %rem3A_369 : i32
      %mul3A_380 = arith.constant 64 : i32
      %mul3A_381 = arith.muli %select_n3A_379, %mul3A_380 : i32
      %dma_start3A_382 = arith.constant 0 : i32
      %dma_start3A_383 = tpu.memref_slice %arg2[%add3A_363, %mul3A_381, %dma_start3A_382] : memref<768x512x512xf32, #tpu.memory_space<hbm>> -> memref<1x64x512xf32, #tpu.memory_space<hbm>>
      %dma_start3A_384 = tpu.memref_squeeze %dma_start3A_383 : memref<1x64x512xf32, #tpu.memory_space<hbm>> -> memref<64x512xf32, #tpu.memory_space<hbm>>
      %dma_start3A_385 = arith.constant 0 : i32
      %dma_start3A_386 = tpu.memref_slice %arg2[%add3A_363, %mul3A_381, %dma_start3A_385] : memref<768x512x512xf32, #tpu.memory_space<hbm>> -> memref<1x64x512xf32, #tpu.memory_space<hbm>>
      %dma_start3A_387 = tpu.memref_squeeze %dma_start3A_386 : memref<1x64x512xf32, #tpu.memory_space<hbm>> -> memref<64x512xf32, #tpu.memory_space<hbm>>
      tpu.enqueue_dma source(%dma_start3A_387 : memref<64x512xf32, #tpu.memory_space<hbm>>) target(%arg4 : memref<64x512xf32, #tpu.memory_space<vmem>>) target_semaphore(%arg8 : memref<!tpu.dma_semaphore, #tpu.memory_space<semaphore_mem>>)
      %mul3A_388 = arith.constant 2 : i32
      %mul3A_389 = arith.muli %mul3A_388, %scan3A_217 : i32
      %add3A_390 = arith.constant 1 : i32
      %add3A_391 = arith.addi %mul3A_389, %add3A_390 : i32
      %mul3A_392 = arith.constant 24 : i32
      %mul3A_393 = arith.muli %add3A, %mul3A_392 : i32
      %jit3A_394 = arith.constant 8 : i32
      %div3A_395 = arith.divsi %add3A_391, %jit3A_394 : i32
      %sign3A_396 = arith.constant 0 : i32
      %sign3A_397 = arith.cmpi sgt, %add3A_391, %sign3A_396 : i32
      %sign3A_398 = arith.extui %sign3A_397 : i1 to i32
      %sign3A_399 = arith.constant 0 : i32
      %sign3A_400 = arith.cmpi slt, %add3A_391, %sign3A_399 : i32
      %sign3A_401 = arith.extui %sign3A_400 : i1 to i32
      %sign3A_402 = arith.subi %sign3A_398, %sign3A_401 : i32
      %sign3A_403 = arith.constant 0 : i32
      %sign3A_404 = arith.cmpi sgt, %jit3A_394, %sign3A_403 : i32
      %sign3A_405 = arith.extui %sign3A_404 : i1 to i32
      %sign3A_406 = arith.constant 0 : i32
      %sign3A_407 = arith.cmpi slt, %jit3A_394, %sign3A_406 : i32
      %sign3A_408 = arith.extui %sign3A_407 : i1 to i32
      %sign3A_409 = arith.subi %sign3A_405, %sign3A_408 : i32
      %ne3A_410 = arith.cmpi ne, %sign3A_402, %sign3A_409 : i32
      %rem3A_411 = arith.remsi %add3A_391, %jit3A_394 : i32
      %ne3A_412 = arith.constant 0 : i32
      %ne3A_413 = arith.cmpi ne, %rem3A_411, %ne3A_412 : i32
      %and3A_414 = arith.andi %ne3A_410, %ne3A_413 : i1
      %sub3A_415 = arith.constant 1 : i32
      %sub3A_416 = arith.subi %div3A_395, %sub3A_415 : i32
      %select_n3A_417 = arith.select %and3A_414, %sub3A_416, %div3A_395 : i32
      %add3A_418 = arith.addi %mul3A_393, %select_n3A_417 : i32
      %jit3A_419 = arith.constant 8 : i32
      %eq3A_420 = arith.constant 0 : i32
      %eq3A_421 = arith.cmpi eq, %jit3A_419, %eq3A_420 : i32
      %jit3A_422 = arith.constant 1 : i32
      %select_n3A_423 = arith.select %eq3A_421, %jit3A_422, %jit3A_419 : i32
      %rem3A_424 = arith.remsi %add3A_391, %select_n3A_423 : i32
      %ne3A_425 = arith.constant 0 : i32
      %ne3A_426 = arith.cmpi ne, %rem3A_424, %ne3A_425 : i32
      %lt3A_427 = arith.constant 0 : i32
      %lt3A_428 = arith.cmpi slt, %rem3A_424, %lt3A_427 : i32
      %lt3A_429 = arith.constant 0 : i32
      %lt3A_430 = arith.cmpi slt, %select_n3A_423, %lt3A_429 : i32
      %ne3A_431 = arith.xori %lt3A_428, %lt3A_430 : i1
      %and3A_432 = arith.andi %ne3A_431, %ne3A_426 : i1
      %add3A_433 = arith.addi %rem3A_424, %select_n3A_423 : i32
      %select_n3A_434 = arith.select %and3A_432, %add3A_433, %rem3A_424 : i32
      %mul3A_435 = arith.constant 64 : i32
      %mul3A_436 = arith.muli %select_n3A_434, %mul3A_435 : i32
      %dma_wait3A_437 = arith.constant 0 : i32
      %dma_wait3A_438 = tpu.memref_slice %arg2[%add3A_418, %mul3A_436, %dma_wait3A_437] : memref<768x512x512xf32, #tpu.memory_space<hbm>> -> memref<1x64x512xf32, #tpu.memory_space<hbm>>
      %dma_wait3A_439 = tpu.memref_squeeze %dma_wait3A_438 : memref<1x64x512xf32, #tpu.memory_space<hbm>> -> memref<64x512xf32, #tpu.memory_space<hbm>>
      %dma_wait3A_440 = arith.constant 0 : i32
      %dma_wait3A_441 = tpu.memref_slice %arg2[%add3A_418, %mul3A_436, %dma_wait3A_440] : memref<768x512x512xf32, #tpu.memory_space<hbm>> -> memref<1x64x512xf32, #tpu.memory_space<hbm>>
      %dma_wait3A_442 = tpu.memref_squeeze %dma_wait3A_441 : memref<1x64x512xf32, #tpu.memory_space<hbm>> -> memref<64x512xf32, #tpu.memory_space<hbm>>
      tpu.wait_dma2 semaphore(%arg9 : memref<!tpu.dma_semaphore, #tpu.memory_space<semaphore_mem>>) src(%dma_wait3A_442 : memref<64x512xf32, #tpu.memory_space<hbm>>) dst(%arg5 : memref<64x512xf32, #tpu.memory_space<vmem>>)
      %ge3A_443 = arith.constant 2 : i32
      %ge3A_444 = arith.cmpi sge, %add3A_391, %ge3A_443 : i32
      %convert_element_type3A_445 = arith.extui %ge3A_444 : i1 to i32
      %cond3A_446 = arith.constant 0 : i32
      %cond3A_447 = arith.cmpi ne, %convert_element_type3A_445, %cond3A_446 : i32
      scf.if %cond3A_447 {
        %mul3A_561 = arith.constant 24 : i32
        %mul3A_562 = arith.muli %add3A, %mul3A_561 : i32
        %jit3A_563 = arith.constant 8 : i32
        %div3A_564 = arith.divsi %add3A_391, %jit3A_563 : i32
        %sign3A_565 = arith.constant 0 : i32
        %sign3A_566 = arith.cmpi sgt, %add3A_391, %sign3A_565 : i32
        %sign3A_567 = arith.extui %sign3A_566 : i1 to i32
        %sign3A_568 = arith.constant 0 : i32
        %sign3A_569 = arith.cmpi slt, %add3A_391, %sign3A_568 : i32
        %sign3A_570 = arith.extui %sign3A_569 : i1 to i32
        %sign3A_571 = arith.subi %sign3A_567, %sign3A_570 : i32
        %sign3A_572 = arith.constant 0 : i32
        %sign3A_573 = arith.cmpi sgt, %jit3A_563, %sign3A_572 : i32
        %sign3A_574 = arith.extui %sign3A_573 : i1 to i32
        %sign3A_575 = arith.constant 0 : i32
        %sign3A_576 = arith.cmpi slt, %jit3A_563, %sign3A_575 : i32
        %sign3A_577 = arith.extui %sign3A_576 : i1 to i32
        %sign3A_578 = arith.subi %sign3A_574, %sign3A_577 : i32
        %ne3A_579 = arith.cmpi ne, %sign3A_571, %sign3A_578 : i32
        %rem3A_580 = arith.remsi %add3A_391, %jit3A_563 : i32
        %ne3A_581 = arith.constant 0 : i32
        %ne3A_582 = arith.cmpi ne, %rem3A_580, %ne3A_581 : i32
        %and3A_583 = arith.andi %ne3A_579, %ne3A_582 : i1
        %sub3A_584 = arith.constant 1 : i32
        %sub3A_585 = arith.subi %div3A_564, %sub3A_584 : i32
        %select_n3A_586 = arith.select %and3A_583, %sub3A_585, %div3A_564 : i32
        %add3A_587 = arith.addi %mul3A_562, %select_n3A_586 : i32
        %jit3A_588 = arith.constant 8 : i32
        %eq3A_589 = arith.constant 0 : i32
        %eq3A_590 = arith.cmpi eq, %jit3A_588, %eq3A_589 : i32
        %jit3A_591 = arith.constant 1 : i32
        %select_n3A_592 = arith.select %eq3A_590, %jit3A_591, %jit3A_588 : i32
        %rem3A_593 = arith.remsi %add3A_391, %select_n3A_592 : i32
        %ne3A_594 = arith.constant 0 : i32
        %ne3A_595 = arith.cmpi ne, %rem3A_593, %ne3A_594 : i32
        %lt3A_596 = arith.constant 0 : i32
        %lt3A_597 = arith.cmpi slt, %rem3A_593, %lt3A_596 : i32
        %lt3A_598 = arith.constant 0 : i32
        %lt3A_599 = arith.cmpi slt, %select_n3A_592, %lt3A_598 : i32
        %ne3A_600 = arith.xori %lt3A_597, %lt3A_599 : i1
        %and3A_601 = arith.andi %ne3A_600, %ne3A_595 : i1
        %add3A_602 = arith.addi %rem3A_593, %select_n3A_592 : i32
        %select_n3A_603 = arith.select %and3A_601, %add3A_602, %rem3A_593 : i32
        %mul3A_604 = arith.constant 32 : i32
        %mul3A_605 = arith.muli %select_n3A_603, %mul3A_604 : i32
        %dma_wait3A_606 = arith.constant 0 : i32
        %dma_wait3A_607 = tpu.memref_slice %arg3[%add3A_587, %mul3A_605, %dma_wait3A_606] : memref<768x256x256xf32, #tpu.memory_space<hbm>> -> memref<1x32x256xf32, #tpu.memory_space<hbm>>
        %dma_wait3A_608 = tpu.memref_squeeze %dma_wait3A_607 : memref<1x32x256xf32, #tpu.memory_space<hbm>> -> memref<32x256xf32, #tpu.memory_space<hbm>>
        %dma_wait3A_609 = arith.constant 0 : i32
        %dma_wait3A_610 = tpu.memref_slice %arg3[%add3A_587, %mul3A_605, %dma_wait3A_609] : memref<768x256x256xf32, #tpu.memory_space<hbm>> -> memref<1x32x256xf32, #tpu.memory_space<hbm>>
        %dma_wait3A_611 = tpu.memref_squeeze %dma_wait3A_610 : memref<1x32x256xf32, #tpu.memory_space<hbm>> -> memref<32x256xf32, #tpu.memory_space<hbm>>
        tpu.wait_dma2 semaphore(%arg11 : memref<!tpu.dma_semaphore, #tpu.memory_space<semaphore_mem>>) src(%arg7 : memref<32x256xf32, #tpu.memory_space<vmem>>) dst(%dma_wait3A_611 : memref<32x256xf32, #tpu.memory_space<hbm>>)
      } else {
      }
      %add3A_448 = arith.constant 1 : i32
      %add3A_449 = vector.broadcast %add3A_448 : i32 to vector<16xi32>
      %add3A_450 = arith.addi %mul3A_3, %add3A_449 : vector<16xi32>
      %scan3A_451 = arith.constant 0 : i32
      %scan3A_452 = arith.constant 0 : i32
      %scan3A_453 = arith.constant 32 : i32
      %scan3A_454 = arith.addi %scan3A_452, %scan3A_453 : i32
      %scan3A_455 = arith.constant 1 : i32
      scf.for %scan3A_561 = %scan3A_452 to %scan3A_454 step %scan3A_455  : i32 {
        %mul3A_562 = arith.constant 2 : i32
        %mul3A_563 = arith.muli %mul3A_562, %scan3A_561 : i32
        %mul3A_564 = arith.constant 2 : i32
        %mul3A_565 = arith.muli %mul3A_564, %scan3A_561 : i32
        %add3A_566 = arith.constant 1 : i32
        %add3A_567 = arith.addi %mul3A_565, %add3A_566 : i32
        %mul3A_568 = arith.constant 2 : i32
        %mul3A_569 = arith.muli %mul3A_568, %scan3A_561 : i32
        %mul3A_570 = arith.constant 2 : i32
        %mul3A_571 = arith.muli %mul3A_570, %scan3A_561 : i32
        %add3A_572 = arith.constant 1 : i32
        %add3A_573 = arith.addi %mul3A_571, %add3A_572 : i32
        %mul3A_574 = arith.constant 2 : i32
        %mul3A_575 = arith.muli %mul3A_574, %scan3A_561 : i32
        %mul3A_576 = arith.constant 2 : i32
        %mul3A_577 = arith.muli %mul3A_576, %scan3A_561 : i32
        %add3A_578 = arith.constant 1 : i32
        %add3A_579 = arith.addi %mul3A_577, %add3A_578 : i32
        %mul3A_580 = arith.constant 2 : i32
        %mul3A_581 = arith.muli %mul3A_580, %scan3A_561 : i32
        %mul3A_582 = arith.constant 2 : i32
        %mul3A_583 = arith.muli %mul3A_582, %scan3A_561 : i32
        %add3A_584 = arith.constant 1 : i32
        %add3A_585 = arith.addi %mul3A_583, %add3A_584 : i32
        %mul3A_586 = arith.constant 2 : i32
        %mul3A_587 = arith.muli %mul3A_586, %scan3A_561 : i32
        %mul3A_588 = arith.constant 2 : i32
        %mul3A_589 = arith.muli %mul3A_588, %scan3A_561 : i32
        %add3A_590 = arith.constant 1 : i32
        %add3A_591 = arith.addi %mul3A_589, %add3A_590 : i32
        %mul3A_592 = arith.constant 2 : i32
        %mul3A_593 = arith.muli %mul3A_592, %scan3A_561 : i32
        %mul3A_594 = arith.constant 2 : i32
        %mul3A_595 = arith.muli %mul3A_594, %scan3A_561 : i32
        %add3A_596 = arith.constant 1 : i32
        %add3A_597 = arith.addi %mul3A_595, %add3A_596 : i32
        %mul3A_598 = arith.constant 2 : i32
        %mul3A_599 = arith.muli %mul3A_598, %scan3A_561 : i32
        %mul3A_600 = arith.constant 2 : i32
        %mul3A_601 = arith.muli %mul3A_600, %scan3A_561 : i32
        %add3A_602 = arith.constant 1 : i32
        %add3A_603 = arith.addi %mul3A_601, %add3A_602 : i32
        %mul3A_604 = arith.constant 2 : i32
        %mul3A_605 = arith.muli %mul3A_604, %scan3A_561 : i32
        %mul3A_606 = arith.constant 2 : i32
        %mul3A_607 = arith.muli %mul3A_606, %scan3A_561 : i32
        %add3A_608 = arith.constant 1 : i32
        %add3A_609 = arith.addi %mul3A_607, %add3A_608 : i32
        %gather3A = arith.constant 0 : i32
        %gather3A_610 = tpu.memref_slice %arg5[%mul3A_563, %gather3A] : memref<64x512xf32, #tpu.memory_space<vmem>> -> memref<1x32xf32, #tpu.memory_space<vmem>>
        %gather3A_611 = tpu.memref_squeeze %gather3A_610 : memref<1x32xf32, #tpu.memory_space<vmem>> -> memref<32xf32, #tpu.memory_space<vmem>>
        %gather3A_612 = tpu.vector_load_idx %gather3A_611[%mul3A_3] : memref<32xf32, #tpu.memory_space<vmem>>[vector<16xi32>], vector<16xf32>,
        %max3A = arith.constant 0.000000e+00 : f32
        %max3A_613 = vector.broadcast %max3A : f32 to vector<16xf32>
        %max3A_614 = arith.maximumf %gather3A_612, %max3A_613 : vector<16xf32>
        %gather3A_615 = arith.constant 0 : i32
        %gather3A_616 = tpu.memref_slice %arg5[%mul3A_563, %gather3A_615] : memref<64x512xf32, #tpu.memory_space<vmem>> -> memref<1x32xf32, #tpu.memory_space<vmem>>
        %gather3A_617 = tpu.memref_squeeze %gather3A_616 : memref<1x32xf32, #tpu.memory_space<vmem>> -> memref<32xf32, #tpu.memory_space<vmem>>
        %gather3A_618 = tpu.vector_load_idx %gather3A_617[%add3A_450] : memref<32xf32, #tpu.memory_space<vmem>>[vector<16xi32>], vector<16xf32>,
        %max3A_619 = arith.constant 0.000000e+00 : f32
        %max3A_620 = vector.broadcast %max3A_619 : f32 to vector<16xf32>
        %max3A_621 = arith.maximumf %gather3A_618, %max3A_620 : vector<16xf32>
        %gather3A_622 = arith.constant 0 : i32
        %gather3A_623 = tpu.memref_slice %arg5[%add3A_567, %gather3A_622] : memref<64x512xf32, #tpu.memory_space<vmem>> -> memref<1x32xf32, #tpu.memory_space<vmem>>
        %gather3A_624 = tpu.memref_squeeze %gather3A_623 : memref<1x32xf32, #tpu.memory_space<vmem>> -> memref<32xf32, #tpu.memory_space<vmem>>
        %gather3A_625 = tpu.vector_load_idx %gather3A_624[%mul3A_3] : memref<32xf32, #tpu.memory_space<vmem>>[vector<16xi32>], vector<16xf32>,
        %max3A_626 = arith.constant 0.000000e+00 : f32
        %max3A_627 = vector.broadcast %max3A_626 : f32 to vector<16xf32>
        %max3A_628 = arith.maximumf %gather3A_625, %max3A_627 : vector<16xf32>
        %gather3A_629 = arith.constant 0 : i32
        %gather3A_630 = tpu.memref_slice %arg5[%add3A_567, %gather3A_629] : memref<64x512xf32, #tpu.memory_space<vmem>> -> memref<1x32xf32, #tpu.memory_space<vmem>>
        %gather3A_631 = tpu.memref_squeeze %gather3A_630 : memref<1x32xf32, #tpu.memory_space<vmem>> -> memref<32xf32, #tpu.memory_space<vmem>>
        %gather3A_632 = tpu.vector_load_idx %gather3A_631[%add3A_450] : memref<32xf32, #tpu.memory_space<vmem>>[vector<16xi32>], vector<16xf32>,
        %max3A_633 = arith.constant 0.000000e+00 : f32
        %max3A_634 = vector.broadcast %max3A_633 : f32 to vector<16xf32>
        %max3A_635 = arith.maximumf %gather3A_632, %max3A_634 : vector<16xf32>
        %gather3A_636 = arith.constant 32 : i32
        %gather3A_637 = tpu.memref_slice %arg5[%mul3A_569, %gather3A_636] : memref<64x512xf32, #tpu.memory_space<vmem>> -> memref<1x32xf32, #tpu.memory_space<vmem>>
        %gather3A_638 = tpu.memref_squeeze %gather3A_637 : memref<1x32xf32, #tpu.memory_space<vmem>> -> memref<32xf32, #tpu.memory_space<vmem>>
        %gather3A_639 = tpu.vector_load_idx %gather3A_638[%mul3A_3] : memref<32xf32, #tpu.memory_space<vmem>>[vector<16xi32>], vector<16xf32>,
        %max3A_640 = arith.constant 0.000000e+00 : f32
        %max3A_641 = vector.broadcast %max3A_640 : f32 to vector<16xf32>
        %max3A_642 = arith.maximumf %gather3A_639, %max3A_641 : vector<16xf32>
        %gather3A_643 = arith.constant 32 : i32
        %gather3A_644 = tpu.memref_slice %arg5[%mul3A_569, %gather3A_643] : memref<64x512xf32, #tpu.memory_space<vmem>> -> memref<1x32xf32, #tpu.memory_space<vmem>>
        %gather3A_645 = tpu.memref_squeeze %gather3A_644 : memref<1x32xf32, #tpu.memory_space<vmem>> -> memref<32xf32, #tpu.memory_space<vmem>>
        %gather3A_646 = tpu.vector_load_idx %gather3A_645[%add3A_450] : memref<32xf32, #tpu.memory_space<vmem>>[vector<16xi32>], vector<16xf32>,
        %max3A_647 = arith.constant 0.000000e+00 : f32
        %max3A_648 = vector.broadcast %max3A_647 : f32 to vector<16xf32>
        %max3A_649 = arith.maximumf %gather3A_646, %max3A_648 : vector<16xf32>
        %gather3A_650 = arith.constant 32 : i32
        %gather3A_651 = tpu.memref_slice %arg5[%add3A_573, %gather3A_650] : memref<64x512xf32, #tpu.memory_space<vmem>> -> memref<1x32xf32, #tpu.memory_space<vmem>>
        %gather3A_652 = tpu.memref_squeeze %gather3A_651 : memref<1x32xf32, #tpu.memory_space<vmem>> -> memref<32xf32, #tpu.memory_space<vmem>>
        %gather3A_653 = tpu.vector_load_idx %gather3A_652[%mul3A_3] : memref<32xf32, #tpu.memory_space<vmem>>[vector<16xi32>], vector<16xf32>,
        %max3A_654 = arith.constant 0.000000e+00 : f32
        %max3A_655 = vector.broadcast %max3A_654 : f32 to vector<16xf32>
        %max3A_656 = arith.maximumf %gather3A_653, %max3A_655 : vector<16xf32>
        %gather3A_657 = arith.constant 32 : i32
        %gather3A_658 = tpu.memref_slice %arg5[%add3A_573, %gather3A_657] : memref<64x512xf32, #tpu.memory_space<vmem>> -> memref<1x32xf32, #tpu.memory_space<vmem>>
        %gather3A_659 = tpu.memref_squeeze %gather3A_658 : memref<1x32xf32, #tpu.memory_space<vmem>> -> memref<32xf32, #tpu.memory_space<vmem>>
        %gather3A_660 = tpu.vector_load_idx %gather3A_659[%add3A_450] : memref<32xf32, #tpu.memory_space<vmem>>[vector<16xi32>], vector<16xf32>,
        %max3A_661 = arith.constant 0.000000e+00 : f32
        %max3A_662 = vector.broadcast %max3A_661 : f32 to vector<16xf32>
        %max3A_663 = arith.maximumf %gather3A_660, %max3A_662 : vector<16xf32>
        %gather3A_664 = arith.constant 64 : i32
        %gather3A_665 = tpu.memref_slice %arg5[%mul3A_575, %gather3A_664] : memref<64x512xf32, #tpu.memory_space<vmem>> -> memref<1x32xf32, #tpu.memory_space<vmem>>
        %gather3A_666 = tpu.memref_squeeze %gather3A_665 : memref<1x32xf32, #tpu.memory_space<vmem>> -> memref<32xf32, #tpu.memory_space<vmem>>
        %gather3A_667 = tpu.vector_load_idx %gather3A_666[%mul3A_3] : memref<32xf32, #tpu.memory_space<vmem>>[vector<16xi32>], vector<16xf32>,
        %max3A_668 = arith.constant 0.000000e+00 : f32
        %max3A_669 = vector.broadcast %max3A_668 : f32 to vector<16xf32>
        %max3A_670 = arith.maximumf %gather3A_667, %max3A_669 : vector<16xf32>
        %gather3A_671 = arith.constant 64 : i32
        %gather3A_672 = tpu.memref_slice %arg5[%mul3A_575, %gather3A_671] : memref<64x512xf32, #tpu.memory_space<vmem>> -> memref<1x32xf32, #tpu.memory_space<vmem>>
        %gather3A_673 = tpu.memref_squeeze %gather3A_672 : memref<1x32xf32, #tpu.memory_space<vmem>> -> memref<32xf32, #tpu.memory_space<vmem>>
        %gather3A_674 = tpu.vector_load_idx %gather3A_673[%add3A_450] : memref<32xf32, #tpu.memory_space<vmem>>[vector<16xi32>], vector<16xf32>,
        %max3A_675 = arith.constant 0.000000e+00 : f32
        %max3A_676 = vector.broadcast %max3A_675 : f32 to vector<16xf32>
        %max3A_677 = arith.maximumf %gather3A_674, %max3A_676 : vector<16xf32>
        %gather3A_678 = arith.constant 64 : i32
        %gather3A_679 = tpu.memref_slice %arg5[%add3A_579, %gather3A_678] : memref<64x512xf32, #tpu.memory_space<vmem>> -> memref<1x32xf32, #tpu.memory_space<vmem>>
        %gather3A_680 = tpu.memref_squeeze %gather3A_679 : memref<1x32xf32, #tpu.memory_space<vmem>> -> memref<32xf32, #tpu.memory_space<vmem>>
        %gather3A_681 = tpu.vector_load_idx %gather3A_680[%mul3A_3] : memref<32xf32, #tpu.memory_space<vmem>>[vector<16xi32>], vector<16xf32>,
        %max3A_682 = arith.constant 0.000000e+00 : f32
        %max3A_683 = vector.broadcast %max3A_682 : f32 to vector<16xf32>
        %max3A_684 = arith.maximumf %gather3A_681, %max3A_683 : vector<16xf32>
        %gather3A_685 = arith.constant 64 : i32
        %gather3A_686 = tpu.memref_slice %arg5[%add3A_579, %gather3A_685] : memref<64x512xf32, #tpu.memory_space<vmem>> -> memref<1x32xf32, #tpu.memory_space<vmem>>
        %gather3A_687 = tpu.memref_squeeze %gather3A_686 : memref<1x32xf32, #tpu.memory_space<vmem>> -> memref<32xf32, #tpu.memory_space<vmem>>
        %gather3A_688 = tpu.vector_load_idx %gather3A_687[%add3A_450] : memref<32xf32, #tpu.memory_space<vmem>>[vector<16xi32>], vector<16xf32>,
        %max3A_689 = arith.constant 0.000000e+00 : f32
        %max3A_690 = vector.broadcast %max3A_689 : f32 to vector<16xf32>
        %max3A_691 = arith.maximumf %gather3A_688, %max3A_690 : vector<16xf32>
        %gather3A_692 = arith.constant 96 : i32
        %gather3A_693 = tpu.memref_slice %arg5[%mul3A_581, %gather3A_692] : memref<64x512xf32, #tpu.memory_space<vmem>> -> memref<1x32xf32, #tpu.memory_space<vmem>>
        %gather3A_694 = tpu.memref_squeeze %gather3A_693 : memref<1x32xf32, #tpu.memory_space<vmem>> -> memref<32xf32, #tpu.memory_space<vmem>>
        %gather3A_695 = tpu.vector_load_idx %gather3A_694[%mul3A_3] : memref<32xf32, #tpu.memory_space<vmem>>[vector<16xi32>], vector<16xf32>,
        %max3A_696 = arith.constant 0.000000e+00 : f32
        %max3A_697 = vector.broadcast %max3A_696 : f32 to vector<16xf32>
        %max3A_698 = arith.maximumf %gather3A_695, %max3A_697 : vector<16xf32>
        %gather3A_699 = arith.constant 96 : i32
        %gather3A_700 = tpu.memref_slice %arg5[%mul3A_581, %gather3A_699] : memref<64x512xf32, #tpu.memory_space<vmem>> -> memref<1x32xf32, #tpu.memory_space<vmem>>
        %gather3A_701 = tpu.memref_squeeze %gather3A_700 : memref<1x32xf32, #tpu.memory_space<vmem>> -> memref<32xf32, #tpu.memory_space<vmem>>
        %gather3A_702 = tpu.vector_load_idx %gather3A_701[%add3A_450] : memref<32xf32, #tpu.memory_space<vmem>>[vector<16xi32>], vector<16xf32>,
        %max3A_703 = arith.constant 0.000000e+00 : f32
        %max3A_704 = vector.broadcast %max3A_703 : f32 to vector<16xf32>
        %max3A_705 = arith.maximumf %gather3A_702, %max3A_704 : vector<16xf32>
        %gather3A_706 = arith.constant 96 : i32
        %gather3A_707 = tpu.memref_slice %arg5[%add3A_585, %gather3A_706] : memref<64x512xf32, #tpu.memory_space<vmem>> -> memref<1x32xf32, #tpu.memory_space<vmem>>
        %gather3A_708 = tpu.memref_squeeze %gather3A_707 : memref<1x32xf32, #tpu.memory_space<vmem>> -> memref<32xf32, #tpu.memory_space<vmem>>
        %gather3A_709 = tpu.vector_load_idx %gather3A_708[%mul3A_3] : memref<32xf32, #tpu.memory_space<vmem>>[vector<16xi32>], vector<16xf32>,
        %max3A_710 = arith.constant 0.000000e+00 : f32
        %max3A_711 = vector.broadcast %max3A_710 : f32 to vector<16xf32>
        %max3A_712 = arith.maximumf %gather3A_709, %max3A_711 : vector<16xf32>
        %gather3A_713 = arith.constant 96 : i32
        %gather3A_714 = tpu.memref_slice %arg5[%add3A_585, %gather3A_713] : memref<64x512xf32, #tpu.memory_space<vmem>> -> memref<1x32xf32, #tpu.memory_space<vmem>>
        %gather3A_715 = tpu.memref_squeeze %gather3A_714 : memref<1x32xf32, #tpu.memory_space<vmem>> -> memref<32xf32, #tpu.memory_space<vmem>>
        %gather3A_716 = tpu.vector_load_idx %gather3A_715[%add3A_450] : memref<32xf32, #tpu.memory_space<vmem>>[vector<16xi32>], vector<16xf32>,
        %max3A_717 = arith.constant 0.000000e+00 : f32
        %max3A_718 = vector.broadcast %max3A_717 : f32 to vector<16xf32>
        %max3A_719 = arith.maximumf %gather3A_716, %max3A_718 : vector<16xf32>
        %gather3A_720 = arith.constant 128 : i32
        %gather3A_721 = tpu.memref_slice %arg5[%mul3A_587, %gather3A_720] : memref<64x512xf32, #tpu.memory_space<vmem>> -> memref<1x32xf32, #tpu.memory_space<vmem>>
        %gather3A_722 = tpu.memref_squeeze %gather3A_721 : memref<1x32xf32, #tpu.memory_space<vmem>> -> memref<32xf32, #tpu.memory_space<vmem>>
        %gather3A_723 = tpu.vector_load_idx %gather3A_722[%mul3A_3] : memref<32xf32, #tpu.memory_space<vmem>>[vector<16xi32>], vector<16xf32>,
        %max3A_724 = arith.constant 0.000000e+00 : f32
        %max3A_725 = vector.broadcast %max3A_724 : f32 to vector<16xf32>
        %max3A_726 = arith.maximumf %gather3A_723, %max3A_725 : vector<16xf32>
        %gather3A_727 = arith.constant 128 : i32
        %gather3A_728 = tpu.memref_slice %arg5[%mul3A_587, %gather3A_727] : memref<64x512xf32, #tpu.memory_space<vmem>> -> memref<1x32xf32, #tpu.memory_space<vmem>>
        %gather3A_729 = tpu.memref_squeeze %gather3A_728 : memref<1x32xf32, #tpu.memory_space<vmem>> -> memref<32xf32, #tpu.memory_space<vmem>>
        %gather3A_730 = tpu.vector_load_idx %gather3A_729[%add3A_450] : memref<32xf32, #tpu.memory_space<vmem>>[vector<16xi32>], vector<16xf32>,
        %max3A_731 = arith.constant 0.000000e+00 : f32
        %max3A_732 = vector.broadcast %max3A_731 : f32 to vector<16xf32>
        %max3A_733 = arith.maximumf %gather3A_730, %max3A_732 : vector<16xf32>
        %gather3A_734 = arith.constant 128 : i32
        %gather3A_735 = tpu.memref_slice %arg5[%add3A_591, %gather3A_734] : memref<64x512xf32, #tpu.memory_space<vmem>> -> memref<1x32xf32, #tpu.memory_space<vmem>>
        %gather3A_736 = tpu.memref_squeeze %gather3A_735 : memref<1x32xf32, #tpu.memory_space<vmem>> -> memref<32xf32, #tpu.memory_space<vmem>>
        %gather3A_737 = tpu.vector_load_idx %gather3A_736[%mul3A_3] : memref<32xf32, #tpu.memory_space<vmem>>[vector<16xi32>], vector<16xf32>,
        %max3A_738 = arith.constant 0.000000e+00 : f32
        %max3A_739 = vector.broadcast %max3A_738 : f32 to vector<16xf32>
        %max3A_740 = arith.maximumf %gather3A_737, %max3A_739 : vector<16xf32>
        %gather3A_741 = arith.constant 128 : i32
        %gather3A_742 = tpu.memref_slice %arg5[%add3A_591, %gather3A_741] : memref<64x512xf32, #tpu.memory_space<vmem>> -> memref<1x32xf32, #tpu.memory_space<vmem>>
        %gather3A_743 = tpu.memref_squeeze %gather3A_742 : memref<1x32xf32, #tpu.memory_space<vmem>> -> memref<32xf32, #tpu.memory_space<vmem>>
        %gather3A_744 = tpu.vector_load_idx %gather3A_743[%add3A_450] : memref<32xf32, #tpu.memory_space<vmem>>[vector<16xi32>], vector<16xf32>,
        %max3A_745 = arith.constant 0.000000e+00 : f32
        %max3A_746 = vector.broadcast %max3A_745 : f32 to vector<16xf32>
        %max3A_747 = arith.maximumf %gather3A_744, %max3A_746 : vector<16xf32>
        %gather3A_748 = arith.constant 160 : i32
        %gather3A_749 = tpu.memref_slice %arg5[%mul3A_593, %gather3A_748] : memref<64x512xf32, #tpu.memory_space<vmem>> -> memref<1x32xf32, #tpu.memory_space<vmem>>
        %gather3A_750 = tpu.memref_squeeze %gather3A_749 : memref<1x32xf32, #tpu.memory_space<vmem>> -> memref<32xf32, #tpu.memory_space<vmem>>
        %gather3A_751 = tpu.vector_load_idx %gather3A_750[%mul3A_3] : memref<32xf32, #tpu.memory_space<vmem>>[vector<16xi32>], vector<16xf32>,
        %max3A_752 = arith.constant 0.000000e+00 : f32
        %max3A_753 = vector.broadcast %max3A_752 : f32 to vector<16xf32>
        %max3A_754 = arith.maximumf %gather3A_751, %max3A_753 : vector<16xf32>
        %gather3A_755 = arith.constant 160 : i32
        %gather3A_756 = tpu.memref_slice %arg5[%mul3A_593, %gather3A_755] : memref<64x512xf32, #tpu.memory_space<vmem>> -> memref<1x32xf32, #tpu.memory_space<vmem>>
        %gather3A_757 = tpu.memref_squeeze %gather3A_756 : memref<1x32xf32, #tpu.memory_space<vmem>> -> memref<32xf32, #tpu.memory_space<vmem>>
        %gather3A_758 = tpu.vector_load_idx %gather3A_757[%add3A_450] : memref<32xf32, #tpu.memory_space<vmem>>[vector<16xi32>], vector<16xf32>,
        %max3A_759 = arith.constant 0.000000e+00 : f32
        %max3A_760 = vector.broadcast %max3A_759 : f32 to vector<16xf32>
        %max3A_761 = arith.maximumf %gather3A_758, %max3A_760 : vector<16xf32>
        %gather3A_762 = arith.constant 160 : i32
        %gather3A_763 = tpu.memref_slice %arg5[%add3A_597, %gather3A_762] : memref<64x512xf32, #tpu.memory_space<vmem>> -> memref<1x32xf32, #tpu.memory_space<vmem>>
        %gather3A_764 = tpu.memref_squeeze %gather3A_763 : memref<1x32xf32, #tpu.memory_space<vmem>> -> memref<32xf32, #tpu.memory_space<vmem>>
        %gather3A_765 = tpu.vector_load_idx %gather3A_764[%mul3A_3] : memref<32xf32, #tpu.memory_space<vmem>>[vector<16xi32>], vector<16xf32>,
        %max3A_766 = arith.constant 0.000000e+00 : f32
        %max3A_767 = vector.broadcast %max3A_766 : f32 to vector<16xf32>
        %max3A_768 = arith.maximumf %gather3A_765, %max3A_767 : vector<16xf32>
        %gather3A_769 = arith.constant 160 : i32
        %gather3A_770 = tpu.memref_slice %arg5[%add3A_597, %gather3A_769] : memref<64x512xf32, #tpu.memory_space<vmem>> -> memref<1x32xf32, #tpu.memory_space<vmem>>
        %gather3A_771 = tpu.memref_squeeze %gather3A_770 : memref<1x32xf32, #tpu.memory_space<vmem>> -> memref<32xf32, #tpu.memory_space<vmem>>
        %gather3A_772 = tpu.vector_load_idx %gather3A_771[%add3A_450] : memref<32xf32, #tpu.memory_space<vmem>>[vector<16xi32>], vector<16xf32>,
        %max3A_773 = arith.constant 0.000000e+00 : f32
        %max3A_774 = vector.broadcast %max3A_773 : f32 to vector<16xf32>
        %max3A_775 = arith.maximumf %gather3A_772, %max3A_774 : vector<16xf32>
        %gather3A_776 = arith.constant 192 : i32
        %gather3A_777 = tpu.memref_slice %arg5[%mul3A_599, %gather3A_776] : memref<64x512xf32, #tpu.memory_space<vmem>> -> memref<1x32xf32, #tpu.memory_space<vmem>>
        %gather3A_778 = tpu.memref_squeeze %gather3A_777 : memref<1x32xf32, #tpu.memory_space<vmem>> -> memref<32xf32, #tpu.memory_space<vmem>>
        %gather3A_779 = tpu.vector_load_idx %gather3A_778[%mul3A_3] : memref<32xf32, #tpu.memory_space<vmem>>[vector<16xi32>], vector<16xf32>,
        %max3A_780 = arith.constant 0.000000e+00 : f32
        %max3A_781 = vector.broadcast %max3A_780 : f32 to vector<16xf32>
        %max3A_782 = arith.maximumf %gather3A_779, %max3A_781 : vector<16xf32>
        %gather3A_783 = arith.constant 192 : i32
        %gather3A_784 = tpu.memref_slice %arg5[%mul3A_599, %gather3A_783] : memref<64x512xf32, #tpu.memory_space<vmem>> -> memref<1x32xf32, #tpu.memory_space<vmem>>
        %gather3A_785 = tpu.memref_squeeze %gather3A_784 : memref<1x32xf32, #tpu.memory_space<vmem>> -> memref<32xf32, #tpu.memory_space<vmem>>
        %gather3A_786 = tpu.vector_load_idx %gather3A_785[%add3A_450] : memref<32xf32, #tpu.memory_space<vmem>>[vector<16xi32>], vector<16xf32>,
        %max3A_787 = arith.constant 0.000000e+00 : f32
        %max3A_788 = vector.broadcast %max3A_787 : f32 to vector<16xf32>
        %max3A_789 = arith.maximumf %gather3A_786, %max3A_788 : vector<16xf32>
        %gather3A_790 = arith.constant 192 : i32
        %gather3A_791 = tpu.memref_slice %arg5[%add3A_603, %gather3A_790] : memref<64x512xf32, #tpu.memory_space<vmem>> -> memref<1x32xf32, #tpu.memory_space<vmem>>
        %gather3A_792 = tpu.memref_squeeze %gather3A_791 : memref<1x32xf32, #tpu.memory_space<vmem>> -> memref<32xf32, #tpu.memory_space<vmem>>
        %gather3A_793 = tpu.vector_load_idx %gather3A_792[%mul3A_3] : memref<32xf32, #tpu.memory_space<vmem>>[vector<16xi32>], vector<16xf32>,
        %max3A_794 = arith.constant 0.000000e+00 : f32
        %max3A_795 = vector.broadcast %max3A_794 : f32 to vector<16xf32>
        %max3A_796 = arith.maximumf %gather3A_793, %max3A_795 : vector<16xf32>
        %gather3A_797 = arith.constant 192 : i32
        %gather3A_798 = tpu.memref_slice %arg5[%add3A_603, %gather3A_797] : memref<64x512xf32, #tpu.memory_space<vmem>> -> memref<1x32xf32, #tpu.memory_space<vmem>>
        %gather3A_799 = tpu.memref_squeeze %gather3A_798 : memref<1x32xf32, #tpu.memory_space<vmem>> -> memref<32xf32, #tpu.memory_space<vmem>>
        %gather3A_800 = tpu.vector_load_idx %gather3A_799[%add3A_450] : memref<32xf32, #tpu.memory_space<vmem>>[vector<16xi32>], vector<16xf32>,
        %max3A_801 = arith.constant 0.000000e+00 : f32
        %max3A_802 = vector.broadcast %max3A_801 : f32 to vector<16xf32>
        %max3A_803 = arith.maximumf %gather3A_800, %max3A_802 : vector<16xf32>
        %gather3A_804 = arith.constant 224 : i32
        %gather3A_805 = tpu.memref_slice %arg5[%mul3A_605, %gather3A_804] : memref<64x512xf32, #tpu.memory_space<vmem>> -> memref<1x32xf32, #tpu.memory_space<vmem>>
        %gather3A_806 = tpu.memref_squeeze %gather3A_805 : memref<1x32xf32, #tpu.memory_space<vmem>> -> memref<32xf32, #tpu.memory_space<vmem>>
        %gather3A_807 = tpu.vector_load_idx %gather3A_806[%mul3A_3] : memref<32xf32, #tpu.memory_space<vmem>>[vector<16xi32>], vector<16xf32>,
        %max3A_808 = arith.constant 0.000000e+00 : f32
        %max3A_809 = vector.broadcast %max3A_808 : f32 to vector<16xf32>
        %max3A_810 = arith.maximumf %gather3A_807, %max3A_809 : vector<16xf32>
        %gather3A_811 = arith.constant 224 : i32
        %gather3A_812 = tpu.memref_slice %arg5[%mul3A_605, %gather3A_811] : memref<64x512xf32, #tpu.memory_space<vmem>> -> memref<1x32xf32, #tpu.memory_space<vmem>>
        %gather3A_813 = tpu.memref_squeeze %gather3A_812 : memref<1x32xf32, #tpu.memory_space<vmem>> -> memref<32xf32, #tpu.memory_space<vmem>>
        %gather3A_814 = tpu.vector_load_idx %gather3A_813[%add3A_450] : memref<32xf32, #tpu.memory_space<vmem>>[vector<16xi32>], vector<16xf32>,
        %max3A_815 = arith.constant 0.000000e+00 : f32
        %max3A_816 = vector.broadcast %max3A_815 : f32 to vector<16xf32>
        %max3A_817 = arith.maximumf %gather3A_814, %max3A_816 : vector<16xf32>
        %gather3A_818 = arith.constant 224 : i32
        %gather3A_819 = tpu.memref_slice %arg5[%add3A_609, %gather3A_818] : memref<64x512xf32, #tpu.memory_space<vmem>> -> memref<1x32xf32, #tpu.memory_space<vmem>>
        %gather3A_820 = tpu.memref_squeeze %gather3A_819 : memref<1x32xf32, #tpu.memory_space<vmem>> -> memref<32xf32, #tpu.memory_space<vmem>>
        %gather3A_821 = tpu.vector_load_idx %gather3A_820[%mul3A_3] : memref<32xf32, #tpu.memory_space<vmem>>[vector<16xi32>], vector<16xf32>,
        %max3A_822 = arith.constant 0.000000e+00 : f32
        %max3A_823 = vector.broadcast %max3A_822 : f32 to vector<16xf32>
        %max3A_824 = arith.maximumf %gather3A_821, %max3A_823 : vector<16xf32>
        %gather3A_825 = arith.constant 224 : i32
        %gather3A_826 = tpu.memref_slice %arg5[%add3A_609, %gather3A_825] : memref<64x512xf32, #tpu.memory_space<vmem>> -> memref<1x32xf32, #tpu.memory_space<vmem>>
        %gather3A_827 = tpu.memref_squeeze %gather3A_826 : memref<1x32xf32, #tpu.memory_space<vmem>> -> memref<32xf32, #tpu.memory_space<vmem>>
        %gather3A_828 = tpu.vector_load_idx %gather3A_827[%add3A_450] : memref<32xf32, #tpu.memory_space<vmem>>[vector<16xi32>], vector<16xf32>,
        %max3A_829 = arith.constant 0.000000e+00 : f32
        %max3A_830 = vector.broadcast %max3A_829 : f32 to vector<16xf32>
        %max3A_831 = arith.maximumf %gather3A_828, %max3A_830 : vector<16xf32>
        %add3A_832 = arith.addf %max3A_614, %max3A_621 : vector<16xf32>
        %add3A_833 = arith.addf %max3A_628, %max3A_635 : vector<16xf32>
        %add3A_834 = arith.addf %add3A_832, %add3A_833 : vector<16xf32>
        %max3A_835 = arith.constant 1.200000e-38 : f32
        %max3A_836 = vector.broadcast %max3A_835 : f32 to vector<16xf32>
        %max3A_837 = arith.maximumf %add3A_834, %max3A_836 : vector<16xf32>
        %add3A_838 = arith.addf %max3A_642, %max3A_649 : vector<16xf32>
        %add3A_839 = arith.addf %max3A_656, %max3A_663 : vector<16xf32>
        %add3A_840 = arith.addf %add3A_838, %add3A_839 : vector<16xf32>
        %max3A_841 = arith.constant 1.200000e-38 : f32
        %max3A_842 = vector.broadcast %max3A_841 : f32 to vector<16xf32>
        %max3A_843 = arith.maximumf %add3A_840, %max3A_842 : vector<16xf32>
        %add3A_844 = arith.addf %max3A_670, %max3A_677 : vector<16xf32>
        %add3A_845 = arith.addf %max3A_684, %max3A_691 : vector<16xf32>
        %add3A_846 = arith.addf %add3A_844, %add3A_845 : vector<16xf32>
        %max3A_847 = arith.constant 1.200000e-38 : f32
        %max3A_848 = vector.broadcast %max3A_847 : f32 to vector<16xf32>
        %max3A_849 = arith.maximumf %add3A_846, %max3A_848 : vector<16xf32>
        %add3A_850 = arith.addf %max3A_698, %max3A_705 : vector<16xf32>
        %add3A_851 = arith.addf %max3A_712, %max3A_719 : vector<16xf32>
        %add3A_852 = arith.addf %add3A_850, %add3A_851 : vector<16xf32>
        %max3A_853 = arith.constant 1.200000e-38 : f32
        %max3A_854 = vector.broadcast %max3A_853 : f32 to vector<16xf32>
        %max3A_855 = arith.maximumf %add3A_852, %max3A_854 : vector<16xf32>
        %add3A_856 = arith.addf %max3A_726, %max3A_733 : vector<16xf32>
        %add3A_857 = arith.addf %max3A_740, %max3A_747 : vector<16xf32>
        %add3A_858 = arith.addf %add3A_856, %add3A_857 : vector<16xf32>
        %max3A_859 = arith.constant 1.200000e-38 : f32
        %max3A_860 = vector.broadcast %max3A_859 : f32 to vector<16xf32>
        %max3A_861 = arith.maximumf %add3A_858, %max3A_860 : vector<16xf32>
        %add3A_862 = arith.addf %max3A_754, %max3A_761 : vector<16xf32>
        %add3A_863 = arith.addf %max3A_768, %max3A_775 : vector<16xf32>
        %add3A_864 = arith.addf %add3A_862, %add3A_863 : vector<16xf32>
        %max3A_865 = arith.constant 1.200000e-38 : f32
        %max3A_866 = vector.broadcast %max3A_865 : f32 to vector<16xf32>
        %max3A_867 = arith.maximumf %add3A_864, %max3A_866 : vector<16xf32>
        %add3A_868 = arith.addf %max3A_782, %max3A_789 : vector<16xf32>
        %add3A_869 = arith.addf %max3A_796, %max3A_803 : vector<16xf32>
        %add3A_870 = arith.addf %add3A_868, %add3A_869 : vector<16xf32>
        %max3A_871 = arith.constant 1.200000e-38 : f32
        %max3A_872 = vector.broadcast %max3A_871 : f32 to vector<16xf32>
        %max3A_873 = arith.maximumf %add3A_870, %max3A_872 : vector<16xf32>
        %add3A_874 = arith.addf %max3A_810, %max3A_817 : vector<16xf32>
        %add3A_875 = arith.addf %max3A_824, %max3A_831 : vector<16xf32>
        %add3A_876 = arith.addf %add3A_874, %add3A_875 : vector<16xf32>
        %max3A_877 = arith.constant 1.200000e-38 : f32
        %max3A_878 = vector.broadcast %max3A_877 : f32 to vector<16xf32>
        %max3A_879 = arith.maximumf %add3A_876, %max3A_878 : vector<16xf32>
        %mul3A_880 = arith.mulf %max3A_614, %max3A_614 : vector<16xf32>
        %mul3A_881 = arith.mulf %max3A_621, %max3A_621 : vector<16xf32>
        %add3A_882 = arith.addf %mul3A_880, %mul3A_881 : vector<16xf32>
        %mul3A_883 = arith.mulf %max3A_628, %max3A_628 : vector<16xf32>
        %mul3A_884 = arith.mulf %max3A_635, %max3A_635 : vector<16xf32>
        %add3A_885 = arith.addf %mul3A_883, %mul3A_884 : vector<16xf32>
        %add3A_886 = arith.addf %add3A_882, %add3A_885 : vector<16xf32>
        %mul3A_887 = arith.mulf %max3A_642, %max3A_642 : vector<16xf32>
        %mul3A_888 = arith.mulf %max3A_649, %max3A_649 : vector<16xf32>
        %add3A_889 = arith.addf %mul3A_887, %mul3A_888 : vector<16xf32>
        %mul3A_890 = arith.mulf %max3A_656, %max3A_656 : vector<16xf32>
        %mul3A_891 = arith.mulf %max3A_663, %max3A_663 : vector<16xf32>
        %add3A_892 = arith.addf %mul3A_890, %mul3A_891 : vector<16xf32>
        %add3A_893 = arith.addf %add3A_889, %add3A_892 : vector<16xf32>
        %mul3A_894 = arith.mulf %max3A_670, %max3A_670 : vector<16xf32>
        %mul3A_895 = arith.mulf %max3A_677, %max3A_677 : vector<16xf32>
        %add3A_896 = arith.addf %mul3A_894, %mul3A_895 : vector<16xf32>
        %mul3A_897 = arith.mulf %max3A_684, %max3A_684 : vector<16xf32>
        %mul3A_898 = arith.mulf %max3A_691, %max3A_691 : vector<16xf32>
        %add3A_899 = arith.addf %mul3A_897, %mul3A_898 : vector<16xf32>
        %add3A_900 = arith.addf %add3A_896, %add3A_899 : vector<16xf32>
        %mul3A_901 = arith.mulf %max3A_698, %max3A_698 : vector<16xf32>
        %mul3A_902 = arith.mulf %max3A_705, %max3A_705 : vector<16xf32>
        %add3A_903 = arith.addf %mul3A_901, %mul3A_902 : vector<16xf32>
        %mul3A_904 = arith.mulf %max3A_712, %max3A_712 : vector<16xf32>
        %mul3A_905 = arith.mulf %max3A_719, %max3A_719 : vector<16xf32>
        %add3A_906 = arith.addf %mul3A_904, %mul3A_905 : vector<16xf32>
        %add3A_907 = arith.addf %add3A_903, %add3A_906 : vector<16xf32>
        %mul3A_908 = arith.mulf %max3A_726, %max3A_726 : vector<16xf32>
        %mul3A_909 = arith.mulf %max3A_733, %max3A_733 : vector<16xf32>
        %add3A_910 = arith.addf %mul3A_908, %mul3A_909 : vector<16xf32>
        %mul3A_911 = arith.mulf %max3A_740, %max3A_740 : vector<16xf32>
        %mul3A_912 = arith.mulf %max3A_747, %max3A_747 : vector<16xf32>
        %add3A_913 = arith.addf %mul3A_911, %mul3A_912 : vector<16xf32>
        %add3A_914 = arith.addf %add3A_910, %add3A_913 : vector<16xf32>
        %mul3A_915 = arith.mulf %max3A_754, %max3A_754 : vector<16xf32>
        %mul3A_916 = arith.mulf %max3A_761, %max3A_761 : vector<16xf32>
        %add3A_917 = arith.addf %mul3A_915, %mul3A_916 : vector<16xf32>
        %mul3A_918 = arith.mulf %max3A_768, %max3A_768 : vector<16xf32>
        %mul3A_919 = arith.mulf %max3A_775, %max3A_775 : vector<16xf32>
        %add3A_920 = arith.addf %mul3A_918, %mul3A_919 : vector<16xf32>
        %add3A_921 = arith.addf %add3A_917, %add3A_920 : vector<16xf32>
        %mul3A_922 = arith.mulf %max3A_782, %max3A_782 : vector<16xf32>
        %mul3A_923 = arith.mulf %max3A_789, %max3A_789 : vector<16xf32>
        %add3A_924 = arith.addf %mul3A_922, %mul3A_923 : vector<16xf32>
        %mul3A_925 = arith.mulf %max3A_796, %max3A_796 : vector<16xf32>
        %mul3A_926 = arith.mulf %max3A_803, %max3A_803 : vector<16xf32>
        %add3A_927 = arith.addf %mul3A_925, %mul3A_926 : vector<16xf32>
        %add3A_928 = arith.addf %add3A_924, %add3A_927 : vector<16xf32>
        %mul3A_929 = arith.mulf %max3A_810, %max3A_810 : vector<16xf32>
        %mul3A_930 = arith.mulf %max3A_817, %max3A_817 : vector<16xf32>
        %add3A_931 = arith.addf %mul3A_929, %mul3A_930 : vector<16xf32>
        %mul3A_932 = arith.mulf %max3A_824, %max3A_824 : vector<16xf32>
        %mul3A_933 = arith.mulf %max3A_831, %max3A_831 : vector<16xf32>
        %add3A_934 = arith.addf %mul3A_932, %mul3A_933 : vector<16xf32>
        %add3A_935 = arith.addf %add3A_931, %add3A_934 : vector<16xf32>
        %div3A_936 = arith.divf %add3A_886, %max3A_837 : vector<16xf32>
        %swap3A = arith.index_cast %scan3A_561 : i32 to index
        %swap3A_937 = arith.constant 0 : index
        %swap3A_938 = tpu.vector_load %arg7[%swap3A, %swap3A_937] {strides = array<i32>} : memref<32x256xf32, #tpu.memory_space<vmem>>, vector<16xf32>,
        tpu.vector_store %arg7[%swap3A, %swap3A_937], %div3A_936 {strides = array<i32>} : memref<32x256xf32, #tpu.memory_space<vmem>>, vector<16xf32>,
        %div3A_939 = arith.divf %add3A_893, %max3A_843 : vector<16xf32>
        %swap3A_940 = arith.index_cast %scan3A_561 : i32 to index
        %swap3A_941 = arith.constant 16 : index
        %swap3A_942 = tpu.vector_load %arg7[%swap3A_940, %swap3A_941] {strides = array<i32>} : memref<32x256xf32, #tpu.memory_space<vmem>>, vector<16xf32>,
        tpu.vector_store %arg7[%swap3A_940, %swap3A_941], %div3A_939 {strides = array<i32>} : memref<32x256xf32, #tpu.memory_space<vmem>>, vector<16xf32>,
        %div3A_943 = arith.divf %add3A_900, %max3A_849 : vector<16xf32>
        %swap3A_944 = arith.index_cast %scan3A_561 : i32 to index
        %swap3A_945 = arith.constant 32 : index
        %swap3A_946 = tpu.vector_load %arg7[%swap3A_944, %swap3A_945] {strides = array<i32>} : memref<32x256xf32, #tpu.memory_space<vmem>>, vector<16xf32>,
        tpu.vector_store %arg7[%swap3A_944, %swap3A_945], %div3A_943 {strides = array<i32>} : memref<32x256xf32, #tpu.memory_space<vmem>>, vector<16xf32>,
        %div3A_947 = arith.divf %add3A_907, %max3A_855 : vector<16xf32>
        %swap3A_948 = arith.index_cast %scan3A_561 : i32 to index
        %swap3A_949 = arith.constant 48 : index
        %swap3A_950 = tpu.vector_load %arg7[%swap3A_948, %swap3A_949] {strides = array<i32>} : memref<32x256xf32, #tpu.memory_space<vmem>>, vector<16xf32>,
        tpu.vector_store %arg7[%swap3A_948, %swap3A_949], %div3A_947 {strides = array<i32>} : memref<32x256xf32, #tpu.memory_space<vmem>>, vector<16xf32>,
        %div3A_951 = arith.divf %add3A_914, %max3A_861 : vector<16xf32>
        %swap3A_952 = arith.index_cast %scan3A_561 : i32 to index
        %swap3A_953 = arith.constant 64 : index
        %swap3A_954 = tpu.vector_load %arg7[%swap3A_952, %swap3A_953] {strides = array<i32>} : memref<32x256xf32, #tpu.memory_space<vmem>>, vector<16xf32>,
        tpu.vector_store %arg7[%swap3A_952, %swap3A_953], %div3A_951 {strides = array<i32>} : memref<32x256xf32, #tpu.memory_space<vmem>>, vector<16xf32>,
        %div3A_955 = arith.divf %add3A_921, %max3A_867 : vector<16xf32>
        %swap3A_956 = arith.index_cast %scan3A_561 : i32 to index
        %swap3A_957 = arith.constant 80 : index
        %swap3A_958 = tpu.vector_load %arg7[%swap3A_956, %swap3A_957] {strides = array<i32>} : memref<32x256xf32, #tpu.memory_space<vmem>>, vector<16xf32>,
        tpu.vector_store %arg7[%swap3A_956, %swap3A_957], %div3A_955 {strides = array<i32>} : memref<32x256xf32, #tpu.memory_space<vmem>>, vector<16xf32>,
        %div3A_959 = arith.divf %add3A_928, %max3A_873 : vector<16xf32>
        %swap3A_960 = arith.index_cast %scan3A_561 : i32 to index
        %swap3A_961 = arith.constant 96 : index
        %swap3A_962 = tpu.vector_load %arg7[%swap3A_960, %swap3A_961] {strides = array<i32>} : memref<32x256xf32, #tpu.memory_space<vmem>>, vector<16xf32>,
        tpu.vector_store %arg7[%swap3A_960, %swap3A_961], %div3A_959 {strides = array<i32>} : memref<32x256xf32, #tpu.memory_space<vmem>>, vector<16xf32>,
        %div3A_963 = arith.divf %add3A_935, %max3A_879 : vector<16xf32>
        %swap3A_964 = arith.index_cast %scan3A_561 : i32 to index
        %swap3A_965 = arith.constant 112 : index
        %swap3A_966 = tpu.vector_load %arg7[%swap3A_964, %swap3A_965] {strides = array<i32>} : memref<32x256xf32, #tpu.memory_space<vmem>>, vector<16xf32>,
        tpu.vector_store %arg7[%swap3A_964, %swap3A_965], %div3A_963 {strides = array<i32>} : memref<32x256xf32, #tpu.memory_space<vmem>>, vector<16xf32>,
        %mul3A_967 = arith.constant 2 : i32
        %mul3A_968 = arith.muli %mul3A_967, %scan3A_561 : i32
        %mul3A_969 = arith.constant 2 : i32
        %mul3A_970 = arith.muli %mul3A_969, %scan3A_561 : i32
        %add3A_971 = arith.constant 1 : i32
        %add3A_972 = arith.addi %mul3A_970, %add3A_971 : i32
        %mul3A_973 = arith.constant 2 : i32
        %mul3A_974 = arith.muli %mul3A_973, %scan3A_561 : i32
        %mul3A_975 = arith.constant 2 : i32
        %mul3A_976 = arith.muli %mul3A_975, %scan3A_561 : i32
        %add3A_977 = arith.constant 1 : i32
        %add3A_978 = arith.addi %mul3A_976, %add3A_977 : i32
        %mul3A_979 = arith.constant 2 : i32
        %mul3A_980 = arith.muli %mul3A_979, %scan3A_561 : i32
        %mul3A_981 = arith.constant 2 : i32
        %mul3A_982 = arith.muli %mul3A_981, %scan3A_561 : i32
        %add3A_983 = arith.constant 1 : i32
        %add3A_984 = arith.addi %mul3A_982, %add3A_983 : i32
        %mul3A_985 = arith.constant 2 : i32
        %mul3A_986 = arith.muli %mul3A_985, %scan3A_561 : i32
        %mul3A_987 = arith.constant 2 : i32
        %mul3A_988 = arith.muli %mul3A_987, %scan3A_561 : i32
        %add3A_989 = arith.constant 1 : i32
        %add3A_990 = arith.addi %mul3A_988, %add3A_989 : i32
        %mul3A_991 = arith.constant 2 : i32
        %mul3A_992 = arith.muli %mul3A_991, %scan3A_561 : i32
        %mul3A_993 = arith.constant 2 : i32
        %mul3A_994 = arith.muli %mul3A_993, %scan3A_561 : i32
        %add3A_995 = arith.constant 1 : i32
        %add3A_996 = arith.addi %mul3A_994, %add3A_995 : i32
        %mul3A_997 = arith.constant 2 : i32
        %mul3A_998 = arith.muli %mul3A_997, %scan3A_561 : i32
        %mul3A_999 = arith.constant 2 : i32
        %mul3A_1000 = arith.muli %mul3A_999, %scan3A_561 : i32
        %add3A_1001 = arith.constant 1 : i32
        %add3A_1002 = arith.addi %mul3A_1000, %add3A_1001 : i32
        %mul3A_1003 = arith.constant 2 : i32
        %mul3A_1004 = arith.muli %mul3A_1003, %scan3A_561 : i32
        %mul3A_1005 = arith.constant 2 : i32
        %mul3A_1006 = arith.muli %mul3A_1005, %scan3A_561 : i32
        %add3A_1007 = arith.constant 1 : i32
        %add3A_1008 = arith.addi %mul3A_1006, %add3A_1007 : i32
        %mul3A_1009 = arith.constant 2 : i32
        %mul3A_1010 = arith.muli %mul3A_1009, %scan3A_561 : i32
        %mul3A_1011 = arith.constant 2 : i32
        %mul3A_1012 = arith.muli %mul3A_1011, %scan3A_561 : i32
        %add3A_1013 = arith.constant 1 : i32
        %add3A_1014 = arith.addi %mul3A_1012, %add3A_1013 : i32
        %gather3A_1015 = arith.constant 256 : i32
        %gather3A_1016 = tpu.memref_slice %arg5[%mul3A_968, %gather3A_1015] : memref<64x512xf32, #tpu.memory_space<vmem>> -> memref<1x32xf32, #tpu.memory_space<vmem>>
        %gather3A_1017 = tpu.memref_squeeze %gather3A_1016 : memref<1x32xf32, #tpu.memory_space<vmem>> -> memref<32xf32, #tpu.memory_space<vmem>>
        %gather3A_1018 = tpu.vector_load_idx %gather3A_1017[%mul3A_3] : memref<32xf32, #tpu.memory_space<vmem>>[vector<16xi32>], vector<16xf32>,
        %max3A_1019 = arith.constant 0.000000e+00 : f32
        %max3A_1020 = vector.broadcast %max3A_1019 : f32 to vector<16xf32>
        %max3A_1021 = arith.maximumf %gather3A_1018, %max3A_1020 : vector<16xf32>
        %gather3A_1022 = arith.constant 256 : i32
        %gather3A_1023 = tpu.memref_slice %arg5[%mul3A_968, %gather3A_1022] : memref<64x512xf32, #tpu.memory_space<vmem>> -> memref<1x32xf32, #tpu.memory_space<vmem>>
        %gather3A_1024 = tpu.memref_squeeze %gather3A_1023 : memref<1x32xf32, #tpu.memory_space<vmem>> -> memref<32xf32, #tpu.memory_space<vmem>>
        %gather3A_1025 = tpu.vector_load_idx %gather3A_1024[%add3A_450] : memref<32xf32, #tpu.memory_space<vmem>>[vector<16xi32>], vector<16xf32>,
        %max3A_1026 = arith.constant 0.000000e+00 : f32
        %max3A_1027 = vector.broadcast %max3A_1026 : f32 to vector<16xf32>
        %max3A_1028 = arith.maximumf %gather3A_1025, %max3A_1027 : vector<16xf32>
        %gather3A_1029 = arith.constant 256 : i32
        %gather3A_1030 = tpu.memref_slice %arg5[%add3A_972, %gather3A_1029] : memref<64x512xf32, #tpu.memory_space<vmem>> -> memref<1x32xf32, #tpu.memory_space<vmem>>
        %gather3A_1031 = tpu.memref_squeeze %gather3A_1030 : memref<1x32xf32, #tpu.memory_space<vmem>> -> memref<32xf32, #tpu.memory_space<vmem>>
        %gather3A_1032 = tpu.vector_load_idx %gather3A_1031[%mul3A_3] : memref<32xf32, #tpu.memory_space<vmem>>[vector<16xi32>], vector<16xf32>,
        %max3A_1033 = arith.constant 0.000000e+00 : f32
        %max3A_1034 = vector.broadcast %max3A_1033 : f32 to vector<16xf32>
        %max3A_1035 = arith.maximumf %gather3A_1032, %max3A_1034 : vector<16xf32>
        %gather3A_1036 = arith.constant 256 : i32
        %gather3A_1037 = tpu.memref_slice %arg5[%add3A_972, %gather3A_1036] : memref<64x512xf32, #tpu.memory_space<vmem>> -> memref<1x32xf32, #tpu.memory_space<vmem>>
        %gather3A_1038 = tpu.memref_squeeze %gather3A_1037 : memref<1x32xf32, #tpu.memory_space<vmem>> -> memref<32xf32, #tpu.memory_space<vmem>>
        %gather3A_1039 = tpu.vector_load_idx %gather3A_1038[%add3A_450] : memref<32xf32, #tpu.memory_space<vmem>>[vector<16xi32>], vector<16xf32>,
        %max3A_1040 = arith.constant 0.000000e+00 : f32
        %max3A_1041 = vector.broadcast %max3A_1040 : f32 to vector<16xf32>
        %max3A_1042 = arith.maximumf %gather3A_1039, %max3A_1041 : vector<16xf32>
        %gather3A_1043 = arith.constant 288 : i32
        %gather3A_1044 = tpu.memref_slice %arg5[%mul3A_974, %gather3A_1043] : memref<64x512xf32, #tpu.memory_space<vmem>> -> memref<1x32xf32, #tpu.memory_space<vmem>>
        %gather3A_1045 = tpu.memref_squeeze %gather3A_1044 : memref<1x32xf32, #tpu.memory_space<vmem>> -> memref<32xf32, #tpu.memory_space<vmem>>
        %gather3A_1046 = tpu.vector_load_idx %gather3A_1045[%mul3A_3] : memref<32xf32, #tpu.memory_space<vmem>>[vector<16xi32>], vector<16xf32>,
        %max3A_1047 = arith.constant 0.000000e+00 : f32
        %max3A_1048 = vector.broadcast %max3A_1047 : f32 to vector<16xf32>
        %max3A_1049 = arith.maximumf %gather3A_1046, %max3A_1048 : vector<16xf32>
        %gather3A_1050 = arith.constant 288 : i32
        %gather3A_1051 = tpu.memref_slice %arg5[%mul3A_974, %gather3A_1050] : memref<64x512xf32, #tpu.memory_space<vmem>> -> memref<1x32xf32, #tpu.memory_space<vmem>>
        %gather3A_1052 = tpu.memref_squeeze %gather3A_1051 : memref<1x32xf32, #tpu.memory_space<vmem>> -> memref<32xf32, #tpu.memory_space<vmem>>
        %gather3A_1053 = tpu.vector_load_idx %gather3A_1052[%add3A_450] : memref<32xf32, #tpu.memory_space<vmem>>[vector<16xi32>], vector<16xf32>,
        %max3A_1054 = arith.constant 0.000000e+00 : f32
        %max3A_1055 = vector.broadcast %max3A_1054 : f32 to vector<16xf32>
        %max3A_1056 = arith.maximumf %gather3A_1053, %max3A_1055 : vector<16xf32>
        %gather3A_1057 = arith.constant 288 : i32
        %gather3A_1058 = tpu.memref_slice %arg5[%add3A_978, %gather3A_1057] : memref<64x512xf32, #tpu.memory_space<vmem>> -> memref<1x32xf32, #tpu.memory_space<vmem>>
        %gather3A_1059 = tpu.memref_squeeze %gather3A_1058 : memref<1x32xf32, #tpu.memory_space<vmem>> -> memref<32xf32, #tpu.memory_space<vmem>>
        %gather3A_1060 = tpu.vector_load_idx %gather3A_1059[%mul3A_3] : memref<32xf32, #tpu.memory_space<vmem>>[vector<16xi32>], vector<16xf32>,
        %max3A_1061 = arith.constant 0.000000e+00 : f32
        %max3A_1062 = vector.broadcast %max3A_1061 : f32 to vector<16xf32>
        %max3A_1063 = arith.maximumf %gather3A_1060, %max3A_1062 : vector<16xf32>
        %gather3A_1064 = arith.constant 288 : i32
        %gather3A_1065 = tpu.memref_slice %arg5[%add3A_978, %gather3A_1064] : memref<64x512xf32, #tpu.memory_space<vmem>> -> memref<1x32xf32, #tpu.memory_space<vmem>>
        %gather3A_1066 = tpu.memref_squeeze %gather3A_1065 : memref<1x32xf32, #tpu.memory_space<vmem>> -> memref<32xf32, #tpu.memory_space<vmem>>
        %gather3A_1067 = tpu.vector_load_idx %gather3A_1066[%add3A_450] : memref<32xf32, #tpu.memory_space<vmem>>[vector<16xi32>], vector<16xf32>,
        %max3A_1068 = arith.constant 0.000000e+00 : f32
        %max3A_1069 = vector.broadcast %max3A_1068 : f32 to vector<16xf32>
        %max3A_1070 = arith.maximumf %gather3A_1067, %max3A_1069 : vector<16xf32>
        %gather3A_1071 = arith.constant 320 : i32
        %gather3A_1072 = tpu.memref_slice %arg5[%mul3A_980, %gather3A_1071] : memref<64x512xf32, #tpu.memory_space<vmem>> -> memref<1x32xf32, #tpu.memory_space<vmem>>
        %gather3A_1073 = tpu.memref_squeeze %gather3A_1072 : memref<1x32xf32, #tpu.memory_space<vmem>> -> memref<32xf32, #tpu.memory_space<vmem>>
        %gather3A_1074 = tpu.vector_load_idx %gather3A_1073[%mul3A_3] : memref<32xf32, #tpu.memory_space<vmem>>[vector<16xi32>], vector<16xf32>,
        %max3A_1075 = arith.constant 0.000000e+00 : f32
        %max3A_1076 = vector.broadcast %max3A_1075 : f32 to vector<16xf32>
        %max3A_1077 = arith.maximumf %gather3A_1074, %max3A_1076 : vector<16xf32>
        %gather3A_1078 = arith.constant 320 : i32
        %gather3A_1079 = tpu.memref_slice %arg5[%mul3A_980, %gather3A_1078] : memref<64x512xf32, #tpu.memory_space<vmem>> -> memref<1x32xf32, #tpu.memory_space<vmem>>
        %gather3A_1080 = tpu.memref_squeeze %gather3A_1079 : memref<1x32xf32, #tpu.memory_space<vmem>> -> memref<32xf32, #tpu.memory_space<vmem>>
        %gather3A_1081 = tpu.vector_load_idx %gather3A_1080[%add3A_450] : memref<32xf32, #tpu.memory_space<vmem>>[vector<16xi32>], vector<16xf32>,
        %max3A_1082 = arith.constant 0.000000e+00 : f32
        %max3A_1083 = vector.broadcast %max3A_1082 : f32 to vector<16xf32>
        %max3A_1084 = arith.maximumf %gather3A_1081, %max3A_1083 : vector<16xf32>
        %gather3A_1085 = arith.constant 320 : i32
        %gather3A_1086 = tpu.memref_slice %arg5[%add3A_984, %gather3A_1085] : memref<64x512xf32, #tpu.memory_space<vmem>> -> memref<1x32xf32, #tpu.memory_space<vmem>>
        %gather3A_1087 = tpu.memref_squeeze %gather3A_1086 : memref<1x32xf32, #tpu.memory_space<vmem>> -> memref<32xf32, #tpu.memory_space<vmem>>
        %gather3A_1088 = tpu.vector_load_idx %gather3A_1087[%mul3A_3] : memref<32xf32, #tpu.memory_space<vmem>>[vector<16xi32>], vector<16xf32>,
        %max3A_1089 = arith.constant 0.000000e+00 : f32
        %max3A_1090 = vector.broadcast %max3A_1089 : f32 to vector<16xf32>
        %max3A_1091 = arith.maximumf %gather3A_1088, %max3A_1090 : vector<16xf32>
        %gather3A_1092 = arith.constant 320 : i32
        %gather3A_1093 = tpu.memref_slice %arg5[%add3A_984, %gather3A_1092] : memref<64x512xf32, #tpu.memory_space<vmem>> -> memref<1x32xf32, #tpu.memory_space<vmem>>
        %gather3A_1094 = tpu.memref_squeeze %gather3A_1093 : memref<1x32xf32, #tpu.memory_space<vmem>> -> memref<32xf32, #tpu.memory_space<vmem>>
        %gather3A_1095 = tpu.vector_load_idx %gather3A_1094[%add3A_450] : memref<32xf32, #tpu.memory_space<vmem>>[vector<16xi32>], vector<16xf32>,
        %max3A_1096 = arith.constant 0.000000e+00 : f32
        %max3A_1097 = vector.broadcast %max3A_1096 : f32 to vector<16xf32>
        %max3A_1098 = arith.maximumf %gather3A_1095, %max3A_1097 : vector<16xf32>
        %gather3A_1099 = arith.constant 352 : i32
        %gather3A_1100 = tpu.memref_slice %arg5[%mul3A_986, %gather3A_1099] : memref<64x512xf32, #tpu.memory_space<vmem>> -> memref<1x32xf32, #tpu.memory_space<vmem>>
        %gather3A_1101 = tpu.memref_squeeze %gather3A_1100 : memref<1x32xf32, #tpu.memory_space<vmem>> -> memref<32xf32, #tpu.memory_space<vmem>>
        %gather3A_1102 = tpu.vector_load_idx %gather3A_1101[%mul3A_3] : memref<32xf32, #tpu.memory_space<vmem>>[vector<16xi32>], vector<16xf32>,
        %max3A_1103 = arith.constant 0.000000e+00 : f32
        %max3A_1104 = vector.broadcast %max3A_1103 : f32 to vector<16xf32>
        %max3A_1105 = arith.maximumf %gather3A_1102, %max3A_1104 : vector<16xf32>
        %gather3A_1106 = arith.constant 352 : i32
        %gather3A_1107 = tpu.memref_slice %arg5[%mul3A_986, %gather3A_1106] : memref<64x512xf32, #tpu.memory_space<vmem>> -> memref<1x32xf32, #tpu.memory_space<vmem>>
        %gather3A_1108 = tpu.memref_squeeze %gather3A_1107 : memref<1x32xf32, #tpu.memory_space<vmem>> -> memref<32xf32, #tpu.memory_space<vmem>>
        %gather3A_1109 = tpu.vector_load_idx %gather3A_1108[%add3A_450] : memref<32xf32, #tpu.memory_space<vmem>>[vector<16xi32>], vector<16xf32>,
        %max3A_1110 = arith.constant 0.000000e+00 : f32
        %max3A_1111 = vector.broadcast %max3A_1110 : f32 to vector<16xf32>
        %max3A_1112 = arith.maximumf %gather3A_1109, %max3A_1111 : vector<16xf32>
        %gather3A_1113 = arith.constant 352 : i32
        %gather3A_1114 = tpu.memref_slice %arg5[%add3A_990, %gather3A_1113] : memref<64x512xf32, #tpu.memory_space<vmem>> -> memref<1x32xf32, #tpu.memory_space<vmem>>
        %gather3A_1115 = tpu.memref_squeeze %gather3A_1114 : memref<1x32xf32, #tpu.memory_space<vmem>> -> memref<32xf32, #tpu.memory_space<vmem>>
        %gather3A_1116 = tpu.vector_load_idx %gather3A_1115[%mul3A_3] : memref<32xf32, #tpu.memory_space<vmem>>[vector<16xi32>], vector<16xf32>,
        %max3A_1117 = arith.constant 0.000000e+00 : f32
        %max3A_1118 = vector.broadcast %max3A_1117 : f32 to vector<16xf32>
        %max3A_1119 = arith.maximumf %gather3A_1116, %max3A_1118 : vector<16xf32>
        %gather3A_1120 = arith.constant 352 : i32
        %gather3A_1121 = tpu.memref_slice %arg5[%add3A_990, %gather3A_1120] : memref<64x512xf32, #tpu.memory_space<vmem>> -> memref<1x32xf32, #tpu.memory_space<vmem>>
        %gather3A_1122 = tpu.memref_squeeze %gather3A_1121 : memref<1x32xf32, #tpu.memory_space<vmem>> -> memref<32xf32, #tpu.memory_space<vmem>>
        %gather3A_1123 = tpu.vector_load_idx %gather3A_1122[%add3A_450] : memref<32xf32, #tpu.memory_space<vmem>>[vector<16xi32>], vector<16xf32>,
        %max3A_1124 = arith.constant 0.000000e+00 : f32
        %max3A_1125 = vector.broadcast %max3A_1124 : f32 to vector<16xf32>
        %max3A_1126 = arith.maximumf %gather3A_1123, %max3A_1125 : vector<16xf32>
        %gather3A_1127 = arith.constant 384 : i32
        %gather3A_1128 = tpu.memref_slice %arg5[%mul3A_992, %gather3A_1127] : memref<64x512xf32, #tpu.memory_space<vmem>> -> memref<1x32xf32, #tpu.memory_space<vmem>>
        %gather3A_1129 = tpu.memref_squeeze %gather3A_1128 : memref<1x32xf32, #tpu.memory_space<vmem>> -> memref<32xf32, #tpu.memory_space<vmem>>
        %gather3A_1130 = tpu.vector_load_idx %gather3A_1129[%mul3A_3] : memref<32xf32, #tpu.memory_space<vmem>>[vector<16xi32>], vector<16xf32>,
        %max3A_1131 = arith.constant 0.000000e+00 : f32
        %max3A_1132 = vector.broadcast %max3A_1131 : f32 to vector<16xf32>
        %max3A_1133 = arith.maximumf %gather3A_1130, %max3A_1132 : vector<16xf32>
        %gather3A_1134 = arith.constant 384 : i32
        %gather3A_1135 = tpu.memref_slice %arg5[%mul3A_992, %gather3A_1134] : memref<64x512xf32, #tpu.memory_space<vmem>> -> memref<1x32xf32, #tpu.memory_space<vmem>>
        %gather3A_1136 = tpu.memref_squeeze %gather3A_1135 : memref<1x32xf32, #tpu.memory_space<vmem>> -> memref<32xf32, #tpu.memory_space<vmem>>
        %gather3A_1137 = tpu.vector_load_idx %gather3A_1136[%add3A_450] : memref<32xf32, #tpu.memory_space<vmem>>[vector<16xi32>], vector<16xf32>,
        %max3A_1138 = arith.constant 0.000000e+00 : f32
        %max3A_1139 = vector.broadcast %max3A_1138 : f32 to vector<16xf32>
        %max3A_1140 = arith.maximumf %gather3A_1137, %max3A_1139 : vector<16xf32>
        %gather3A_1141 = arith.constant 384 : i32
        %gather3A_1142 = tpu.memref_slice %arg5[%add3A_996, %gather3A_1141] : memref<64x512xf32, #tpu.memory_space<vmem>> -> memref<1x32xf32, #tpu.memory_space<vmem>>
        %gather3A_1143 = tpu.memref_squeeze %gather3A_1142 : memref<1x32xf32, #tpu.memory_space<vmem>> -> memref<32xf32, #tpu.memory_space<vmem>>
        %gather3A_1144 = tpu.vector_load_idx %gather3A_1143[%mul3A_3] : memref<32xf32, #tpu.memory_space<vmem>>[vector<16xi32>], vector<16xf32>,
        %max3A_1145 = arith.constant 0.000000e+00 : f32
        %max3A_1146 = vector.broadcast %max3A_1145 : f32 to vector<16xf32>
        %max3A_1147 = arith.maximumf %gather3A_1144, %max3A_1146 : vector<16xf32>
        %gather3A_1148 = arith.constant 384 : i32
        %gather3A_1149 = tpu.memref_slice %arg5[%add3A_996, %gather3A_1148] : memref<64x512xf32, #tpu.memory_space<vmem>> -> memref<1x32xf32, #tpu.memory_space<vmem>>
        %gather3A_1150 = tpu.memref_squeeze %gather3A_1149 : memref<1x32xf32, #tpu.memory_space<vmem>> -> memref<32xf32, #tpu.memory_space<vmem>>
        %gather3A_1151 = tpu.vector_load_idx %gather3A_1150[%add3A_450] : memref<32xf32, #tpu.memory_space<vmem>>[vector<16xi32>], vector<16xf32>,
        %max3A_1152 = arith.constant 0.000000e+00 : f32
        %max3A_1153 = vector.broadcast %max3A_1152 : f32 to vector<16xf32>
        %max3A_1154 = arith.maximumf %gather3A_1151, %max3A_1153 : vector<16xf32>
        %gather3A_1155 = arith.constant 416 : i32
        %gather3A_1156 = tpu.memref_slice %arg5[%mul3A_998, %gather3A_1155] : memref<64x512xf32, #tpu.memory_space<vmem>> -> memref<1x32xf32, #tpu.memory_space<vmem>>
        %gather3A_1157 = tpu.memref_squeeze %gather3A_1156 : memref<1x32xf32, #tpu.memory_space<vmem>> -> memref<32xf32, #tpu.memory_space<vmem>>
        %gather3A_1158 = tpu.vector_load_idx %gather3A_1157[%mul3A_3] : memref<32xf32, #tpu.memory_space<vmem>>[vector<16xi32>], vector<16xf32>,
        %max3A_1159 = arith.constant 0.000000e+00 : f32
        %max3A_1160 = vector.broadcast %max3A_1159 : f32 to vector<16xf32>
        %max3A_1161 = arith.maximumf %gather3A_1158, %max3A_1160 : vector<16xf32>
        %gather3A_1162 = arith.constant 416 : i32
        %gather3A_1163 = tpu.memref_slice %arg5[%mul3A_998, %gather3A_1162] : memref<64x512xf32, #tpu.memory_space<vmem>> -> memref<1x32xf32, #tpu.memory_space<vmem>>
        %gather3A_1164 = tpu.memref_squeeze %gather3A_1163 : memref<1x32xf32, #tpu.memory_space<vmem>> -> memref<32xf32, #tpu.memory_space<vmem>>
        %gather3A_1165 = tpu.vector_load_idx %gather3A_1164[%add3A_450] : memref<32xf32, #tpu.memory_space<vmem>>[vector<16xi32>], vector<16xf32>,
        %max3A_1166 = arith.constant 0.000000e+00 : f32
        %max3A_1167 = vector.broadcast %max3A_1166 : f32 to vector<16xf32>
        %max3A_1168 = arith.maximumf %gather3A_1165, %max3A_1167 : vector<16xf32>
        %gather3A_1169 = arith.constant 416 : i32
        %gather3A_1170 = tpu.memref_slice %arg5[%add3A_1002, %gather3A_1169] : memref<64x512xf32, #tpu.memory_space<vmem>> -> memref<1x32xf32, #tpu.memory_space<vmem>>
        %gather3A_1171 = tpu.memref_squeeze %gather3A_1170 : memref<1x32xf32, #tpu.memory_space<vmem>> -> memref<32xf32, #tpu.memory_space<vmem>>
        %gather3A_1172 = tpu.vector_load_idx %gather3A_1171[%mul3A_3] : memref<32xf32, #tpu.memory_space<vmem>>[vector<16xi32>], vector<16xf32>,
        %max3A_1173 = arith.constant 0.000000e+00 : f32
        %max3A_1174 = vector.broadcast %max3A_1173 : f32 to vector<16xf32>
        %max3A_1175 = arith.maximumf %gather3A_1172, %max3A_1174 : vector<16xf32>
        %gather3A_1176 = arith.constant 416 : i32
        %gather3A_1177 = tpu.memref_slice %arg5[%add3A_1002, %gather3A_1176] : memref<64x512xf32, #tpu.memory_space<vmem>> -> memref<1x32xf32, #tpu.memory_space<vmem>>
        %gather3A_1178 = tpu.memref_squeeze %gather3A_1177 : memref<1x32xf32, #tpu.memory_space<vmem>> -> memref<32xf32, #tpu.memory_space<vmem>>
        %gather3A_1179 = tpu.vector_load_idx %gather3A_1178[%add3A_450] : memref<32xf32, #tpu.memory_space<vmem>>[vector<16xi32>], vector<16xf32>,
        %max3A_1180 = arith.constant 0.000000e+00 : f32
        %max3A_1181 = vector.broadcast %max3A_1180 : f32 to vector<16xf32>
        %max3A_1182 = arith.maximumf %gather3A_1179, %max3A_1181 : vector<16xf32>
        %gather3A_1183 = arith.constant 448 : i32
        %gather3A_1184 = tpu.memref_slice %arg5[%mul3A_1004, %gather3A_1183] : memref<64x512xf32, #tpu.memory_space<vmem>> -> memref<1x32xf32, #tpu.memory_space<vmem>>
        %gather3A_1185 = tpu.memref_squeeze %gather3A_1184 : memref<1x32xf32, #tpu.memory_space<vmem>> -> memref<32xf32, #tpu.memory_space<vmem>>
        %gather3A_1186 = tpu.vector_load_idx %gather3A_1185[%mul3A_3] : memref<32xf32, #tpu.memory_space<vmem>>[vector<16xi32>], vector<16xf32>,
        %max3A_1187 = arith.constant 0.000000e+00 : f32
        %max3A_1188 = vector.broadcast %max3A_1187 : f32 to vector<16xf32>
        %max3A_1189 = arith.maximumf %gather3A_1186, %max3A_1188 : vector<16xf32>
        %gather3A_1190 = arith.constant 448 : i32
        %gather3A_1191 = tpu.memref_slice %arg5[%mul3A_1004, %gather3A_1190] : memref<64x512xf32, #tpu.memory_space<vmem>> -> memref<1x32xf32, #tpu.memory_space<vmem>>
        %gather3A_1192 = tpu.memref_squeeze %gather3A_1191 : memref<1x32xf32, #tpu.memory_space<vmem>> -> memref<32xf32, #tpu.memory_space<vmem>>
        %gather3A_1193 = tpu.vector_load_idx %gather3A_1192[%add3A_450] : memref<32xf32, #tpu.memory_space<vmem>>[vector<16xi32>], vector<16xf32>,
        %max3A_1194 = arith.constant 0.000000e+00 : f32
        %max3A_1195 = vector.broadcast %max3A_1194 : f32 to vector<16xf32>
        %max3A_1196 = arith.maximumf %gather3A_1193, %max3A_1195 : vector<16xf32>
        %gather3A_1197 = arith.constant 448 : i32
        %gather3A_1198 = tpu.memref_slice %arg5[%add3A_1008, %gather3A_1197] : memref<64x512xf32, #tpu.memory_space<vmem>> -> memref<1x32xf32, #tpu.memory_space<vmem>>
        %gather3A_1199 = tpu.memref_squeeze %gather3A_1198 : memref<1x32xf32, #tpu.memory_space<vmem>> -> memref<32xf32, #tpu.memory_space<vmem>>
        %gather3A_1200 = tpu.vector_load_idx %gather3A_1199[%mul3A_3] : memref<32xf32, #tpu.memory_space<vmem>>[vector<16xi32>], vector<16xf32>,
        %max3A_1201 = arith.constant 0.000000e+00 : f32
        %max3A_1202 = vector.broadcast %max3A_1201 : f32 to vector<16xf32>
        %max3A_1203 = arith.maximumf %gather3A_1200, %max3A_1202 : vector<16xf32>
        %gather3A_1204 = arith.constant 448 : i32
        %gather3A_1205 = tpu.memref_slice %arg5[%add3A_1008, %gather3A_1204] : memref<64x512xf32, #tpu.memory_space<vmem>> -> memref<1x32xf32, #tpu.memory_space<vmem>>
        %gather3A_1206 = tpu.memref_squeeze %gather3A_1205 : memref<1x32xf32, #tpu.memory_space<vmem>> -> memref<32xf32, #tpu.memory_space<vmem>>
        %gather3A_1207 = tpu.vector_load_idx %gather3A_1206[%add3A_450] : memref<32xf32, #tpu.memory_space<vmem>>[vector<16xi32>], vector<16xf32>,
        %max3A_1208 = arith.constant 0.000000e+00 : f32
        %max3A_1209 = vector.broadcast %max3A_1208 : f32 to vector<16xf32>
        %max3A_1210 = arith.maximumf %gather3A_1207, %max3A_1209 : vector<16xf32>
        %gather3A_1211 = arith.constant 480 : i32
        %gather3A_1212 = tpu.memref_slice %arg5[%mul3A_1010, %gather3A_1211] : memref<64x512xf32, #tpu.memory_space<vmem>> -> memref<1x32xf32, #tpu.memory_space<vmem>>
        %gather3A_1213 = tpu.memref_squeeze %gather3A_1212 : memref<1x32xf32, #tpu.memory_space<vmem>> -> memref<32xf32, #tpu.memory_space<vmem>>
        %gather3A_1214 = tpu.vector_load_idx %gather3A_1213[%mul3A_3] : memref<32xf32, #tpu.memory_space<vmem>>[vector<16xi32>], vector<16xf32>,
        %max3A_1215 = arith.constant 0.000000e+00 : f32
        %max3A_1216 = vector.broadcast %max3A_1215 : f32 to vector<16xf32>
        %max3A_1217 = arith.maximumf %gather3A_1214, %max3A_1216 : vector<16xf32>
        %gather3A_1218 = arith.constant 480 : i32
        %gather3A_1219 = tpu.memref_slice %arg5[%mul3A_1010, %gather3A_1218] : memref<64x512xf32, #tpu.memory_space<vmem>> -> memref<1x32xf32, #tpu.memory_space<vmem>>
        %gather3A_1220 = tpu.memref_squeeze %gather3A_1219 : memref<1x32xf32, #tpu.memory_space<vmem>> -> memref<32xf32, #tpu.memory_space<vmem>>
        %gather3A_1221 = tpu.vector_load_idx %gather3A_1220[%add3A_450] : memref<32xf32, #tpu.memory_space<vmem>>[vector<16xi32>], vector<16xf32>,
        %max3A_1222 = arith.constant 0.000000e+00 : f32
        %max3A_1223 = vector.broadcast %max3A_1222 : f32 to vector<16xf32>
        %max3A_1224 = arith.maximumf %gather3A_1221, %max3A_1223 : vector<16xf32>
        %gather3A_1225 = arith.constant 480 : i32
        %gather3A_1226 = tpu.memref_slice %arg5[%add3A_1014, %gather3A_1225] : memref<64x512xf32, #tpu.memory_space<vmem>> -> memref<1x32xf32, #tpu.memory_space<vmem>>
        %gather3A_1227 = tpu.memref_squeeze %gather3A_1226 : memref<1x32xf32, #tpu.memory_space<vmem>> -> memref<32xf32, #tpu.memory_space<vmem>>
        %gather3A_1228 = tpu.vector_load_idx %gather3A_1227[%mul3A_3] : memref<32xf32, #tpu.memory_space<vmem>>[vector<16xi32>], vector<16xf32>,
        %max3A_1229 = arith.constant 0.000000e+00 : f32
        %max3A_1230 = vector.broadcast %max3A_1229 : f32 to vector<16xf32>
        %max3A_1231 = arith.maximumf %gather3A_1228, %max3A_1230 : vector<16xf32>
        %gather3A_1232 = arith.constant 480 : i32
        %gather3A_1233 = tpu.memref_slice %arg5[%add3A_1014, %gather3A_1232] : memref<64x512xf32, #tpu.memory_space<vmem>> -> memref<1x32xf32, #tpu.memory_space<vmem>>
        %gather3A_1234 = tpu.memref_squeeze %gather3A_1233 : memref<1x32xf32, #tpu.memory_space<vmem>> -> memref<32xf32, #tpu.memory_space<vmem>>
        %gather3A_1235 = tpu.vector_load_idx %gather3A_1234[%add3A_450] : memref<32xf32, #tpu.memory_space<vmem>>[vector<16xi32>], vector<16xf32>,
        %max3A_1236 = arith.constant 0.000000e+00 : f32
        %max3A_1237 = vector.broadcast %max3A_1236 : f32 to vector<16xf32>
        %max3A_1238 = arith.maximumf %gather3A_1235, %max3A_1237 : vector<16xf32>
        %add3A_1239 = arith.addf %max3A_1021, %max3A_1028 : vector<16xf32>
        %add3A_1240 = arith.addf %max3A_1035, %max3A_1042 : vector<16xf32>
        %add3A_1241 = arith.addf %add3A_1239, %add3A_1240 : vector<16xf32>
        %max3A_1242 = arith.constant 1.200000e-38 : f32
        %max3A_1243 = vector.broadcast %max3A_1242 : f32 to vector<16xf32>
        %max3A_1244 = arith.maximumf %add3A_1241, %max3A_1243 : vector<16xf32>
        %add3A_1245 = arith.addf %max3A_1049, %max3A_1056 : vector<16xf32>
        %add3A_1246 = arith.addf %max3A_1063, %max3A_1070 : vector<16xf32>
        %add3A_1247 = arith.addf %add3A_1245, %add3A_1246 : vector<16xf32>
        %max3A_1248 = arith.constant 1.200000e-38 : f32
        %max3A_1249 = vector.broadcast %max3A_1248 : f32 to vector<16xf32>
        %max3A_1250 = arith.maximumf %add3A_1247, %max3A_1249 : vector<16xf32>
        %add3A_1251 = arith.addf %max3A_1077, %max3A_1084 : vector<16xf32>
        %add3A_1252 = arith.addf %max3A_1091, %max3A_1098 : vector<16xf32>
        %add3A_1253 = arith.addf %add3A_1251, %add3A_1252 : vector<16xf32>
        %max3A_1254 = arith.constant 1.200000e-38 : f32
        %max3A_1255 = vector.broadcast %max3A_1254 : f32 to vector<16xf32>
        %max3A_1256 = arith.maximumf %add3A_1253, %max3A_1255 : vector<16xf32>
        %add3A_1257 = arith.addf %max3A_1105, %max3A_1112 : vector<16xf32>
        %add3A_1258 = arith.addf %max3A_1119, %max3A_1126 : vector<16xf32>
        %add3A_1259 = arith.addf %add3A_1257, %add3A_1258 : vector<16xf32>
        %max3A_1260 = arith.constant 1.200000e-38 : f32
        %max3A_1261 = vector.broadcast %max3A_1260 : f32 to vector<16xf32>
        %max3A_1262 = arith.maximumf %add3A_1259, %max3A_1261 : vector<16xf32>
        %add3A_1263 = arith.addf %max3A_1133, %max3A_1140 : vector<16xf32>
        %add3A_1264 = arith.addf %max3A_1147, %max3A_1154 : vector<16xf32>
        %add3A_1265 = arith.addf %add3A_1263, %add3A_1264 : vector<16xf32>
        %max3A_1266 = arith.constant 1.200000e-38 : f32
        %max3A_1267 = vector.broadcast %max3A_1266 : f32 to vector<16xf32>
        %max3A_1268 = arith.maximumf %add3A_1265, %max3A_1267 : vector<16xf32>
        %add3A_1269 = arith.addf %max3A_1161, %max3A_1168 : vector<16xf32>
        %add3A_1270 = arith.addf %max3A_1175, %max3A_1182 : vector<16xf32>
        %add3A_1271 = arith.addf %add3A_1269, %add3A_1270 : vector<16xf32>
        %max3A_1272 = arith.constant 1.200000e-38 : f32
        %max3A_1273 = vector.broadcast %max3A_1272 : f32 to vector<16xf32>
        %max3A_1274 = arith.maximumf %add3A_1271, %max3A_1273 : vector<16xf32>
        %add3A_1275 = arith.addf %max3A_1189, %max3A_1196 : vector<16xf32>
        %add3A_1276 = arith.addf %max3A_1203, %max3A_1210 : vector<16xf32>
        %add3A_1277 = arith.addf %add3A_1275, %add3A_1276 : vector<16xf32>
        %max3A_1278 = arith.constant 1.200000e-38 : f32
        %max3A_1279 = vector.broadcast %max3A_1278 : f32 to vector<16xf32>
        %max3A_1280 = arith.maximumf %add3A_1277, %max3A_1279 : vector<16xf32>
        %add3A_1281 = arith.addf %max3A_1217, %max3A_1224 : vector<16xf32>
        %add3A_1282 = arith.addf %max3A_1231, %max3A_1238 : vector<16xf32>
        %add3A_1283 = arith.addf %add3A_1281, %add3A_1282 : vector<16xf32>
        %max3A_1284 = arith.constant 1.200000e-38 : f32
        %max3A_1285 = vector.broadcast %max3A_1284 : f32 to vector<16xf32>
        %max3A_1286 = arith.maximumf %add3A_1283, %max3A_1285 : vector<16xf32>
        %mul3A_1287 = arith.mulf %max3A_1021, %max3A_1021 : vector<16xf32>
        %mul3A_1288 = arith.mulf %max3A_1028, %max3A_1028 : vector<16xf32>
        %add3A_1289 = arith.addf %mul3A_1287, %mul3A_1288 : vector<16xf32>
        %mul3A_1290 = arith.mulf %max3A_1035, %max3A_1035 : vector<16xf32>
        %mul3A_1291 = arith.mulf %max3A_1042, %max3A_1042 : vector<16xf32>
        %add3A_1292 = arith.addf %mul3A_1290, %mul3A_1291 : vector<16xf32>
        %add3A_1293 = arith.addf %add3A_1289, %add3A_1292 : vector<16xf32>
        %mul3A_1294 = arith.mulf %max3A_1049, %max3A_1049 : vector<16xf32>
        %mul3A_1295 = arith.mulf %max3A_1056, %max3A_1056 : vector<16xf32>
        %add3A_1296 = arith.addf %mul3A_1294, %mul3A_1295 : vector<16xf32>
        %mul3A_1297 = arith.mulf %max3A_1063, %max3A_1063 : vector<16xf32>
        %mul3A_1298 = arith.mulf %max3A_1070, %max3A_1070 : vector<16xf32>
        %add3A_1299 = arith.addf %mul3A_1297, %mul3A_1298 : vector<16xf32>
        %add3A_1300 = arith.addf %add3A_1296, %add3A_1299 : vector<16xf32>
        %mul3A_1301 = arith.mulf %max3A_1077, %max3A_1077 : vector<16xf32>
        %mul3A_1302 = arith.mulf %max3A_1084, %max3A_1084 : vector<16xf32>
        %add3A_1303 = arith.addf %mul3A_1301, %mul3A_1302 : vector<16xf32>
        %mul3A_1304 = arith.mulf %max3A_1091, %max3A_1091 : vector<16xf32>
        %mul3A_1305 = arith.mulf %max3A_1098, %max3A_1098 : vector<16xf32>
        %add3A_1306 = arith.addf %mul3A_1304, %mul3A_1305 : vector<16xf32>
        %add3A_1307 = arith.addf %add3A_1303, %add3A_1306 : vector<16xf32>
        %mul3A_1308 = arith.mulf %max3A_1105, %max3A_1105 : vector<16xf32>
        %mul3A_1309 = arith.mulf %max3A_1112, %max3A_1112 : vector<16xf32>
        %add3A_1310 = arith.addf %mul3A_1308, %mul3A_1309 : vector<16xf32>
        %mul3A_1311 = arith.mulf %max3A_1119, %max3A_1119 : vector<16xf32>
        %mul3A_1312 = arith.mulf %max3A_1126, %max3A_1126 : vector<16xf32>
        %add3A_1313 = arith.addf %mul3A_1311, %mul3A_1312 : vector<16xf32>
        %add3A_1314 = arith.addf %add3A_1310, %add3A_1313 : vector<16xf32>
        %mul3A_1315 = arith.mulf %max3A_1133, %max3A_1133 : vector<16xf32>
        %mul3A_1316 = arith.mulf %max3A_1140, %max3A_1140 : vector<16xf32>
        %add3A_1317 = arith.addf %mul3A_1315, %mul3A_1316 : vector<16xf32>
        %mul3A_1318 = arith.mulf %max3A_1147, %max3A_1147 : vector<16xf32>
        %mul3A_1319 = arith.mulf %max3A_1154, %max3A_1154 : vector<16xf32>
        %add3A_1320 = arith.addf %mul3A_1318, %mul3A_1319 : vector<16xf32>
        %add3A_1321 = arith.addf %add3A_1317, %add3A_1320 : vector<16xf32>
        %mul3A_1322 = arith.mulf %max3A_1161, %max3A_1161 : vector<16xf32>
        %mul3A_1323 = arith.mulf %max3A_1168, %max3A_1168 : vector<16xf32>
        %add3A_1324 = arith.addf %mul3A_1322, %mul3A_1323 : vector<16xf32>
        %mul3A_1325 = arith.mulf %max3A_1175, %max3A_1175 : vector<16xf32>
        %mul3A_1326 = arith.mulf %max3A_1182, %max3A_1182 : vector<16xf32>
        %add3A_1327 = arith.addf %mul3A_1325, %mul3A_1326 : vector<16xf32>
        %add3A_1328 = arith.addf %add3A_1324, %add3A_1327 : vector<16xf32>
        %mul3A_1329 = arith.mulf %max3A_1189, %max3A_1189 : vector<16xf32>
        %mul3A_1330 = arith.mulf %max3A_1196, %max3A_1196 : vector<16xf32>
        %add3A_1331 = arith.addf %mul3A_1329, %mul3A_1330 : vector<16xf32>
        %mul3A_1332 = arith.mulf %max3A_1203, %max3A_1203 : vector<16xf32>
        %mul3A_1333 = arith.mulf %max3A_1210, %max3A_1210 : vector<16xf32>
        %add3A_1334 = arith.addf %mul3A_1332, %mul3A_1333 : vector<16xf32>
        %add3A_1335 = arith.addf %add3A_1331, %add3A_1334 : vector<16xf32>
        %mul3A_1336 = arith.mulf %max3A_1217, %max3A_1217 : vector<16xf32>
        %mul3A_1337 = arith.mulf %max3A_1224, %max3A_1224 : vector<16xf32>
        %add3A_1338 = arith.addf %mul3A_1336, %mul3A_1337 : vector<16xf32>
        %mul3A_1339 = arith.mulf %max3A_1231, %max3A_1231 : vector<16xf32>
        %mul3A_1340 = arith.mulf %max3A_1238, %max3A_1238 : vector<16xf32>
        %add3A_1341 = arith.addf %mul3A_1339, %mul3A_1340 : vector<16xf32>
        %add3A_1342 = arith.addf %add3A_1338, %add3A_1341 : vector<16xf32>
        %div3A_1343 = arith.divf %add3A_1293, %max3A_1244 : vector<16xf32>
        %swap3A_1344 = arith.index_cast %scan3A_561 : i32 to index
        %swap3A_1345 = arith.constant 128 : index
        %swap3A_1346 = tpu.vector_load %arg7[%swap3A_1344, %swap3A_1345] {strides = array<i32>} : memref<32x256xf32, #tpu.memory_space<vmem>>, vector<16xf32>,
        tpu.vector_store %arg7[%swap3A_1344, %swap3A_1345], %div3A_1343 {strides = array<i32>} : memref<32x256xf32, #tpu.memory_space<vmem>>, vector<16xf32>,
        %div3A_1347 = arith.divf %add3A_1300, %max3A_1250 : vector<16xf32>
        %swap3A_1348 = arith.index_cast %scan3A_561 : i32 to index
        %swap3A_1349 = arith.constant 144 : index
        %swap3A_1350 = tpu.vector_load %arg7[%swap3A_1348, %swap3A_1349] {strides = array<i32>} : memref<32x256xf32, #tpu.memory_space<vmem>>, vector<16xf32>,
        tpu.vector_store %arg7[%swap3A_1348, %swap3A_1349], %div3A_1347 {strides = array<i32>} : memref<32x256xf32, #tpu.memory_space<vmem>>, vector<16xf32>,
        %div3A_1351 = arith.divf %add3A_1307, %max3A_1256 : vector<16xf32>
        %swap3A_1352 = arith.index_cast %scan3A_561 : i32 to index
        %swap3A_1353 = arith.constant 160 : index
        %swap3A_1354 = tpu.vector_load %arg7[%swap3A_1352, %swap3A_1353] {strides = array<i32>} : memref<32x256xf32, #tpu.memory_space<vmem>>, vector<16xf32>,
        tpu.vector_store %arg7[%swap3A_1352, %swap3A_1353], %div3A_1351 {strides = array<i32>} : memref<32x256xf32, #tpu.memory_space<vmem>>, vector<16xf32>,
        %div3A_1355 = arith.divf %add3A_1314, %max3A_1262 : vector<16xf32>
        %swap3A_1356 = arith.index_cast %scan3A_561 : i32 to index
        %swap3A_1357 = arith.constant 176 : index
        %swap3A_1358 = tpu.vector_load %arg7[%swap3A_1356, %swap3A_1357] {strides = array<i32>} : memref<32x256xf32, #tpu.memory_space<vmem>>, vector<16xf32>,
        tpu.vector_store %arg7[%swap3A_1356, %swap3A_1357], %div3A_1355 {strides = array<i32>} : memref<32x256xf32, #tpu.memory_space<vmem>>, vector<16xf32>,
        %div3A_1359 = arith.divf %add3A_1321, %max3A_1268 : vector<16xf32>
        %swap3A_1360 = arith.index_cast %scan3A_561 : i32 to index
        %swap3A_1361 = arith.constant 192 : index
        %swap3A_1362 = tpu.vector_load %arg7[%swap3A_1360, %swap3A_1361] {strides = array<i32>} : memref<32x256xf32, #tpu.memory_space<vmem>>, vector<16xf32>,
        tpu.vector_store %arg7[%swap3A_1360, %swap3A_1361], %div3A_1359 {strides = array<i32>} : memref<32x256xf32, #tpu.memory_space<vmem>>, vector<16xf32>,
        %div3A_1363 = arith.divf %add3A_1328, %max3A_1274 : vector<16xf32>
        %swap3A_1364 = arith.index_cast %scan3A_561 : i32 to index
        %swap3A_1365 = arith.constant 208 : index
        %swap3A_1366 = tpu.vector_load %arg7[%swap3A_1364, %swap3A_1365] {strides = array<i32>} : memref<32x256xf32, #tpu.memory_space<vmem>>, vector<16xf32>,
        tpu.vector_store %arg7[%swap3A_1364, %swap3A_1365], %div3A_1363 {strides = array<i32>} : memref<32x256xf32, #tpu.memory_space<vmem>>, vector<16xf32>,
        %div3A_1367 = arith.divf %add3A_1335, %max3A_1280 : vector<16xf32>
        %swap3A_1368 = arith.index_cast %scan3A_561 : i32 to index
        %swap3A_1369 = arith.constant 224 : index
        %swap3A_1370 = tpu.vector_load %arg7[%swap3A_1368, %swap3A_1369] {strides = array<i32>} : memref<32x256xf32, #tpu.memory_space<vmem>>, vector<16xf32>,
        tpu.vector_store %arg7[%swap3A_1368, %swap3A_1369], %div3A_1367 {strides = array<i32>} : memref<32x256xf32, #tpu.memory_space<vmem>>, vector<16xf32>,
        %div3A_1371 = arith.divf %add3A_1342, %max3A_1286 : vector<16xf32>
        %swap3A_1372 = arith.index_cast %scan3A_561 : i32 to index
        %swap3A_1373 = arith.constant 240 : index
        %swap3A_1374 = tpu.vector_load %arg7[%swap3A_1372, %swap3A_1373] {strides = array<i32>} : memref<32x256xf32, #tpu.memory_space<vmem>>, vector<16xf32>,
        tpu.vector_store %arg7[%swap3A_1372, %swap3A_1373], %div3A_1371 {strides = array<i32>} : memref<32x256xf32, #tpu.memory_space<vmem>>, vector<16xf32>,
      }
      %scan3A_456 = arith.constant 32 : i32
      %mul3A_457 = arith.constant 24 : i32
      %mul3A_458 = arith.muli %add3A, %mul3A_457 : i32
      %jit3A_459 = arith.constant 8 : i32
      %div3A_460 = arith.divsi %add3A_391, %jit3A_459 : i32
      %sign3A_461 = arith.constant 0 : i32
      %sign3A_462 = arith.cmpi sgt, %add3A_391, %sign3A_461 : i32
      %sign3A_463 = arith.extui %sign3A_462 : i1 to i32
      %sign3A_464 = arith.constant 0 : i32
      %sign3A_465 = arith.cmpi slt, %add3A_391, %sign3A_464 : i32
      %sign3A_466 = arith.extui %sign3A_465 : i1 to i32
      %sign3A_467 = arith.subi %sign3A_463, %sign3A_466 : i32
      %sign3A_468 = arith.constant 0 : i32
      %sign3A_469 = arith.cmpi sgt, %jit3A_459, %sign3A_468 : i32
      %sign3A_470 = arith.extui %sign3A_469 : i1 to i32
      %sign3A_471 = arith.constant 0 : i32
      %sign3A_472 = arith.cmpi slt, %jit3A_459, %sign3A_471 : i32
      %sign3A_473 = arith.extui %sign3A_472 : i1 to i32
      %sign3A_474 = arith.subi %sign3A_470, %sign3A_473 : i32
      %ne3A_475 = arith.cmpi ne, %sign3A_467, %sign3A_474 : i32
      %rem3A_476 = arith.remsi %add3A_391, %jit3A_459 : i32
      %ne3A_477 = arith.constant 0 : i32
      %ne3A_478 = arith.cmpi ne, %rem3A_476, %ne3A_477 : i32
      %and3A_479 = arith.andi %ne3A_475, %ne3A_478 : i1
      %sub3A_480 = arith.constant 1 : i32
      %sub3A_481 = arith.subi %div3A_460, %sub3A_480 : i32
      %select_n3A_482 = arith.select %and3A_479, %sub3A_481, %div3A_460 : i32
      %add3A_483 = arith.addi %mul3A_458, %select_n3A_482 : i32
      %jit3A_484 = arith.constant 8 : i32
      %eq3A_485 = arith.constant 0 : i32
      %eq3A_486 = arith.cmpi eq, %jit3A_484, %eq3A_485 : i32
      %jit3A_487 = arith.constant 1 : i32
      %select_n3A_488 = arith.select %eq3A_486, %jit3A_487, %jit3A_484 : i32
      %rem3A_489 = arith.remsi %add3A_391, %select_n3A_488 : i32
      %ne3A_490 = arith.constant 0 : i32
      %ne3A_491 = arith.cmpi ne, %rem3A_489, %ne3A_490 : i32
      %lt3A_492 = arith.constant 0 : i32
      %lt3A_493 = arith.cmpi slt, %rem3A_489, %lt3A_492 : i32
      %lt3A_494 = arith.constant 0 : i32
      %lt3A_495 = arith.cmpi slt, %select_n3A_488, %lt3A_494 : i32
      %ne3A_496 = arith.xori %lt3A_493, %lt3A_495 : i1
      %and3A_497 = arith.andi %ne3A_496, %ne3A_491 : i1
      %add3A_498 = arith.addi %rem3A_489, %select_n3A_488 : i32
      %select_n3A_499 = arith.select %and3A_497, %add3A_498, %rem3A_489 : i32
      %mul3A_500 = arith.constant 32 : i32
      %mul3A_501 = arith.muli %select_n3A_499, %mul3A_500 : i32
      %dma_start3A_502 = arith.constant 0 : i32
      %dma_start3A_503 = tpu.memref_slice %arg3[%add3A_483, %mul3A_501, %dma_start3A_502] : memref<768x256x256xf32, #tpu.memory_space<hbm>> -> memref<1x32x256xf32, #tpu.memory_space<hbm>>
      %dma_start3A_504 = tpu.memref_squeeze %dma_start3A_503 : memref<1x32x256xf32, #tpu.memory_space<hbm>> -> memref<32x256xf32, #tpu.memory_space<hbm>>
      %dma_start3A_505 = arith.constant 0 : i32
      %dma_start3A_506 = tpu.memref_slice %arg3[%add3A_483, %mul3A_501, %dma_start3A_505] : memref<768x256x256xf32, #tpu.memory_space<hbm>> -> memref<1x32x256xf32, #tpu.memory_space<hbm>>
      %dma_start3A_507 = tpu.memref_squeeze %dma_start3A_506 : memref<1x32x256xf32, #tpu.memory_space<hbm>> -> memref<32x256xf32, #tpu.memory_space<hbm>>
      tpu.enqueue_dma source(%arg7 : memref<32x256xf32, #tpu.memory_space<vmem>>) target(%dma_start3A_507 : memref<32x256xf32, #tpu.memory_space<hbm>>) target_semaphore(%arg11 : memref<!tpu.dma_semaphore, #tpu.memory_space<semaphore_mem>>)
      %add3A_508 = arith.constant 2 : i32
      %add3A_509 = arith.addi %add3A_391, %add3A_508 : i32
      %mul3A_510 = arith.constant 24 : i32
      %mul3A_511 = arith.muli %add3A, %mul3A_510 : i32
      %jit3A_512 = arith.constant 8 : i32
      %div3A_513 = arith.divsi %add3A_509, %jit3A_512 : i32
      %sign3A_514 = arith.constant 0 : i32
      %sign3A_515 = arith.cmpi sgt, %add3A_509, %sign3A_514 : i32
      %sign3A_516 = arith.extui %sign3A_515 : i1 to i32
      %sign3A_517 = arith.constant 0 : i32
      %sign3A_518 = arith.cmpi slt, %add3A_509, %sign3A_517 : i32
      %sign3A_519 = arith.extui %sign3A_518 : i1 to i32
      %sign3A_520 = arith.subi %sign3A_516, %sign3A_519 : i32
      %sign3A_521 = arith.constant 0 : i32
      %sign3A_522 = arith.cmpi sgt, %jit3A_512, %sign3A_521 : i32
      %sign3A_523 = arith.extui %sign3A_522 : i1 to i32
      %sign3A_524 = arith.constant 0 : i32
      %sign3A_525 = arith.cmpi slt, %jit3A_512, %sign3A_524 : i32
      %sign3A_526 = arith.extui %sign3A_525 : i1 to i32
      %sign3A_527 = arith.subi %sign3A_523, %sign3A_526 : i32
      %ne3A_528 = arith.cmpi ne, %sign3A_520, %sign3A_527 : i32
      %rem3A_529 = arith.remsi %add3A_509, %jit3A_512 : i32
      %ne3A_530 = arith.constant 0 : i32
      %ne3A_531 = arith.cmpi ne, %rem3A_529, %ne3A_530 : i32
      %and3A_532 = arith.andi %ne3A_528, %ne3A_531 : i1
      %sub3A_533 = arith.constant 1 : i32
      %sub3A_534 = arith.subi %div3A_513, %sub3A_533 : i32
      %select_n3A_535 = arith.select %and3A_532, %sub3A_534, %div3A_513 : i32
      %add3A_536 = arith.addi %mul3A_511, %select_n3A_535 : i32
      %jit3A_537 = arith.constant 8 : i32
      %eq3A_538 = arith.constant 0 : i32
      %eq3A_539 = arith.cmpi eq, %jit3A_537, %eq3A_538 : i32
      %jit3A_540 = arith.constant 1 : i32
      %select_n3A_541 = arith.select %eq3A_539, %jit3A_540, %jit3A_537 : i32
      %rem3A_542 = arith.remsi %add3A_509, %select_n3A_541 : i32
      %ne3A_543 = arith.constant 0 : i32
      %ne3A_544 = arith.cmpi ne, %rem3A_542, %ne3A_543 : i32
      %lt3A_545 = arith.constant 0 : i32
      %lt3A_546 = arith.cmpi slt, %rem3A_542, %lt3A_545 : i32
      %lt3A_547 = arith.constant 0 : i32
      %lt3A_548 = arith.cmpi slt, %select_n3A_541, %lt3A_547 : i32
      %ne3A_549 = arith.xori %lt3A_546, %lt3A_548 : i1
      %and3A_550 = arith.andi %ne3A_549, %ne3A_544 : i1
      %add3A_551 = arith.addi %rem3A_542, %select_n3A_541 : i32
      %select_n3A_552 = arith.select %and3A_550, %add3A_551, %rem3A_542 : i32
      %mul3A_553 = arith.constant 64 : i32
      %mul3A_554 = arith.muli %select_n3A_552, %mul3A_553 : i32
      %dma_start3A_555 = arith.constant 0 : i32
      %dma_start3A_556 = tpu.memref_slice %arg2[%add3A_536, %mul3A_554, %dma_start3A_555] : memref<768x512x512xf32, #tpu.memory_space<hbm>> -> memref<1x64x512xf32, #tpu.memory_space<hbm>>
      %dma_start3A_557 = tpu.memref_squeeze %dma_start3A_556 : memref<1x64x512xf32, #tpu.memory_space<hbm>> -> memref<64x512xf32, #tpu.memory_space<hbm>>
      %dma_start3A_558 = arith.constant 0 : i32
      %dma_start3A_559 = tpu.memref_slice %arg2[%add3A_536, %mul3A_554, %dma_start3A_558] : memref<768x512x512xf32, #tpu.memory_space<hbm>> -> memref<1x64x512xf32, #tpu.memory_space<hbm>>
      %dma_start3A_560 = tpu.memref_squeeze %dma_start3A_559 : memref<1x64x512xf32, #tpu.memory_space<hbm>> -> memref<64x512xf32, #tpu.memory_space<hbm>>
      tpu.enqueue_dma source(%dma_start3A_560 : memref<64x512xf32, #tpu.memory_space<hbm>>) target(%arg5 : memref<64x512xf32, #tpu.memory_space<vmem>>) target_semaphore(%arg9 : memref<!tpu.dma_semaphore, #tpu.memory_space<semaphore_mem>>)
    }
    %scan3A_103 = arith.constant 95 : i32
    %mul3A_104 = arith.constant 24 : i32
    %mul3A_105 = arith.muli %add3A, %mul3A_104 : i32
    %add3A_106 = arith.constant 23 : i32
    %add3A_107 = arith.addi %mul3A_105, %add3A_106 : i32
    %dma_wait3A = arith.constant 384 : i32
    %dma_wait3A_108 = arith.constant 0 : i32
    %dma_wait3A_109 = tpu.memref_slice %arg2[%add3A_107, %dma_wait3A, %dma_wait3A_108] : memref<768x512x512xf32, #tpu.memory_space<hbm>> -> memref<1x64x512xf32, #tpu.memory_space<hbm>>
    %dma_wait3A_110 = tpu.memref_squeeze %dma_wait3A_109 : memref<1x64x512xf32, #tpu.memory_space<hbm>> -> memref<64x512xf32, #tpu.memory_space<hbm>>
    %dma_wait3A_111 = arith.constant 384 : i32
    %dma_wait3A_112 = arith.constant 0 : i32
    %dma_wait3A_113 = tpu.memref_slice %arg2[%add3A_107, %dma_wait3A_111, %dma_wait3A_112] : memref<768x512x512xf32, #tpu.memory_space<hbm>> -> memref<1x64x512xf32, #tpu.memory_space<hbm>>
    %dma_wait3A_114 = tpu.memref_squeeze %dma_wait3A_113 : memref<1x64x512xf32, #tpu.memory_space<hbm>> -> memref<64x512xf32, #tpu.memory_space<hbm>>
    tpu.wait_dma2 semaphore(%arg8 : memref<!tpu.dma_semaphore, #tpu.memory_space<semaphore_mem>>) src(%dma_wait3A_114 : memref<64x512xf32, #tpu.memory_space<hbm>>) dst(%arg4 : memref<64x512xf32, #tpu.memory_space<vmem>>)
    %mul3A_115 = arith.constant 24 : i32
    %mul3A_116 = arith.muli %add3A, %mul3A_115 : i32
    %add3A_117 = arith.constant 23 : i32
    %add3A_118 = arith.addi %mul3A_116, %add3A_117 : i32
    %dma_wait3A_119 = arith.constant 192 : i32
    %dma_wait3A_120 = arith.constant 0 : i32
    %dma_wait3A_121 = tpu.memref_slice %arg3[%add3A_118, %dma_wait3A_119, %dma_wait3A_120] : memref<768x256x256xf32, #tpu.memory_space<hbm>> -> memref<1x32x256xf32, #tpu.memory_space<hbm>>
    %dma_wait3A_122 = tpu.memref_squeeze %dma_wait3A_121 : memref<1x32x256xf32, #tpu.memory_space<hbm>> -> memref<32x256xf32, #tpu.memory_space<hbm>>
    %dma_wait3A_123 = arith.constant 192 : i32
    %dma_wait3A_124 = arith.constant 0 : i32
    %dma_wait3A_125 = tpu.memref_slice %arg3[%add3A_118, %dma_wait3A_123, %dma_wait3A_124] : memref<768x256x256xf32, #tpu.memory_space<hbm>> -> memref<1x32x256xf32, #tpu.memory_space<hbm>>
    %dma_wait3A_126 = tpu.memref_squeeze %dma_wait3A_125 : memref<1x32x256xf32, #tpu.memory_space<hbm>> -> memref<32x256xf32, #tpu.memory_space<hbm>>
    tpu.wait_dma2 semaphore(%arg10 : memref<!tpu.dma_semaphore, #tpu.memory_space<semaphore_mem>>) src(%arg6 : memref<32x256xf32, #tpu.memory_space<vmem>>) dst(%dma_wait3A_126 : memref<32x256xf32, #tpu.memory_space<hbm>>)
    %add3A_127 = arith.constant 1 : i32
    %add3A_128 = vector.broadcast %add3A_127 : i32 to vector<16xi32>
    %add3A_129 = arith.addi %mul3A_3, %add3A_128 : vector<16xi32>
    %scan3A_130 = arith.constant 0 : i32
    %scan3A_131 = arith.constant 0 : i32
    %scan3A_132 = arith.constant 32 : i32
    %scan3A_133 = arith.addi %scan3A_131, %scan3A_132 : i32
    %scan3A_134 = arith.constant 1 : i32
    scf.for %scan3A_217 = %scan3A_131 to %scan3A_133 step %scan3A_134  : i32 {
      %mul3A_218 = arith.constant 2 : i32
      %mul3A_219 = arith.muli %mul3A_218, %scan3A_217 : i32
      %mul3A_220 = arith.constant 2 : i32
      %mul3A_221 = arith.muli %mul3A_220, %scan3A_217 : i32
      %add3A_222 = arith.constant 1 : i32
      %add3A_223 = arith.addi %mul3A_221, %add3A_222 : i32
      %mul3A_224 = arith.constant 2 : i32
      %mul3A_225 = arith.muli %mul3A_224, %scan3A_217 : i32
      %mul3A_226 = arith.constant 2 : i32
      %mul3A_227 = arith.muli %mul3A_226, %scan3A_217 : i32
      %add3A_228 = arith.constant 1 : i32
      %add3A_229 = arith.addi %mul3A_227, %add3A_228 : i32
      %mul3A_230 = arith.constant 2 : i32
      %mul3A_231 = arith.muli %mul3A_230, %scan3A_217 : i32
      %mul3A_232 = arith.constant 2 : i32
      %mul3A_233 = arith.muli %mul3A_232, %scan3A_217 : i32
      %add3A_234 = arith.constant 1 : i32
      %add3A_235 = arith.addi %mul3A_233, %add3A_234 : i32
      %mul3A_236 = arith.constant 2 : i32
      %mul3A_237 = arith.muli %mul3A_236, %scan3A_217 : i32
      %mul3A_238 = arith.constant 2 : i32
      %mul3A_239 = arith.muli %mul3A_238, %scan3A_217 : i32
      %add3A_240 = arith.constant 1 : i32
      %add3A_241 = arith.addi %mul3A_239, %add3A_240 : i32
      %mul3A_242 = arith.constant 2 : i32
      %mul3A_243 = arith.muli %mul3A_242, %scan3A_217 : i32
      %mul3A_244 = arith.constant 2 : i32
      %mul3A_245 = arith.muli %mul3A_244, %scan3A_217 : i32
      %add3A_246 = arith.constant 1 : i32
      %add3A_247 = arith.addi %mul3A_245, %add3A_246 : i32
      %mul3A_248 = arith.constant 2 : i32
      %mul3A_249 = arith.muli %mul3A_248, %scan3A_217 : i32
      %mul3A_250 = arith.constant 2 : i32
      %mul3A_251 = arith.muli %mul3A_250, %scan3A_217 : i32
      %add3A_252 = arith.constant 1 : i32
      %add3A_253 = arith.addi %mul3A_251, %add3A_252 : i32
      %mul3A_254 = arith.constant 2 : i32
      %mul3A_255 = arith.muli %mul3A_254, %scan3A_217 : i32
      %mul3A_256 = arith.constant 2 : i32
      %mul3A_257 = arith.muli %mul3A_256, %scan3A_217 : i32
      %add3A_258 = arith.constant 1 : i32
      %add3A_259 = arith.addi %mul3A_257, %add3A_258 : i32
      %mul3A_260 = arith.constant 2 : i32
      %mul3A_261 = arith.muli %mul3A_260, %scan3A_217 : i32
      %mul3A_262 = arith.constant 2 : i32
      %mul3A_263 = arith.muli %mul3A_262, %scan3A_217 : i32
      %add3A_264 = arith.constant 1 : i32
      %add3A_265 = arith.addi %mul3A_263, %add3A_264 : i32
      %gather3A = arith.constant 0 : i32
      %gather3A_266 = tpu.memref_slice %arg4[%mul3A_219, %gather3A] : memref<64x512xf32, #tpu.memory_space<vmem>> -> memref<1x32xf32, #tpu.memory_space<vmem>>
      %gather3A_267 = tpu.memref_squeeze %gather3A_266 : memref<1x32xf32, #tpu.memory_space<vmem>> -> memref<32xf32, #tpu.memory_space<vmem>>
      %gather3A_268 = tpu.vector_load_idx %gather3A_267[%mul3A_3] : memref<32xf32, #tpu.memory_space<vmem>>[vector<16xi32>], vector<16xf32>,
      %max3A = arith.constant 0.000000e+00 : f32
      %max3A_269 = vector.broadcast %max3A : f32 to vector<16xf32>
      %max3A_270 = arith.maximumf %gather3A_268, %max3A_269 : vector<16xf32>
      %gather3A_271 = arith.constant 0 : i32
      %gather3A_272 = tpu.memref_slice %arg4[%mul3A_219, %gather3A_271] : memref<64x512xf32, #tpu.memory_space<vmem>> -> memref<1x32xf32, #tpu.memory_space<vmem>>
      %gather3A_273 = tpu.memref_squeeze %gather3A_272 : memref<1x32xf32, #tpu.memory_space<vmem>> -> memref<32xf32, #tpu.memory_space<vmem>>
      %gather3A_274 = tpu.vector_load_idx %gather3A_273[%add3A_129] : memref<32xf32, #tpu.memory_space<vmem>>[vector<16xi32>], vector<16xf32>,
      %max3A_275 = arith.constant 0.000000e+00 : f32
      %max3A_276 = vector.broadcast %max3A_275 : f32 to vector<16xf32>
      %max3A_277 = arith.maximumf %gather3A_274, %max3A_276 : vector<16xf32>
      %gather3A_278 = arith.constant 0 : i32
      %gather3A_279 = tpu.memref_slice %arg4[%add3A_223, %gather3A_278] : memref<64x512xf32, #tpu.memory_space<vmem>> -> memref<1x32xf32, #tpu.memory_space<vmem>>
      %gather3A_280 = tpu.memref_squeeze %gather3A_279 : memref<1x32xf32, #tpu.memory_space<vmem>> -> memref<32xf32, #tpu.memory_space<vmem>>
      %gather3A_281 = tpu.vector_load_idx %gather3A_280[%mul3A_3] : memref<32xf32, #tpu.memory_space<vmem>>[vector<16xi32>], vector<16xf32>,
      %max3A_282 = arith.constant 0.000000e+00 : f32
      %max3A_283 = vector.broadcast %max3A_282 : f32 to vector<16xf32>
      %max3A_284 = arith.maximumf %gather3A_281, %max3A_283 : vector<16xf32>
      %gather3A_285 = arith.constant 0 : i32
      %gather3A_286 = tpu.memref_slice %arg4[%add3A_223, %gather3A_285] : memref<64x512xf32, #tpu.memory_space<vmem>> -> memref<1x32xf32, #tpu.memory_space<vmem>>
      %gather3A_287 = tpu.memref_squeeze %gather3A_286 : memref<1x32xf32, #tpu.memory_space<vmem>> -> memref<32xf32, #tpu.memory_space<vmem>>
      %gather3A_288 = tpu.vector_load_idx %gather3A_287[%add3A_129] : memref<32xf32, #tpu.memory_space<vmem>>[vector<16xi32>], vector<16xf32>,
      %max3A_289 = arith.constant 0.000000e+00 : f32
      %max3A_290 = vector.broadcast %max3A_289 : f32 to vector<16xf32>
      %max3A_291 = arith.maximumf %gather3A_288, %max3A_290 : vector<16xf32>
      %gather3A_292 = arith.constant 32 : i32
      %gather3A_293 = tpu.memref_slice %arg4[%mul3A_225, %gather3A_292] : memref<64x512xf32, #tpu.memory_space<vmem>> -> memref<1x32xf32, #tpu.memory_space<vmem>>
      %gather3A_294 = tpu.memref_squeeze %gather3A_293 : memref<1x32xf32, #tpu.memory_space<vmem>> -> memref<32xf32, #tpu.memory_space<vmem>>
      %gather3A_295 = tpu.vector_load_idx %gather3A_294[%mul3A_3] : memref<32xf32, #tpu.memory_space<vmem>>[vector<16xi32>], vector<16xf32>,
      %max3A_296 = arith.constant 0.000000e+00 : f32
      %max3A_297 = vector.broadcast %max3A_296 : f32 to vector<16xf32>
      %max3A_298 = arith.maximumf %gather3A_295, %max3A_297 : vector<16xf32>
      %gather3A_299 = arith.constant 32 : i32
      %gather3A_300 = tpu.memref_slice %arg4[%mul3A_225, %gather3A_299] : memref<64x512xf32, #tpu.memory_space<vmem>> -> memref<1x32xf32, #tpu.memory_space<vmem>>
      %gather3A_301 = tpu.memref_squeeze %gather3A_300 : memref<1x32xf32, #tpu.memory_space<vmem>> -> memref<32xf32, #tpu.memory_space<vmem>>
      %gather3A_302 = tpu.vector_load_idx %gather3A_301[%add3A_129] : memref<32xf32, #tpu.memory_space<vmem>>[vector<16xi32>], vector<16xf32>,
      %max3A_303 = arith.constant 0.000000e+00 : f32
      %max3A_304 = vector.broadcast %max3A_303 : f32 to vector<16xf32>
      %max3A_305 = arith.maximumf %gather3A_302, %max3A_304 : vector<16xf32>
      %gather3A_306 = arith.constant 32 : i32
      %gather3A_307 = tpu.memref_slice %arg4[%add3A_229, %gather3A_306] : memref<64x512xf32, #tpu.memory_space<vmem>> -> memref<1x32xf32, #tpu.memory_space<vmem>>
      %gather3A_308 = tpu.memref_squeeze %gather3A_307 : memref<1x32xf32, #tpu.memory_space<vmem>> -> memref<32xf32, #tpu.memory_space<vmem>>
      %gather3A_309 = tpu.vector_load_idx %gather3A_308[%mul3A_3] : memref<32xf32, #tpu.memory_space<vmem>>[vector<16xi32>], vector<16xf32>,
      %max3A_310 = arith.constant 0.000000e+00 : f32
      %max3A_311 = vector.broadcast %max3A_310 : f32 to vector<16xf32>
      %max3A_312 = arith.maximumf %gather3A_309, %max3A_311 : vector<16xf32>
      %gather3A_313 = arith.constant 32 : i32
      %gather3A_314 = tpu.memref_slice %arg4[%add3A_229, %gather3A_313] : memref<64x512xf32, #tpu.memory_space<vmem>> -> memref<1x32xf32, #tpu.memory_space<vmem>>
      %gather3A_315 = tpu.memref_squeeze %gather3A_314 : memref<1x32xf32, #tpu.memory_space<vmem>> -> memref<32xf32, #tpu.memory_space<vmem>>
      %gather3A_316 = tpu.vector_load_idx %gather3A_315[%add3A_129] : memref<32xf32, #tpu.memory_space<vmem>>[vector<16xi32>], vector<16xf32>,
      %max3A_317 = arith.constant 0.000000e+00 : f32
      %max3A_318 = vector.broadcast %max3A_317 : f32 to vector<16xf32>
      %max3A_319 = arith.maximumf %gather3A_316, %max3A_318 : vector<16xf32>
      %gather3A_320 = arith.constant 64 : i32
      %gather3A_321 = tpu.memref_slice %arg4[%mul3A_231, %gather3A_320] : memref<64x512xf32, #tpu.memory_space<vmem>> -> memref<1x32xf32, #tpu.memory_space<vmem>>
      %gather3A_322 = tpu.memref_squeeze %gather3A_321 : memref<1x32xf32, #tpu.memory_space<vmem>> -> memref<32xf32, #tpu.memory_space<vmem>>
      %gather3A_323 = tpu.vector_load_idx %gather3A_322[%mul3A_3] : memref<32xf32, #tpu.memory_space<vmem>>[vector<16xi32>], vector<16xf32>,
      %max3A_324 = arith.constant 0.000000e+00 : f32
      %max3A_325 = vector.broadcast %max3A_324 : f32 to vector<16xf32>
      %max3A_326 = arith.maximumf %gather3A_323, %max3A_325 : vector<16xf32>
      %gather3A_327 = arith.constant 64 : i32
      %gather3A_328 = tpu.memref_slice %arg4[%mul3A_231, %gather3A_327] : memref<64x512xf32, #tpu.memory_space<vmem>> -> memref<1x32xf32, #tpu.memory_space<vmem>>
      %gather3A_329 = tpu.memref_squeeze %gather3A_328 : memref<1x32xf32, #tpu.memory_space<vmem>> -> memref<32xf32, #tpu.memory_space<vmem>>
      %gather3A_330 = tpu.vector_load_idx %gather3A_329[%add3A_129] : memref<32xf32, #tpu.memory_space<vmem>>[vector<16xi32>], vector<16xf32>,
      %max3A_331 = arith.constant 0.000000e+00 : f32
      %max3A_332 = vector.broadcast %max3A_331 : f32 to vector<16xf32>
      %max3A_333 = arith.maximumf %gather3A_330, %max3A_332 : vector<16xf32>
      %gather3A_334 = arith.constant 64 : i32
      %gather3A_335 = tpu.memref_slice %arg4[%add3A_235, %gather3A_334] : memref<64x512xf32, #tpu.memory_space<vmem>> -> memref<1x32xf32, #tpu.memory_space<vmem>>
      %gather3A_336 = tpu.memref_squeeze %gather3A_335 : memref<1x32xf32, #tpu.memory_space<vmem>> -> memref<32xf32, #tpu.memory_space<vmem>>
      %gather3A_337 = tpu.vector_load_idx %gather3A_336[%mul3A_3] : memref<32xf32, #tpu.memory_space<vmem>>[vector<16xi32>], vector<16xf32>,
      %max3A_338 = arith.constant 0.000000e+00 : f32
      %max3A_339 = vector.broadcast %max3A_338 : f32 to vector<16xf32>
      %max3A_340 = arith.maximumf %gather3A_337, %max3A_339 : vector<16xf32>
      %gather3A_341 = arith.constant 64 : i32
      %gather3A_342 = tpu.memref_slice %arg4[%add3A_235, %gather3A_341] : memref<64x512xf32, #tpu.memory_space<vmem>> -> memref<1x32xf32, #tpu.memory_space<vmem>>
      %gather3A_343 = tpu.memref_squeeze %gather3A_342 : memref<1x32xf32, #tpu.memory_space<vmem>> -> memref<32xf32, #tpu.memory_space<vmem>>
      %gather3A_344 = tpu.vector_load_idx %gather3A_343[%add3A_129] : memref<32xf32, #tpu.memory_space<vmem>>[vector<16xi32>], vector<16xf32>,
      %max3A_345 = arith.constant 0.000000e+00 : f32
      %max3A_346 = vector.broadcast %max3A_345 : f32 to vector<16xf32>
      %max3A_347 = arith.maximumf %gather3A_344, %max3A_346 : vector<16xf32>
      %gather3A_348 = arith.constant 96 : i32
      %gather3A_349 = tpu.memref_slice %arg4[%mul3A_237, %gather3A_348] : memref<64x512xf32, #tpu.memory_space<vmem>> -> memref<1x32xf32, #tpu.memory_space<vmem>>
      %gather3A_350 = tpu.memref_squeeze %gather3A_349 : memref<1x32xf32, #tpu.memory_space<vmem>> -> memref<32xf32, #tpu.memory_space<vmem>>
      %gather3A_351 = tpu.vector_load_idx %gather3A_350[%mul3A_3] : memref<32xf32, #tpu.memory_space<vmem>>[vector<16xi32>], vector<16xf32>,
      %max3A_352 = arith.constant 0.000000e+00 : f32
      %max3A_353 = vector.broadcast %max3A_352 : f32 to vector<16xf32>
      %max3A_354 = arith.maximumf %gather3A_351, %max3A_353 : vector<16xf32>
      %gather3A_355 = arith.constant 96 : i32
      %gather3A_356 = tpu.memref_slice %arg4[%mul3A_237, %gather3A_355] : memref<64x512xf32, #tpu.memory_space<vmem>> -> memref<1x32xf32, #tpu.memory_space<vmem>>
      %gather3A_357 = tpu.memref_squeeze %gather3A_356 : memref<1x32xf32, #tpu.memory_space<vmem>> -> memref<32xf32, #tpu.memory_space<vmem>>
      %gather3A_358 = tpu.vector_load_idx %gather3A_357[%add3A_129] : memref<32xf32, #tpu.memory_space<vmem>>[vector<16xi32>], vector<16xf32>,
      %max3A_359 = arith.constant 0.000000e+00 : f32
      %max3A_360 = vector.broadcast %max3A_359 : f32 to vector<16xf32>
      %max3A_361 = arith.maximumf %gather3A_358, %max3A_360 : vector<16xf32>
      %gather3A_362 = arith.constant 96 : i32
      %gather3A_363 = tpu.memref_slice %arg4[%add3A_241, %gather3A_362] : memref<64x512xf32, #tpu.memory_space<vmem>> -> memref<1x32xf32, #tpu.memory_space<vmem>>
      %gather3A_364 = tpu.memref_squeeze %gather3A_363 : memref<1x32xf32, #tpu.memory_space<vmem>> -> memref<32xf32, #tpu.memory_space<vmem>>
      %gather3A_365 = tpu.vector_load_idx %gather3A_364[%mul3A_3] : memref<32xf32, #tpu.memory_space<vmem>>[vector<16xi32>], vector<16xf32>,
      %max3A_366 = arith.constant 0.000000e+00 : f32
      %max3A_367 = vector.broadcast %max3A_366 : f32 to vector<16xf32>
      %max3A_368 = arith.maximumf %gather3A_365, %max3A_367 : vector<16xf32>
      %gather3A_369 = arith.constant 96 : i32
      %gather3A_370 = tpu.memref_slice %arg4[%add3A_241, %gather3A_369] : memref<64x512xf32, #tpu.memory_space<vmem>> -> memref<1x32xf32, #tpu.memory_space<vmem>>
      %gather3A_371 = tpu.memref_squeeze %gather3A_370 : memref<1x32xf32, #tpu.memory_space<vmem>> -> memref<32xf32, #tpu.memory_space<vmem>>
      %gather3A_372 = tpu.vector_load_idx %gather3A_371[%add3A_129] : memref<32xf32, #tpu.memory_space<vmem>>[vector<16xi32>], vector<16xf32>,
      %max3A_373 = arith.constant 0.000000e+00 : f32
      %max3A_374 = vector.broadcast %max3A_373 : f32 to vector<16xf32>
      %max3A_375 = arith.maximumf %gather3A_372, %max3A_374 : vector<16xf32>
      %gather3A_376 = arith.constant 128 : i32
      %gather3A_377 = tpu.memref_slice %arg4[%mul3A_243, %gather3A_376] : memref<64x512xf32, #tpu.memory_space<vmem>> -> memref<1x32xf32, #tpu.memory_space<vmem>>
      %gather3A_378 = tpu.memref_squeeze %gather3A_377 : memref<1x32xf32, #tpu.memory_space<vmem>> -> memref<32xf32, #tpu.memory_space<vmem>>
      %gather3A_379 = tpu.vector_load_idx %gather3A_378[%mul3A_3] : memref<32xf32, #tpu.memory_space<vmem>>[vector<16xi32>], vector<16xf32>,
      %max3A_380 = arith.constant 0.000000e+00 : f32
      %max3A_381 = vector.broadcast %max3A_380 : f32 to vector<16xf32>
      %max3A_382 = arith.maximumf %gather3A_379, %max3A_381 : vector<16xf32>
      %gather3A_383 = arith.constant 128 : i32
      %gather3A_384 = tpu.memref_slice %arg4[%mul3A_243, %gather3A_383] : memref<64x512xf32, #tpu.memory_space<vmem>> -> memref<1x32xf32, #tpu.memory_space<vmem>>
      %gather3A_385 = tpu.memref_squeeze %gather3A_384 : memref<1x32xf32, #tpu.memory_space<vmem>> -> memref<32xf32, #tpu.memory_space<vmem>>
      %gather3A_386 = tpu.vector_load_idx %gather3A_385[%add3A_129] : memref<32xf32, #tpu.memory_space<vmem>>[vector<16xi32>], vector<16xf32>,
      %max3A_387 = arith.constant 0.000000e+00 : f32
      %max3A_388 = vector.broadcast %max3A_387 : f32 to vector<16xf32>
      %max3A_389 = arith.maximumf %gather3A_386, %max3A_388 : vector<16xf32>
      %gather3A_390 = arith.constant 128 : i32
      %gather3A_391 = tpu.memref_slice %arg4[%add3A_247, %gather3A_390] : memref<64x512xf32, #tpu.memory_space<vmem>> -> memref<1x32xf32, #tpu.memory_space<vmem>>
      %gather3A_392 = tpu.memref_squeeze %gather3A_391 : memref<1x32xf32, #tpu.memory_space<vmem>> -> memref<32xf32, #tpu.memory_space<vmem>>
      %gather3A_393 = tpu.vector_load_idx %gather3A_392[%mul3A_3] : memref<32xf32, #tpu.memory_space<vmem>>[vector<16xi32>], vector<16xf32>,
      %max3A_394 = arith.constant 0.000000e+00 : f32
      %max3A_395 = vector.broadcast %max3A_394 : f32 to vector<16xf32>
      %max3A_396 = arith.maximumf %gather3A_393, %max3A_395 : vector<16xf32>
      %gather3A_397 = arith.constant 128 : i32
      %gather3A_398 = tpu.memref_slice %arg4[%add3A_247, %gather3A_397] : memref<64x512xf32, #tpu.memory_space<vmem>> -> memref<1x32xf32, #tpu.memory_space<vmem>>
      %gather3A_399 = tpu.memref_squeeze %gather3A_398 : memref<1x32xf32, #tpu.memory_space<vmem>> -> memref<32xf32, #tpu.memory_space<vmem>>
      %gather3A_400 = tpu.vector_load_idx %gather3A_399[%add3A_129] : memref<32xf32, #tpu.memory_space<vmem>>[vector<16xi32>], vector<16xf32>,
      %max3A_401 = arith.constant 0.000000e+00 : f32
      %max3A_402 = vector.broadcast %max3A_401 : f32 to vector<16xf32>
      %max3A_403 = arith.maximumf %gather3A_400, %max3A_402 : vector<16xf32>
      %gather3A_404 = arith.constant 160 : i32
      %gather3A_405 = tpu.memref_slice %arg4[%mul3A_249, %gather3A_404] : memref<64x512xf32, #tpu.memory_space<vmem>> -> memref<1x32xf32, #tpu.memory_space<vmem>>
      %gather3A_406 = tpu.memref_squeeze %gather3A_405 : memref<1x32xf32, #tpu.memory_space<vmem>> -> memref<32xf32, #tpu.memory_space<vmem>>
      %gather3A_407 = tpu.vector_load_idx %gather3A_406[%mul3A_3] : memref<32xf32, #tpu.memory_space<vmem>>[vector<16xi32>], vector<16xf32>,
      %max3A_408 = arith.constant 0.000000e+00 : f32
      %max3A_409 = vector.broadcast %max3A_408 : f32 to vector<16xf32>
      %max3A_410 = arith.maximumf %gather3A_407, %max3A_409 : vector<16xf32>
      %gather3A_411 = arith.constant 160 : i32
      %gather3A_412 = tpu.memref_slice %arg4[%mul3A_249, %gather3A_411] : memref<64x512xf32, #tpu.memory_space<vmem>> -> memref<1x32xf32, #tpu.memory_space<vmem>>
      %gather3A_413 = tpu.memref_squeeze %gather3A_412 : memref<1x32xf32, #tpu.memory_space<vmem>> -> memref<32xf32, #tpu.memory_space<vmem>>
      %gather3A_414 = tpu.vector_load_idx %gather3A_413[%add3A_129] : memref<32xf32, #tpu.memory_space<vmem>>[vector<16xi32>], vector<16xf32>,
      %max3A_415 = arith.constant 0.000000e+00 : f32
      %max3A_416 = vector.broadcast %max3A_415 : f32 to vector<16xf32>
      %max3A_417 = arith.maximumf %gather3A_414, %max3A_416 : vector<16xf32>
      %gather3A_418 = arith.constant 160 : i32
      %gather3A_419 = tpu.memref_slice %arg4[%add3A_253, %gather3A_418] : memref<64x512xf32, #tpu.memory_space<vmem>> -> memref<1x32xf32, #tpu.memory_space<vmem>>
      %gather3A_420 = tpu.memref_squeeze %gather3A_419 : memref<1x32xf32, #tpu.memory_space<vmem>> -> memref<32xf32, #tpu.memory_space<vmem>>
      %gather3A_421 = tpu.vector_load_idx %gather3A_420[%mul3A_3] : memref<32xf32, #tpu.memory_space<vmem>>[vector<16xi32>], vector<16xf32>,
      %max3A_422 = arith.constant 0.000000e+00 : f32
      %max3A_423 = vector.broadcast %max3A_422 : f32 to vector<16xf32>
      %max3A_424 = arith.maximumf %gather3A_421, %max3A_423 : vector<16xf32>
      %gather3A_425 = arith.constant 160 : i32
      %gather3A_426 = tpu.memref_slice %arg4[%add3A_253, %gather3A_425] : memref<64x512xf32, #tpu.memory_space<vmem>> -> memref<1x32xf32, #tpu.memory_space<vmem>>
      %gather3A_427 = tpu.memref_squeeze %gather3A_426 : memref<1x32xf32, #tpu.memory_space<vmem>> -> memref<32xf32, #tpu.memory_space<vmem>>
      %gather3A_428 = tpu.vector_load_idx %gather3A_427[%add3A_129] : memref<32xf32, #tpu.memory_space<vmem>>[vector<16xi32>], vector<16xf32>,
      %max3A_429 = arith.constant 0.000000e+00 : f32
      %max3A_430 = vector.broadcast %max3A_429 : f32 to vector<16xf32>
      %max3A_431 = arith.maximumf %gather3A_428, %max3A_430 : vector<16xf32>
      %gather3A_432 = arith.constant 192 : i32
      %gather3A_433 = tpu.memref_slice %arg4[%mul3A_255, %gather3A_432] : memref<64x512xf32, #tpu.memory_space<vmem>> -> memref<1x32xf32, #tpu.memory_space<vmem>>
      %gather3A_434 = tpu.memref_squeeze %gather3A_433 : memref<1x32xf32, #tpu.memory_space<vmem>> -> memref<32xf32, #tpu.memory_space<vmem>>
      %gather3A_435 = tpu.vector_load_idx %gather3A_434[%mul3A_3] : memref<32xf32, #tpu.memory_space<vmem>>[vector<16xi32>], vector<16xf32>,
      %max3A_436 = arith.constant 0.000000e+00 : f32
      %max3A_437 = vector.broadcast %max3A_436 : f32 to vector<16xf32>
      %max3A_438 = arith.maximumf %gather3A_435, %max3A_437 : vector<16xf32>
      %gather3A_439 = arith.constant 192 : i32
      %gather3A_440 = tpu.memref_slice %arg4[%mul3A_255, %gather3A_439] : memref<64x512xf32, #tpu.memory_space<vmem>> -> memref<1x32xf32, #tpu.memory_space<vmem>>
      %gather3A_441 = tpu.memref_squeeze %gather3A_440 : memref<1x32xf32, #tpu.memory_space<vmem>> -> memref<32xf32, #tpu.memory_space<vmem>>
      %gather3A_442 = tpu.vector_load_idx %gather3A_441[%add3A_129] : memref<32xf32, #tpu.memory_space<vmem>>[vector<16xi32>], vector<16xf32>,
      %max3A_443 = arith.constant 0.000000e+00 : f32
      %max3A_444 = vector.broadcast %max3A_443 : f32 to vector<16xf32>
      %max3A_445 = arith.maximumf %gather3A_442, %max3A_444 : vector<16xf32>
      %gather3A_446 = arith.constant 192 : i32
      %gather3A_447 = tpu.memref_slice %arg4[%add3A_259, %gather3A_446] : memref<64x512xf32, #tpu.memory_space<vmem>> -> memref<1x32xf32, #tpu.memory_space<vmem>>
      %gather3A_448 = tpu.memref_squeeze %gather3A_447 : memref<1x32xf32, #tpu.memory_space<vmem>> -> memref<32xf32, #tpu.memory_space<vmem>>
      %gather3A_449 = tpu.vector_load_idx %gather3A_448[%mul3A_3] : memref<32xf32, #tpu.memory_space<vmem>>[vector<16xi32>], vector<16xf32>,
      %max3A_450 = arith.constant 0.000000e+00 : f32
      %max3A_451 = vector.broadcast %max3A_450 : f32 to vector<16xf32>
      %max3A_452 = arith.maximumf %gather3A_449, %max3A_451 : vector<16xf32>
      %gather3A_453 = arith.constant 192 : i32
      %gather3A_454 = tpu.memref_slice %arg4[%add3A_259, %gather3A_453] : memref<64x512xf32, #tpu.memory_space<vmem>> -> memref<1x32xf32, #tpu.memory_space<vmem>>
      %gather3A_455 = tpu.memref_squeeze %gather3A_454 : memref<1x32xf32, #tpu.memory_space<vmem>> -> memref<32xf32, #tpu.memory_space<vmem>>
      %gather3A_456 = tpu.vector_load_idx %gather3A_455[%add3A_129] : memref<32xf32, #tpu.memory_space<vmem>>[vector<16xi32>], vector<16xf32>,
      %max3A_457 = arith.constant 0.000000e+00 : f32
      %max3A_458 = vector.broadcast %max3A_457 : f32 to vector<16xf32>
      %max3A_459 = arith.maximumf %gather3A_456, %max3A_458 : vector<16xf32>
      %gather3A_460 = arith.constant 224 : i32
      %gather3A_461 = tpu.memref_slice %arg4[%mul3A_261, %gather3A_460] : memref<64x512xf32, #tpu.memory_space<vmem>> -> memref<1x32xf32, #tpu.memory_space<vmem>>
      %gather3A_462 = tpu.memref_squeeze %gather3A_461 : memref<1x32xf32, #tpu.memory_space<vmem>> -> memref<32xf32, #tpu.memory_space<vmem>>
      %gather3A_463 = tpu.vector_load_idx %gather3A_462[%mul3A_3] : memref<32xf32, #tpu.memory_space<vmem>>[vector<16xi32>], vector<16xf32>,
      %max3A_464 = arith.constant 0.000000e+00 : f32
      %max3A_465 = vector.broadcast %max3A_464 : f32 to vector<16xf32>
      %max3A_466 = arith.maximumf %gather3A_463, %max3A_465 : vector<16xf32>
      %gather3A_467 = arith.constant 224 : i32
      %gather3A_468 = tpu.memref_slice %arg4[%mul3A_261, %gather3A_467] : memref<64x512xf32, #tpu.memory_space<vmem>> -> memref<1x32xf32, #tpu.memory_space<vmem>>
      %gather3A_469 = tpu.memref_squeeze %gather3A_468 : memref<1x32xf32, #tpu.memory_space<vmem>> -> memref<32xf32, #tpu.memory_space<vmem>>
      %gather3A_470 = tpu.vector_load_idx %gather3A_469[%add3A_129] : memref<32xf32, #tpu.memory_space<vmem>>[vector<16xi32>], vector<16xf32>,
      %max3A_471 = arith.constant 0.000000e+00 : f32
      %max3A_472 = vector.broadcast %max3A_471 : f32 to vector<16xf32>
      %max3A_473 = arith.maximumf %gather3A_470, %max3A_472 : vector<16xf32>
      %gather3A_474 = arith.constant 224 : i32
      %gather3A_475 = tpu.memref_slice %arg4[%add3A_265, %gather3A_474] : memref<64x512xf32, #tpu.memory_space<vmem>> -> memref<1x32xf32, #tpu.memory_space<vmem>>
      %gather3A_476 = tpu.memref_squeeze %gather3A_475 : memref<1x32xf32, #tpu.memory_space<vmem>> -> memref<32xf32, #tpu.memory_space<vmem>>
      %gather3A_477 = tpu.vector_load_idx %gather3A_476[%mul3A_3] : memref<32xf32, #tpu.memory_space<vmem>>[vector<16xi32>], vector<16xf32>,
      %max3A_478 = arith.constant 0.000000e+00 : f32
      %max3A_479 = vector.broadcast %max3A_478 : f32 to vector<16xf32>
      %max3A_480 = arith.maximumf %gather3A_477, %max3A_479 : vector<16xf32>
      %gather3A_481 = arith.constant 224 : i32
      %gather3A_482 = tpu.memref_slice %arg4[%add3A_265, %gather3A_481] : memref<64x512xf32, #tpu.memory_space<vmem>> -> memref<1x32xf32, #tpu.memory_space<vmem>>
      %gather3A_483 = tpu.memref_squeeze %gather3A_482 : memref<1x32xf32, #tpu.memory_space<vmem>> -> memref<32xf32, #tpu.memory_space<vmem>>
      %gather3A_484 = tpu.vector_load_idx %gather3A_483[%add3A_129] : memref<32xf32, #tpu.memory_space<vmem>>[vector<16xi32>], vector<16xf32>,
      %max3A_485 = arith.constant 0.000000e+00 : f32
      %max3A_486 = vector.broadcast %max3A_485 : f32 to vector<16xf32>
      %max3A_487 = arith.maximumf %gather3A_484, %max3A_486 : vector<16xf32>
      %add3A_488 = arith.addf %max3A_270, %max3A_277 : vector<16xf32>
      %add3A_489 = arith.addf %max3A_284, %max3A_291 : vector<16xf32>
      %add3A_490 = arith.addf %add3A_488, %add3A_489 : vector<16xf32>
      %max3A_491 = arith.constant 1.200000e-38 : f32
      %max3A_492 = vector.broadcast %max3A_491 : f32 to vector<16xf32>
      %max3A_493 = arith.maximumf %add3A_490, %max3A_492 : vector<16xf32>
      %add3A_494 = arith.addf %max3A_298, %max3A_305 : vector<16xf32>
      %add3A_495 = arith.addf %max3A_312, %max3A_319 : vector<16xf32>
      %add3A_496 = arith.addf %add3A_494, %add3A_495 : vector<16xf32>
      %max3A_497 = arith.constant 1.200000e-38 : f32
      %max3A_498 = vector.broadcast %max3A_497 : f32 to vector<16xf32>
      %max3A_499 = arith.maximumf %add3A_496, %max3A_498 : vector<16xf32>
      %add3A_500 = arith.addf %max3A_326, %max3A_333 : vector<16xf32>
      %add3A_501 = arith.addf %max3A_340, %max3A_347 : vector<16xf32>
      %add3A_502 = arith.addf %add3A_500, %add3A_501 : vector<16xf32>
      %max3A_503 = arith.constant 1.200000e-38 : f32
      %max3A_504 = vector.broadcast %max3A_503 : f32 to vector<16xf32>
      %max3A_505 = arith.maximumf %add3A_502, %max3A_504 : vector<16xf32>
      %add3A_506 = arith.addf %max3A_354, %max3A_361 : vector<16xf32>
      %add3A_507 = arith.addf %max3A_368, %max3A_375 : vector<16xf32>
      %add3A_508 = arith.addf %add3A_506, %add3A_507 : vector<16xf32>
      %max3A_509 = arith.constant 1.200000e-38 : f32
      %max3A_510 = vector.broadcast %max3A_509 : f32 to vector<16xf32>
      %max3A_511 = arith.maximumf %add3A_508, %max3A_510 : vector<16xf32>
      %add3A_512 = arith.addf %max3A_382, %max3A_389 : vector<16xf32>
      %add3A_513 = arith.addf %max3A_396, %max3A_403 : vector<16xf32>
      %add3A_514 = arith.addf %add3A_512, %add3A_513 : vector<16xf32>
      %max3A_515 = arith.constant 1.200000e-38 : f32
      %max3A_516 = vector.broadcast %max3A_515 : f32 to vector<16xf32>
      %max3A_517 = arith.maximumf %add3A_514, %max3A_516 : vector<16xf32>
      %add3A_518 = arith.addf %max3A_410, %max3A_417 : vector<16xf32>
      %add3A_519 = arith.addf %max3A_424, %max3A_431 : vector<16xf32>
      %add3A_520 = arith.addf %add3A_518, %add3A_519 : vector<16xf32>
      %max3A_521 = arith.constant 1.200000e-38 : f32
      %max3A_522 = vector.broadcast %max3A_521 : f32 to vector<16xf32>
      %max3A_523 = arith.maximumf %add3A_520, %max3A_522 : vector<16xf32>
      %add3A_524 = arith.addf %max3A_438, %max3A_445 : vector<16xf32>
      %add3A_525 = arith.addf %max3A_452, %max3A_459 : vector<16xf32>
      %add3A_526 = arith.addf %add3A_524, %add3A_525 : vector<16xf32>
      %max3A_527 = arith.constant 1.200000e-38 : f32
      %max3A_528 = vector.broadcast %max3A_527 : f32 to vector<16xf32>
      %max3A_529 = arith.maximumf %add3A_526, %max3A_528 : vector<16xf32>
      %add3A_530 = arith.addf %max3A_466, %max3A_473 : vector<16xf32>
      %add3A_531 = arith.addf %max3A_480, %max3A_487 : vector<16xf32>
      %add3A_532 = arith.addf %add3A_530, %add3A_531 : vector<16xf32>
      %max3A_533 = arith.constant 1.200000e-38 : f32
      %max3A_534 = vector.broadcast %max3A_533 : f32 to vector<16xf32>
      %max3A_535 = arith.maximumf %add3A_532, %max3A_534 : vector<16xf32>
      %mul3A_536 = arith.mulf %max3A_270, %max3A_270 : vector<16xf32>
      %mul3A_537 = arith.mulf %max3A_277, %max3A_277 : vector<16xf32>
      %add3A_538 = arith.addf %mul3A_536, %mul3A_537 : vector<16xf32>
      %mul3A_539 = arith.mulf %max3A_284, %max3A_284 : vector<16xf32>
      %mul3A_540 = arith.mulf %max3A_291, %max3A_291 : vector<16xf32>
      %add3A_541 = arith.addf %mul3A_539, %mul3A_540 : vector<16xf32>
      %add3A_542 = arith.addf %add3A_538, %add3A_541 : vector<16xf32>
      %mul3A_543 = arith.mulf %max3A_298, %max3A_298 : vector<16xf32>
      %mul3A_544 = arith.mulf %max3A_305, %max3A_305 : vector<16xf32>
      %add3A_545 = arith.addf %mul3A_543, %mul3A_544 : vector<16xf32>
      %mul3A_546 = arith.mulf %max3A_312, %max3A_312 : vector<16xf32>
      %mul3A_547 = arith.mulf %max3A_319, %max3A_319 : vector<16xf32>
      %add3A_548 = arith.addf %mul3A_546, %mul3A_547 : vector<16xf32>
      %add3A_549 = arith.addf %add3A_545, %add3A_548 : vector<16xf32>
      %mul3A_550 = arith.mulf %max3A_326, %max3A_326 : vector<16xf32>
      %mul3A_551 = arith.mulf %max3A_333, %max3A_333 : vector<16xf32>
      %add3A_552 = arith.addf %mul3A_550, %mul3A_551 : vector<16xf32>
      %mul3A_553 = arith.mulf %max3A_340, %max3A_340 : vector<16xf32>
      %mul3A_554 = arith.mulf %max3A_347, %max3A_347 : vector<16xf32>
      %add3A_555 = arith.addf %mul3A_553, %mul3A_554 : vector<16xf32>
      %add3A_556 = arith.addf %add3A_552, %add3A_555 : vector<16xf32>
      %mul3A_557 = arith.mulf %max3A_354, %max3A_354 : vector<16xf32>
      %mul3A_558 = arith.mulf %max3A_361, %max3A_361 : vector<16xf32>
      %add3A_559 = arith.addf %mul3A_557, %mul3A_558 : vector<16xf32>
      %mul3A_560 = arith.mulf %max3A_368, %max3A_368 : vector<16xf32>
      %mul3A_561 = arith.mulf %max3A_375, %max3A_375 : vector<16xf32>
      %add3A_562 = arith.addf %mul3A_560, %mul3A_561 : vector<16xf32>
      %add3A_563 = arith.addf %add3A_559, %add3A_562 : vector<16xf32>
      %mul3A_564 = arith.mulf %max3A_382, %max3A_382 : vector<16xf32>
      %mul3A_565 = arith.mulf %max3A_389, %max3A_389 : vector<16xf32>
      %add3A_566 = arith.addf %mul3A_564, %mul3A_565 : vector<16xf32>
      %mul3A_567 = arith.mulf %max3A_396, %max3A_396 : vector<16xf32>
      %mul3A_568 = arith.mulf %max3A_403, %max3A_403 : vector<16xf32>
      %add3A_569 = arith.addf %mul3A_567, %mul3A_568 : vector<16xf32>
      %add3A_570 = arith.addf %add3A_566, %add3A_569 : vector<16xf32>
      %mul3A_571 = arith.mulf %max3A_410, %max3A_410 : vector<16xf32>
      %mul3A_572 = arith.mulf %max3A_417, %max3A_417 : vector<16xf32>
      %add3A_573 = arith.addf %mul3A_571, %mul3A_572 : vector<16xf32>
      %mul3A_574 = arith.mulf %max3A_424, %max3A_424 : vector<16xf32>
      %mul3A_575 = arith.mulf %max3A_431, %max3A_431 : vector<16xf32>
      %add3A_576 = arith.addf %mul3A_574, %mul3A_575 : vector<16xf32>
      %add3A_577 = arith.addf %add3A_573, %add3A_576 : vector<16xf32>
      %mul3A_578 = arith.mulf %max3A_438, %max3A_438 : vector<16xf32>
      %mul3A_579 = arith.mulf %max3A_445, %max3A_445 : vector<16xf32>
      %add3A_580 = arith.addf %mul3A_578, %mul3A_579 : vector<16xf32>
      %mul3A_581 = arith.mulf %max3A_452, %max3A_452 : vector<16xf32>
      %mul3A_582 = arith.mulf %max3A_459, %max3A_459 : vector<16xf32>
      %add3A_583 = arith.addf %mul3A_581, %mul3A_582 : vector<16xf32>
      %add3A_584 = arith.addf %add3A_580, %add3A_583 : vector<16xf32>
      %mul3A_585 = arith.mulf %max3A_466, %max3A_466 : vector<16xf32>
      %mul3A_586 = arith.mulf %max3A_473, %max3A_473 : vector<16xf32>
      %add3A_587 = arith.addf %mul3A_585, %mul3A_586 : vector<16xf32>
      %mul3A_588 = arith.mulf %max3A_480, %max3A_480 : vector<16xf32>
      %mul3A_589 = arith.mulf %max3A_487, %max3A_487 : vector<16xf32>
      %add3A_590 = arith.addf %mul3A_588, %mul3A_589 : vector<16xf32>
      %add3A_591 = arith.addf %add3A_587, %add3A_590 : vector<16xf32>
      %div3A_592 = arith.divf %add3A_542, %max3A_493 : vector<16xf32>
      %swap3A = arith.index_cast %scan3A_217 : i32 to index
      %swap3A_593 = arith.constant 0 : index
      %swap3A_594 = tpu.vector_load %arg6[%swap3A, %swap3A_593] {strides = array<i32>} : memref<32x256xf32, #tpu.memory_space<vmem>>, vector<16xf32>,
      tpu.vector_store %arg6[%swap3A, %swap3A_593], %div3A_592 {strides = array<i32>} : memref<32x256xf32, #tpu.memory_space<vmem>>, vector<16xf32>,
      %div3A_595 = arith.divf %add3A_549, %max3A_499 : vector<16xf32>
      %swap3A_596 = arith.index_cast %scan3A_217 : i32 to index
      %swap3A_597 = arith.constant 16 : index
      %swap3A_598 = tpu.vector_load %arg6[%swap3A_596, %swap3A_597] {strides = array<i32>} : memref<32x256xf32, #tpu.memory_space<vmem>>, vector<16xf32>,
      tpu.vector_store %arg6[%swap3A_596, %swap3A_597], %div3A_595 {strides = array<i32>} : memref<32x256xf32, #tpu.memory_space<vmem>>, vector<16xf32>,
      %div3A_599 = arith.divf %add3A_556, %max3A_505 : vector<16xf32>
      %swap3A_600 = arith.index_cast %scan3A_217 : i32 to index
      %swap3A_601 = arith.constant 32 : index
      %swap3A_602 = tpu.vector_load %arg6[%swap3A_600, %swap3A_601] {strides = array<i32>} : memref<32x256xf32, #tpu.memory_space<vmem>>, vector<16xf32>,
      tpu.vector_store %arg6[%swap3A_600, %swap3A_601], %div3A_599 {strides = array<i32>} : memref<32x256xf32, #tpu.memory_space<vmem>>, vector<16xf32>,
      %div3A_603 = arith.divf %add3A_563, %max3A_511 : vector<16xf32>
      %swap3A_604 = arith.index_cast %scan3A_217 : i32 to index
      %swap3A_605 = arith.constant 48 : index
      %swap3A_606 = tpu.vector_load %arg6[%swap3A_604, %swap3A_605] {strides = array<i32>} : memref<32x256xf32, #tpu.memory_space<vmem>>, vector<16xf32>,
      tpu.vector_store %arg6[%swap3A_604, %swap3A_605], %div3A_603 {strides = array<i32>} : memref<32x256xf32, #tpu.memory_space<vmem>>, vector<16xf32>,
      %div3A_607 = arith.divf %add3A_570, %max3A_517 : vector<16xf32>
      %swap3A_608 = arith.index_cast %scan3A_217 : i32 to index
      %swap3A_609 = arith.constant 64 : index
      %swap3A_610 = tpu.vector_load %arg6[%swap3A_608, %swap3A_609] {strides = array<i32>} : memref<32x256xf32, #tpu.memory_space<vmem>>, vector<16xf32>,
      tpu.vector_store %arg6[%swap3A_608, %swap3A_609], %div3A_607 {strides = array<i32>} : memref<32x256xf32, #tpu.memory_space<vmem>>, vector<16xf32>,
      %div3A_611 = arith.divf %add3A_577, %max3A_523 : vector<16xf32>
      %swap3A_612 = arith.index_cast %scan3A_217 : i32 to index
      %swap3A_613 = arith.constant 80 : index
      %swap3A_614 = tpu.vector_load %arg6[%swap3A_612, %swap3A_613] {strides = array<i32>} : memref<32x256xf32, #tpu.memory_space<vmem>>, vector<16xf32>,
      tpu.vector_store %arg6[%swap3A_612, %swap3A_613], %div3A_611 {strides = array<i32>} : memref<32x256xf32, #tpu.memory_space<vmem>>, vector<16xf32>,
      %div3A_615 = arith.divf %add3A_584, %max3A_529 : vector<16xf32>
      %swap3A_616 = arith.index_cast %scan3A_217 : i32 to index
      %swap3A_617 = arith.constant 96 : index
      %swap3A_618 = tpu.vector_load %arg6[%swap3A_616, %swap3A_617] {strides = array<i32>} : memref<32x256xf32, #tpu.memory_space<vmem>>, vector<16xf32>,
      tpu.vector_store %arg6[%swap3A_616, %swap3A_617], %div3A_615 {strides = array<i32>} : memref<32x256xf32, #tpu.memory_space<vmem>>, vector<16xf32>,
      %div3A_619 = arith.divf %add3A_591, %max3A_535 : vector<16xf32>
      %swap3A_620 = arith.index_cast %scan3A_217 : i32 to index
      %swap3A_621 = arith.constant 112 : index
      %swap3A_622 = tpu.vector_load %arg6[%swap3A_620, %swap3A_621] {strides = array<i32>} : memref<32x256xf32, #tpu.memory_space<vmem>>, vector<16xf32>,
      tpu.vector_store %arg6[%swap3A_620, %swap3A_621], %div3A_619 {strides = array<i32>} : memref<32x256xf32, #tpu.memory_space<vmem>>, vector<16xf32>,
      %mul3A_623 = arith.constant 2 : i32
      %mul3A_624 = arith.muli %mul3A_623, %scan3A_217 : i32
      %mul3A_625 = arith.constant 2 : i32
      %mul3A_626 = arith.muli %mul3A_625, %scan3A_217 : i32
      %add3A_627 = arith.constant 1 : i32
      %add3A_628 = arith.addi %mul3A_626, %add3A_627 : i32
      %mul3A_629 = arith.constant 2 : i32
      %mul3A_630 = arith.muli %mul3A_629, %scan3A_217 : i32
      %mul3A_631 = arith.constant 2 : i32
      %mul3A_632 = arith.muli %mul3A_631, %scan3A_217 : i32
      %add3A_633 = arith.constant 1 : i32
      %add3A_634 = arith.addi %mul3A_632, %add3A_633 : i32
      %mul3A_635 = arith.constant 2 : i32
      %mul3A_636 = arith.muli %mul3A_635, %scan3A_217 : i32
      %mul3A_637 = arith.constant 2 : i32
      %mul3A_638 = arith.muli %mul3A_637, %scan3A_217 : i32
      %add3A_639 = arith.constant 1 : i32
      %add3A_640 = arith.addi %mul3A_638, %add3A_639 : i32
      %mul3A_641 = arith.constant 2 : i32
      %mul3A_642 = arith.muli %mul3A_641, %scan3A_217 : i32
      %mul3A_643 = arith.constant 2 : i32
      %mul3A_644 = arith.muli %mul3A_643, %scan3A_217 : i32
      %add3A_645 = arith.constant 1 : i32
      %add3A_646 = arith.addi %mul3A_644, %add3A_645 : i32
      %mul3A_647 = arith.constant 2 : i32
      %mul3A_648 = arith.muli %mul3A_647, %scan3A_217 : i32
      %mul3A_649 = arith.constant 2 : i32
      %mul3A_650 = arith.muli %mul3A_649, %scan3A_217 : i32
      %add3A_651 = arith.constant 1 : i32
      %add3A_652 = arith.addi %mul3A_650, %add3A_651 : i32
      %mul3A_653 = arith.constant 2 : i32
      %mul3A_654 = arith.muli %mul3A_653, %scan3A_217 : i32
      %mul3A_655 = arith.constant 2 : i32
      %mul3A_656 = arith.muli %mul3A_655, %scan3A_217 : i32
      %add3A_657 = arith.constant 1 : i32
      %add3A_658 = arith.addi %mul3A_656, %add3A_657 : i32
      %mul3A_659 = arith.constant 2 : i32
      %mul3A_660 = arith.muli %mul3A_659, %scan3A_217 : i32
      %mul3A_661 = arith.constant 2 : i32
      %mul3A_662 = arith.muli %mul3A_661, %scan3A_217 : i32
      %add3A_663 = arith.constant 1 : i32
      %add3A_664 = arith.addi %mul3A_662, %add3A_663 : i32
      %mul3A_665 = arith.constant 2 : i32
      %mul3A_666 = arith.muli %mul3A_665, %scan3A_217 : i32
      %mul3A_667 = arith.constant 2 : i32
      %mul3A_668 = arith.muli %mul3A_667, %scan3A_217 : i32
      %add3A_669 = arith.constant 1 : i32
      %add3A_670 = arith.addi %mul3A_668, %add3A_669 : i32
      %gather3A_671 = arith.constant 256 : i32
      %gather3A_672 = tpu.memref_slice %arg4[%mul3A_624, %gather3A_671] : memref<64x512xf32, #tpu.memory_space<vmem>> -> memref<1x32xf32, #tpu.memory_space<vmem>>
      %gather3A_673 = tpu.memref_squeeze %gather3A_672 : memref<1x32xf32, #tpu.memory_space<vmem>> -> memref<32xf32, #tpu.memory_space<vmem>>
      %gather3A_674 = tpu.vector_load_idx %gather3A_673[%mul3A_3] : memref<32xf32, #tpu.memory_space<vmem>>[vector<16xi32>], vector<16xf32>,
      %max3A_675 = arith.constant 0.000000e+00 : f32
      %max3A_676 = vector.broadcast %max3A_675 : f32 to vector<16xf32>
      %max3A_677 = arith.maximumf %gather3A_674, %max3A_676 : vector<16xf32>
      %gather3A_678 = arith.constant 256 : i32
      %gather3A_679 = tpu.memref_slice %arg4[%mul3A_624, %gather3A_678] : memref<64x512xf32, #tpu.memory_space<vmem>> -> memref<1x32xf32, #tpu.memory_space<vmem>>
      %gather3A_680 = tpu.memref_squeeze %gather3A_679 : memref<1x32xf32, #tpu.memory_space<vmem>> -> memref<32xf32, #tpu.memory_space<vmem>>
      %gather3A_681 = tpu.vector_load_idx %gather3A_680[%add3A_129] : memref<32xf32, #tpu.memory_space<vmem>>[vector<16xi32>], vector<16xf32>,
      %max3A_682 = arith.constant 0.000000e+00 : f32
      %max3A_683 = vector.broadcast %max3A_682 : f32 to vector<16xf32>
      %max3A_684 = arith.maximumf %gather3A_681, %max3A_683 : vector<16xf32>
      %gather3A_685 = arith.constant 256 : i32
      %gather3A_686 = tpu.memref_slice %arg4[%add3A_628, %gather3A_685] : memref<64x512xf32, #tpu.memory_space<vmem>> -> memref<1x32xf32, #tpu.memory_space<vmem>>
      %gather3A_687 = tpu.memref_squeeze %gather3A_686 : memref<1x32xf32, #tpu.memory_space<vmem>> -> memref<32xf32, #tpu.memory_space<vmem>>
      %gather3A_688 = tpu.vector_load_idx %gather3A_687[%mul3A_3] : memref<32xf32, #tpu.memory_space<vmem>>[vector<16xi32>], vector<16xf32>,
      %max3A_689 = arith.constant 0.000000e+00 : f32
      %max3A_690 = vector.broadcast %max3A_689 : f32 to vector<16xf32>
      %max3A_691 = arith.maximumf %gather3A_688, %max3A_690 : vector<16xf32>
      %gather3A_692 = arith.constant 256 : i32
      %gather3A_693 = tpu.memref_slice %arg4[%add3A_628, %gather3A_692] : memref<64x512xf32, #tpu.memory_space<vmem>> -> memref<1x32xf32, #tpu.memory_space<vmem>>
      %gather3A_694 = tpu.memref_squeeze %gather3A_693 : memref<1x32xf32, #tpu.memory_space<vmem>> -> memref<32xf32, #tpu.memory_space<vmem>>
      %gather3A_695 = tpu.vector_load_idx %gather3A_694[%add3A_129] : memref<32xf32, #tpu.memory_space<vmem>>[vector<16xi32>], vector<16xf32>,
      %max3A_696 = arith.constant 0.000000e+00 : f32
      %max3A_697 = vector.broadcast %max3A_696 : f32 to vector<16xf32>
      %max3A_698 = arith.maximumf %gather3A_695, %max3A_697 : vector<16xf32>
      %gather3A_699 = arith.constant 288 : i32
      %gather3A_700 = tpu.memref_slice %arg4[%mul3A_630, %gather3A_699] : memref<64x512xf32, #tpu.memory_space<vmem>> -> memref<1x32xf32, #tpu.memory_space<vmem>>
      %gather3A_701 = tpu.memref_squeeze %gather3A_700 : memref<1x32xf32, #tpu.memory_space<vmem>> -> memref<32xf32, #tpu.memory_space<vmem>>
      %gather3A_702 = tpu.vector_load_idx %gather3A_701[%mul3A_3] : memref<32xf32, #tpu.memory_space<vmem>>[vector<16xi32>], vector<16xf32>,
      %max3A_703 = arith.constant 0.000000e+00 : f32
      %max3A_704 = vector.broadcast %max3A_703 : f32 to vector<16xf32>
      %max3A_705 = arith.maximumf %gather3A_702, %max3A_704 : vector<16xf32>
      %gather3A_706 = arith.constant 288 : i32
      %gather3A_707 = tpu.memref_slice %arg4[%mul3A_630, %gather3A_706] : memref<64x512xf32, #tpu.memory_space<vmem>> -> memref<1x32xf32, #tpu.memory_space<vmem>>
      %gather3A_708 = tpu.memref_squeeze %gather3A_707 : memref<1x32xf32, #tpu.memory_space<vmem>> -> memref<32xf32, #tpu.memory_space<vmem>>
      %gather3A_709 = tpu.vector_load_idx %gather3A_708[%add3A_129] : memref<32xf32, #tpu.memory_space<vmem>>[vector<16xi32>], vector<16xf32>,
      %max3A_710 = arith.constant 0.000000e+00 : f32
      %max3A_711 = vector.broadcast %max3A_710 : f32 to vector<16xf32>
      %max3A_712 = arith.maximumf %gather3A_709, %max3A_711 : vector<16xf32>
      %gather3A_713 = arith.constant 288 : i32
      %gather3A_714 = tpu.memref_slice %arg4[%add3A_634, %gather3A_713] : memref<64x512xf32, #tpu.memory_space<vmem>> -> memref<1x32xf32, #tpu.memory_space<vmem>>
      %gather3A_715 = tpu.memref_squeeze %gather3A_714 : memref<1x32xf32, #tpu.memory_space<vmem>> -> memref<32xf32, #tpu.memory_space<vmem>>
      %gather3A_716 = tpu.vector_load_idx %gather3A_715[%mul3A_3] : memref<32xf32, #tpu.memory_space<vmem>>[vector<16xi32>], vector<16xf32>,
      %max3A_717 = arith.constant 0.000000e+00 : f32
      %max3A_718 = vector.broadcast %max3A_717 : f32 to vector<16xf32>
      %max3A_719 = arith.maximumf %gather3A_716, %max3A_718 : vector<16xf32>
      %gather3A_720 = arith.constant 288 : i32
      %gather3A_721 = tpu.memref_slice %arg4[%add3A_634, %gather3A_720] : memref<64x512xf32, #tpu.memory_space<vmem>> -> memref<1x32xf32, #tpu.memory_space<vmem>>
      %gather3A_722 = tpu.memref_squeeze %gather3A_721 : memref<1x32xf32, #tpu.memory_space<vmem>> -> memref<32xf32, #tpu.memory_space<vmem>>
      %gather3A_723 = tpu.vector_load_idx %gather3A_722[%add3A_129] : memref<32xf32, #tpu.memory_space<vmem>>[vector<16xi32>], vector<16xf32>,
      %max3A_724 = arith.constant 0.000000e+00 : f32
      %max3A_725 = vector.broadcast %max3A_724 : f32 to vector<16xf32>
      %max3A_726 = arith.maximumf %gather3A_723, %max3A_725 : vector<16xf32>
      %gather3A_727 = arith.constant 320 : i32
      %gather3A_728 = tpu.memref_slice %arg4[%mul3A_636, %gather3A_727] : memref<64x512xf32, #tpu.memory_space<vmem>> -> memref<1x32xf32, #tpu.memory_space<vmem>>
      %gather3A_729 = tpu.memref_squeeze %gather3A_728 : memref<1x32xf32, #tpu.memory_space<vmem>> -> memref<32xf32, #tpu.memory_space<vmem>>
      %gather3A_730 = tpu.vector_load_idx %gather3A_729[%mul3A_3] : memref<32xf32, #tpu.memory_space<vmem>>[vector<16xi32>], vector<16xf32>,
      %max3A_731 = arith.constant 0.000000e+00 : f32
      %max3A_732 = vector.broadcast %max3A_731 : f32 to vector<16xf32>
      %max3A_733 = arith.maximumf %gather3A_730, %max3A_732 : vector<16xf32>
      %gather3A_734 = arith.constant 320 : i32
      %gather3A_735 = tpu.memref_slice %arg4[%mul3A_636, %gather3A_734] : memref<64x512xf32, #tpu.memory_space<vmem>> -> memref<1x32xf32, #tpu.memory_space<vmem>>
      %gather3A_736 = tpu.memref_squeeze %gather3A_735 : memref<1x32xf32, #tpu.memory_space<vmem>> -> memref<32xf32, #tpu.memory_space<vmem>>
      %gather3A_737 = tpu.vector_load_idx %gather3A_736[%add3A_129] : memref<32xf32, #tpu.memory_space<vmem>>[vector<16xi32>], vector<16xf32>,
      %max3A_738 = arith.constant 0.000000e+00 : f32
      %max3A_739 = vector.broadcast %max3A_738 : f32 to vector<16xf32>
      %max3A_740 = arith.maximumf %gather3A_737, %max3A_739 : vector<16xf32>
      %gather3A_741 = arith.constant 320 : i32
      %gather3A_742 = tpu.memref_slice %arg4[%add3A_640, %gather3A_741] : memref<64x512xf32, #tpu.memory_space<vmem>> -> memref<1x32xf32, #tpu.memory_space<vmem>>
      %gather3A_743 = tpu.memref_squeeze %gather3A_742 : memref<1x32xf32, #tpu.memory_space<vmem>> -> memref<32xf32, #tpu.memory_space<vmem>>
      %gather3A_744 = tpu.vector_load_idx %gather3A_743[%mul3A_3] : memref<32xf32, #tpu.memory_space<vmem>>[vector<16xi32>], vector<16xf32>,
      %max3A_745 = arith.constant 0.000000e+00 : f32
      %max3A_746 = vector.broadcast %max3A_745 : f32 to vector<16xf32>
      %max3A_747 = arith.maximumf %gather3A_744, %max3A_746 : vector<16xf32>
      %gather3A_748 = arith.constant 320 : i32
      %gather3A_749 = tpu.memref_slice %arg4[%add3A_640, %gather3A_748] : memref<64x512xf32, #tpu.memory_space<vmem>> -> memref<1x32xf32, #tpu.memory_space<vmem>>
      %gather3A_750 = tpu.memref_squeeze %gather3A_749 : memref<1x32xf32, #tpu.memory_space<vmem>> -> memref<32xf32, #tpu.memory_space<vmem>>
      %gather3A_751 = tpu.vector_load_idx %gather3A_750[%add3A_129] : memref<32xf32, #tpu.memory_space<vmem>>[vector<16xi32>], vector<16xf32>,
      %max3A_752 = arith.constant 0.000000e+00 : f32
      %max3A_753 = vector.broadcast %max3A_752 : f32 to vector<16xf32>
      %max3A_754 = arith.maximumf %gather3A_751, %max3A_753 : vector<16xf32>
      %gather3A_755 = arith.constant 352 : i32
      %gather3A_756 = tpu.memref_slice %arg4[%mul3A_642, %gather3A_755] : memref<64x512xf32, #tpu.memory_space<vmem>> -> memref<1x32xf32, #tpu.memory_space<vmem>>
      %gather3A_757 = tpu.memref_squeeze %gather3A_756 : memref<1x32xf32, #tpu.memory_space<vmem>> -> memref<32xf32, #tpu.memory_space<vmem>>
      %gather3A_758 = tpu.vector_load_idx %gather3A_757[%mul3A_3] : memref<32xf32, #tpu.memory_space<vmem>>[vector<16xi32>], vector<16xf32>,
      %max3A_759 = arith.constant 0.000000e+00 : f32
      %max3A_760 = vector.broadcast %max3A_759 : f32 to vector<16xf32>
      %max3A_761 = arith.maximumf %gather3A_758, %max3A_760 : vector<16xf32>
      %gather3A_762 = arith.constant 352 : i32
      %gather3A_763 = tpu.memref_slice %arg4[%mul3A_642, %gather3A_762] : memref<64x512xf32, #tpu.memory_space<vmem>> -> memref<1x32xf32, #tpu.memory_space<vmem>>
      %gather3A_764 = tpu.memref_squeeze %gather3A_763 : memref<1x32xf32, #tpu.memory_space<vmem>> -> memref<32xf32, #tpu.memory_space<vmem>>
      %gather3A_765 = tpu.vector_load_idx %gather3A_764[%add3A_129] : memref<32xf32, #tpu.memory_space<vmem>>[vector<16xi32>], vector<16xf32>,
      %max3A_766 = arith.constant 0.000000e+00 : f32
      %max3A_767 = vector.broadcast %max3A_766 : f32 to vector<16xf32>
      %max3A_768 = arith.maximumf %gather3A_765, %max3A_767 : vector<16xf32>
      %gather3A_769 = arith.constant 352 : i32
      %gather3A_770 = tpu.memref_slice %arg4[%add3A_646, %gather3A_769] : memref<64x512xf32, #tpu.memory_space<vmem>> -> memref<1x32xf32, #tpu.memory_space<vmem>>
      %gather3A_771 = tpu.memref_squeeze %gather3A_770 : memref<1x32xf32, #tpu.memory_space<vmem>> -> memref<32xf32, #tpu.memory_space<vmem>>
      %gather3A_772 = tpu.vector_load_idx %gather3A_771[%mul3A_3] : memref<32xf32, #tpu.memory_space<vmem>>[vector<16xi32>], vector<16xf32>,
      %max3A_773 = arith.constant 0.000000e+00 : f32
      %max3A_774 = vector.broadcast %max3A_773 : f32 to vector<16xf32>
      %max3A_775 = arith.maximumf %gather3A_772, %max3A_774 : vector<16xf32>
      %gather3A_776 = arith.constant 352 : i32
      %gather3A_777 = tpu.memref_slice %arg4[%add3A_646, %gather3A_776] : memref<64x512xf32, #tpu.memory_space<vmem>> -> memref<1x32xf32, #tpu.memory_space<vmem>>
      %gather3A_778 = tpu.memref_squeeze %gather3A_777 : memref<1x32xf32, #tpu.memory_space<vmem>> -> memref<32xf32, #tpu.memory_space<vmem>>
      %gather3A_779 = tpu.vector_load_idx %gather3A_778[%add3A_129] : memref<32xf32, #tpu.memory_space<vmem>>[vector<16xi32>], vector<16xf32>,
      %max3A_780 = arith.constant 0.000000e+00 : f32
      %max3A_781 = vector.broadcast %max3A_780 : f32 to vector<16xf32>
      %max3A_782 = arith.maximumf %gather3A_779, %max3A_781 : vector<16xf32>
      %gather3A_783 = arith.constant 384 : i32
      %gather3A_784 = tpu.memref_slice %arg4[%mul3A_648, %gather3A_783] : memref<64x512xf32, #tpu.memory_space<vmem>> -> memref<1x32xf32, #tpu.memory_space<vmem>>
      %gather3A_785 = tpu.memref_squeeze %gather3A_784 : memref<1x32xf32, #tpu.memory_space<vmem>> -> memref<32xf32, #tpu.memory_space<vmem>>
      %gather3A_786 = tpu.vector_load_idx %gather3A_785[%mul3A_3] : memref<32xf32, #tpu.memory_space<vmem>>[vector<16xi32>], vector<16xf32>,
      %max3A_787 = arith.constant 0.000000e+00 : f32
      %max3A_788 = vector.broadcast %max3A_787 : f32 to vector<16xf32>
      %max3A_789 = arith.maximumf %gather3A_786, %max3A_788 : vector<16xf32>
      %gather3A_790 = arith.constant 384 : i32
      %gather3A_791 = tpu.memref_slice %arg4[%mul3A_648, %gather3A_790] : memref<64x512xf32, #tpu.memory_space<vmem>> -> memref<1x32xf32, #tpu.memory_space<vmem>>
      %gather3A_792 = tpu.memref_squeeze %gather3A_791 : memref<1x32xf32, #tpu.memory_space<vmem>> -> memref<32xf32, #tpu.memory_space<vmem>>
      %gather3A_793 = tpu.vector_load_idx %gather3A_792[%add3A_129] : memref<32xf32, #tpu.memory_space<vmem>>[vector<16xi32>], vector<16xf32>,
      %max3A_794 = arith.constant 0.000000e+00 : f32
      %max3A_795 = vector.broadcast %max3A_794 : f32 to vector<16xf32>
      %max3A_796 = arith.maximumf %gather3A_793, %max3A_795 : vector<16xf32>
      %gather3A_797 = arith.constant 384 : i32
      %gather3A_798 = tpu.memref_slice %arg4[%add3A_652, %gather3A_797] : memref<64x512xf32, #tpu.memory_space<vmem>> -> memref<1x32xf32, #tpu.memory_space<vmem>>
      %gather3A_799 = tpu.memref_squeeze %gather3A_798 : memref<1x32xf32, #tpu.memory_space<vmem>> -> memref<32xf32, #tpu.memory_space<vmem>>
      %gather3A_800 = tpu.vector_load_idx %gather3A_799[%mul3A_3] : memref<32xf32, #tpu.memory_space<vmem>>[vector<16xi32>], vector<16xf32>,
      %max3A_801 = arith.constant 0.000000e+00 : f32
      %max3A_802 = vector.broadcast %max3A_801 : f32 to vector<16xf32>
      %max3A_803 = arith.maximumf %gather3A_800, %max3A_802 : vector<16xf32>
      %gather3A_804 = arith.constant 384 : i32
      %gather3A_805 = tpu.memref_slice %arg4[%add3A_652, %gather3A_804] : memref<64x512xf32, #tpu.memory_space<vmem>> -> memref<1x32xf32, #tpu.memory_space<vmem>>
      %gather3A_806 = tpu.memref_squeeze %gather3A_805 : memref<1x32xf32, #tpu.memory_space<vmem>> -> memref<32xf32, #tpu.memory_space<vmem>>
      %gather3A_807 = tpu.vector_load_idx %gather3A_806[%add3A_129] : memref<32xf32, #tpu.memory_space<vmem>>[vector<16xi32>], vector<16xf32>,
      %max3A_808 = arith.constant 0.000000e+00 : f32
      %max3A_809 = vector.broadcast %max3A_808 : f32 to vector<16xf32>
      %max3A_810 = arith.maximumf %gather3A_807, %max3A_809 : vector<16xf32>
      %gather3A_811 = arith.constant 416 : i32
      %gather3A_812 = tpu.memref_slice %arg4[%mul3A_654, %gather3A_811] : memref<64x512xf32, #tpu.memory_space<vmem>> -> memref<1x32xf32, #tpu.memory_space<vmem>>
      %gather3A_813 = tpu.memref_squeeze %gather3A_812 : memref<1x32xf32, #tpu.memory_space<vmem>> -> memref<32xf32, #tpu.memory_space<vmem>>
      %gather3A_814 = tpu.vector_load_idx %gather3A_813[%mul3A_3] : memref<32xf32, #tpu.memory_space<vmem>>[vector<16xi32>], vector<16xf32>,
      %max3A_815 = arith.constant 0.000000e+00 : f32
      %max3A_816 = vector.broadcast %max3A_815 : f32 to vector<16xf32>
      %max3A_817 = arith.maximumf %gather3A_814, %max3A_816 : vector<16xf32>
      %gather3A_818 = arith.constant 416 : i32
      %gather3A_819 = tpu.memref_slice %arg4[%mul3A_654, %gather3A_818] : memref<64x512xf32, #tpu.memory_space<vmem>> -> memref<1x32xf32, #tpu.memory_space<vmem>>
      %gather3A_820 = tpu.memref_squeeze %gather3A_819 : memref<1x32xf32, #tpu.memory_space<vmem>> -> memref<32xf32, #tpu.memory_space<vmem>>
      %gather3A_821 = tpu.vector_load_idx %gather3A_820[%add3A_129] : memref<32xf32, #tpu.memory_space<vmem>>[vector<16xi32>], vector<16xf32>,
      %max3A_822 = arith.constant 0.000000e+00 : f32
      %max3A_823 = vector.broadcast %max3A_822 : f32 to vector<16xf32>
      %max3A_824 = arith.maximumf %gather3A_821, %max3A_823 : vector<16xf32>
      %gather3A_825 = arith.constant 416 : i32
      %gather3A_826 = tpu.memref_slice %arg4[%add3A_658, %gather3A_825] : memref<64x512xf32, #tpu.memory_space<vmem>> -> memref<1x32xf32, #tpu.memory_space<vmem>>
      %gather3A_827 = tpu.memref_squeeze %gather3A_826 : memref<1x32xf32, #tpu.memory_space<vmem>> -> memref<32xf32, #tpu.memory_space<vmem>>
      %gather3A_828 = tpu.vector_load_idx %gather3A_827[%mul3A_3] : memref<32xf32, #tpu.memory_space<vmem>>[vector<16xi32>], vector<16xf32>,
      %max3A_829 = arith.constant 0.000000e+00 : f32
      %max3A_830 = vector.broadcast %max3A_829 : f32 to vector<16xf32>
      %max3A_831 = arith.maximumf %gather3A_828, %max3A_830 : vector<16xf32>
      %gather3A_832 = arith.constant 416 : i32
      %gather3A_833 = tpu.memref_slice %arg4[%add3A_658, %gather3A_832] : memref<64x512xf32, #tpu.memory_space<vmem>> -> memref<1x32xf32, #tpu.memory_space<vmem>>
      %gather3A_834 = tpu.memref_squeeze %gather3A_833 : memref<1x32xf32, #tpu.memory_space<vmem>> -> memref<32xf32, #tpu.memory_space<vmem>>
      %gather3A_835 = tpu.vector_load_idx %gather3A_834[%add3A_129] : memref<32xf32, #tpu.memory_space<vmem>>[vector<16xi32>], vector<16xf32>,
      %max3A_836 = arith.constant 0.000000e+00 : f32
      %max3A_837 = vector.broadcast %max3A_836 : f32 to vector<16xf32>
      %max3A_838 = arith.maximumf %gather3A_835, %max3A_837 : vector<16xf32>
      %gather3A_839 = arith.constant 448 : i32
      %gather3A_840 = tpu.memref_slice %arg4[%mul3A_660, %gather3A_839] : memref<64x512xf32, #tpu.memory_space<vmem>> -> memref<1x32xf32, #tpu.memory_space<vmem>>
      %gather3A_841 = tpu.memref_squeeze %gather3A_840 : memref<1x32xf32, #tpu.memory_space<vmem>> -> memref<32xf32, #tpu.memory_space<vmem>>
      %gather3A_842 = tpu.vector_load_idx %gather3A_841[%mul3A_3] : memref<32xf32, #tpu.memory_space<vmem>>[vector<16xi32>], vector<16xf32>,
      %max3A_843 = arith.constant 0.000000e+00 : f32
      %max3A_844 = vector.broadcast %max3A_843 : f32 to vector<16xf32>
      %max3A_845 = arith.maximumf %gather3A_842, %max3A_844 : vector<16xf32>
      %gather3A_846 = arith.constant 448 : i32
      %gather3A_847 = tpu.memref_slice %arg4[%mul3A_660, %gather3A_846] : memref<64x512xf32, #tpu.memory_space<vmem>> -> memref<1x32xf32, #tpu.memory_space<vmem>>
      %gather3A_848 = tpu.memref_squeeze %gather3A_847 : memref<1x32xf32, #tpu.memory_space<vmem>> -> memref<32xf32, #tpu.memory_space<vmem>>
      %gather3A_849 = tpu.vector_load_idx %gather3A_848[%add3A_129] : memref<32xf32, #tpu.memory_space<vmem>>[vector<16xi32>], vector<16xf32>,
      %max3A_850 = arith.constant 0.000000e+00 : f32
      %max3A_851 = vector.broadcast %max3A_850 : f32 to vector<16xf32>
      %max3A_852 = arith.maximumf %gather3A_849, %max3A_851 : vector<16xf32>
      %gather3A_853 = arith.constant 448 : i32
      %gather3A_854 = tpu.memref_slice %arg4[%add3A_664, %gather3A_853] : memref<64x512xf32, #tpu.memory_space<vmem>> -> memref<1x32xf32, #tpu.memory_space<vmem>>
      %gather3A_855 = tpu.memref_squeeze %gather3A_854 : memref<1x32xf32, #tpu.memory_space<vmem>> -> memref<32xf32, #tpu.memory_space<vmem>>
      %gather3A_856 = tpu.vector_load_idx %gather3A_855[%mul3A_3] : memref<32xf32, #tpu.memory_space<vmem>>[vector<16xi32>], vector<16xf32>,
      %max3A_857 = arith.constant 0.000000e+00 : f32
      %max3A_858 = vector.broadcast %max3A_857 : f32 to vector<16xf32>
      %max3A_859 = arith.maximumf %gather3A_856, %max3A_858 : vector<16xf32>
      %gather3A_860 = arith.constant 448 : i32
      %gather3A_861 = tpu.memref_slice %arg4[%add3A_664, %gather3A_860] : memref<64x512xf32, #tpu.memory_space<vmem>> -> memref<1x32xf32, #tpu.memory_space<vmem>>
      %gather3A_862 = tpu.memref_squeeze %gather3A_861 : memref<1x32xf32, #tpu.memory_space<vmem>> -> memref<32xf32, #tpu.memory_space<vmem>>
      %gather3A_863 = tpu.vector_load_idx %gather3A_862[%add3A_129] : memref<32xf32, #tpu.memory_space<vmem>>[vector<16xi32>], vector<16xf32>,
      %max3A_864 = arith.constant 0.000000e+00 : f32
      %max3A_865 = vector.broadcast %max3A_864 : f32 to vector<16xf32>
      %max3A_866 = arith.maximumf %gather3A_863, %max3A_865 : vector<16xf32>
      %gather3A_867 = arith.constant 480 : i32
      %gather3A_868 = tpu.memref_slice %arg4[%mul3A_666, %gather3A_867] : memref<64x512xf32, #tpu.memory_space<vmem>> -> memref<1x32xf32, #tpu.memory_space<vmem>>
      %gather3A_869 = tpu.memref_squeeze %gather3A_868 : memref<1x32xf32, #tpu.memory_space<vmem>> -> memref<32xf32, #tpu.memory_space<vmem>>
      %gather3A_870 = tpu.vector_load_idx %gather3A_869[%mul3A_3] : memref<32xf32, #tpu.memory_space<vmem>>[vector<16xi32>], vector<16xf32>,
      %max3A_871 = arith.constant 0.000000e+00 : f32
      %max3A_872 = vector.broadcast %max3A_871 : f32 to vector<16xf32>
      %max3A_873 = arith.maximumf %gather3A_870, %max3A_872 : vector<16xf32>
      %gather3A_874 = arith.constant 480 : i32
      %gather3A_875 = tpu.memref_slice %arg4[%mul3A_666, %gather3A_874] : memref<64x512xf32, #tpu.memory_space<vmem>> -> memref<1x32xf32, #tpu.memory_space<vmem>>
      %gather3A_876 = tpu.memref_squeeze %gather3A_875 : memref<1x32xf32, #tpu.memory_space<vmem>> -> memref<32xf32, #tpu.memory_space<vmem>>
      %gather3A_877 = tpu.vector_load_idx %gather3A_876[%add3A_129] : memref<32xf32, #tpu.memory_space<vmem>>[vector<16xi32>], vector<16xf32>,
      %max3A_878 = arith.constant 0.000000e+00 : f32
      %max3A_879 = vector.broadcast %max3A_878 : f32 to vector<16xf32>
      %max3A_880 = arith.maximumf %gather3A_877, %max3A_879 : vector<16xf32>
      %gather3A_881 = arith.constant 480 : i32
      %gather3A_882 = tpu.memref_slice %arg4[%add3A_670, %gather3A_881] : memref<64x512xf32, #tpu.memory_space<vmem>> -> memref<1x32xf32, #tpu.memory_space<vmem>>
      %gather3A_883 = tpu.memref_squeeze %gather3A_882 : memref<1x32xf32, #tpu.memory_space<vmem>> -> memref<32xf32, #tpu.memory_space<vmem>>
      %gather3A_884 = tpu.vector_load_idx %gather3A_883[%mul3A_3] : memref<32xf32, #tpu.memory_space<vmem>>[vector<16xi32>], vector<16xf32>,
      %max3A_885 = arith.constant 0.000000e+00 : f32
      %max3A_886 = vector.broadcast %max3A_885 : f32 to vector<16xf32>
      %max3A_887 = arith.maximumf %gather3A_884, %max3A_886 : vector<16xf32>
      %gather3A_888 = arith.constant 480 : i32
      %gather3A_889 = tpu.memref_slice %arg4[%add3A_670, %gather3A_888] : memref<64x512xf32, #tpu.memory_space<vmem>> -> memref<1x32xf32, #tpu.memory_space<vmem>>
      %gather3A_890 = tpu.memref_squeeze %gather3A_889 : memref<1x32xf32, #tpu.memory_space<vmem>> -> memref<32xf32, #tpu.memory_space<vmem>>
      %gather3A_891 = tpu.vector_load_idx %gather3A_890[%add3A_129] : memref<32xf32, #tpu.memory_space<vmem>>[vector<16xi32>], vector<16xf32>,
      %max3A_892 = arith.constant 0.000000e+00 : f32
      %max3A_893 = vector.broadcast %max3A_892 : f32 to vector<16xf32>
      %max3A_894 = arith.maximumf %gather3A_891, %max3A_893 : vector<16xf32>
      %add3A_895 = arith.addf %max3A_677, %max3A_684 : vector<16xf32>
      %add3A_896 = arith.addf %max3A_691, %max3A_698 : vector<16xf32>
      %add3A_897 = arith.addf %add3A_895, %add3A_896 : vector<16xf32>
      %max3A_898 = arith.constant 1.200000e-38 : f32
      %max3A_899 = vector.broadcast %max3A_898 : f32 to vector<16xf32>
      %max3A_900 = arith.maximumf %add3A_897, %max3A_899 : vector<16xf32>
      %add3A_901 = arith.addf %max3A_705, %max3A_712 : vector<16xf32>
      %add3A_902 = arith.addf %max3A_719, %max3A_726 : vector<16xf32>
      %add3A_903 = arith.addf %add3A_901, %add3A_902 : vector<16xf32>
      %max3A_904 = arith.constant 1.200000e-38 : f32
      %max3A_905 = vector.broadcast %max3A_904 : f32 to vector<16xf32>
      %max3A_906 = arith.maximumf %add3A_903, %max3A_905 : vector<16xf32>
      %add3A_907 = arith.addf %max3A_733, %max3A_740 : vector<16xf32>
      %add3A_908 = arith.addf %max3A_747, %max3A_754 : vector<16xf32>
      %add3A_909 = arith.addf %add3A_907, %add3A_908 : vector<16xf32>
      %max3A_910 = arith.constant 1.200000e-38 : f32
      %max3A_911 = vector.broadcast %max3A_910 : f32 to vector<16xf32>
      %max3A_912 = arith.maximumf %add3A_909, %max3A_911 : vector<16xf32>
      %add3A_913 = arith.addf %max3A_761, %max3A_768 : vector<16xf32>
      %add3A_914 = arith.addf %max3A_775, %max3A_782 : vector<16xf32>
      %add3A_915 = arith.addf %add3A_913, %add3A_914 : vector<16xf32>
      %max3A_916 = arith.constant 1.200000e-38 : f32
      %max3A_917 = vector.broadcast %max3A_916 : f32 to vector<16xf32>
      %max3A_918 = arith.maximumf %add3A_915, %max3A_917 : vector<16xf32>
      %add3A_919 = arith.addf %max3A_789, %max3A_796 : vector<16xf32>
      %add3A_920 = arith.addf %max3A_803, %max3A_810 : vector<16xf32>
      %add3A_921 = arith.addf %add3A_919, %add3A_920 : vector<16xf32>
      %max3A_922 = arith.constant 1.200000e-38 : f32
      %max3A_923 = vector.broadcast %max3A_922 : f32 to vector<16xf32>
      %max3A_924 = arith.maximumf %add3A_921, %max3A_923 : vector<16xf32>
      %add3A_925 = arith.addf %max3A_817, %max3A_824 : vector<16xf32>
      %add3A_926 = arith.addf %max3A_831, %max3A_838 : vector<16xf32>
      %add3A_927 = arith.addf %add3A_925, %add3A_926 : vector<16xf32>
      %max3A_928 = arith.constant 1.200000e-38 : f32
      %max3A_929 = vector.broadcast %max3A_928 : f32 to vector<16xf32>
      %max3A_930 = arith.maximumf %add3A_927, %max3A_929 : vector<16xf32>
      %add3A_931 = arith.addf %max3A_845, %max3A_852 : vector<16xf32>
      %add3A_932 = arith.addf %max3A_859, %max3A_866 : vector<16xf32>
      %add3A_933 = arith.addf %add3A_931, %add3A_932 : vector<16xf32>
      %max3A_934 = arith.constant 1.200000e-38 : f32
      %max3A_935 = vector.broadcast %max3A_934 : f32 to vector<16xf32>
      %max3A_936 = arith.maximumf %add3A_933, %max3A_935 : vector<16xf32>
      %add3A_937 = arith.addf %max3A_873, %max3A_880 : vector<16xf32>
      %add3A_938 = arith.addf %max3A_887, %max3A_894 : vector<16xf32>
      %add3A_939 = arith.addf %add3A_937, %add3A_938 : vector<16xf32>
      %max3A_940 = arith.constant 1.200000e-38 : f32
      %max3A_941 = vector.broadcast %max3A_940 : f32 to vector<16xf32>
      %max3A_942 = arith.maximumf %add3A_939, %max3A_941 : vector<16xf32>
      %mul3A_943 = arith.mulf %max3A_677, %max3A_677 : vector<16xf32>
      %mul3A_944 = arith.mulf %max3A_684, %max3A_684 : vector<16xf32>
      %add3A_945 = arith.addf %mul3A_943, %mul3A_944 : vector<16xf32>
      %mul3A_946 = arith.mulf %max3A_691, %max3A_691 : vector<16xf32>
      %mul3A_947 = arith.mulf %max3A_698, %max3A_698 : vector<16xf32>
      %add3A_948 = arith.addf %mul3A_946, %mul3A_947 : vector<16xf32>
      %add3A_949 = arith.addf %add3A_945, %add3A_948 : vector<16xf32>
      %mul3A_950 = arith.mulf %max3A_705, %max3A_705 : vector<16xf32>
      %mul3A_951 = arith.mulf %max3A_712, %max3A_712 : vector<16xf32>
      %add3A_952 = arith.addf %mul3A_950, %mul3A_951 : vector<16xf32>
      %mul3A_953 = arith.mulf %max3A_719, %max3A_719 : vector<16xf32>
      %mul3A_954 = arith.mulf %max3A_726, %max3A_726 : vector<16xf32>
      %add3A_955 = arith.addf %mul3A_953, %mul3A_954 : vector<16xf32>
      %add3A_956 = arith.addf %add3A_952, %add3A_955 : vector<16xf32>
      %mul3A_957 = arith.mulf %max3A_733, %max3A_733 : vector<16xf32>
      %mul3A_958 = arith.mulf %max3A_740, %max3A_740 : vector<16xf32>
      %add3A_959 = arith.addf %mul3A_957, %mul3A_958 : vector<16xf32>
      %mul3A_960 = arith.mulf %max3A_747, %max3A_747 : vector<16xf32>
      %mul3A_961 = arith.mulf %max3A_754, %max3A_754 : vector<16xf32>
      %add3A_962 = arith.addf %mul3A_960, %mul3A_961 : vector<16xf32>
      %add3A_963 = arith.addf %add3A_959, %add3A_962 : vector<16xf32>
      %mul3A_964 = arith.mulf %max3A_761, %max3A_761 : vector<16xf32>
      %mul3A_965 = arith.mulf %max3A_768, %max3A_768 : vector<16xf32>
      %add3A_966 = arith.addf %mul3A_964, %mul3A_965 : vector<16xf32>
      %mul3A_967 = arith.mulf %max3A_775, %max3A_775 : vector<16xf32>
      %mul3A_968 = arith.mulf %max3A_782, %max3A_782 : vector<16xf32>
      %add3A_969 = arith.addf %mul3A_967, %mul3A_968 : vector<16xf32>
      %add3A_970 = arith.addf %add3A_966, %add3A_969 : vector<16xf32>
      %mul3A_971 = arith.mulf %max3A_789, %max3A_789 : vector<16xf32>
      %mul3A_972 = arith.mulf %max3A_796, %max3A_796 : vector<16xf32>
      %add3A_973 = arith.addf %mul3A_971, %mul3A_972 : vector<16xf32>
      %mul3A_974 = arith.mulf %max3A_803, %max3A_803 : vector<16xf32>
      %mul3A_975 = arith.mulf %max3A_810, %max3A_810 : vector<16xf32>
      %add3A_976 = arith.addf %mul3A_974, %mul3A_975 : vector<16xf32>
      %add3A_977 = arith.addf %add3A_973, %add3A_976 : vector<16xf32>
      %mul3A_978 = arith.mulf %max3A_817, %max3A_817 : vector<16xf32>
      %mul3A_979 = arith.mulf %max3A_824, %max3A_824 : vector<16xf32>
      %add3A_980 = arith.addf %mul3A_978, %mul3A_979 : vector<16xf32>
      %mul3A_981 = arith.mulf %max3A_831, %max3A_831 : vector<16xf32>
      %mul3A_982 = arith.mulf %max3A_838, %max3A_838 : vector<16xf32>
      %add3A_983 = arith.addf %mul3A_981, %mul3A_982 : vector<16xf32>
      %add3A_984 = arith.addf %add3A_980, %add3A_983 : vector<16xf32>
      %mul3A_985 = arith.mulf %max3A_845, %max3A_845 : vector<16xf32>
      %mul3A_986 = arith.mulf %max3A_852, %max3A_852 : vector<16xf32>
      %add3A_987 = arith.addf %mul3A_985, %mul3A_986 : vector<16xf32>
      %mul3A_988 = arith.mulf %max3A_859, %max3A_859 : vector<16xf32>
      %mul3A_989 = arith.mulf %max3A_866, %max3A_866 : vector<16xf32>
      %add3A_990 = arith.addf %mul3A_988, %mul3A_989 : vector<16xf32>
      %add3A_991 = arith.addf %add3A_987, %add3A_990 : vector<16xf32>
      %mul3A_992 = arith.mulf %max3A_873, %max3A_873 : vector<16xf32>
      %mul3A_993 = arith.mulf %max3A_880, %max3A_880 : vector<16xf32>
      %add3A_994 = arith.addf %mul3A_992, %mul3A_993 : vector<16xf32>
      %mul3A_995 = arith.mulf %max3A_887, %max3A_887 : vector<16xf32>
      %mul3A_996 = arith.mulf %max3A_894, %max3A_894 : vector<16xf32>
      %add3A_997 = arith.addf %mul3A_995, %mul3A_996 : vector<16xf32>
      %add3A_998 = arith.addf %add3A_994, %add3A_997 : vector<16xf32>
      %div3A_999 = arith.divf %add3A_949, %max3A_900 : vector<16xf32>
      %swap3A_1000 = arith.index_cast %scan3A_217 : i32 to index
      %swap3A_1001 = arith.constant 128 : index
      %swap3A_1002 = tpu.vector_load %arg6[%swap3A_1000, %swap3A_1001] {strides = array<i32>} : memref<32x256xf32, #tpu.memory_space<vmem>>, vector<16xf32>,
      tpu.vector_store %arg6[%swap3A_1000, %swap3A_1001], %div3A_999 {strides = array<i32>} : memref<32x256xf32, #tpu.memory_space<vmem>>, vector<16xf32>,
      %div3A_1003 = arith.divf %add3A_956, %max3A_906 : vector<16xf32>
      %swap3A_1004 = arith.index_cast %scan3A_217 : i32 to index
      %swap3A_1005 = arith.constant 144 : index
      %swap3A_1006 = tpu.vector_load %arg6[%swap3A_1004, %swap3A_1005] {strides = array<i32>} : memref<32x256xf32, #tpu.memory_space<vmem>>, vector<16xf32>,
      tpu.vector_store %arg6[%swap3A_1004, %swap3A_1005], %div3A_1003 {strides = array<i32>} : memref<32x256xf32, #tpu.memory_space<vmem>>, vector<16xf32>,
      %div3A_1007 = arith.divf %add3A_963, %max3A_912 : vector<16xf32>
      %swap3A_1008 = arith.index_cast %scan3A_217 : i32 to index
      %swap3A_1009 = arith.constant 160 : index
      %swap3A_1010 = tpu.vector_load %arg6[%swap3A_1008, %swap3A_1009] {strides = array<i32>} : memref<32x256xf32, #tpu.memory_space<vmem>>, vector<16xf32>,
      tpu.vector_store %arg6[%swap3A_1008, %swap3A_1009], %div3A_1007 {strides = array<i32>} : memref<32x256xf32, #tpu.memory_space<vmem>>, vector<16xf32>,
      %div3A_1011 = arith.divf %add3A_970, %max3A_918 : vector<16xf32>
      %swap3A_1012 = arith.index_cast %scan3A_217 : i32 to index
      %swap3A_1013 = arith.constant 176 : index
      %swap3A_1014 = tpu.vector_load %arg6[%swap3A_1012, %swap3A_1013] {strides = array<i32>} : memref<32x256xf32, #tpu.memory_space<vmem>>, vector<16xf32>,
      tpu.vector_store %arg6[%swap3A_1012, %swap3A_1013], %div3A_1011 {strides = array<i32>} : memref<32x256xf32, #tpu.memory_space<vmem>>, vector<16xf32>,
      %div3A_1015 = arith.divf %add3A_977, %max3A_924 : vector<16xf32>
      %swap3A_1016 = arith.index_cast %scan3A_217 : i32 to index
      %swap3A_1017 = arith.constant 192 : index
      %swap3A_1018 = tpu.vector_load %arg6[%swap3A_1016, %swap3A_1017] {strides = array<i32>} : memref<32x256xf32, #tpu.memory_space<vmem>>, vector<16xf32>,
      tpu.vector_store %arg6[%swap3A_1016, %swap3A_1017], %div3A_1015 {strides = array<i32>} : memref<32x256xf32, #tpu.memory_space<vmem>>, vector<16xf32>,
      %div3A_1019 = arith.divf %add3A_984, %max3A_930 : vector<16xf32>
      %swap3A_1020 = arith.index_cast %scan3A_217 : i32 to index
      %swap3A_1021 = arith.constant 208 : index
      %swap3A_1022 = tpu.vector_load %arg6[%swap3A_1020, %swap3A_1021] {strides = array<i32>} : memref<32x256xf32, #tpu.memory_space<vmem>>, vector<16xf32>,
      tpu.vector_store %arg6[%swap3A_1020, %swap3A_1021], %div3A_1019 {strides = array<i32>} : memref<32x256xf32, #tpu.memory_space<vmem>>, vector<16xf32>,
      %div3A_1023 = arith.divf %add3A_991, %max3A_936 : vector<16xf32>
      %swap3A_1024 = arith.index_cast %scan3A_217 : i32 to index
      %swap3A_1025 = arith.constant 224 : index
      %swap3A_1026 = tpu.vector_load %arg6[%swap3A_1024, %swap3A_1025] {strides = array<i32>} : memref<32x256xf32, #tpu.memory_space<vmem>>, vector<16xf32>,
      tpu.vector_store %arg6[%swap3A_1024, %swap3A_1025], %div3A_1023 {strides = array<i32>} : memref<32x256xf32, #tpu.memory_space<vmem>>, vector<16xf32>,
      %div3A_1027 = arith.divf %add3A_998, %max3A_942 : vector<16xf32>
      %swap3A_1028 = arith.index_cast %scan3A_217 : i32 to index
      %swap3A_1029 = arith.constant 240 : index
      %swap3A_1030 = tpu.vector_load %arg6[%swap3A_1028, %swap3A_1029] {strides = array<i32>} : memref<32x256xf32, #tpu.memory_space<vmem>>, vector<16xf32>,
      tpu.vector_store %arg6[%swap3A_1028, %swap3A_1029], %div3A_1027 {strides = array<i32>} : memref<32x256xf32, #tpu.memory_space<vmem>>, vector<16xf32>,
    }
    %scan3A_135 = arith.constant 32 : i32
    %mul3A_136 = arith.constant 24 : i32
    %mul3A_137 = arith.muli %add3A, %mul3A_136 : i32
    %add3A_138 = arith.constant 23 : i32
    %add3A_139 = arith.addi %mul3A_137, %add3A_138 : i32
    %dma_start3A_140 = arith.constant 192 : i32
    %dma_start3A_141 = arith.constant 0 : i32
    %dma_start3A_142 = tpu.memref_slice %arg3[%add3A_139, %dma_start3A_140, %dma_start3A_141] : memref<768x256x256xf32, #tpu.memory_space<hbm>> -> memref<1x32x256xf32, #tpu.memory_space<hbm>>
    %dma_start3A_143 = tpu.memref_squeeze %dma_start3A_142 : memref<1x32x256xf32, #tpu.memory_space<hbm>> -> memref<32x256xf32, #tpu.memory_space<hbm>>
    %dma_start3A_144 = arith.constant 192 : i32
    %dma_start3A_145 = arith.constant 0 : i32
    %dma_start3A_146 = tpu.memref_slice %arg3[%add3A_139, %dma_start3A_144, %dma_start3A_145] : memref<768x256x256xf32, #tpu.memory_space<hbm>> -> memref<1x32x256xf32, #tpu.memory_space<hbm>>
    %dma_start3A_147 = tpu.memref_squeeze %dma_start3A_146 : memref<1x32x256xf32, #tpu.memory_space<hbm>> -> memref<32x256xf32, #tpu.memory_space<hbm>>
    tpu.enqueue_dma source(%arg6 : memref<32x256xf32, #tpu.memory_space<vmem>>) target(%dma_start3A_147 : memref<32x256xf32, #tpu.memory_space<hbm>>) target_semaphore(%arg10 : memref<!tpu.dma_semaphore, #tpu.memory_space<semaphore_mem>>)
    %mul3A_148 = arith.constant 24 : i32
    %mul3A_149 = arith.muli %add3A, %mul3A_148 : i32
    %add3A_150 = arith.constant 23 : i32
    %add3A_151 = arith.addi %mul3A_149, %add3A_150 : i32
    %dma_wait3A_152 = arith.constant 448 : i32
    %dma_wait3A_153 = arith.constant 0 : i32
    %dma_wait3A_154 = tpu.memref_slice %arg2[%add3A_151, %dma_wait3A_152, %dma_wait3A_153] : memref<768x512x512xf32, #tpu.memory_space<hbm>> -> memref<1x64x512xf32, #tpu.memory_space<hbm>>
    %dma_wait3A_155 = tpu.memref_squeeze %dma_wait3A_154 : memref<1x64x512xf32, #tpu.memory_space<hbm>> -> memref<64x512xf32, #tpu.memory_space<hbm>>
    %dma_wait3A_156 = arith.constant 448 : i32
    %dma_wait3A_157 = arith.constant 0 : i32
    %dma_wait3A_158 = tpu.memref_slice %arg2[%add3A_151, %dma_wait3A_156, %dma_wait3A_157] : memref<768x512x512xf32, #tpu.memory_space<hbm>> -> memref<1x64x512xf32, #tpu.memory_space<hbm>>
    %dma_wait3A_159 = tpu.memref_squeeze %dma_wait3A_158 : memref<1x64x512xf32, #tpu.memory_space<hbm>> -> memref<64x512xf32, #tpu.memory_space<hbm>>
    tpu.wait_dma2 semaphore(%arg9 : memref<!tpu.dma_semaphore, #tpu.memory_space<semaphore_mem>>) src(%dma_wait3A_159 : memref<64x512xf32, #tpu.memory_space<hbm>>) dst(%arg5 : memref<64x512xf32, #tpu.memory_space<vmem>>)
    %mul3A_160 = arith.constant 24 : i32
    %mul3A_161 = arith.muli %add3A, %mul3A_160 : i32
    %add3A_162 = arith.constant 23 : i32
    %add3A_163 = arith.addi %mul3A_161, %add3A_162 : i32
    %dma_wait3A_164 = arith.constant 224 : i32
    %dma_wait3A_165 = arith.constant 0 : i32
    %dma_wait3A_166 = tpu.memref_slice %arg3[%add3A_163, %dma_wait3A_164, %dma_wait3A_165] : memref<768x256x256xf32, #tpu.memory_space<hbm>> -> memref<1x32x256xf32, #tpu.memory_space<hbm>>
    %dma_wait3A_167 = tpu.memref_squeeze %dma_wait3A_166 : memref<1x32x256xf32, #tpu.memory_space<hbm>> -> memref<32x256xf32, #tpu.memory_space<hbm>>
    %dma_wait3A_168 = arith.constant 224 : i32
    %dma_wait3A_169 = arith.constant 0 : i32
    %dma_wait3A_170 = tpu.memref_slice %arg3[%add3A_163, %dma_wait3A_168, %dma_wait3A_169] : memref<768x256x256xf32, #tpu.memory_space<hbm>> -> memref<1x32x256xf32, #tpu.memory_space<hbm>>
    %dma_wait3A_171 = tpu.memref_squeeze %dma_wait3A_170 : memref<1x32x256xf32, #tpu.memory_space<hbm>> -> memref<32x256xf32, #tpu.memory_space<hbm>>
    tpu.wait_dma2 semaphore(%arg11 : memref<!tpu.dma_semaphore, #tpu.memory_space<semaphore_mem>>) src(%arg7 : memref<32x256xf32, #tpu.memory_space<vmem>>) dst(%dma_wait3A_171 : memref<32x256xf32, #tpu.memory_space<hbm>>)
    %add3A_172 = arith.constant 1 : i32
    %add3A_173 = vector.broadcast %add3A_172 : i32 to vector<16xi32>
    %add3A_174 = arith.addi %mul3A_3, %add3A_173 : vector<16xi32>
    %scan3A_175 = arith.constant 0 : i32
    %scan3A_176 = arith.constant 0 : i32
    %scan3A_177 = arith.constant 32 : i32
    %scan3A_178 = arith.addi %scan3A_176, %scan3A_177 : i32
    %scan3A_179 = arith.constant 1 : i32
    scf.for %scan3A_217 = %scan3A_176 to %scan3A_178 step %scan3A_179  : i32 {
      %mul3A_218 = arith.constant 2 : i32
      %mul3A_219 = arith.muli %mul3A_218, %scan3A_217 : i32
      %mul3A_220 = arith.constant 2 : i32
      %mul3A_221 = arith.muli %mul3A_220, %scan3A_217 : i32
      %add3A_222 = arith.constant 1 : i32
      %add3A_223 = arith.addi %mul3A_221, %add3A_222 : i32
      %mul3A_224 = arith.constant 2 : i32
      %mul3A_225 = arith.muli %mul3A_224, %scan3A_217 : i32
      %mul3A_226 = arith.constant 2 : i32
      %mul3A_227 = arith.muli %mul3A_226, %scan3A_217 : i32
      %add3A_228 = arith.constant 1 : i32
      %add3A_229 = arith.addi %mul3A_227, %add3A_228 : i32
      %mul3A_230 = arith.constant 2 : i32
      %mul3A_231 = arith.muli %mul3A_230, %scan3A_217 : i32
      %mul3A_232 = arith.constant 2 : i32
      %mul3A_233 = arith.muli %mul3A_232, %scan3A_217 : i32
      %add3A_234 = arith.constant 1 : i32
      %add3A_235 = arith.addi %mul3A_233, %add3A_234 : i32
      %mul3A_236 = arith.constant 2 : i32
      %mul3A_237 = arith.muli %mul3A_236, %scan3A_217 : i32
      %mul3A_238 = arith.constant 2 : i32
      %mul3A_239 = arith.muli %mul3A_238, %scan3A_217 : i32
      %add3A_240 = arith.constant 1 : i32
      %add3A_241 = arith.addi %mul3A_239, %add3A_240 : i32
      %mul3A_242 = arith.constant 2 : i32
      %mul3A_243 = arith.muli %mul3A_242, %scan3A_217 : i32
      %mul3A_244 = arith.constant 2 : i32
      %mul3A_245 = arith.muli %mul3A_244, %scan3A_217 : i32
      %add3A_246 = arith.constant 1 : i32
      %add3A_247 = arith.addi %mul3A_245, %add3A_246 : i32
      %mul3A_248 = arith.constant 2 : i32
      %mul3A_249 = arith.muli %mul3A_248, %scan3A_217 : i32
      %mul3A_250 = arith.constant 2 : i32
      %mul3A_251 = arith.muli %mul3A_250, %scan3A_217 : i32
      %add3A_252 = arith.constant 1 : i32
      %add3A_253 = arith.addi %mul3A_251, %add3A_252 : i32
      %mul3A_254 = arith.constant 2 : i32
      %mul3A_255 = arith.muli %mul3A_254, %scan3A_217 : i32
      %mul3A_256 = arith.constant 2 : i32
      %mul3A_257 = arith.muli %mul3A_256, %scan3A_217 : i32
      %add3A_258 = arith.constant 1 : i32
      %add3A_259 = arith.addi %mul3A_257, %add3A_258 : i32
      %mul3A_260 = arith.constant 2 : i32
      %mul3A_261 = arith.muli %mul3A_260, %scan3A_217 : i32
      %mul3A_262 = arith.constant 2 : i32
      %mul3A_263 = arith.muli %mul3A_262, %scan3A_217 : i32
      %add3A_264 = arith.constant 1 : i32
      %add3A_265 = arith.addi %mul3A_263, %add3A_264 : i32
      %gather3A = arith.constant 0 : i32
      %gather3A_266 = tpu.memref_slice %arg5[%mul3A_219, %gather3A] : memref<64x512xf32, #tpu.memory_space<vmem>> -> memref<1x32xf32, #tpu.memory_space<vmem>>
      %gather3A_267 = tpu.memref_squeeze %gather3A_266 : memref<1x32xf32, #tpu.memory_space<vmem>> -> memref<32xf32, #tpu.memory_space<vmem>>
      %gather3A_268 = tpu.vector_load_idx %gather3A_267[%mul3A_3] : memref<32xf32, #tpu.memory_space<vmem>>[vector<16xi32>], vector<16xf32>,
      %max3A = arith.constant 0.000000e+00 : f32
      %max3A_269 = vector.broadcast %max3A : f32 to vector<16xf32>
      %max3A_270 = arith.maximumf %gather3A_268, %max3A_269 : vector<16xf32>
      %gather3A_271 = arith.constant 0 : i32
      %gather3A_272 = tpu.memref_slice %arg5[%mul3A_219, %gather3A_271] : memref<64x512xf32, #tpu.memory_space<vmem>> -> memref<1x32xf32, #tpu.memory_space<vmem>>
      %gather3A_273 = tpu.memref_squeeze %gather3A_272 : memref<1x32xf32, #tpu.memory_space<vmem>> -> memref<32xf32, #tpu.memory_space<vmem>>
      %gather3A_274 = tpu.vector_load_idx %gather3A_273[%add3A_174] : memref<32xf32, #tpu.memory_space<vmem>>[vector<16xi32>], vector<16xf32>,
      %max3A_275 = arith.constant 0.000000e+00 : f32
      %max3A_276 = vector.broadcast %max3A_275 : f32 to vector<16xf32>
      %max3A_277 = arith.maximumf %gather3A_274, %max3A_276 : vector<16xf32>
      %gather3A_278 = arith.constant 0 : i32
      %gather3A_279 = tpu.memref_slice %arg5[%add3A_223, %gather3A_278] : memref<64x512xf32, #tpu.memory_space<vmem>> -> memref<1x32xf32, #tpu.memory_space<vmem>>
      %gather3A_280 = tpu.memref_squeeze %gather3A_279 : memref<1x32xf32, #tpu.memory_space<vmem>> -> memref<32xf32, #tpu.memory_space<vmem>>
      %gather3A_281 = tpu.vector_load_idx %gather3A_280[%mul3A_3] : memref<32xf32, #tpu.memory_space<vmem>>[vector<16xi32>], vector<16xf32>,
      %max3A_282 = arith.constant 0.000000e+00 : f32
      %max3A_283 = vector.broadcast %max3A_282 : f32 to vector<16xf32>
      %max3A_284 = arith.maximumf %gather3A_281, %max3A_283 : vector<16xf32>
      %gather3A_285 = arith.constant 0 : i32
      %gather3A_286 = tpu.memref_slice %arg5[%add3A_223, %gather3A_285] : memref<64x512xf32, #tpu.memory_space<vmem>> -> memref<1x32xf32, #tpu.memory_space<vmem>>
      %gather3A_287 = tpu.memref_squeeze %gather3A_286 : memref<1x32xf32, #tpu.memory_space<vmem>> -> memref<32xf32, #tpu.memory_space<vmem>>
      %gather3A_288 = tpu.vector_load_idx %gather3A_287[%add3A_174] : memref<32xf32, #tpu.memory_space<vmem>>[vector<16xi32>], vector<16xf32>,
      %max3A_289 = arith.constant 0.000000e+00 : f32
      %max3A_290 = vector.broadcast %max3A_289 : f32 to vector<16xf32>
      %max3A_291 = arith.maximumf %gather3A_288, %max3A_290 : vector<16xf32>
      %gather3A_292 = arith.constant 32 : i32
      %gather3A_293 = tpu.memref_slice %arg5[%mul3A_225, %gather3A_292] : memref<64x512xf32, #tpu.memory_space<vmem>> -> memref<1x32xf32, #tpu.memory_space<vmem>>
      %gather3A_294 = tpu.memref_squeeze %gather3A_293 : memref<1x32xf32, #tpu.memory_space<vmem>> -> memref<32xf32, #tpu.memory_space<vmem>>
      %gather3A_295 = tpu.vector_load_idx %gather3A_294[%mul3A_3] : memref<32xf32, #tpu.memory_space<vmem>>[vector<16xi32>], vector<16xf32>,
      %max3A_296 = arith.constant 0.000000e+00 : f32
      %max3A_297 = vector.broadcast %max3A_296 : f32 to vector<16xf32>
      %max3A_298 = arith.maximumf %gather3A_295, %max3A_297 : vector<16xf32>
      %gather3A_299 = arith.constant 32 : i32
      %gather3A_300 = tpu.memref_slice %arg5[%mul3A_225, %gather3A_299] : memref<64x512xf32, #tpu.memory_space<vmem>> -> memref<1x32xf32, #tpu.memory_space<vmem>>
      %gather3A_301 = tpu.memref_squeeze %gather3A_300 : memref<1x32xf32, #tpu.memory_space<vmem>> -> memref<32xf32, #tpu.memory_space<vmem>>
      %gather3A_302 = tpu.vector_load_idx %gather3A_301[%add3A_174] : memref<32xf32, #tpu.memory_space<vmem>>[vector<16xi32>], vector<16xf32>,
      %max3A_303 = arith.constant 0.000000e+00 : f32
      %max3A_304 = vector.broadcast %max3A_303 : f32 to vector<16xf32>
      %max3A_305 = arith.maximumf %gather3A_302, %max3A_304 : vector<16xf32>
      %gather3A_306 = arith.constant 32 : i32
      %gather3A_307 = tpu.memref_slice %arg5[%add3A_229, %gather3A_306] : memref<64x512xf32, #tpu.memory_space<vmem>> -> memref<1x32xf32, #tpu.memory_space<vmem>>
      %gather3A_308 = tpu.memref_squeeze %gather3A_307 : memref<1x32xf32, #tpu.memory_space<vmem>> -> memref<32xf32, #tpu.memory_space<vmem>>
      %gather3A_309 = tpu.vector_load_idx %gather3A_308[%mul3A_3] : memref<32xf32, #tpu.memory_space<vmem>>[vector<16xi32>], vector<16xf32>,
      %max3A_310 = arith.constant 0.000000e+00 : f32
      %max3A_311 = vector.broadcast %max3A_310 : f32 to vector<16xf32>
      %max3A_312 = arith.maximumf %gather3A_309, %max3A_311 : vector<16xf32>
      %gather3A_313 = arith.constant 32 : i32
      %gather3A_314 = tpu.memref_slice %arg5[%add3A_229, %gather3A_313] : memref<64x512xf32, #tpu.memory_space<vmem>> -> memref<1x32xf32, #tpu.memory_space<vmem>>
      %gather3A_315 = tpu.memref_squeeze %gather3A_314 : memref<1x32xf32, #tpu.memory_space<vmem>> -> memref<32xf32, #tpu.memory_space<vmem>>
      %gather3A_316 = tpu.vector_load_idx %gather3A_315[%add3A_174] : memref<32xf32, #tpu.memory_space<vmem>>[vector<16xi32>], vector<16xf32>,
      %max3A_317 = arith.constant 0.000000e+00 : f32
      %max3A_318 = vector.broadcast %max3A_317 : f32 to vector<16xf32>
      %max3A_319 = arith.maximumf %gather3A_316, %max3A_318 : vector<16xf32>
      %gather3A_320 = arith.constant 64 : i32
      %gather3A_321 = tpu.memref_slice %arg5[%mul3A_231, %gather3A_320] : memref<64x512xf32, #tpu.memory_space<vmem>> -> memref<1x32xf32, #tpu.memory_space<vmem>>
      %gather3A_322 = tpu.memref_squeeze %gather3A_321 : memref<1x32xf32, #tpu.memory_space<vmem>> -> memref<32xf32, #tpu.memory_space<vmem>>
      %gather3A_323 = tpu.vector_load_idx %gather3A_322[%mul3A_3] : memref<32xf32, #tpu.memory_space<vmem>>[vector<16xi32>], vector<16xf32>,
      %max3A_324 = arith.constant 0.000000e+00 : f32
      %max3A_325 = vector.broadcast %max3A_324 : f32 to vector<16xf32>
      %max3A_326 = arith.maximumf %gather3A_323, %max3A_325 : vector<16xf32>
      %gather3A_327 = arith.constant 64 : i32
      %gather3A_328 = tpu.memref_slice %arg5[%mul3A_231, %gather3A_327] : memref<64x512xf32, #tpu.memory_space<vmem>> -> memref<1x32xf32, #tpu.memory_space<vmem>>
      %gather3A_329 = tpu.memref_squeeze %gather3A_328 : memref<1x32xf32, #tpu.memory_space<vmem>> -> memref<32xf32, #tpu.memory_space<vmem>>
      %gather3A_330 = tpu.vector_load_idx %gather3A_329[%add3A_174] : memref<32xf32, #tpu.memory_space<vmem>>[vector<16xi32>], vector<16xf32>,
      %max3A_331 = arith.constant 0.000000e+00 : f32
      %max3A_332 = vector.broadcast %max3A_331 : f32 to vector<16xf32>
      %max3A_333 = arith.maximumf %gather3A_330, %max3A_332 : vector<16xf32>
      %gather3A_334 = arith.constant 64 : i32
      %gather3A_335 = tpu.memref_slice %arg5[%add3A_235, %gather3A_334] : memref<64x512xf32, #tpu.memory_space<vmem>> -> memref<1x32xf32, #tpu.memory_space<vmem>>
      %gather3A_336 = tpu.memref_squeeze %gather3A_335 : memref<1x32xf32, #tpu.memory_space<vmem>> -> memref<32xf32, #tpu.memory_space<vmem>>
      %gather3A_337 = tpu.vector_load_idx %gather3A_336[%mul3A_3] : memref<32xf32, #tpu.memory_space<vmem>>[vector<16xi32>], vector<16xf32>,
      %max3A_338 = arith.constant 0.000000e+00 : f32
      %max3A_339 = vector.broadcast %max3A_338 : f32 to vector<16xf32>
      %max3A_340 = arith.maximumf %gather3A_337, %max3A_339 : vector<16xf32>
      %gather3A_341 = arith.constant 64 : i32
      %gather3A_342 = tpu.memref_slice %arg5[%add3A_235, %gather3A_341] : memref<64x512xf32, #tpu.memory_space<vmem>> -> memref<1x32xf32, #tpu.memory_space<vmem>>
      %gather3A_343 = tpu.memref_squeeze %gather3A_342 : memref<1x32xf32, #tpu.memory_space<vmem>> -> memref<32xf32, #tpu.memory_space<vmem>>
      %gather3A_344 = tpu.vector_load_idx %gather3A_343[%add3A_174] : memref<32xf32, #tpu.memory_space<vmem>>[vector<16xi32>], vector<16xf32>,
      %max3A_345 = arith.constant 0.000000e+00 : f32
      %max3A_346 = vector.broadcast %max3A_345 : f32 to vector<16xf32>
      %max3A_347 = arith.maximumf %gather3A_344, %max3A_346 : vector<16xf32>
      %gather3A_348 = arith.constant 96 : i32
      %gather3A_349 = tpu.memref_slice %arg5[%mul3A_237, %gather3A_348] : memref<64x512xf32, #tpu.memory_space<vmem>> -> memref<1x32xf32, #tpu.memory_space<vmem>>
      %gather3A_350 = tpu.memref_squeeze %gather3A_349 : memref<1x32xf32, #tpu.memory_space<vmem>> -> memref<32xf32, #tpu.memory_space<vmem>>
      %gather3A_351 = tpu.vector_load_idx %gather3A_350[%mul3A_3] : memref<32xf32, #tpu.memory_space<vmem>>[vector<16xi32>], vector<16xf32>,
      %max3A_352 = arith.constant 0.000000e+00 : f32
      %max3A_353 = vector.broadcast %max3A_352 : f32 to vector<16xf32>
      %max3A_354 = arith.maximumf %gather3A_351, %max3A_353 : vector<16xf32>
      %gather3A_355 = arith.constant 96 : i32
      %gather3A_356 = tpu.memref_slice %arg5[%mul3A_237, %gather3A_355] : memref<64x512xf32, #tpu.memory_space<vmem>> -> memref<1x32xf32, #tpu.memory_space<vmem>>
      %gather3A_357 = tpu.memref_squeeze %gather3A_356 : memref<1x32xf32, #tpu.memory_space<vmem>> -> memref<32xf32, #tpu.memory_space<vmem>>
      %gather3A_358 = tpu.vector_load_idx %gather3A_357[%add3A_174] : memref<32xf32, #tpu.memory_space<vmem>>[vector<16xi32>], vector<16xf32>,
      %max3A_359 = arith.constant 0.000000e+00 : f32
      %max3A_360 = vector.broadcast %max3A_359 : f32 to vector<16xf32>
      %max3A_361 = arith.maximumf %gather3A_358, %max3A_360 : vector<16xf32>
      %gather3A_362 = arith.constant 96 : i32
      %gather3A_363 = tpu.memref_slice %arg5[%add3A_241, %gather3A_362] : memref<64x512xf32, #tpu.memory_space<vmem>> -> memref<1x32xf32, #tpu.memory_space<vmem>>
      %gather3A_364 = tpu.memref_squeeze %gather3A_363 : memref<1x32xf32, #tpu.memory_space<vmem>> -> memref<32xf32, #tpu.memory_space<vmem>>
      %gather3A_365 = tpu.vector_load_idx %gather3A_364[%mul3A_3] : memref<32xf32, #tpu.memory_space<vmem>>[vector<16xi32>], vector<16xf32>,
      %max3A_366 = arith.constant 0.000000e+00 : f32
      %max3A_367 = vector.broadcast %max3A_366 : f32 to vector<16xf32>
      %max3A_368 = arith.maximumf %gather3A_365, %max3A_367 : vector<16xf32>
      %gather3A_369 = arith.constant 96 : i32
      %gather3A_370 = tpu.memref_slice %arg5[%add3A_241, %gather3A_369] : memref<64x512xf32, #tpu.memory_space<vmem>> -> memref<1x32xf32, #tpu.memory_space<vmem>>
      %gather3A_371 = tpu.memref_squeeze %gather3A_370 : memref<1x32xf32, #tpu.memory_space<vmem>> -> memref<32xf32, #tpu.memory_space<vmem>>
      %gather3A_372 = tpu.vector_load_idx %gather3A_371[%add3A_174] : memref<32xf32, #tpu.memory_space<vmem>>[vector<16xi32>], vector<16xf32>,
      %max3A_373 = arith.constant 0.000000e+00 : f32
      %max3A_374 = vector.broadcast %max3A_373 : f32 to vector<16xf32>
      %max3A_375 = arith.maximumf %gather3A_372, %max3A_374 : vector<16xf32>
      %gather3A_376 = arith.constant 128 : i32
      %gather3A_377 = tpu.memref_slice %arg5[%mul3A_243, %gather3A_376] : memref<64x512xf32, #tpu.memory_space<vmem>> -> memref<1x32xf32, #tpu.memory_space<vmem>>
      %gather3A_378 = tpu.memref_squeeze %gather3A_377 : memref<1x32xf32, #tpu.memory_space<vmem>> -> memref<32xf32, #tpu.memory_space<vmem>>
      %gather3A_379 = tpu.vector_load_idx %gather3A_378[%mul3A_3] : memref<32xf32, #tpu.memory_space<vmem>>[vector<16xi32>], vector<16xf32>,
      %max3A_380 = arith.constant 0.000000e+00 : f32
      %max3A_381 = vector.broadcast %max3A_380 : f32 to vector<16xf32>
      %max3A_382 = arith.maximumf %gather3A_379, %max3A_381 : vector<16xf32>
      %gather3A_383 = arith.constant 128 : i32
      %gather3A_384 = tpu.memref_slice %arg5[%mul3A_243, %gather3A_383] : memref<64x512xf32, #tpu.memory_space<vmem>> -> memref<1x32xf32, #tpu.memory_space<vmem>>
      %gather3A_385 = tpu.memref_squeeze %gather3A_384 : memref<1x32xf32, #tpu.memory_space<vmem>> -> memref<32xf32, #tpu.memory_space<vmem>>
      %gather3A_386 = tpu.vector_load_idx %gather3A_385[%add3A_174] : memref<32xf32, #tpu.memory_space<vmem>>[vector<16xi32>], vector<16xf32>,
      %max3A_387 = arith.constant 0.000000e+00 : f32
      %max3A_388 = vector.broadcast %max3A_387 : f32 to vector<16xf32>
      %max3A_389 = arith.maximumf %gather3A_386, %max3A_388 : vector<16xf32>
      %gather3A_390 = arith.constant 128 : i32
      %gather3A_391 = tpu.memref_slice %arg5[%add3A_247, %gather3A_390] : memref<64x512xf32, #tpu.memory_space<vmem>> -> memref<1x32xf32, #tpu.memory_space<vmem>>
      %gather3A_392 = tpu.memref_squeeze %gather3A_391 : memref<1x32xf32, #tpu.memory_space<vmem>> -> memref<32xf32, #tpu.memory_space<vmem>>
      %gather3A_393 = tpu.vector_load_idx %gather3A_392[%mul3A_3] : memref<32xf32, #tpu.memory_space<vmem>>[vector<16xi32>], vector<16xf32>,
      %max3A_394 = arith.constant 0.000000e+00 : f32
      %max3A_395 = vector.broadcast %max3A_394 : f32 to vector<16xf32>
      %max3A_396 = arith.maximumf %gather3A_393, %max3A_395 : vector<16xf32>
      %gather3A_397 = arith.constant 128 : i32
      %gather3A_398 = tpu.memref_slice %arg5[%add3A_247, %gather3A_397] : memref<64x512xf32, #tpu.memory_space<vmem>> -> memref<1x32xf32, #tpu.memory_space<vmem>>
      %gather3A_399 = tpu.memref_squeeze %gather3A_398 : memref<1x32xf32, #tpu.memory_space<vmem>> -> memref<32xf32, #tpu.memory_space<vmem>>
      %gather3A_400 = tpu.vector_load_idx %gather3A_399[%add3A_174] : memref<32xf32, #tpu.memory_space<vmem>>[vector<16xi32>], vector<16xf32>,
      %max3A_401 = arith.constant 0.000000e+00 : f32
      %max3A_402 = vector.broadcast %max3A_401 : f32 to vector<16xf32>
      %max3A_403 = arith.maximumf %gather3A_400, %max3A_402 : vector<16xf32>
      %gather3A_404 = arith.constant 160 : i32
      %gather3A_405 = tpu.memref_slice %arg5[%mul3A_249, %gather3A_404] : memref<64x512xf32, #tpu.memory_space<vmem>> -> memref<1x32xf32, #tpu.memory_space<vmem>>
      %gather3A_406 = tpu.memref_squeeze %gather3A_405 : memref<1x32xf32, #tpu.memory_space<vmem>> -> memref<32xf32, #tpu.memory_space<vmem>>
      %gather3A_407 = tpu.vector_load_idx %gather3A_406[%mul3A_3] : memref<32xf32, #tpu.memory_space<vmem>>[vector<16xi32>], vector<16xf32>,
      %max3A_408 = arith.constant 0.000000e+00 : f32
      %max3A_409 = vector.broadcast %max3A_408 : f32 to vector<16xf32>
      %max3A_410 = arith.maximumf %gather3A_407, %max3A_409 : vector<16xf32>
      %gather3A_411 = arith.constant 160 : i32
      %gather3A_412 = tpu.memref_slice %arg5[%mul3A_249, %gather3A_411] : memref<64x512xf32, #tpu.memory_space<vmem>> -> memref<1x32xf32, #tpu.memory_space<vmem>>
      %gather3A_413 = tpu.memref_squeeze %gather3A_412 : memref<1x32xf32, #tpu.memory_space<vmem>> -> memref<32xf32, #tpu.memory_space<vmem>>
      %gather3A_414 = tpu.vector_load_idx %gather3A_413[%add3A_174] : memref<32xf32, #tpu.memory_space<vmem>>[vector<16xi32>], vector<16xf32>,
      %max3A_415 = arith.constant 0.000000e+00 : f32
      %max3A_416 = vector.broadcast %max3A_415 : f32 to vector<16xf32>
      %max3A_417 = arith.maximumf %gather3A_414, %max3A_416 : vector<16xf32>
      %gather3A_418 = arith.constant 160 : i32
      %gather3A_419 = tpu.memref_slice %arg5[%add3A_253, %gather3A_418] : memref<64x512xf32, #tpu.memory_space<vmem>> -> memref<1x32xf32, #tpu.memory_space<vmem>>
      %gather3A_420 = tpu.memref_squeeze %gather3A_419 : memref<1x32xf32, #tpu.memory_space<vmem>> -> memref<32xf32, #tpu.memory_space<vmem>>
      %gather3A_421 = tpu.vector_load_idx %gather3A_420[%mul3A_3] : memref<32xf32, #tpu.memory_space<vmem>>[vector<16xi32>], vector<16xf32>,
      %max3A_422 = arith.constant 0.000000e+00 : f32
      %max3A_423 = vector.broadcast %max3A_422 : f32 to vector<16xf32>
      %max3A_424 = arith.maximumf %gather3A_421, %max3A_423 : vector<16xf32>
      %gather3A_425 = arith.constant 160 : i32
      %gather3A_426 = tpu.memref_slice %arg5[%add3A_253, %gather3A_425] : memref<64x512xf32, #tpu.memory_space<vmem>> -> memref<1x32xf32, #tpu.memory_space<vmem>>
      %gather3A_427 = tpu.memref_squeeze %gather3A_426 : memref<1x32xf32, #tpu.memory_space<vmem>> -> memref<32xf32, #tpu.memory_space<vmem>>
      %gather3A_428 = tpu.vector_load_idx %gather3A_427[%add3A_174] : memref<32xf32, #tpu.memory_space<vmem>>[vector<16xi32>], vector<16xf32>,
      %max3A_429 = arith.constant 0.000000e+00 : f32
      %max3A_430 = vector.broadcast %max3A_429 : f32 to vector<16xf32>
      %max3A_431 = arith.maximumf %gather3A_428, %max3A_430 : vector<16xf32>
      %gather3A_432 = arith.constant 192 : i32
      %gather3A_433 = tpu.memref_slice %arg5[%mul3A_255, %gather3A_432] : memref<64x512xf32, #tpu.memory_space<vmem>> -> memref<1x32xf32, #tpu.memory_space<vmem>>
      %gather3A_434 = tpu.memref_squeeze %gather3A_433 : memref<1x32xf32, #tpu.memory_space<vmem>> -> memref<32xf32, #tpu.memory_space<vmem>>
      %gather3A_435 = tpu.vector_load_idx %gather3A_434[%mul3A_3] : memref<32xf32, #tpu.memory_space<vmem>>[vector<16xi32>], vector<16xf32>,
      %max3A_436 = arith.constant 0.000000e+00 : f32
      %max3A_437 = vector.broadcast %max3A_436 : f32 to vector<16xf32>
      %max3A_438 = arith.maximumf %gather3A_435, %max3A_437 : vector<16xf32>
      %gather3A_439 = arith.constant 192 : i32
      %gather3A_440 = tpu.memref_slice %arg5[%mul3A_255, %gather3A_439] : memref<64x512xf32, #tpu.memory_space<vmem>> -> memref<1x32xf32, #tpu.memory_space<vmem>>
      %gather3A_441 = tpu.memref_squeeze %gather3A_440 : memref<1x32xf32, #tpu.memory_space<vmem>> -> memref<32xf32, #tpu.memory_space<vmem>>
      %gather3A_442 = tpu.vector_load_idx %gather3A_441[%add3A_174] : memref<32xf32, #tpu.memory_space<vmem>>[vector<16xi32>], vector<16xf32>,
      %max3A_443 = arith.constant 0.000000e+00 : f32
      %max3A_444 = vector.broadcast %max3A_443 : f32 to vector<16xf32>
      %max3A_445 = arith.maximumf %gather3A_442, %max3A_444 : vector<16xf32>
      %gather3A_446 = arith.constant 192 : i32
      %gather3A_447 = tpu.memref_slice %arg5[%add3A_259, %gather3A_446] : memref<64x512xf32, #tpu.memory_space<vmem>> -> memref<1x32xf32, #tpu.memory_space<vmem>>
      %gather3A_448 = tpu.memref_squeeze %gather3A_447 : memref<1x32xf32, #tpu.memory_space<vmem>> -> memref<32xf32, #tpu.memory_space<vmem>>
      %gather3A_449 = tpu.vector_load_idx %gather3A_448[%mul3A_3] : memref<32xf32, #tpu.memory_space<vmem>>[vector<16xi32>], vector<16xf32>,
      %max3A_450 = arith.constant 0.000000e+00 : f32
      %max3A_451 = vector.broadcast %max3A_450 : f32 to vector<16xf32>
      %max3A_452 = arith.maximumf %gather3A_449, %max3A_451 : vector<16xf32>
      %gather3A_453 = arith.constant 192 : i32
      %gather3A_454 = tpu.memref_slice %arg5[%add3A_259, %gather3A_453] : memref<64x512xf32, #tpu.memory_space<vmem>> -> memref<1x32xf32, #tpu.memory_space<vmem>>
      %gather3A_455 = tpu.memref_squeeze %gather3A_454 : memref<1x32xf32, #tpu.memory_space<vmem>> -> memref<32xf32, #tpu.memory_space<vmem>>
      %gather3A_456 = tpu.vector_load_idx %gather3A_455[%add3A_174] : memref<32xf32, #tpu.memory_space<vmem>>[vector<16xi32>], vector<16xf32>,
      %max3A_457 = arith.constant 0.000000e+00 : f32
      %max3A_458 = vector.broadcast %max3A_457 : f32 to vector<16xf32>
      %max3A_459 = arith.maximumf %gather3A_456, %max3A_458 : vector<16xf32>
      %gather3A_460 = arith.constant 224 : i32
      %gather3A_461 = tpu.memref_slice %arg5[%mul3A_261, %gather3A_460] : memref<64x512xf32, #tpu.memory_space<vmem>> -> memref<1x32xf32, #tpu.memory_space<vmem>>
      %gather3A_462 = tpu.memref_squeeze %gather3A_461 : memref<1x32xf32, #tpu.memory_space<vmem>> -> memref<32xf32, #tpu.memory_space<vmem>>
      %gather3A_463 = tpu.vector_load_idx %gather3A_462[%mul3A_3] : memref<32xf32, #tpu.memory_space<vmem>>[vector<16xi32>], vector<16xf32>,
      %max3A_464 = arith.constant 0.000000e+00 : f32
      %max3A_465 = vector.broadcast %max3A_464 : f32 to vector<16xf32>
      %max3A_466 = arith.maximumf %gather3A_463, %max3A_465 : vector<16xf32>
      %gather3A_467 = arith.constant 224 : i32
      %gather3A_468 = tpu.memref_slice %arg5[%mul3A_261, %gather3A_467] : memref<64x512xf32, #tpu.memory_space<vmem>> -> memref<1x32xf32, #tpu.memory_space<vmem>>
      %gather3A_469 = tpu.memref_squeeze %gather3A_468 : memref<1x32xf32, #tpu.memory_space<vmem>> -> memref<32xf32, #tpu.memory_space<vmem>>
      %gather3A_470 = tpu.vector_load_idx %gather3A_469[%add3A_174] : memref<32xf32, #tpu.memory_space<vmem>>[vector<16xi32>], vector<16xf32>,
      %max3A_471 = arith.constant 0.000000e+00 : f32
      %max3A_472 = vector.broadcast %max3A_471 : f32 to vector<16xf32>
      %max3A_473 = arith.maximumf %gather3A_470, %max3A_472 : vector<16xf32>
      %gather3A_474 = arith.constant 224 : i32
      %gather3A_475 = tpu.memref_slice %arg5[%add3A_265, %gather3A_474] : memref<64x512xf32, #tpu.memory_space<vmem>> -> memref<1x32xf32, #tpu.memory_space<vmem>>
      %gather3A_476 = tpu.memref_squeeze %gather3A_475 : memref<1x32xf32, #tpu.memory_space<vmem>> -> memref<32xf32, #tpu.memory_space<vmem>>
      %gather3A_477 = tpu.vector_load_idx %gather3A_476[%mul3A_3] : memref<32xf32, #tpu.memory_space<vmem>>[vector<16xi32>], vector<16xf32>,
      %max3A_478 = arith.constant 0.000000e+00 : f32
      %max3A_479 = vector.broadcast %max3A_478 : f32 to vector<16xf32>
      %max3A_480 = arith.maximumf %gather3A_477, %max3A_479 : vector<16xf32>
      %gather3A_481 = arith.constant 224 : i32
      %gather3A_482 = tpu.memref_slice %arg5[%add3A_265, %gather3A_481] : memref<64x512xf32, #tpu.memory_space<vmem>> -> memref<1x32xf32, #tpu.memory_space<vmem>>
      %gather3A_483 = tpu.memref_squeeze %gather3A_482 : memref<1x32xf32, #tpu.memory_space<vmem>> -> memref<32xf32, #tpu.memory_space<vmem>>
      %gather3A_484 = tpu.vector_load_idx %gather3A_483[%add3A_174] : memref<32xf32, #tpu.memory_space<vmem>>[vector<16xi32>], vector<16xf32>,
      %max3A_485 = arith.constant 0.000000e+00 : f32
      %max3A_486 = vector.broadcast %max3A_485 : f32 to vector<16xf32>
      %max3A_487 = arith.maximumf %gather3A_484, %max3A_486 : vector<16xf32>
      %add3A_488 = arith.addf %max3A_270, %max3A_277 : vector<16xf32>
      %add3A_489 = arith.addf %max3A_284, %max3A_291 : vector<16xf32>
      %add3A_490 = arith.addf %add3A_488, %add3A_489 : vector<16xf32>
      %max3A_491 = arith.constant 1.200000e-38 : f32
      %max3A_492 = vector.broadcast %max3A_491 : f32 to vector<16xf32>
      %max3A_493 = arith.maximumf %add3A_490, %max3A_492 : vector<16xf32>
      %add3A_494 = arith.addf %max3A_298, %max3A_305 : vector<16xf32>
      %add3A_495 = arith.addf %max3A_312, %max3A_319 : vector<16xf32>
      %add3A_496 = arith.addf %add3A_494, %add3A_495 : vector<16xf32>
      %max3A_497 = arith.constant 1.200000e-38 : f32
      %max3A_498 = vector.broadcast %max3A_497 : f32 to vector<16xf32>
      %max3A_499 = arith.maximumf %add3A_496, %max3A_498 : vector<16xf32>
      %add3A_500 = arith.addf %max3A_326, %max3A_333 : vector<16xf32>
      %add3A_501 = arith.addf %max3A_340, %max3A_347 : vector<16xf32>
      %add3A_502 = arith.addf %add3A_500, %add3A_501 : vector<16xf32>
      %max3A_503 = arith.constant 1.200000e-38 : f32
      %max3A_504 = vector.broadcast %max3A_503 : f32 to vector<16xf32>
      %max3A_505 = arith.maximumf %add3A_502, %max3A_504 : vector<16xf32>
      %add3A_506 = arith.addf %max3A_354, %max3A_361 : vector<16xf32>
      %add3A_507 = arith.addf %max3A_368, %max3A_375 : vector<16xf32>
      %add3A_508 = arith.addf %add3A_506, %add3A_507 : vector<16xf32>
      %max3A_509 = arith.constant 1.200000e-38 : f32
      %max3A_510 = vector.broadcast %max3A_509 : f32 to vector<16xf32>
      %max3A_511 = arith.maximumf %add3A_508, %max3A_510 : vector<16xf32>
      %add3A_512 = arith.addf %max3A_382, %max3A_389 : vector<16xf32>
      %add3A_513 = arith.addf %max3A_396, %max3A_403 : vector<16xf32>
      %add3A_514 = arith.addf %add3A_512, %add3A_513 : vector<16xf32>
      %max3A_515 = arith.constant 1.200000e-38 : f32
      %max3A_516 = vector.broadcast %max3A_515 : f32 to vector<16xf32>
      %max3A_517 = arith.maximumf %add3A_514, %max3A_516 : vector<16xf32>
      %add3A_518 = arith.addf %max3A_410, %max3A_417 : vector<16xf32>
      %add3A_519 = arith.addf %max3A_424, %max3A_431 : vector<16xf32>
      %add3A_520 = arith.addf %add3A_518, %add3A_519 : vector<16xf32>
      %max3A_521 = arith.constant 1.200000e-38 : f32
      %max3A_522 = vector.broadcast %max3A_521 : f32 to vector<16xf32>
      %max3A_523 = arith.maximumf %add3A_520, %max3A_522 : vector<16xf32>
      %add3A_524 = arith.addf %max3A_438, %max3A_445 : vector<16xf32>
      %add3A_525 = arith.addf %max3A_452, %max3A_459 : vector<16xf32>
      %add3A_526 = arith.addf %add3A_524, %add3A_525 : vector<16xf32>
      %max3A_527 = arith.constant 1.200000e-38 : f32
      %max3A_528 = vector.broadcast %max3A_527 : f32 to vector<16xf32>
      %max3A_529 = arith.maximumf %add3A_526, %max3A_528 : vector<16xf32>
      %add3A_530 = arith.addf %max3A_466, %max3A_473 : vector<16xf32>
      %add3A_531 = arith.addf %max3A_480, %max3A_487 : vector<16xf32>
      %add3A_532 = arith.addf %add3A_530, %add3A_531 : vector<16xf32>
      %max3A_533 = arith.constant 1.200000e-38 : f32
      %max3A_534 = vector.broadcast %max3A_533 : f32 to vector<16xf32>
      %max3A_535 = arith.maximumf %add3A_532, %max3A_534 : vector<16xf32>
      %mul3A_536 = arith.mulf %max3A_270, %max3A_270 : vector<16xf32>
      %mul3A_537 = arith.mulf %max3A_277, %max3A_277 : vector<16xf32>
      %add3A_538 = arith.addf %mul3A_536, %mul3A_537 : vector<16xf32>
      %mul3A_539 = arith.mulf %max3A_284, %max3A_284 : vector<16xf32>
      %mul3A_540 = arith.mulf %max3A_291, %max3A_291 : vector<16xf32>
      %add3A_541 = arith.addf %mul3A_539, %mul3A_540 : vector<16xf32>
      %add3A_542 = arith.addf %add3A_538, %add3A_541 : vector<16xf32>
      %mul3A_543 = arith.mulf %max3A_298, %max3A_298 : vector<16xf32>
      %mul3A_544 = arith.mulf %max3A_305, %max3A_305 : vector<16xf32>
      %add3A_545 = arith.addf %mul3A_543, %mul3A_544 : vector<16xf32>
      %mul3A_546 = arith.mulf %max3A_312, %max3A_312 : vector<16xf32>
      %mul3A_547 = arith.mulf %max3A_319, %max3A_319 : vector<16xf32>
      %add3A_548 = arith.addf %mul3A_546, %mul3A_547 : vector<16xf32>
      %add3A_549 = arith.addf %add3A_545, %add3A_548 : vector<16xf32>
      %mul3A_550 = arith.mulf %max3A_326, %max3A_326 : vector<16xf32>
      %mul3A_551 = arith.mulf %max3A_333, %max3A_333 : vector<16xf32>
      %add3A_552 = arith.addf %mul3A_550, %mul3A_551 : vector<16xf32>
      %mul3A_553 = arith.mulf %max3A_340, %max3A_340 : vector<16xf32>
      %mul3A_554 = arith.mulf %max3A_347, %max3A_347 : vector<16xf32>
      %add3A_555 = arith.addf %mul3A_553, %mul3A_554 : vector<16xf32>
      %add3A_556 = arith.addf %add3A_552, %add3A_555 : vector<16xf32>
      %mul3A_557 = arith.mulf %max3A_354, %max3A_354 : vector<16xf32>
      %mul3A_558 = arith.mulf %max3A_361, %max3A_361 : vector<16xf32>
      %add3A_559 = arith.addf %mul3A_557, %mul3A_558 : vector<16xf32>
      %mul3A_560 = arith.mulf %max3A_368, %max3A_368 : vector<16xf32>
      %mul3A_561 = arith.mulf %max3A_375, %max3A_375 : vector<16xf32>
      %add3A_562 = arith.addf %mul3A_560, %mul3A_561 : vector<16xf32>
      %add3A_563 = arith.addf %add3A_559, %add3A_562 : vector<16xf32>
      %mul3A_564 = arith.mulf %max3A_382, %max3A_382 : vector<16xf32>
      %mul3A_565 = arith.mulf %max3A_389, %max3A_389 : vector<16xf32>
      %add3A_566 = arith.addf %mul3A_564, %mul3A_565 : vector<16xf32>
      %mul3A_567 = arith.mulf %max3A_396, %max3A_396 : vector<16xf32>
      %mul3A_568 = arith.mulf %max3A_403, %max3A_403 : vector<16xf32>
      %add3A_569 = arith.addf %mul3A_567, %mul3A_568 : vector<16xf32>
      %add3A_570 = arith.addf %add3A_566, %add3A_569 : vector<16xf32>
      %mul3A_571 = arith.mulf %max3A_410, %max3A_410 : vector<16xf32>
      %mul3A_572 = arith.mulf %max3A_417, %max3A_417 : vector<16xf32>
      %add3A_573 = arith.addf %mul3A_571, %mul3A_572 : vector<16xf32>
      %mul3A_574 = arith.mulf %max3A_424, %max3A_424 : vector<16xf32>
      %mul3A_575 = arith.mulf %max3A_431, %max3A_431 : vector<16xf32>
      %add3A_576 = arith.addf %mul3A_574, %mul3A_575 : vector<16xf32>
      %add3A_577 = arith.addf %add3A_573, %add3A_576 : vector<16xf32>
      %mul3A_578 = arith.mulf %max3A_438, %max3A_438 : vector<16xf32>
      %mul3A_579 = arith.mulf %max3A_445, %max3A_445 : vector<16xf32>
      %add3A_580 = arith.addf %mul3A_578, %mul3A_579 : vector<16xf32>
      %mul3A_581 = arith.mulf %max3A_452, %max3A_452 : vector<16xf32>
      %mul3A_582 = arith.mulf %max3A_459, %max3A_459 : vector<16xf32>
      %add3A_583 = arith.addf %mul3A_581, %mul3A_582 : vector<16xf32>
      %add3A_584 = arith.addf %add3A_580, %add3A_583 : vector<16xf32>
      %mul3A_585 = arith.mulf %max3A_466, %max3A_466 : vector<16xf32>
      %mul3A_586 = arith.mulf %max3A_473, %max3A_473 : vector<16xf32>
      %add3A_587 = arith.addf %mul3A_585, %mul3A_586 : vector<16xf32>
      %mul3A_588 = arith.mulf %max3A_480, %max3A_480 : vector<16xf32>
      %mul3A_589 = arith.mulf %max3A_487, %max3A_487 : vector<16xf32>
      %add3A_590 = arith.addf %mul3A_588, %mul3A_589 : vector<16xf32>
      %add3A_591 = arith.addf %add3A_587, %add3A_590 : vector<16xf32>
      %div3A_592 = arith.divf %add3A_542, %max3A_493 : vector<16xf32>
      %swap3A = arith.index_cast %scan3A_217 : i32 to index
      %swap3A_593 = arith.constant 0 : index
      %swap3A_594 = tpu.vector_load %arg7[%swap3A, %swap3A_593] {strides = array<i32>} : memref<32x256xf32, #tpu.memory_space<vmem>>, vector<16xf32>,
      tpu.vector_store %arg7[%swap3A, %swap3A_593], %div3A_592 {strides = array<i32>} : memref<32x256xf32, #tpu.memory_space<vmem>>, vector<16xf32>,
      %div3A_595 = arith.divf %add3A_549, %max3A_499 : vector<16xf32>
      %swap3A_596 = arith.index_cast %scan3A_217 : i32 to index
      %swap3A_597 = arith.constant 16 : index
      %swap3A_598 = tpu.vector_load %arg7[%swap3A_596, %swap3A_597] {strides = array<i32>} : memref<32x256xf32, #tpu.memory_space<vmem>>, vector<16xf32>,
      tpu.vector_store %arg7[%swap3A_596, %swap3A_597], %div3A_595 {strides = array<i32>} : memref<32x256xf32, #tpu.memory_space<vmem>>, vector<16xf32>,
      %div3A_599 = arith.divf %add3A_556, %max3A_505 : vector<16xf32>
      %swap3A_600 = arith.index_cast %scan3A_217 : i32 to index
      %swap3A_601 = arith.constant 32 : index
      %swap3A_602 = tpu.vector_load %arg7[%swap3A_600, %swap3A_601] {strides = array<i32>} : memref<32x256xf32, #tpu.memory_space<vmem>>, vector<16xf32>,
      tpu.vector_store %arg7[%swap3A_600, %swap3A_601], %div3A_599 {strides = array<i32>} : memref<32x256xf32, #tpu.memory_space<vmem>>, vector<16xf32>,
      %div3A_603 = arith.divf %add3A_563, %max3A_511 : vector<16xf32>
      %swap3A_604 = arith.index_cast %scan3A_217 : i32 to index
      %swap3A_605 = arith.constant 48 : index
      %swap3A_606 = tpu.vector_load %arg7[%swap3A_604, %swap3A_605] {strides = array<i32>} : memref<32x256xf32, #tpu.memory_space<vmem>>, vector<16xf32>,
      tpu.vector_store %arg7[%swap3A_604, %swap3A_605], %div3A_603 {strides = array<i32>} : memref<32x256xf32, #tpu.memory_space<vmem>>, vector<16xf32>,
      %div3A_607 = arith.divf %add3A_570, %max3A_517 : vector<16xf32>
      %swap3A_608 = arith.index_cast %scan3A_217 : i32 to index
      %swap3A_609 = arith.constant 64 : index
      %swap3A_610 = tpu.vector_load %arg7[%swap3A_608, %swap3A_609] {strides = array<i32>} : memref<32x256xf32, #tpu.memory_space<vmem>>, vector<16xf32>,
      tpu.vector_store %arg7[%swap3A_608, %swap3A_609], %div3A_607 {strides = array<i32>} : memref<32x256xf32, #tpu.memory_space<vmem>>, vector<16xf32>,
      %div3A_611 = arith.divf %add3A_577, %max3A_523 : vector<16xf32>
      %swap3A_612 = arith.index_cast %scan3A_217 : i32 to index
      %swap3A_613 = arith.constant 80 : index
      %swap3A_614 = tpu.vector_load %arg7[%swap3A_612, %swap3A_613] {strides = array<i32>} : memref<32x256xf32, #tpu.memory_space<vmem>>, vector<16xf32>,
      tpu.vector_store %arg7[%swap3A_612, %swap3A_613], %div3A_611 {strides = array<i32>} : memref<32x256xf32, #tpu.memory_space<vmem>>, vector<16xf32>,
      %div3A_615 = arith.divf %add3A_584, %max3A_529 : vector<16xf32>
      %swap3A_616 = arith.index_cast %scan3A_217 : i32 to index
      %swap3A_617 = arith.constant 96 : index
      %swap3A_618 = tpu.vector_load %arg7[%swap3A_616, %swap3A_617] {strides = array<i32>} : memref<32x256xf32, #tpu.memory_space<vmem>>, vector<16xf32>,
      tpu.vector_store %arg7[%swap3A_616, %swap3A_617], %div3A_615 {strides = array<i32>} : memref<32x256xf32, #tpu.memory_space<vmem>>, vector<16xf32>,
      %div3A_619 = arith.divf %add3A_591, %max3A_535 : vector<16xf32>
      %swap3A_620 = arith.index_cast %scan3A_217 : i32 to index
      %swap3A_621 = arith.constant 112 : index
      %swap3A_622 = tpu.vector_load %arg7[%swap3A_620, %swap3A_621] {strides = array<i32>} : memref<32x256xf32, #tpu.memory_space<vmem>>, vector<16xf32>,
      tpu.vector_store %arg7[%swap3A_620, %swap3A_621], %div3A_619 {strides = array<i32>} : memref<32x256xf32, #tpu.memory_space<vmem>>, vector<16xf32>,
      %mul3A_623 = arith.constant 2 : i32
      %mul3A_624 = arith.muli %mul3A_623, %scan3A_217 : i32
      %mul3A_625 = arith.constant 2 : i32
      %mul3A_626 = arith.muli %mul3A_625, %scan3A_217 : i32
      %add3A_627 = arith.constant 1 : i32
      %add3A_628 = arith.addi %mul3A_626, %add3A_627 : i32
      %mul3A_629 = arith.constant 2 : i32
      %mul3A_630 = arith.muli %mul3A_629, %scan3A_217 : i32
      %mul3A_631 = arith.constant 2 : i32
      %mul3A_632 = arith.muli %mul3A_631, %scan3A_217 : i32
      %add3A_633 = arith.constant 1 : i32
      %add3A_634 = arith.addi %mul3A_632, %add3A_633 : i32
      %mul3A_635 = arith.constant 2 : i32
      %mul3A_636 = arith.muli %mul3A_635, %scan3A_217 : i32
      %mul3A_637 = arith.constant 2 : i32
      %mul3A_638 = arith.muli %mul3A_637, %scan3A_217 : i32
      %add3A_639 = arith.constant 1 : i32
      %add3A_640 = arith.addi %mul3A_638, %add3A_639 : i32
      %mul3A_641 = arith.constant 2 : i32
      %mul3A_642 = arith.muli %mul3A_641, %scan3A_217 : i32
      %mul3A_643 = arith.constant 2 : i32
      %mul3A_644 = arith.muli %mul3A_643, %scan3A_217 : i32
      %add3A_645 = arith.constant 1 : i32
      %add3A_646 = arith.addi %mul3A_644, %add3A_645 : i32
      %mul3A_647 = arith.constant 2 : i32
      %mul3A_648 = arith.muli %mul3A_647, %scan3A_217 : i32
      %mul3A_649 = arith.constant 2 : i32
      %mul3A_650 = arith.muli %mul3A_649, %scan3A_217 : i32
      %add3A_651 = arith.constant 1 : i32
      %add3A_652 = arith.addi %mul3A_650, %add3A_651 : i32
      %mul3A_653 = arith.constant 2 : i32
      %mul3A_654 = arith.muli %mul3A_653, %scan3A_217 : i32
      %mul3A_655 = arith.constant 2 : i32
      %mul3A_656 = arith.muli %mul3A_655, %scan3A_217 : i32
      %add3A_657 = arith.constant 1 : i32
      %add3A_658 = arith.addi %mul3A_656, %add3A_657 : i32
      %mul3A_659 = arith.constant 2 : i32
      %mul3A_660 = arith.muli %mul3A_659, %scan3A_217 : i32
      %mul3A_661 = arith.constant 2 : i32
      %mul3A_662 = arith.muli %mul3A_661, %scan3A_217 : i32
      %add3A_663 = arith.constant 1 : i32
      %add3A_664 = arith.addi %mul3A_662, %add3A_663 : i32
      %mul3A_665 = arith.constant 2 : i32
      %mul3A_666 = arith.muli %mul3A_665, %scan3A_217 : i32
      %mul3A_667 = arith.constant 2 : i32
      %mul3A_668 = arith.muli %mul3A_667, %scan3A_217 : i32
      %add3A_669 = arith.constant 1 : i32
      %add3A_670 = arith.addi %mul3A_668, %add3A_669 : i32
      %gather3A_671 = arith.constant 256 : i32
      %gather3A_672 = tpu.memref_slice %arg5[%mul3A_624, %gather3A_671] : memref<64x512xf32, #tpu.memory_space<vmem>> -> memref<1x32xf32, #tpu.memory_space<vmem>>
      %gather3A_673 = tpu.memref_squeeze %gather3A_672 : memref<1x32xf32, #tpu.memory_space<vmem>> -> memref<32xf32, #tpu.memory_space<vmem>>
      %gather3A_674 = tpu.vector_load_idx %gather3A_673[%mul3A_3] : memref<32xf32, #tpu.memory_space<vmem>>[vector<16xi32>], vector<16xf32>,
      %max3A_675 = arith.constant 0.000000e+00 : f32
      %max3A_676 = vector.broadcast %max3A_675 : f32 to vector<16xf32>
      %max3A_677 = arith.maximumf %gather3A_674, %max3A_676 : vector<16xf32>
      %gather3A_678 = arith.constant 256 : i32
      %gather3A_679 = tpu.memref_slice %arg5[%mul3A_624, %gather3A_678] : memref<64x512xf32, #tpu.memory_space<vmem>> -> memref<1x32xf32, #tpu.memory_space<vmem>>
      %gather3A_680 = tpu.memref_squeeze %gather3A_679 : memref<1x32xf32, #tpu.memory_space<vmem>> -> memref<32xf32, #tpu.memory_space<vmem>>
      %gather3A_681 = tpu.vector_load_idx %gather3A_680[%add3A_174] : memref<32xf32, #tpu.memory_space<vmem>>[vector<16xi32>], vector<16xf32>,
      %max3A_682 = arith.constant 0.000000e+00 : f32
      %max3A_683 = vector.broadcast %max3A_682 : f32 to vector<16xf32>
      %max3A_684 = arith.maximumf %gather3A_681, %max3A_683 : vector<16xf32>
      %gather3A_685 = arith.constant 256 : i32
      %gather3A_686 = tpu.memref_slice %arg5[%add3A_628, %gather3A_685] : memref<64x512xf32, #tpu.memory_space<vmem>> -> memref<1x32xf32, #tpu.memory_space<vmem>>
      %gather3A_687 = tpu.memref_squeeze %gather3A_686 : memref<1x32xf32, #tpu.memory_space<vmem>> -> memref<32xf32, #tpu.memory_space<vmem>>
      %gather3A_688 = tpu.vector_load_idx %gather3A_687[%mul3A_3] : memref<32xf32, #tpu.memory_space<vmem>>[vector<16xi32>], vector<16xf32>,
      %max3A_689 = arith.constant 0.000000e+00 : f32
      %max3A_690 = vector.broadcast %max3A_689 : f32 to vector<16xf32>
      %max3A_691 = arith.maximumf %gather3A_688, %max3A_690 : vector<16xf32>
      %gather3A_692 = arith.constant 256 : i32
      %gather3A_693 = tpu.memref_slice %arg5[%add3A_628, %gather3A_692] : memref<64x512xf32, #tpu.memory_space<vmem>> -> memref<1x32xf32, #tpu.memory_space<vmem>>
      %gather3A_694 = tpu.memref_squeeze %gather3A_693 : memref<1x32xf32, #tpu.memory_space<vmem>> -> memref<32xf32, #tpu.memory_space<vmem>>
      %gather3A_695 = tpu.vector_load_idx %gather3A_694[%add3A_174] : memref<32xf32, #tpu.memory_space<vmem>>[vector<16xi32>], vector<16xf32>,
      %max3A_696 = arith.constant 0.000000e+00 : f32
      %max3A_697 = vector.broadcast %max3A_696 : f32 to vector<16xf32>
      %max3A_698 = arith.maximumf %gather3A_695, %max3A_697 : vector<16xf32>
      %gather3A_699 = arith.constant 288 : i32
      %gather3A_700 = tpu.memref_slice %arg5[%mul3A_630, %gather3A_699] : memref<64x512xf32, #tpu.memory_space<vmem>> -> memref<1x32xf32, #tpu.memory_space<vmem>>
      %gather3A_701 = tpu.memref_squeeze %gather3A_700 : memref<1x32xf32, #tpu.memory_space<vmem>> -> memref<32xf32, #tpu.memory_space<vmem>>
      %gather3A_702 = tpu.vector_load_idx %gather3A_701[%mul3A_3] : memref<32xf32, #tpu.memory_space<vmem>>[vector<16xi32>], vector<16xf32>,
      %max3A_703 = arith.constant 0.000000e+00 : f32
      %max3A_704 = vector.broadcast %max3A_703 : f32 to vector<16xf32>
      %max3A_705 = arith.maximumf %gather3A_702, %max3A_704 : vector<16xf32>
      %gather3A_706 = arith.constant 288 : i32
      %gather3A_707 = tpu.memref_slice %arg5[%mul3A_630, %gather3A_706] : memref<64x512xf32, #tpu.memory_space<vmem>> -> memref<1x32xf32, #tpu.memory_space<vmem>>
      %gather3A_708 = tpu.memref_squeeze %gather3A_707 : memref<1x32xf32, #tpu.memory_space<vmem>> -> memref<32xf32, #tpu.memory_space<vmem>>
      %gather3A_709 = tpu.vector_load_idx %gather3A_708[%add3A_174] : memref<32xf32, #tpu.memory_space<vmem>>[vector<16xi32>], vector<16xf32>,
      %max3A_710 = arith.constant 0.000000e+00 : f32
      %max3A_711 = vector.broadcast %max3A_710 : f32 to vector<16xf32>
      %max3A_712 = arith.maximumf %gather3A_709, %max3A_711 : vector<16xf32>
      %gather3A_713 = arith.constant 288 : i32
      %gather3A_714 = tpu.memref_slice %arg5[%add3A_634, %gather3A_713] : memref<64x512xf32, #tpu.memory_space<vmem>> -> memref<1x32xf32, #tpu.memory_space<vmem>>
      %gather3A_715 = tpu.memref_squeeze %gather3A_714 : memref<1x32xf32, #tpu.memory_space<vmem>> -> memref<32xf32, #tpu.memory_space<vmem>>
      %gather3A_716 = tpu.vector_load_idx %gather3A_715[%mul3A_3] : memref<32xf32, #tpu.memory_space<vmem>>[vector<16xi32>], vector<16xf32>,
      %max3A_717 = arith.constant 0.000000e+00 : f32
      %max3A_718 = vector.broadcast %max3A_717 : f32 to vector<16xf32>
      %max3A_719 = arith.maximumf %gather3A_716, %max3A_718 : vector<16xf32>
      %gather3A_720 = arith.constant 288 : i32
      %gather3A_721 = tpu.memref_slice %arg5[%add3A_634, %gather3A_720] : memref<64x512xf32, #tpu.memory_space<vmem>> -> memref<1x32xf32, #tpu.memory_space<vmem>>
      %gather3A_722 = tpu.memref_squeeze %gather3A_721 : memref<1x32xf32, #tpu.memory_space<vmem>> -> memref<32xf32, #tpu.memory_space<vmem>>
      %gather3A_723 = tpu.vector_load_idx %gather3A_722[%add3A_174] : memref<32xf32, #tpu.memory_space<vmem>>[vector<16xi32>], vector<16xf32>,
      %max3A_724 = arith.constant 0.000000e+00 : f32
      %max3A_725 = vector.broadcast %max3A_724 : f32 to vector<16xf32>
      %max3A_726 = arith.maximumf %gather3A_723, %max3A_725 : vector<16xf32>
      %gather3A_727 = arith.constant 320 : i32
      %gather3A_728 = tpu.memref_slice %arg5[%mul3A_636, %gather3A_727] : memref<64x512xf32, #tpu.memory_space<vmem>> -> memref<1x32xf32, #tpu.memory_space<vmem>>
      %gather3A_729 = tpu.memref_squeeze %gather3A_728 : memref<1x32xf32, #tpu.memory_space<vmem>> -> memref<32xf32, #tpu.memory_space<vmem>>
      %gather3A_730 = tpu.vector_load_idx %gather3A_729[%mul3A_3] : memref<32xf32, #tpu.memory_space<vmem>>[vector<16xi32>], vector<16xf32>,
      %max3A_731 = arith.constant 0.000000e+00 : f32
      %max3A_732 = vector.broadcast %max3A_731 : f32 to vector<16xf32>
      %max3A_733 = arith.maximumf %gather3A_730, %max3A_732 : vector<16xf32>
      %gather3A_734 = arith.constant 320 : i32
      %gather3A_735 = tpu.memref_slice %arg5[%mul3A_636, %gather3A_734] : memref<64x512xf32, #tpu.memory_space<vmem>> -> memref<1x32xf32, #tpu.memory_space<vmem>>
      %gather3A_736 = tpu.memref_squeeze %gather3A_735 : memref<1x32xf32, #tpu.memory_space<vmem>> -> memref<32xf32, #tpu.memory_space<vmem>>
      %gather3A_737 = tpu.vector_load_idx %gather3A_736[%add3A_174] : memref<32xf32, #tpu.memory_space<vmem>>[vector<16xi32>], vector<16xf32>,
      %max3A_738 = arith.constant 0.000000e+00 : f32
      %max3A_739 = vector.broadcast %max3A_738 : f32 to vector<16xf32>
      %max3A_740 = arith.maximumf %gather3A_737, %max3A_739 : vector<16xf32>
      %gather3A_741 = arith.constant 320 : i32
      %gather3A_742 = tpu.memref_slice %arg5[%add3A_640, %gather3A_741] : memref<64x512xf32, #tpu.memory_space<vmem>> -> memref<1x32xf32, #tpu.memory_space<vmem>>
      %gather3A_743 = tpu.memref_squeeze %gather3A_742 : memref<1x32xf32, #tpu.memory_space<vmem>> -> memref<32xf32, #tpu.memory_space<vmem>>
      %gather3A_744 = tpu.vector_load_idx %gather3A_743[%mul3A_3] : memref<32xf32, #tpu.memory_space<vmem>>[vector<16xi32>], vector<16xf32>,
      %max3A_745 = arith.constant 0.000000e+00 : f32
      %max3A_746 = vector.broadcast %max3A_745 : f32 to vector<16xf32>
      %max3A_747 = arith.maximumf %gather3A_744, %max3A_746 : vector<16xf32>
      %gather3A_748 = arith.constant 320 : i32
      %gather3A_749 = tpu.memref_slice %arg5[%add3A_640, %gather3A_748] : memref<64x512xf32, #tpu.memory_space<vmem>> -> memref<1x32xf32, #tpu.memory_space<vmem>>
      %gather3A_750 = tpu.memref_squeeze %gather3A_749 : memref<1x32xf32, #tpu.memory_space<vmem>> -> memref<32xf32, #tpu.memory_space<vmem>>
      %gather3A_751 = tpu.vector_load_idx %gather3A_750[%add3A_174] : memref<32xf32, #tpu.memory_space<vmem>>[vector<16xi32>], vector<16xf32>,
      %max3A_752 = arith.constant 0.000000e+00 : f32
      %max3A_753 = vector.broadcast %max3A_752 : f32 to vector<16xf32>
      %max3A_754 = arith.maximumf %gather3A_751, %max3A_753 : vector<16xf32>
      %gather3A_755 = arith.constant 352 : i32
      %gather3A_756 = tpu.memref_slice %arg5[%mul3A_642, %gather3A_755] : memref<64x512xf32, #tpu.memory_space<vmem>> -> memref<1x32xf32, #tpu.memory_space<vmem>>
      %gather3A_757 = tpu.memref_squeeze %gather3A_756 : memref<1x32xf32, #tpu.memory_space<vmem>> -> memref<32xf32, #tpu.memory_space<vmem>>
      %gather3A_758 = tpu.vector_load_idx %gather3A_757[%mul3A_3] : memref<32xf32, #tpu.memory_space<vmem>>[vector<16xi32>], vector<16xf32>,
      %max3A_759 = arith.constant 0.000000e+00 : f32
      %max3A_760 = vector.broadcast %max3A_759 : f32 to vector<16xf32>
      %max3A_761 = arith.maximumf %gather3A_758, %max3A_760 : vector<16xf32>
      %gather3A_762 = arith.constant 352 : i32
      %gather3A_763 = tpu.memref_slice %arg5[%mul3A_642, %gather3A_762] : memref<64x512xf32, #tpu.memory_space<vmem>> -> memref<1x32xf32, #tpu.memory_space<vmem>>
      %gather3A_764 = tpu.memref_squeeze %gather3A_763 : memref<1x32xf32, #tpu.memory_space<vmem>> -> memref<32xf32, #tpu.memory_space<vmem>>
      %gather3A_765 = tpu.vector_load_idx %gather3A_764[%add3A_174] : memref<32xf32, #tpu.memory_space<vmem>>[vector<16xi32>], vector<16xf32>,
      %max3A_766 = arith.constant 0.000000e+00 : f32
      %max3A_767 = vector.broadcast %max3A_766 : f32 to vector<16xf32>
      %max3A_768 = arith.maximumf %gather3A_765, %max3A_767 : vector<16xf32>
      %gather3A_769 = arith.constant 352 : i32
      %gather3A_770 = tpu.memref_slice %arg5[%add3A_646, %gather3A_769] : memref<64x512xf32, #tpu.memory_space<vmem>> -> memref<1x32xf32, #tpu.memory_space<vmem>>
      %gather3A_771 = tpu.memref_squeeze %gather3A_770 : memref<1x32xf32, #tpu.memory_space<vmem>> -> memref<32xf32, #tpu.memory_space<vmem>>
      %gather3A_772 = tpu.vector_load_idx %gather3A_771[%mul3A_3] : memref<32xf32, #tpu.memory_space<vmem>>[vector<16xi32>], vector<16xf32>,
      %max3A_773 = arith.constant 0.000000e+00 : f32
      %max3A_774 = vector.broadcast %max3A_773 : f32 to vector<16xf32>
      %max3A_775 = arith.maximumf %gather3A_772, %max3A_774 : vector<16xf32>
      %gather3A_776 = arith.constant 352 : i32
      %gather3A_777 = tpu.memref_slice %arg5[%add3A_646, %gather3A_776] : memref<64x512xf32, #tpu.memory_space<vmem>> -> memref<1x32xf32, #tpu.memory_space<vmem>>
      %gather3A_778 = tpu.memref_squeeze %gather3A_777 : memref<1x32xf32, #tpu.memory_space<vmem>> -> memref<32xf32, #tpu.memory_space<vmem>>
      %gather3A_779 = tpu.vector_load_idx %gather3A_778[%add3A_174] : memref<32xf32, #tpu.memory_space<vmem>>[vector<16xi32>], vector<16xf32>,
      %max3A_780 = arith.constant 0.000000e+00 : f32
      %max3A_781 = vector.broadcast %max3A_780 : f32 to vector<16xf32>
      %max3A_782 = arith.maximumf %gather3A_779, %max3A_781 : vector<16xf32>
      %gather3A_783 = arith.constant 384 : i32
      %gather3A_784 = tpu.memref_slice %arg5[%mul3A_648, %gather3A_783] : memref<64x512xf32, #tpu.memory_space<vmem>> -> memref<1x32xf32, #tpu.memory_space<vmem>>
      %gather3A_785 = tpu.memref_squeeze %gather3A_784 : memref<1x32xf32, #tpu.memory_space<vmem>> -> memref<32xf32, #tpu.memory_space<vmem>>
      %gather3A_786 = tpu.vector_load_idx %gather3A_785[%mul3A_3] : memref<32xf32, #tpu.memory_space<vmem>>[vector<16xi32>], vector<16xf32>,
      %max3A_787 = arith.constant 0.000000e+00 : f32
      %max3A_788 = vector.broadcast %max3A_787 : f32 to vector<16xf32>
      %max3A_789 = arith.maximumf %gather3A_786, %max3A_788 : vector<16xf32>
      %gather3A_790 = arith.constant 384 : i32
      %gather3A_791 = tpu.memref_slice %arg5[%mul3A_648, %gather3A_790] : memref<64x512xf32, #tpu.memory_space<vmem>> -> memref<1x32xf32, #tpu.memory_space<vmem>>
      %gather3A_792 = tpu.memref_squeeze %gather3A_791 : memref<1x32xf32, #tpu.memory_space<vmem>> -> memref<32xf32, #tpu.memory_space<vmem>>
      %gather3A_793 = tpu.vector_load_idx %gather3A_792[%add3A_174] : memref<32xf32, #tpu.memory_space<vmem>>[vector<16xi32>], vector<16xf32>,
      %max3A_794 = arith.constant 0.000000e+00 : f32
      %max3A_795 = vector.broadcast %max3A_794 : f32 to vector<16xf32>
      %max3A_796 = arith.maximumf %gather3A_793, %max3A_795 : vector<16xf32>
      %gather3A_797 = arith.constant 384 : i32
      %gather3A_798 = tpu.memref_slice %arg5[%add3A_652, %gather3A_797] : memref<64x512xf32, #tpu.memory_space<vmem>> -> memref<1x32xf32, #tpu.memory_space<vmem>>
      %gather3A_799 = tpu.memref_squeeze %gather3A_798 : memref<1x32xf32, #tpu.memory_space<vmem>> -> memref<32xf32, #tpu.memory_space<vmem>>
      %gather3A_800 = tpu.vector_load_idx %gather3A_799[%mul3A_3] : memref<32xf32, #tpu.memory_space<vmem>>[vector<16xi32>], vector<16xf32>,
      %max3A_801 = arith.constant 0.000000e+00 : f32
      %max3A_802 = vector.broadcast %max3A_801 : f32 to vector<16xf32>
      %max3A_803 = arith.maximumf %gather3A_800, %max3A_802 : vector<16xf32>
      %gather3A_804 = arith.constant 384 : i32
      %gather3A_805 = tpu.memref_slice %arg5[%add3A_652, %gather3A_804] : memref<64x512xf32, #tpu.memory_space<vmem>> -> memref<1x32xf32, #tpu.memory_space<vmem>>
      %gather3A_806 = tpu.memref_squeeze %gather3A_805 : memref<1x32xf32, #tpu.memory_space<vmem>> -> memref<32xf32, #tpu.memory_space<vmem>>
      %gather3A_807 = tpu.vector_load_idx %gather3A_806[%add3A_174] : memref<32xf32, #tpu.memory_space<vmem>>[vector<16xi32>], vector<16xf32>,
      %max3A_808 = arith.constant 0.000000e+00 : f32
      %max3A_809 = vector.broadcast %max3A_808 : f32 to vector<16xf32>
      %max3A_810 = arith.maximumf %gather3A_807, %max3A_809 : vector<16xf32>
      %gather3A_811 = arith.constant 416 : i32
      %gather3A_812 = tpu.memref_slice %arg5[%mul3A_654, %gather3A_811] : memref<64x512xf32, #tpu.memory_space<vmem>> -> memref<1x32xf32, #tpu.memory_space<vmem>>
      %gather3A_813 = tpu.memref_squeeze %gather3A_812 : memref<1x32xf32, #tpu.memory_space<vmem>> -> memref<32xf32, #tpu.memory_space<vmem>>
      %gather3A_814 = tpu.vector_load_idx %gather3A_813[%mul3A_3] : memref<32xf32, #tpu.memory_space<vmem>>[vector<16xi32>], vector<16xf32>,
      %max3A_815 = arith.constant 0.000000e+00 : f32
      %max3A_816 = vector.broadcast %max3A_815 : f32 to vector<16xf32>
      %max3A_817 = arith.maximumf %gather3A_814, %max3A_816 : vector<16xf32>
      %gather3A_818 = arith.constant 416 : i32
      %gather3A_819 = tpu.memref_slice %arg5[%mul3A_654, %gather3A_818] : memref<64x512xf32, #tpu.memory_space<vmem>> -> memref<1x32xf32, #tpu.memory_space<vmem>>
      %gather3A_820 = tpu.memref_squeeze %gather3A_819 : memref<1x32xf32, #tpu.memory_space<vmem>> -> memref<32xf32, #tpu.memory_space<vmem>>
      %gather3A_821 = tpu.vector_load_idx %gather3A_820[%add3A_174] : memref<32xf32, #tpu.memory_space<vmem>>[vector<16xi32>], vector<16xf32>,
      %max3A_822 = arith.constant 0.000000e+00 : f32
      %max3A_823 = vector.broadcast %max3A_822 : f32 to vector<16xf32>
      %max3A_824 = arith.maximumf %gather3A_821, %max3A_823 : vector<16xf32>
      %gather3A_825 = arith.constant 416 : i32
      %gather3A_826 = tpu.memref_slice %arg5[%add3A_658, %gather3A_825] : memref<64x512xf32, #tpu.memory_space<vmem>> -> memref<1x32xf32, #tpu.memory_space<vmem>>
      %gather3A_827 = tpu.memref_squeeze %gather3A_826 : memref<1x32xf32, #tpu.memory_space<vmem>> -> memref<32xf32, #tpu.memory_space<vmem>>
      %gather3A_828 = tpu.vector_load_idx %gather3A_827[%mul3A_3] : memref<32xf32, #tpu.memory_space<vmem>>[vector<16xi32>], vector<16xf32>,
      %max3A_829 = arith.constant 0.000000e+00 : f32
      %max3A_830 = vector.broadcast %max3A_829 : f32 to vector<16xf32>
      %max3A_831 = arith.maximumf %gather3A_828, %max3A_830 : vector<16xf32>
      %gather3A_832 = arith.constant 416 : i32
      %gather3A_833 = tpu.memref_slice %arg5[%add3A_658, %gather3A_832] : memref<64x512xf32, #tpu.memory_space<vmem>> -> memref<1x32xf32, #tpu.memory_space<vmem>>
      %gather3A_834 = tpu.memref_squeeze %gather3A_833 : memref<1x32xf32, #tpu.memory_space<vmem>> -> memref<32xf32, #tpu.memory_space<vmem>>
      %gather3A_835 = tpu.vector_load_idx %gather3A_834[%add3A_174] : memref<32xf32, #tpu.memory_space<vmem>>[vector<16xi32>], vector<16xf32>,
      %max3A_836 = arith.constant 0.000000e+00 : f32
      %max3A_837 = vector.broadcast %max3A_836 : f32 to vector<16xf32>
      %max3A_838 = arith.maximumf %gather3A_835, %max3A_837 : vector<16xf32>
      %gather3A_839 = arith.constant 448 : i32
      %gather3A_840 = tpu.memref_slice %arg5[%mul3A_660, %gather3A_839] : memref<64x512xf32, #tpu.memory_space<vmem>> -> memref<1x32xf32, #tpu.memory_space<vmem>>
      %gather3A_841 = tpu.memref_squeeze %gather3A_840 : memref<1x32xf32, #tpu.memory_space<vmem>> -> memref<32xf32, #tpu.memory_space<vmem>>
      %gather3A_842 = tpu.vector_load_idx %gather3A_841[%mul3A_3] : memref<32xf32, #tpu.memory_space<vmem>>[vector<16xi32>], vector<16xf32>,
      %max3A_843 = arith.constant 0.000000e+00 : f32
      %max3A_844 = vector.broadcast %max3A_843 : f32 to vector<16xf32>
      %max3A_845 = arith.maximumf %gather3A_842, %max3A_844 : vector<16xf32>
      %gather3A_846 = arith.constant 448 : i32
      %gather3A_847 = tpu.memref_slice %arg5[%mul3A_660, %gather3A_846] : memref<64x512xf32, #tpu.memory_space<vmem>> -> memref<1x32xf32, #tpu.memory_space<vmem>>
      %gather3A_848 = tpu.memref_squeeze %gather3A_847 : memref<1x32xf32, #tpu.memory_space<vmem>> -> memref<32xf32, #tpu.memory_space<vmem>>
      %gather3A_849 = tpu.vector_load_idx %gather3A_848[%add3A_174] : memref<32xf32, #tpu.memory_space<vmem>>[vector<16xi32>], vector<16xf32>,
      %max3A_850 = arith.constant 0.000000e+00 : f32
      %max3A_851 = vector.broadcast %max3A_850 : f32 to vector<16xf32>
      %max3A_852 = arith.maximumf %gather3A_849, %max3A_851 : vector<16xf32>
      %gather3A_853 = arith.constant 448 : i32
      %gather3A_854 = tpu.memref_slice %arg5[%add3A_664, %gather3A_853] : memref<64x512xf32, #tpu.memory_space<vmem>> -> memref<1x32xf32, #tpu.memory_space<vmem>>
      %gather3A_855 = tpu.memref_squeeze %gather3A_854 : memref<1x32xf32, #tpu.memory_space<vmem>> -> memref<32xf32, #tpu.memory_space<vmem>>
      %gather3A_856 = tpu.vector_load_idx %gather3A_855[%mul3A_3] : memref<32xf32, #tpu.memory_space<vmem>>[vector<16xi32>], vector<16xf32>,
      %max3A_857 = arith.constant 0.000000e+00 : f32
      %max3A_858 = vector.broadcast %max3A_857 : f32 to vector<16xf32>
      %max3A_859 = arith.maximumf %gather3A_856, %max3A_858 : vector<16xf32>
      %gather3A_860 = arith.constant 448 : i32
      %gather3A_861 = tpu.memref_slice %arg5[%add3A_664, %gather3A_860] : memref<64x512xf32, #tpu.memory_space<vmem>> -> memref<1x32xf32, #tpu.memory_space<vmem>>
      %gather3A_862 = tpu.memref_squeeze %gather3A_861 : memref<1x32xf32, #tpu.memory_space<vmem>> -> memref<32xf32, #tpu.memory_space<vmem>>
      %gather3A_863 = tpu.vector_load_idx %gather3A_862[%add3A_174] : memref<32xf32, #tpu.memory_space<vmem>>[vector<16xi32>], vector<16xf32>,
      %max3A_864 = arith.constant 0.000000e+00 : f32
      %max3A_865 = vector.broadcast %max3A_864 : f32 to vector<16xf32>
      %max3A_866 = arith.maximumf %gather3A_863, %max3A_865 : vector<16xf32>
      %gather3A_867 = arith.constant 480 : i32
      %gather3A_868 = tpu.memref_slice %arg5[%mul3A_666, %gather3A_867] : memref<64x512xf32, #tpu.memory_space<vmem>> -> memref<1x32xf32, #tpu.memory_space<vmem>>
      %gather3A_869 = tpu.memref_squeeze %gather3A_868 : memref<1x32xf32, #tpu.memory_space<vmem>> -> memref<32xf32, #tpu.memory_space<vmem>>
      %gather3A_870 = tpu.vector_load_idx %gather3A_869[%mul3A_3] : memref<32xf32, #tpu.memory_space<vmem>>[vector<16xi32>], vector<16xf32>,
      %max3A_871 = arith.constant 0.000000e+00 : f32
      %max3A_872 = vector.broadcast %max3A_871 : f32 to vector<16xf32>
      %max3A_873 = arith.maximumf %gather3A_870, %max3A_872 : vector<16xf32>
      %gather3A_874 = arith.constant 480 : i32
      %gather3A_875 = tpu.memref_slice %arg5[%mul3A_666, %gather3A_874] : memref<64x512xf32, #tpu.memory_space<vmem>> -> memref<1x32xf32, #tpu.memory_space<vmem>>
      %gather3A_876 = tpu.memref_squeeze %gather3A_875 : memref<1x32xf32, #tpu.memory_space<vmem>> -> memref<32xf32, #tpu.memory_space<vmem>>
      %gather3A_877 = tpu.vector_load_idx %gather3A_876[%add3A_174] : memref<32xf32, #tpu.memory_space<vmem>>[vector<16xi32>], vector<16xf32>,
      %max3A_878 = arith.constant 0.000000e+00 : f32
      %max3A_879 = vector.broadcast %max3A_878 : f32 to vector<16xf32>
      %max3A_880 = arith.maximumf %gather3A_877, %max3A_879 : vector<16xf32>
      %gather3A_881 = arith.constant 480 : i32
      %gather3A_882 = tpu.memref_slice %arg5[%add3A_670, %gather3A_881] : memref<64x512xf32, #tpu.memory_space<vmem>> -> memref<1x32xf32, #tpu.memory_space<vmem>>
      %gather3A_883 = tpu.memref_squeeze %gather3A_882 : memref<1x32xf32, #tpu.memory_space<vmem>> -> memref<32xf32, #tpu.memory_space<vmem>>
      %gather3A_884 = tpu.vector_load_idx %gather3A_883[%mul3A_3] : memref<32xf32, #tpu.memory_space<vmem>>[vector<16xi32>], vector<16xf32>,
      %max3A_885 = arith.constant 0.000000e+00 : f32
      %max3A_886 = vector.broadcast %max3A_885 : f32 to vector<16xf32>
      %max3A_887 = arith.maximumf %gather3A_884, %max3A_886 : vector<16xf32>
      %gather3A_888 = arith.constant 480 : i32
      %gather3A_889 = tpu.memref_slice %arg5[%add3A_670, %gather3A_888] : memref<64x512xf32, #tpu.memory_space<vmem>> -> memref<1x32xf32, #tpu.memory_space<vmem>>
      %gather3A_890 = tpu.memref_squeeze %gather3A_889 : memref<1x32xf32, #tpu.memory_space<vmem>> -> memref<32xf32, #tpu.memory_space<vmem>>
      %gather3A_891 = tpu.vector_load_idx %gather3A_890[%add3A_174] : memref<32xf32, #tpu.memory_space<vmem>>[vector<16xi32>], vector<16xf32>,
      %max3A_892 = arith.constant 0.000000e+00 : f32
      %max3A_893 = vector.broadcast %max3A_892 : f32 to vector<16xf32>
      %max3A_894 = arith.maximumf %gather3A_891, %max3A_893 : vector<16xf32>
      %add3A_895 = arith.addf %max3A_677, %max3A_684 : vector<16xf32>
      %add3A_896 = arith.addf %max3A_691, %max3A_698 : vector<16xf32>
      %add3A_897 = arith.addf %add3A_895, %add3A_896 : vector<16xf32>
      %max3A_898 = arith.constant 1.200000e-38 : f32
      %max3A_899 = vector.broadcast %max3A_898 : f32 to vector<16xf32>
      %max3A_900 = arith.maximumf %add3A_897, %max3A_899 : vector<16xf32>
      %add3A_901 = arith.addf %max3A_705, %max3A_712 : vector<16xf32>
      %add3A_902 = arith.addf %max3A_719, %max3A_726 : vector<16xf32>
      %add3A_903 = arith.addf %add3A_901, %add3A_902 : vector<16xf32>
      %max3A_904 = arith.constant 1.200000e-38 : f32
      %max3A_905 = vector.broadcast %max3A_904 : f32 to vector<16xf32>
      %max3A_906 = arith.maximumf %add3A_903, %max3A_905 : vector<16xf32>
      %add3A_907 = arith.addf %max3A_733, %max3A_740 : vector<16xf32>
      %add3A_908 = arith.addf %max3A_747, %max3A_754 : vector<16xf32>
      %add3A_909 = arith.addf %add3A_907, %add3A_908 : vector<16xf32>
      %max3A_910 = arith.constant 1.200000e-38 : f32
      %max3A_911 = vector.broadcast %max3A_910 : f32 to vector<16xf32>
      %max3A_912 = arith.maximumf %add3A_909, %max3A_911 : vector<16xf32>
      %add3A_913 = arith.addf %max3A_761, %max3A_768 : vector<16xf32>
      %add3A_914 = arith.addf %max3A_775, %max3A_782 : vector<16xf32>
      %add3A_915 = arith.addf %add3A_913, %add3A_914 : vector<16xf32>
      %max3A_916 = arith.constant 1.200000e-38 : f32
      %max3A_917 = vector.broadcast %max3A_916 : f32 to vector<16xf32>
      %max3A_918 = arith.maximumf %add3A_915, %max3A_917 : vector<16xf32>
      %add3A_919 = arith.addf %max3A_789, %max3A_796 : vector<16xf32>
      %add3A_920 = arith.addf %max3A_803, %max3A_810 : vector<16xf32>
      %add3A_921 = arith.addf %add3A_919, %add3A_920 : vector<16xf32>
      %max3A_922 = arith.constant 1.200000e-38 : f32
      %max3A_923 = vector.broadcast %max3A_922 : f32 to vector<16xf32>
      %max3A_924 = arith.maximumf %add3A_921, %max3A_923 : vector<16xf32>
      %add3A_925 = arith.addf %max3A_817, %max3A_824 : vector<16xf32>
      %add3A_926 = arith.addf %max3A_831, %max3A_838 : vector<16xf32>
      %add3A_927 = arith.addf %add3A_925, %add3A_926 : vector<16xf32>
      %max3A_928 = arith.constant 1.200000e-38 : f32
      %max3A_929 = vector.broadcast %max3A_928 : f32 to vector<16xf32>
      %max3A_930 = arith.maximumf %add3A_927, %max3A_929 : vector<16xf32>
      %add3A_931 = arith.addf %max3A_845, %max3A_852 : vector<16xf32>
      %add3A_932 = arith.addf %max3A_859, %max3A_866 : vector<16xf32>
      %add3A_933 = arith.addf %add3A_931, %add3A_932 : vector<16xf32>
      %max3A_934 = arith.constant 1.200000e-38 : f32
      %max3A_935 = vector.broadcast %max3A_934 : f32 to vector<16xf32>
      %max3A_936 = arith.maximumf %add3A_933, %max3A_935 : vector<16xf32>
      %add3A_937 = arith.addf %max3A_873, %max3A_880 : vector<16xf32>
      %add3A_938 = arith.addf %max3A_887, %max3A_894 : vector<16xf32>
      %add3A_939 = arith.addf %add3A_937, %add3A_938 : vector<16xf32>
      %max3A_940 = arith.constant 1.200000e-38 : f32
      %max3A_941 = vector.broadcast %max3A_940 : f32 to vector<16xf32>
      %max3A_942 = arith.maximumf %add3A_939, %max3A_941 : vector<16xf32>
      %mul3A_943 = arith.mulf %max3A_677, %max3A_677 : vector<16xf32>
      %mul3A_944 = arith.mulf %max3A_684, %max3A_684 : vector<16xf32>
      %add3A_945 = arith.addf %mul3A_943, %mul3A_944 : vector<16xf32>
      %mul3A_946 = arith.mulf %max3A_691, %max3A_691 : vector<16xf32>
      %mul3A_947 = arith.mulf %max3A_698, %max3A_698 : vector<16xf32>
      %add3A_948 = arith.addf %mul3A_946, %mul3A_947 : vector<16xf32>
      %add3A_949 = arith.addf %add3A_945, %add3A_948 : vector<16xf32>
      %mul3A_950 = arith.mulf %max3A_705, %max3A_705 : vector<16xf32>
      %mul3A_951 = arith.mulf %max3A_712, %max3A_712 : vector<16xf32>
      %add3A_952 = arith.addf %mul3A_950, %mul3A_951 : vector<16xf32>
      %mul3A_953 = arith.mulf %max3A_719, %max3A_719 : vector<16xf32>
      %mul3A_954 = arith.mulf %max3A_726, %max3A_726 : vector<16xf32>
      %add3A_955 = arith.addf %mul3A_953, %mul3A_954 : vector<16xf32>
      %add3A_956 = arith.addf %add3A_952, %add3A_955 : vector<16xf32>
      %mul3A_957 = arith.mulf %max3A_733, %max3A_733 : vector<16xf32>
      %mul3A_958 = arith.mulf %max3A_740, %max3A_740 : vector<16xf32>
      %add3A_959 = arith.addf %mul3A_957, %mul3A_958 : vector<16xf32>
      %mul3A_960 = arith.mulf %max3A_747, %max3A_747 : vector<16xf32>
      %mul3A_961 = arith.mulf %max3A_754, %max3A_754 : vector<16xf32>
      %add3A_962 = arith.addf %mul3A_960, %mul3A_961 : vector<16xf32>
      %add3A_963 = arith.addf %add3A_959, %add3A_962 : vector<16xf32>
      %mul3A_964 = arith.mulf %max3A_761, %max3A_761 : vector<16xf32>
      %mul3A_965 = arith.mulf %max3A_768, %max3A_768 : vector<16xf32>
      %add3A_966 = arith.addf %mul3A_964, %mul3A_965 : vector<16xf32>
      %mul3A_967 = arith.mulf %max3A_775, %max3A_775 : vector<16xf32>
      %mul3A_968 = arith.mulf %max3A_782, %max3A_782 : vector<16xf32>
      %add3A_969 = arith.addf %mul3A_967, %mul3A_968 : vector<16xf32>
      %add3A_970 = arith.addf %add3A_966, %add3A_969 : vector<16xf32>
      %mul3A_971 = arith.mulf %max3A_789, %max3A_789 : vector<16xf32>
      %mul3A_972 = arith.mulf %max3A_796, %max3A_796 : vector<16xf32>
      %add3A_973 = arith.addf %mul3A_971, %mul3A_972 : vector<16xf32>
      %mul3A_974 = arith.mulf %max3A_803, %max3A_803 : vector<16xf32>
      %mul3A_975 = arith.mulf %max3A_810, %max3A_810 : vector<16xf32>
      %add3A_976 = arith.addf %mul3A_974, %mul3A_975 : vector<16xf32>
      %add3A_977 = arith.addf %add3A_973, %add3A_976 : vector<16xf32>
      %mul3A_978 = arith.mulf %max3A_817, %max3A_817 : vector<16xf32>
      %mul3A_979 = arith.mulf %max3A_824, %max3A_824 : vector<16xf32>
      %add3A_980 = arith.addf %mul3A_978, %mul3A_979 : vector<16xf32>
      %mul3A_981 = arith.mulf %max3A_831, %max3A_831 : vector<16xf32>
      %mul3A_982 = arith.mulf %max3A_838, %max3A_838 : vector<16xf32>
      %add3A_983 = arith.addf %mul3A_981, %mul3A_982 : vector<16xf32>
      %add3A_984 = arith.addf %add3A_980, %add3A_983 : vector<16xf32>
      %mul3A_985 = arith.mulf %max3A_845, %max3A_845 : vector<16xf32>
      %mul3A_986 = arith.mulf %max3A_852, %max3A_852 : vector<16xf32>
      %add3A_987 = arith.addf %mul3A_985, %mul3A_986 : vector<16xf32>
      %mul3A_988 = arith.mulf %max3A_859, %max3A_859 : vector<16xf32>
      %mul3A_989 = arith.mulf %max3A_866, %max3A_866 : vector<16xf32>
      %add3A_990 = arith.addf %mul3A_988, %mul3A_989 : vector<16xf32>
      %add3A_991 = arith.addf %add3A_987, %add3A_990 : vector<16xf32>
      %mul3A_992 = arith.mulf %max3A_873, %max3A_873 : vector<16xf32>
      %mul3A_993 = arith.mulf %max3A_880, %max3A_880 : vector<16xf32>
      %add3A_994 = arith.addf %mul3A_992, %mul3A_993 : vector<16xf32>
      %mul3A_995 = arith.mulf %max3A_887, %max3A_887 : vector<16xf32>
      %mul3A_996 = arith.mulf %max3A_894, %max3A_894 : vector<16xf32>
      %add3A_997 = arith.addf %mul3A_995, %mul3A_996 : vector<16xf32>
      %add3A_998 = arith.addf %add3A_994, %add3A_997 : vector<16xf32>
      %div3A_999 = arith.divf %add3A_949, %max3A_900 : vector<16xf32>
      %swap3A_1000 = arith.index_cast %scan3A_217 : i32 to index
      %swap3A_1001 = arith.constant 128 : index
      %swap3A_1002 = tpu.vector_load %arg7[%swap3A_1000, %swap3A_1001] {strides = array<i32>} : memref<32x256xf32, #tpu.memory_space<vmem>>, vector<16xf32>,
      tpu.vector_store %arg7[%swap3A_1000, %swap3A_1001], %div3A_999 {strides = array<i32>} : memref<32x256xf32, #tpu.memory_space<vmem>>, vector<16xf32>,
      %div3A_1003 = arith.divf %add3A_956, %max3A_906 : vector<16xf32>
      %swap3A_1004 = arith.index_cast %scan3A_217 : i32 to index
      %swap3A_1005 = arith.constant 144 : index
      %swap3A_1006 = tpu.vector_load %arg7[%swap3A_1004, %swap3A_1005] {strides = array<i32>} : memref<32x256xf32, #tpu.memory_space<vmem>>, vector<16xf32>,
      tpu.vector_store %arg7[%swap3A_1004, %swap3A_1005], %div3A_1003 {strides = array<i32>} : memref<32x256xf32, #tpu.memory_space<vmem>>, vector<16xf32>,
      %div3A_1007 = arith.divf %add3A_963, %max3A_912 : vector<16xf32>
      %swap3A_1008 = arith.index_cast %scan3A_217 : i32 to index
      %swap3A_1009 = arith.constant 160 : index
      %swap3A_1010 = tpu.vector_load %arg7[%swap3A_1008, %swap3A_1009] {strides = array<i32>} : memref<32x256xf32, #tpu.memory_space<vmem>>, vector<16xf32>,
      tpu.vector_store %arg7[%swap3A_1008, %swap3A_1009], %div3A_1007 {strides = array<i32>} : memref<32x256xf32, #tpu.memory_space<vmem>>, vector<16xf32>,
      %div3A_1011 = arith.divf %add3A_970, %max3A_918 : vector<16xf32>
      %swap3A_1012 = arith.index_cast %scan3A_217 : i32 to index
      %swap3A_1013 = arith.constant 176 : index
      %swap3A_1014 = tpu.vector_load %arg7[%swap3A_1012, %swap3A_1013] {strides = array<i32>} : memref<32x256xf32, #tpu.memory_space<vmem>>, vector<16xf32>,
      tpu.vector_store %arg7[%swap3A_1012, %swap3A_1013], %div3A_1011 {strides = array<i32>} : memref<32x256xf32, #tpu.memory_space<vmem>>, vector<16xf32>,
      %div3A_1015 = arith.divf %add3A_977, %max3A_924 : vector<16xf32>
      %swap3A_1016 = arith.index_cast %scan3A_217 : i32 to index
      %swap3A_1017 = arith.constant 192 : index
      %swap3A_1018 = tpu.vector_load %arg7[%swap3A_1016, %swap3A_1017] {strides = array<i32>} : memref<32x256xf32, #tpu.memory_space<vmem>>, vector<16xf32>,
      tpu.vector_store %arg7[%swap3A_1016, %swap3A_1017], %div3A_1015 {strides = array<i32>} : memref<32x256xf32, #tpu.memory_space<vmem>>, vector<16xf32>,
      %div3A_1019 = arith.divf %add3A_984, %max3A_930 : vector<16xf32>
      %swap3A_1020 = arith.index_cast %scan3A_217 : i32 to index
      %swap3A_1021 = arith.constant 208 : index
      %swap3A_1022 = tpu.vector_load %arg7[%swap3A_1020, %swap3A_1021] {strides = array<i32>} : memref<32x256xf32, #tpu.memory_space<vmem>>, vector<16xf32>,
      tpu.vector_store %arg7[%swap3A_1020, %swap3A_1021], %div3A_1019 {strides = array<i32>} : memref<32x256xf32, #tpu.memory_space<vmem>>, vector<16xf32>,
      %div3A_1023 = arith.divf %add3A_991, %max3A_936 : vector<16xf32>
      %swap3A_1024 = arith.index_cast %scan3A_217 : i32 to index
      %swap3A_1025 = arith.constant 224 : index
      %swap3A_1026 = tpu.vector_load %arg7[%swap3A_1024, %swap3A_1025] {strides = array<i32>} : memref<32x256xf32, #tpu.memory_space<vmem>>, vector<16xf32>,
      tpu.vector_store %arg7[%swap3A_1024, %swap3A_1025], %div3A_1023 {strides = array<i32>} : memref<32x256xf32, #tpu.memory_space<vmem>>, vector<16xf32>,
      %div3A_1027 = arith.divf %add3A_998, %max3A_942 : vector<16xf32>
      %swap3A_1028 = arith.index_cast %scan3A_217 : i32 to index
      %swap3A_1029 = arith.constant 240 : index
      %swap3A_1030 = tpu.vector_load %arg7[%swap3A_1028, %swap3A_1029] {strides = array<i32>} : memref<32x256xf32, #tpu.memory_space<vmem>>, vector<16xf32>,
      tpu.vector_store %arg7[%swap3A_1028, %swap3A_1029], %div3A_1027 {strides = array<i32>} : memref<32x256xf32, #tpu.memory_space<vmem>>, vector<16xf32>,
    }
    %scan3A_180 = arith.constant 32 : i32
    %mul3A_181 = arith.constant 24 : i32
    %mul3A_182 = arith.muli %add3A, %mul3A_181 : i32
    %add3A_183 = arith.constant 23 : i32
    %add3A_184 = arith.addi %mul3A_182, %add3A_183 : i32
    %dma_start3A_185 = arith.constant 224 : i32
    %dma_start3A_186 = arith.constant 0 : i32
    %dma_start3A_187 = tpu.memref_slice %arg3[%add3A_184, %dma_start3A_185, %dma_start3A_186] : memref<768x256x256xf32, #tpu.memory_space<hbm>> -> memref<1x32x256xf32, #tpu.memory_space<hbm>>
    %dma_start3A_188 = tpu.memref_squeeze %dma_start3A_187 : memref<1x32x256xf32, #tpu.memory_space<hbm>> -> memref<32x256xf32, #tpu.memory_space<hbm>>
    %dma_start3A_189 = arith.constant 224 : i32
    %dma_start3A_190 = arith.constant 0 : i32
    %dma_start3A_191 = tpu.memref_slice %arg3[%add3A_184, %dma_start3A_189, %dma_start3A_190] : memref<768x256x256xf32, #tpu.memory_space<hbm>> -> memref<1x32x256xf32, #tpu.memory_space<hbm>>
    %dma_start3A_192 = tpu.memref_squeeze %dma_start3A_191 : memref<1x32x256xf32, #tpu.memory_space<hbm>> -> memref<32x256xf32, #tpu.memory_space<hbm>>
    tpu.enqueue_dma source(%arg7 : memref<32x256xf32, #tpu.memory_space<vmem>>) target(%dma_start3A_192 : memref<32x256xf32, #tpu.memory_space<hbm>>) target_semaphore(%arg11 : memref<!tpu.dma_semaphore, #tpu.memory_space<semaphore_mem>>)
    %mul3A_193 = arith.constant 24 : i32
    %mul3A_194 = arith.muli %add3A, %mul3A_193 : i32
    %add3A_195 = arith.constant 23 : i32
    %add3A_196 = arith.addi %mul3A_194, %add3A_195 : i32
    %dma_wait3A_197 = arith.constant 192 : i32
    %dma_wait3A_198 = arith.constant 0 : i32
    %dma_wait3A_199 = tpu.memref_slice %arg3[%add3A_196, %dma_wait3A_197, %dma_wait3A_198] : memref<768x256x256xf32, #tpu.memory_space<hbm>> -> memref<1x32x256xf32, #tpu.memory_space<hbm>>
    %dma_wait3A_200 = tpu.memref_squeeze %dma_wait3A_199 : memref<1x32x256xf32, #tpu.memory_space<hbm>> -> memref<32x256xf32, #tpu.memory_space<hbm>>
    %dma_wait3A_201 = arith.constant 192 : i32
    %dma_wait3A_202 = arith.constant 0 : i32
    %dma_wait3A_203 = tpu.memref_slice %arg3[%add3A_196, %dma_wait3A_201, %dma_wait3A_202] : memref<768x256x256xf32, #tpu.memory_space<hbm>> -> memref<1x32x256xf32, #tpu.memory_space<hbm>>
    %dma_wait3A_204 = tpu.memref_squeeze %dma_wait3A_203 : memref<1x32x256xf32, #tpu.memory_space<hbm>> -> memref<32x256xf32, #tpu.memory_space<hbm>>
    tpu.wait_dma2 semaphore(%arg10 : memref<!tpu.dma_semaphore, #tpu.memory_space<semaphore_mem>>) src(%arg6 : memref<32x256xf32, #tpu.memory_space<vmem>>) dst(%dma_wait3A_204 : memref<32x256xf32, #tpu.memory_space<hbm>>)
    %mul3A_205 = arith.constant 24 : i32
    %mul3A_206 = arith.muli %add3A, %mul3A_205 : i32
    %add3A_207 = arith.constant 23 : i32
    %add3A_208 = arith.addi %mul3A_206, %add3A_207 : i32
    %dma_wait3A_209 = arith.constant 224 : i32
    %dma_wait3A_210 = arith.constant 0 : i32
    %dma_wait3A_211 = tpu.memref_slice %arg3[%add3A_208, %dma_wait3A_209, %dma_wait3A_210] : memref<768x256x256xf32, #tpu.memory_space<hbm>> -> memref<1x32x256xf32, #tpu.memory_space<hbm>>
    %dma_wait3A_212 = tpu.memref_squeeze %dma_wait3A_211 : memref<1x32x256xf32, #tpu.memory_space<hbm>> -> memref<32x256xf32, #tpu.memory_space<hbm>>
    %dma_wait3A_213 = arith.constant 224 : i32
    %dma_wait3A_214 = arith.constant 0 : i32
    %dma_wait3A_215 = tpu.memref_slice %arg3[%add3A_208, %dma_wait3A_213, %dma_wait3A_214] : memref<768x256x256xf32, #tpu.memory_space<hbm>> -> memref<1x32x256xf32, #tpu.memory_space<hbm>>
    %dma_wait3A_216 = tpu.memref_squeeze %dma_wait3A_215 : memref<1x32x256xf32, #tpu.memory_space<hbm>> -> memref<32x256xf32, #tpu.memory_space<hbm>>
    tpu.wait_dma2 semaphore(%arg11 : memref<!tpu.dma_semaphore, #tpu.memory_space<semaphore_mem>>) src(%arg7 : memref<32x256xf32, #tpu.memory_space<vmem>>) dst(%dma_wait3A_216 : memref<32x256xf32, #tpu.memory_space<hbm>>)
    return
  }
}

</mosaic_0001>

<sc_bundles>
// kernel: kernel.3.cloned.1.call-start
scs
__scs_entry_jumppad:
0x0: {  	(pc) =	sbr.rel $0x88, $3  }
0x1: {  	(tag) =	ssettag $0x0;
	lr =	simm.s32 $0x1  }
0x2: {  	[smem:$0x3FA0] =	sst lr;
	_ =	strace $0xD0000000  }
0x3: {  	_ = 	snop  }
0x4: {  	_ = 	snop  }
0x5: {  	_ = 	snop  }
0x6: {  	_ = 	snop  }
0x7: {  	_ = 	snop  }
__scs_overlays_trampoline_lowered:
0x8: {  	[smem:$0x3FAF] =	sst s0  }
0x9: {  	[smem:$0x3FB0] =	sst s1  }
0xa: {  	[smem:$0x3FB1] =	sst s2  }
0xb: {  	[smem:$0x3FB2] =	sst s3  }
0xc: {  	[smem:$0x3FB3] =	sst s4  }
0xd: {  	[smem:$0x3FB4] =	sst s5  }
0xe: {  	[smem:$0x3FB5] =	sst s6  }
0xf: {  	[smem:$0x3FB6] =	sst s7  }
0x10: {  	[smem:$0x3FB7] =	sst s8  }
0x11: {  	[smem:$0x3FB8] =	sst s9;
	s0 =	simm.s32 @!p0 $0x0  }
0x12: {  	s1 =	sld [smem:$0x3F9E];
	s0 =	simm.s32 @p0 $0x1  }
0x13: {  	[smem:$0x3FB9] =	sst s0;
	s0 =	simm.s32 @!p1 $0x0  }
0x14: {  	s2 =	sld [smem:$0x3F9D];
	s0 =	simm.s32 @p1 $0x1  }
0x15: {  	[smem:$0x3FBA] =	sst s0;
	s0 =	simm.s32 @!p2 $0x0  }
0x16: {  	s3 =	sld [smem:$0x3FDB];
	s0 =	simm.s32 @p2 $0x1  }
0x17: {  	s4 =	simm.s32 $0x1BF5;
	[smem:$0x3FBC] =	sst s0  }
0x18: {  	s0 =	sld [smem:$0x3F9F];
	_ =	swait.ge [sflag:s4], $0x0  }
0x19: {  	s7 =	sld [smem:$0x3FA0]  }
0x1a: {  	s8 =	sadd.s32 $0xFFFFE003, lr  }
0x1b: {  	s9 =	sadd.s32 $0xFFFFFEF7, lr;
	s5 =	simm.s32 $0xFFFFFFFF;
	p2 =	slt.u32 s8, $0xFFFFF086  }
0x1c: {  	p1 =	slt.u32 s9, $0xF7A;
	s5 =	simm.s32 @!p2 $0x0  }
0x1d: {  	s5 =	simm.s32 @p1 $0x1;
	p0 =	seq.s32 s7, s2  }
0x1e: {  	s7 =	smul.u32 @!p0 $0xF7A, s2;
	p2 =	seq.s32 @!p0 s5, $0x0  }
0x1f: {  	s9 =	smul.u32 $0xF7A, s1;
	s8 =	simm.s32 @!p0 $0x1BF5;
	p2 =	por !p2, p0  }
0x20: {  	[sflag:s8] =	ssyncset.s32 @!p0 $0xFFFFF086;
	s6 =	sadd.s32 @!p0 s3, s7;
	s7 =	simm.s32 @!p0 $0x108  }
0x21: {  	s3 =	sadd.s32 s3, s9;
	s6 =	sadd.s32 @!p0 $0x88, s6;
	s7 =	simm.s32 @p2 $0x1082  }
0x22: {  	[simem:s7], [sflag:s8] =	dma.local @!p0 [hbm:s6], $0xF7A  }
0x23: {  	s9 =	sor.u32 $0xD0000000, s2;
	s6 =	simm.s32 $0x108;
	_ =	swait.ge @!p0 [sflag:s8], $0x0  }
0x24: {  	s3 =	sadd.s32 $0x88, s3;
	s6 =	simm.s32 @!p1 $0x1082;
	[sflag:s4] =	ssyncset.s32 $0xFFFFF086  }
0x25: {  	[simem:s6], [sflag:s4] =	dma.local [hbm:s3], $0xF7A  }
0x26: {  	[smem:$0x3FA0] =	sst s1;
	(tag) =	ssettag s2;
	_ =	strace s9  }
0x27: {  	s1 =	sld [smem:$0x3FB0]  }
0x28: {  	s2 =	sld [smem:$0x3FB1]  }
0x29: {  	s4 =	sld [smem:$0x3FB3]  }
0x2a: {  	p0 =	seq.s32 s5, $0x0;
	s5 =	sld [smem:$0x3FB4]  }
0x2b: {  	s6 =	sld [smem:$0x3FB5]  }
0x2c: {  	s7 =	sld [smem:$0x3FB6]  }
0x2d: {  	s3 =	simm.s32 $0x108;
	s8 =	sld [smem:$0x3FB7]  }
0x2e: {  	s3 =	simm.s32 @!p0 $0x1082;
	s9 =	sld [smem:$0x3FB8]  }
0x2f: {  	lr =	sadd.s32 s0, s3;
	s0 =	sld [smem:$0x3FAF]  }
0x30: {  	s3 =	sld [smem:$0x3FB2]  }
0x31: {  	[smem:$0x3FBB] =	sst s10  }
0x32: {  	s10 =	sld [smem:$0x3FB9];
	_ =	sdelay $0x3  }
0x33: {  	p0 =	seq.s32 s10, $0x1;
	s10 =	sld [smem:$0x3FBB];
	_ =	sdelay $0x3  }
0x34: {  	[smem:$0x3FBB] =	sst s10  }
0x35: {  	s10 =	sld [smem:$0x3FBA];
	_ =	sdelay $0x3  }
0x36: {  	p1 =	seq.s32 s10, $0x1;
	s10 =	sld [smem:$0x3FBB];
	_ =	sdelay $0x3  }
0x37: {  	[smem:$0x3FBB] =	sst s10  }
0x38: {  	s10 =	sld [smem:$0x3FBC]  }
0x39: {  	_ = 	snop;
	(pc) =	sbr.ind lr, $3  }
0x3a: {  	_ = 	snop  }
0x3b: {  	_ = 	snop  }
0x3c: {  	p2 =	seq.s32 s10, $0x1;
	s10 =	sld [smem:$0x3FBB]  }
0x3d: {  	_ =	shalt  }
0x3e: {  	_ =	shalt  }
0x3f: {  	_ =	shalt  }
0x40: {  	_ =	shalt  }
0x41: {  	_ =	shalt  }
0x42: {  	_ =	shalt  }
0x43: {  	_ =	shalt  }
0x44: {  	_ =	shalt  }
0x45: {  	_ =	shalt  }
0x46: {  	_ =	shalt  }
0x47: {  	_ =	shalt  }
0x48: {  	_ =	shalt  }
0x49: {  	_ =	shalt  }
0x4a: {  	_ =	shalt  }
0x4b: {  	_ =	shalt  }
0x4c: {  	_ =	shalt  }
0x4d: {  	_ =	shalt  }
0x4e: {  	_ =	shalt  }
0x4f: {  	_ =	shalt  }
0x50: {  	_ =	shalt  }
0x51: {  	_ =	shalt  }
0x52: {  	_ =	shalt  }
0x53: {  	_ =	shalt  }
0x54: {  	_ =	shalt  }
0x55: {  	_ =	shalt  }
0x56: {  	_ =	shalt  }
0x57: {  	_ =	shalt  }
0x58: {  	_ =	shalt  }
0x59: {  	_ =	shalt  }
0x5a: {  	_ =	shalt  }
0x5b: {  	_ =	shalt  }
0x5c: {  	_ =	shalt  }
0x5d: {  	_ =	shalt  }
0x5e: {  	_ =	shalt  }
0x5f: {  	_ =	shalt  }
0x60: {  	_ =	shalt  }
0x61: {  	_ =	shalt  }
0x62: {  	_ =	shalt  }
0x63: {  	_ =	shalt  }
0x64: {  	_ =	shalt  }
0x65: {  	_ =	shalt  }
0x66: {  	_ =	shalt  }
0x67: {  	_ =	shalt  }
0x68: {  	_ =	shalt  }
0x69: {  	_ =	shalt  }
0x6a: {  	_ =	shalt  }
0x6b: {  	_ =	shalt  }
0x6c: {  	_ =	shalt  }
0x6d: {  	_ =	shalt  }
0x6e: {  	_ =	shalt  }
0x6f: {  	_ =	shalt  }
0x70: {  	_ =	shalt  }
0x71: {  	_ =	shalt  }
0x72: {  	_ =	shalt  }
0x73: {  	_ =	shalt  }
0x74: {  	_ =	shalt  }
0x75: {  	_ =	shalt  }
0x76: {  	_ =	shalt  }
0x77: {  	_ =	shalt  }
0x78: {  	_ =	shalt  }
0x79: {  	_ =	shalt  }
0x7a: {  	_ =	shalt  }
0x7b: {  	_ =	shalt  }
0x7c: {  	_ =	shalt  }
0x7d: {  	_ =	shalt  }
0x7e: {  	_ =	shalt  }
0x7f: {  	_ =	shalt  }
0x80: {  	_ =	shalt  }
0x81: {  	_ =	shalt  }
0x82: {  	_ =	shalt  }
0x83: {  	_ =	shalt  }
0x84: {  	_ =	shalt  }
0x85: {  	_ =	shalt  }
0x86: {  	_ =	shalt  }
0x87: {  	_ =	shalt  }
.Lfunc_end0:
.L_simem_size_0:
called_computation_lowered:
.L_overlay_start_0:
0x88: {  	s2 =	sld [smem:$0x3FD9]  }
0x89: {  	s3 =	sld [smem:$0x3FFE];
	_ =	sdelay $0x1  }
0x8a: {  	s1 =	srdreg.scid  }
0x8b: {  	s0 =	sand.u32 $0x1, s1  }
0x8c: {  	s18 =	sshll.u32 s0, $0xA;
	s2 =	sadd.s32 s3, s2  }
0x8d: {  	s2 =	sadd.s32 s2, s18  }
0x8e: {  	[smem:$0x3FC7] =	sst s2  }
0x8f: {  	_ = 	snop  }
0x90: {  	s2 =	sld [smem:$0x3FC9]  }
0x91: {  	s19 =	sld [smem:$0x3FD0];
	(tm) =	ssettm $0x1  }
0x92: {  	s4 =	sld [smem:$0x3FFB];
	_ =	sdelay $0x3  }
0x93: {  	_ =	strace s4  }
0x94: {  	s4 =	sld [smem:$0x3FFC];
	_ =	sdelay $0x3  }
0x95: {  	_ =	strace s4  }
0x96: {  	s4 =	sld [smem:$0x3FFD];
	_ =	sdelay $0x3  }
0x97: {  	_ =	strace s4  }
0x98: {  	_ =	strace $0x8FFFFFFF  }
0x99: {  	s20 =	sld [smem:$0x3FDB];
	_ =	sdelay $0x1  }
0x9a: {  	s5 =	simm.s32 $_scs_section_size  }
0x9b: {  	s6 =	simm.s32 $_size__tile_overlayer_lowered;
	s7 =	simm.s32 $_tile_overlayer_lowered  }
0x9c: {  	s23 =	simm.s32 $0x1BFF;
	s22 =	sshll.u32 s7, $0x1;
	s4 =	sadd.s32 s5, s20  }
0x9d: {  	s8 =	simm.s32 $0x0;
	s21 =	sshll.u32 s6, $0x1;
	s6 =	sadd.s32 s22, s4  }
0x9e: {  	[timem:s8], [sflag:s23] =	dma.local [hbm:s6], s21  }
0x9f: {  	_ =	swait.ge [sflag:s23], s21  }
0xa0: {  	s5 =	ssub.s32 $0x0, s21;
	[sflag:s23] =	ssyncset.done $0x0  }
0xa1: {  	[sflag:s23] =	ssyncadd.s32 s5;
	_ =	sdelay $0x1  }
0xa2: {  	s24 =	simm.s32 $0x1B8B  }
0xa3: {  	_ =	swait.ge [sflag:s24], $0x1  }
0xa4: {  	[sflag:s24] =	ssyncset.done $0x0  }
0xa5: {  	s25 =	simm.s32 $0x1B8E;
	[sflag:s24] =	ssyncadd.s32 $0xFFFFFFFF  }
0xa6: {  	s26 =	simm.s32 $execute0_lowered;
	[smem:$0x3FD2] =	sst s25  }
0xa7: {  	s5 =	sshll.u32 s26, $0x1;
	_ =	strace $0x80000046;
	[dreg:$0x1] =	wrdreg $0xFFFFFFFF  }
0xa8: {  	s28 =	simm.s32 $_size_execute0_lowered;
	s4 =	sadd.s32 s4, s5;
	[dreg:$0x0] =	wrdreg $0x0  }
0xa9: {  	s5 =	sshll.u32 s28, $0x1;
	[dreg:$0x2] =	wrdreg s4  }
0xaa: {  	[dreg:$0x3] =	wrdreg s5  }
0xab: {  	[dreg:$0x4] =	wrdreg $0xC0  }
0xac: {  	_ =	task [dreg:s8], $0x5FFFF  }
0xad: {  	[dreg:$0x1] =	wrdreg $0xFFFFFFFF  }
0xae: {  	[dreg:$0x0] =	wrdreg $0x60  }
0xaf: {  	[dreg:$0x2] =	wrdreg s2  }
0xb0: {  	[dreg:$0x3] =	wrdreg s19  }
0xb1: {  	[dreg:$0x4] =	wrdreg $0x9  }
0xb2: {  	_ =	task.clear_ibuf [dreg:s8], $0x5FFFF;
	_ =	strace $0x90000046  }
0xb3: {  	s29 =	simm.s32 $0x9;
	_ =	strace $0x80000048  }
0xb4: {  	_ =	swait.ge [sflag:s29], $0x1  }
0xb5: {  	[sflag:s29] =	ssyncadd.s32 $0xFFFFFFFF  }
0xb6: {  	_ =	strace $0x90000048  }
0xb7: {  	_ =	sfence  }
0xb8: {  	s30 =	sld [smem:$0x0];
	_ =	sdelay $0x2  }
0xb9: {  	s31 =	sshll.u32 s1, $0xD;
	s1 =	sshrl.u32 s1, $0x2  }
0xba: {  	s3 =	sand.u32 $0x4000, s31;
	s1 =	sadd.s32 s1, s30  }
0xbb: {  	s0 =	sor.u32 s3, s0;
	s1 =	sshll.u32 s1, $0x11  }
0xbc: {  	s0 =	sor.u32 s1, s0  }
0xbd: {  	s0 =	sadd.s32 $0x8F2B, s0  }
0xbe: {  	[sflag:s0] =	ssyncadd.remote.s32 $0x1  }
0xbf: {  	_ =	sfence.sel $0xFFFF  }
0xc0: {  	[dreg:$0x0] =	wrdreg $0xFFFFFFFF;
	(pc) =	sbr.abs _section_cstart, $3  }
0xc1: {  	[dreg:$0x1] =	wrdreg $0xFFFFFFFF  }
0xc2: {  	_ =	task.clear_ibuf [dreg:s8], $0x2FFFF;
	_ =	strace $0x9FFFFFFF  }
0xc3: {  	(tm) =	ssettm $0x7FFFFFFF  }
tec
execute0_lowered:
.L_overlay_start_1:
0x0: {  	(tag) =	ssettag $0x1  }
0x1: {  	s2 =	rddreg [dreg:$0x0];
	s1 =	srdreg.scid  }
0x2: {  	s0 =	stileid.u32;
	s3 =	rddreg [dreg:$0x1];
	s11 =	simm.s32 $0x8000  }
0x3: {  	s12 =	simm.s32 $0x1;
	s13 =	simm.s32 $0x10000;
	s14 =	simm.s32 $0x2  }
0x4: {  	s15 =	simm.s32 $0x12000;
	s16 =	simm.s32 $0x3;
	s17 =	simm.s32 $0x4  }
0x5: {  	s18 =	simm.s32 $0x0;
	s5 =	sand.u32 $0x1, s1;
	s4 =	sshll.u32 s0, $0x1  }
0x6: {  	s1 =	rddreg [dreg:$0x2];
	s6 =	sor.u32 s5, s4;
	s4 =	simm.s32 $0x0  }
0x7: {  	v0 =	vlaneseq.u32;
	s5 =	ssub.s32 $0x2, s5;
	s7 =	smul.u32 $0x180000, s6;
	[smem:$0x7FF] =	sst s4  }
0x8: {  	v0 =	vmul.u32 $0x2, v0;
	s8 =	sshrl.u32 s5, $0x1;
	s9 =	smul.u32 $0xC0000, s6;
	_ =	strace $0x80000047  }
0x9: {  	s10 =	ssub.s32 s5, s8;
	s5 =	smul.u32 $0x18, s6;
	s7 =	sshrl.u32 s7, $0x3  }
0xa: {  	v1 =	vor.u32 $0x1, v0;
	s6 =	sadd.s32 s2, s9;
	s10 =	smax.u32 s10, $0x1;
	s31 =	sadd.s32 s3, s7  }
0xb: {  	s7 =	sadd.s32 $0x1000, s6;
	s8 =	sadd.s32 $0x2F800, s31;
	s9 =	sadd.s32 $0x2FC00, s31  }
.LBB2_1:
0xc: {  	[tilespmem:s4], [sflag:$0x1] =	stream.linear.gather [hbm4b:s6+s4], $0x8000, $0x38;
	[tilespmem:$0x14000] =	vst v63  }
0xd: {  	s19 =	simm.s32 $0x0  }
0xe: {  	[tilespmem:s11], [sflag:$0x2] =	stream.linear.gather [hbm4b:s7+s4], $0x8000, $0x38;
	[tilespmem:$0x14000] =	vst v63  }
.LBB2_2:
0xf: {  	_ =	swait.ge [sflag:s12], $0x8000  }
0x10: {  	p0 =	seq.s32 s19, $0x0;
	[sflag:s12] =	ssyncset.done $0x0  }
0x11: {  	s20 =	sshll.u32 s19, $0x1;
	s22 =	simm.s32 @!p0 $0x3;
	[sflag:s12] =	ssyncadd.s32 $0xFFFF8000  }
0x12: {  	s21 =	sshrl.u32 s19, $0x2;
	s23 =	simm.s32 $0x0;
	_ =	swait.ge @!p0 [sflag:s22], $0x2000  }
0x13: {  	s24 =	simm.s32 $0x0;
	s25 =	simm.s32 $0x0;
	[sflag:s22] =	ssyncset.done @!p0 $0x0  }
0x14: {  	s21 =	sadd.s32 s5, s21;
	[sflag:s22] =	ssyncadd.s32 @!p0 $0xFFFFE000;
	s22 =	simm.s32 $0x0  }
.LBB2_3:
0x15: {  	s26 =	sand.u32 $0x7000, s23;
	s28 =	sand.u32 $0x300, s25  }
0x16: {  	s28 =	sor.u32 s28, s26  }
0x17: {  	v2 =	vld.idx.msk [tilespmem:v0+s28+$0x0], $0xffff  }
0x18: {  	v3 =	vld.idx.msk [tilespmem:v1+s28+$0x0], $0xffff;
	s26 =	sor.u32 $0x80, s28  }
0x19: {  	v4 =	vld.idx.msk [tilespmem:v0+s26+$0x0], $0xffff  }
0x1a: {  	s31 =	sor.u32 $0x20, s28;
	v5 =	vld.idx.msk [tilespmem:v1+s26+$0x0], $0xffff  }
0x1b: {  	v6 =	vld.idx.msk [tilespmem:v0+s31+$0x0], $0xffff  }
0x1c: {  	s29 =	sor.u32 $0xA0, s28;
	v7 =	vld.idx.msk [tilespmem:v1+s31+$0x0], $0xffff  }
0x1d: {  	v8 =	vld.idx.msk [tilespmem:v0+s29+$0x0], $0xffff  }
0x1e: {  	s30 =	sor.u32 $0x40, s28;
	v9 =	vld.idx.msk [tilespmem:v1+s29+$0x0], $0xffff  }
0x1f: {  	v10 =	vld.idx.msk [tilespmem:v0+s30+$0x0], $0xffff  }
0x20: {  	v11 =	vld.idx.msk [tilespmem:v1+s30+$0x0], $0xffff;
	s31 =	sor.u32 $0xC0, s28  }
0x21: {  	v12 =	vld.idx.msk [tilespmem:v0+s31+$0x0], $0xffff  }
0x22: {  	s29 =	sor.u32 $0x60, s28;
	v13 =	vld.idx.msk [tilespmem:v1+s31+$0x0], $0xffff  }
0x23: {  	v14 =	vld.idx.msk [tilespmem:v0+s29+$0x0], $0xffff  }
0x24: {  	s30 =	sor.u32 $0xE0, s28;
	v15 =	vld.idx.msk [tilespmem:v1+s29+$0x0], $0xffff  }
0x25: {  	v16 =	vld.idx.msk [tilespmem:v0+s30+$0x0], $0xffff;
	v2 =	vmax.f32 v2, $0.0e+00  }
0x26: {  	v17 =	vld.idx.msk [tilespmem:v1+s30+$0x0], $0xffff;
	s31 =	sor.u32 $0x400, s28;
	v3 =	vmax.f32 v3, $0.0e+00;
	v4 =	vmax.f32 v4, $0.0e+00;
	v5 =	vmax.f32 v5, $0.0e+00  }
0x27: {  	v18 =	vld.idx.msk [tilespmem:v0+s31+$0x0], $0xffff;
	v6 =	vmax.f32 v6, $0.0e+00;
	v7 =	vmax.f32 v7, $0.0e+00;
	v8 =	vmax.f32 v8, $0.0e+00  }
0x28: {  	s29 =	sor.u32 $0x480, s28;
	v19 =	vld.idx.msk [tilespmem:v1+s31+$0x0], $0xffff;
	v9 =	vmax.f32 v9, $0.0e+00;
	v10 =	vmax.f32 v10, $0.0e+00;
	v11 =	vmax.f32 v11, $0.0e+00  }
0x29: {  	v20 =	vld.idx.msk [tilespmem:v0+s29+$0x0], $0xffff;
	v28 =	vadd.f32 v3, v2;
	v2 =	vmul.f32 v2, v2;
	v3 =	vmul.f32 v3, v3  }
0x2a: {  	s30 =	sor.u32 $0x420, s28;
	v21 =	vld.idx.msk [tilespmem:v1+s29+$0x0], $0xffff;
	v12 =	vmax.f32 v12, $0.0e+00;
	v13 =	vmax.f32 v13, $0.0e+00;
	v14 =	vmax.f32 v14, $0.0e+00  }
0x2b: {  	v22 =	vld.idx.msk [tilespmem:v0+s30+$0x0], $0xffff;
	v15 =	vmax.f32 v15, $0.0e+00;
	v16 =	vmax.f32 v16, $0.0e+00;
	v17 =	vmax.f32 v17, $0.0e+00  }
0x2c: {  	v23 =	vld.idx.msk [tilespmem:v1+s30+$0x0], $0xffff;
	v29 =	vadd.f32 v5, v4;
	v32 =	vadd.f32 v7, v6;
	v4 =	vmul.f32 v4, v4  }
0x2d: {  	s31 =	sor.u32 $0x4A0, s28;
	v33 =	vadd.f32 v9, v8;
	v5 =	vmul.f32 v5, v5;
	v6 =	vmul.f32 v6, v6  }
0x2e: {  	v24 =	vld.idx.msk [tilespmem:v0+s31+$0x0], $0xffff;
	v35 =	vadd.f32 v11, v10;
	v7 =	vmul.f32 v7, v7;
	v58 =	vmul.f32 v9, v9  }
0x2f: {  	s29 =	sor.u32 $0x440, s28;
	v25 =	vld.idx.msk [tilespmem:v1+s31+$0x0], $0xffff;
	v59 =	vmul.f32 v10, v10;
	v60 =	vmul.f32 v11, v11;
	v18 =	vmax.f32 v18, $0.0e+00  }
0x30: {  	v26 =	vld.idx.msk [tilespmem:v0+s29+$0x0], $0xffff;
	v19 =	vmax.f32 v19, $0.0e+00;
	v20 =	vmax.f32 v20, $0.0e+00;
	v21 =	vmax.f32 v21, $0.0e+00  }
0x31: {  	s30 =	sor.u32 $0x4C0, s28;
	v27 =	vld.idx.msk [tilespmem:v1+s29+$0x0], $0xffff;
	v22 =	vmax.f32 v22, $0.0e+00;
	v23 =	vmax.f32 v23, $0.0e+00;
	v36 =	vadd.f32 v13, v12  }
0x32: {  	v30 =	vld.idx.msk [tilespmem:v0+s30+$0x0], $0xffff;
	v2 =	vadd.f32 v3, v2;
	v3 =	vmul.f32 v8, v8;
	v61 =	vmul.f32 v12, v12  }
0x33: {  	v31 =	vld.idx.msk [tilespmem:v1+s30+$0x0], $0xffff;
	v38 =	vadd.f32 v15, v14;
	v62 =	vmul.f32 v13, v13;
	v63 =	vmul.f32 v14, v14  }
0x34: {  	s31 =	sor.u32 $0x460, s28;
	v39 =	vadd.f32 v17, v16;
	v43 =	vmul.f32 v16, v16;
	v44 =	vmul.f32 v17, v17  }
0x35: {  	v47 =	vld.idx.msk [tilespmem:v0+s31+$0x0], $0xffff;
	v28 =	vadd.f32 v29, v28;
	v24 =	vmax.f32 v24, $0.0e+00;
	v25 =	vmax.f32 v25, $0.0e+00  }
0x36: {  	s29 =	sor.u32 $0x4E0, s28;
	v34 =	vld.idx.msk [tilespmem:v1+s31+$0x0], $0xffff;
	v26 =	vmax.f32 v26, $0.0e+00;
	v27 =	vmax.f32 v27, $0.0e+00;
	v41 =	vadd.f32 v19, v18  }
0x37: {  	v37 =	vld.idx.msk [tilespmem:v0+s29+$0x0], $0xffff;
	v42 =	vadd.f32 v21, v20;
	v30 =	vmax.f32 v30, $0.0e+00;
	v32 =	vadd.f32 v33, v32  }
0x38: {  	v40 =	vld.idx.msk [tilespmem:v1+s29+$0x0], $0xffff;
	v31 =	vmax.f32 v31, $0.0e+00;
	v51 =	vadd.f32 v23, v22;
	v4 =	vadd.f32 v5, v4  }
0x39: {  	v6 =	vadd.f32 v7, v6;
	v45 =	vmul.f32 v18, v18;
	v5 =	vadd.f32 v60, v59  }
0x3a: {  	v46 =	vmul.f32 v19, v19;
	v48 =	vadd.f32 v36, v35;
	v49 =	vadd.f32 v39, v38  }
0x3b: {  	v29 =	vmax.f32 v47, $0.0e+00;
	v52 =	vadd.f32 v25, v24;
	v34 =	vmax.f32 v34, $0.0e+00  }
0x3c: {  	v53 =	vadd.f32 v27, v26;
	v54 =	vadd.f32 v31, v30;
	v37 =	vmax.f32 v37, $0.0e+00  }
0x3d: {  	v40 =	vmax.f32 v40, $0.0e+00;
	v3 =	vadd.f32 v58, v3;
	v47 =	vmul.f32 v20, v20  }
0x3e: {  	v7 =	vadd.f32 v62, v61;
	v50 =	vadd.f32 v42, v41;
	v28 =	vmax.f32 v28, $1.199999980e-38  }
0x3f: {  	v32 =	vmax.f32 v32, $1.199999980e-38;
	v56 =	vadd.f32 v34, v29;
	v57 =	vadd.f32 v40, v37  }
0x40: {  	v42 =	vmul.f32 v15, v15;
	v2 =	vadd.f32 v4, v2;
	v58 =	vmul.f32 v34, v34  }
0x41: {  	v4 =	vadd.f32 v44, v43;
	v60 =	vmul.f32 v37, v37;
	v62 =	vmul.f32 v40, v40  }
0x42: {  	v38 =	vadd.f32 v52, v51;
	v55 =	vadd.f32 v54, v53;
	v33 =	vmax.f32 v48, $1.199999980e-38  }
0x43: {  	v35 =	vmax.f32 v49, $1.199999980e-38;
	(erf) = vrcp.f32 v28;
	v48 =	vmul.f32 v21, v21  }
0x44: {  	v3 =	vadd.f32 v3, v6;
	v49 =	vmul.f32 v22, v22;
	(erf) = vrcp.f32 v32  }
0x45: {  	v5 =	vadd.f32 v7, v5;
	v51 =	vmul.f32 v24, v24;
	(erf) = vrcp.f32 v33  }
0x46: {  	v52 =	vmul.f32 v25, v25;
	v36 =	vmax.f32 v50, $1.199999980e-38;
	(erf) = vrcp.f32 v35  }
0x47: {  	v41 =	vadd.f32 v57, v56;
	v38 =	vmax.f32 v38, $1.199999980e-38;
	(erf) = vrcp.f32 v36  }
0x48: {  	v53 =	vmul.f32 v26, v26;
	v39 =	vmax.f32 v55, $1.199999980e-38;
	(erf) = vrcp.f32 v38  }
0x49: {  	v54 =	vmul.f32 v27, v27;
	v41 =	vmax.f32 v41, $1.199999980e-38;
	(erf) = vrcp.f32 v39  }
0x4a: {  	v6 =	vadd.f32 v46, v45;
	v50 =	vmul.f32 v23, v23;
	(erf) = vrcp.f32 v41  }
0x4b: {  	v8 =	vadd.f32 v42, v63;
	v56 =	vmul.f32 v31, v31;
	v57 =	vmul.f32 v29, v29  }
0x4c: {  	v9 =	vadd.f32 v48, v47;
	v55 =	vmul.f32 v30, v30;
	v7 =	vadd.f32 v52, v51;
	v59 =	vpop (erf)  }
0x4d: {  	s30 =	sand.u32 $0x1800, s25;
	s29 =	sand.u32 $0x380, s24;
	v10 =	vadd.f32 v54, v53;
	v4 =	vadd.f32 v4, v8;
	v2 =	vmul.f32 v59, v2;
	v61 =	vpop (erf)  }
0x4e: {  	s26 =	sor.u32 s29, s30;
	v11 =	vadd.f32 v50, v49;
	v8 =	vadd.f32 v58, v57;
	v3 =	vmul.f32 v61, v3;
	v63 =	vpop (erf)  }
0x4f: {  	v6 =	vadd.f32 v9, v6;
	v12 =	vadd.f32 v56, v55;
	[tilespmem:s26+$0x10000] =	vst v2;
	v2 =	vmul.f32 v63, v5;
	v19 =	vpop (erf)  }
0x50: {  	v9 =	vadd.f32 v62, v60;
	v7 =	vadd.f32 v7, v11;
	[tilespmem:s26+$0x10010] =	vst v3;
	v3 =	vmul.f32 v19, v4;
	v20 =	vpop (erf)  }
0x51: {  	v21 =	vadd.f32 v12, v10;
	[tilespmem:s26+$0x10020] =	vst v2;
	v2 =	vmul.f32 v20, v6;
	v22 =	vpop (erf)  }
0x52: {  	v23 =	vadd.f32 v9, v8;
	[tilespmem:s26+$0x10030] =	vst v3;
	v3 =	vmul.f32 v22, v7;
	v24 =	vpop (erf)  }
0x53: {  	[tilespmem:s26+$0x10040] =	vst v2;
	v2 =	vmul.f32 v24, v21;
	v25 =	vpop (erf)  }
0x54: {  	[tilespmem:s26+$0x10050] =	vst v3;
	v3 =	vmul.f32 v25, v23  }
0x55: {  	[tilespmem:s26+$0x10060] =	vst v2  }
0x56: {  	s31 =	sor.u32 $0x800, s28;
	[tilespmem:s26+$0x10070] =	vst v3  }
0x57: {  	v2 =	vld.idx.msk [tilespmem:v0+s31+$0x0], $0xffff  }
0x58: {  	s30 =	sor.u32 $0x880, s28;
	v3 =	vld.idx.msk [tilespmem:v1+s31+$0x0], $0xffff  }
0x59: {  	v26 =	vld.idx.msk [tilespmem:v0+s30+$0x0], $0xffff  }
0x5a: {  	v27 =	vld.idx.msk [tilespmem:v1+s30+$0x0], $0xffff;
	s31 =	sor.u32 $0x820, s28  }
0x5b: {  	v28 =	vld.idx.msk [tilespmem:v0+s31+$0x0], $0xffff  }
0x5c: {  	s30 =	sor.u32 $0x8A0, s28;
	v29 =	vld.idx.msk [tilespmem:v1+s31+$0x0], $0xffff  }
0x5d: {  	v30 =	vld.idx.msk [tilespmem:v0+s30+$0x0], $0xffff  }
0x5e: {  	v31 =	vld.idx.msk [tilespmem:v1+s30+$0x0], $0xffff;
	s31 =	sor.u32 $0x840, s28  }
0x5f: {  	v32 =	vld.idx.msk [tilespmem:v0+s31+$0x0], $0xffff  }
0x60: {  	s30 =	sor.u32 $0x8C0, s28;
	v33 =	vld.idx.msk [tilespmem:v1+s31+$0x0], $0xffff  }
0x61: {  	v34 =	vld.idx.msk [tilespmem:v0+s30+$0x0], $0xffff;
	v2 =	vmax.f32 v2, $0.0e+00  }
0x62: {  	v35 =	vld.idx.msk [tilespmem:v1+s30+$0x0], $0xffff;
	s31 =	sor.u32 $0x860, s28;
	v3 =	vmax.f32 v3, $0.0e+00;
	v4 =	vmax.f32 v26, $0.0e+00;
	v5 =	vmax.f32 v27, $0.0e+00  }
0x63: {  	v36 =	vld.idx.msk [tilespmem:v0+s31+$0x0], $0xffff;
	v6 =	vmax.f32 v28, $0.0e+00;
	v7 =	vmax.f32 v29, $0.0e+00;
	v8 =	vmax.f32 v30, $0.0e+00  }
0x64: {  	s30 =	sand.u32 $0x3, s22;
	s28 =	sor.u32 $0x8E0, s28;
	v37 =	vld.idx.msk [tilespmem:v1+s31+$0x0], $0xffff;
	v9 =	vmax.f32 v31, $0.0e+00;
	v50 =	vadd.f32 v3, v2;
	v2 =	vmul.f32 v2, v2  }
0x65: {  	s30 =	sshll.u32 s30, $0x8;
	v38 =	vld.idx.msk [tilespmem:v0+s28+$0x0], $0xffff;
	v51 =	vadd.f32 v5, v4;
	v3 =	vmul.f32 v3, v3;
	v4 =	vmul.f32 v4, v4  }
0x66: {  	v39 =	vld.idx.msk [tilespmem:v1+s28+$0x0], $0xffff;
	s29 =	sadd.s32 s30, s23;
	v5 =	vmul.f32 v5, v5;
	v10 =	vmax.f32 v32, $0.0e+00;
	v11 =	vmax.f32 v33, $0.0e+00  }
0x67: {  	s31 =	sor.u32 $0xC00, s29;
	v12 =	vmax.f32 v34, $0.0e+00;
	v13 =	vmax.f32 v35, $0.0e+00;
	v55 =	vadd.f32 v7, v6  }
0x68: {  	s30 =	sadd.s32 $0x80, s29;
	v40 =	vld.idx.msk [tilespmem:v0+s31+$0x0], $0xffff;
	v56 =	vadd.f32 v9, v8;
	v6 =	vmul.f32 v6, v6;
	v7 =	vmul.f32 v7, v7  }
0x69: {  	v41 =	vld.idx.msk [tilespmem:v1+s31+$0x0], $0xffff;
	s31 =	sor.u32 $0xC00, s30;
	v14 =	vmax.f32 v36, $0.0e+00;
	v15 =	vmax.f32 v37, $0.0e+00;
	v28 =	vadd.f32 v51, v50  }
0x6a: {  	v42 =	vld.idx.msk [tilespmem:v0+s31+$0x0], $0xffff;
	v16 =	vmax.f32 v38, $0.0e+00;
	v58 =	vadd.f32 v11, v10;
	v59 =	vadd.f32 v13, v12  }
0x6b: {  	v43 =	vld.idx.msk [tilespmem:v1+s31+$0x0], $0xffff;
	s31 =	sor.u32 $0xC20, s29;
	v17 =	vmax.f32 v39, $0.0e+00;
	v2 =	vadd.f32 v3, v2;
	v4 =	vadd.f32 v5, v4  }
0x6c: {  	v44 =	vld.idx.msk [tilespmem:v0+s31+$0x0], $0xffff;
	v3 =	vmul.f32 v8, v8;
	v61 =	vadd.f32 v15, v14;
	v62 =	vadd.f32 v17, v16  }
0x6d: {  	v45 =	vld.idx.msk [tilespmem:v1+s31+$0x0], $0xffff;
	s31 =	sor.u32 $0xC20, s30;
	v32 =	vadd.f32 v56, v55;
	v6 =	vadd.f32 v7, v6;
	v16 =	vmul.f32 v16, v16  }
0x6e: {  	v46 =	vld.idx.msk [tilespmem:v0+s31+$0x0], $0xffff;
	v17 =	vmul.f32 v17, v17;
	v28 =	vmax.f32 v28, $1.199999980e-38;
	v2 =	vadd.f32 v4, v2  }
0x6f: {  	v47 =	vld.idx.msk [tilespmem:v1+s31+$0x0], $0xffff;
	s31 =	sor.u32 $0xC40, s29;
	v18 =	vmax.f32 v40, $0.0e+00;
	v19 =	vmax.f32 v41, $0.0e+00;
	v32 =	vmax.f32 v32, $1.199999980e-38  }
0x70: {  	v48 =	vld.idx.msk [tilespmem:v0+s31+$0x0], $0xffff;
	(erf) = vrcp.f32 v28;
	v4 =	vadd.f32 v17, v16;
	v20 =	vmax.f32 v42, $0.0e+00  }
0x71: {  	s29 =	sor.u32 $0xC60, s29;
	v49 =	vld.idx.msk [tilespmem:v1+s31+$0x0], $0xffff;
	v21 =	vmax.f32 v43, $0.0e+00;
	(erf) = vrcp.f32 v32;
	v22 =	vmax.f32 v44, $0.0e+00  }
0x72: {  	v54 =	vld.idx.msk [tilespmem:v0+s29+$0x0], $0xffff;
	v23 =	vmax.f32 v45, $0.0e+00;
	v45 =	vadd.f32 v19, v18;
	v18 =	vmul.f32 v18, v18  }
0x73: {  	s31 =	sor.u32 $0xC40, s30;
	v57 =	vld.idx.msk [tilespmem:v1+s29+$0x0], $0xffff;
	v19 =	vmul.f32 v19, v19;
	v42 =	vmul.f32 v21, v21;
	v24 =	vmax.f32 v46, $0.0e+00  }
0x74: {  	v52 =	vld.idx.msk [tilespmem:v0+s31+$0x0], $0xffff;
	v25 =	vmax.f32 v47, $0.0e+00;
	v47 =	vadd.f32 v59, v58;
	v58 =	vmul.f32 v10, v10  }
0x75: {  	v53 =	vld.idx.msk [tilespmem:v1+s31+$0x0], $0xffff;
	v46 =	vadd.f32 v21, v20;
	v59 =	vmul.f32 v11, v11;
	v20 =	vmul.f32 v20, v20  }
0x76: {  	v50 =	vadd.f32 v23, v22;
	v43 =	vmul.f32 v22, v22;
	v44 =	vmul.f32 v23, v23  }
0x77: {  	s31 =	sor.u32 $0xC60, s30;
	v26 =	vmax.f32 v48, $0.0e+00;
	v27 =	vmax.f32 v49, $0.0e+00;
	v48 =	vadd.f32 v62, v61  }
0x78: {  	v60 =	vld.idx.msk [tilespmem:v0+s31+$0x0], $0xffff;
	v29 =	vmax.f32 v54, $0.0e+00;
	v34 =	vmax.f32 v57, $0.0e+00;
	v57 =	vmul.f32 v9, v9  }
0x79: {  	v63 =	vld.idx.msk [tilespmem:v1+s31+$0x0], $0xffff;
	v51 =	vadd.f32 v25, v24;
	v61 =	vmul.f32 v13, v13;
	v62 =	vmul.f32 v14, v14  }
0x7a: {  	v30 =	vmax.f32 v52, $0.0e+00;
	v31 =	vmax.f32 v53, $0.0e+00;
	v49 =	vadd.f32 v46, v45  }
0x7b: {  	v52 =	vadd.f32 v27, v26;
	v33 =	vmax.f32 v47, $1.199999980e-38;
	v55 =	vadd.f32 v34, v29  }
0x7c: {  	v5 =	vadd.f32 v59, v58;
	v45 =	vmul.f32 v24, v24;
	v46 =	vmul.f32 v25, v25  }
0x7d: {  	v47 =	vmul.f32 v26, v26;
	v9 =	vadd.f32 v42, v20;
	v11 =	vadd.f32 v44, v43  }
0x7e: {  	v53 =	vadd.f32 v31, v30;
	v37 =	vmax.f32 v60, $0.0e+00;
	v40 =	vmax.f32 v63, $0.0e+00  }
0x7f: {  	v38 =	vadd.f32 v51, v50;
	v35 =	vmax.f32 v48, $1.199999980e-38;
	v60 =	vmul.f32 v12, v12  }
0x80: {  	v3 =	vadd.f32 v57, v3;
	v63 =	vmul.f32 v15, v15;
	(erf) = vrcp.f32 v33  }
0x81: {  	v48 =	vmul.f32 v27, v27;
	v50 =	vmul.f32 v31, v31;
	v56 =	vadd.f32 v40, v37  }
0x82: {  	v36 =	vmax.f32 v49, $1.199999980e-38;
	(erf) = vrcp.f32 v35;
	v54 =	vadd.f32 v53, v52  }
0x83: {  	v38 =	vmax.f32 v38, $1.199999980e-38;
	(erf) = vrcp.f32 v36;
	v41 =	vadd.f32 v56, v55  }
0x84: {  	v49 =	vmul.f32 v30, v30;
	(erf) = vrcp.f32 v38;
	v39 =	vmax.f32 v54, $1.199999980e-38  }
0x85: {  	v57 =	vmul.f32 v40, v40;
	v41 =	vmax.f32 v41, $1.199999980e-38;
	(erf) = vrcp.f32 v39  }
0x86: {  	v3 =	vadd.f32 v3, v6;
	v7 =	vadd.f32 v61, v60;
	(erf) = vrcp.f32 v41  }
0x87: {  	v8 =	vadd.f32 v63, v62;
	v6 =	vadd.f32 v19, v18;
	v52 =	vmul.f32 v29, v29  }
0x88: {  	v53 =	vmul.f32 v34, v34;
	v10 =	vadd.f32 v48, v47;
	v51 =	vpop (erf);
	v55 =	vmul.f32 v37, v37  }
0x89: {  	v12 =	vadd.f32 v50, v49;
	v5 =	vadd.f32 v7, v5;
	v2 =	vmul.f32 v51, v2;
	v54 =	vpop (erf)  }
0x8a: {  	v4 =	vadd.f32 v4, v8;
	v7 =	vadd.f32 v46, v45;
	v3 =	vmul.f32 v54, v3;
	v56 =	vpop (erf)  }
0x8b: {  	v6 =	vadd.f32 v9, v6;
	v8 =	vadd.f32 v53, v52;
	[tilespmem:s26+$0x10400] =	vst v2;
	v58 =	vpop (erf);
	v2 =	vmul.f32 v56, v5  }
0x8c: {  	v9 =	vadd.f32 v57, v55;
	v7 =	vadd.f32 v7, v11;
	[tilespmem:s26+$0x10410] =	vst v3;
	v59 =	vpop (erf);
	v3 =	vmul.f32 v58, v4  }
0x8d: {  	p1 =	sne.s32 s25, $0x1F00;
	v10 =	vadd.f32 v12, v10;
	v60 =	vpop (erf);
	[tilespmem:s26+$0x10420] =	vst v2;
	v2 =	vmul.f32 v59, v6  }
.Ltmp0:
0x8e: {  	v62 =	vadd.f32 v9, v8;
	[tilespmem:s26+$0x10430] =	vst v3;
	v3 =	vmul.f32 v60, v7;
	v61 =	vpop (erf);
	(pc) =	sbr.rel @p1 .LBB2_3-.Ltmp0, $4  }
0x8f: {  	[tilespmem:s26+$0x10440] =	vst v2;
	v2 =	vmul.f32 v61, v10;
	v63 =	vpop (erf)  }
0x90: {  	[tilespmem:s26+$0x10450] =	vst v3;
	v3 =	vmul.f32 v63, v62  }
0x91: {  	s25 =	sadd.s32 $0x100, s25;
	[tilespmem:s26+$0x10460] =	vst v2  }
0x92: {  	s24 =	sadd.s32 $0x80, s24;
	s22 =	sadd.s32 $0x1, s22;
	s23 =	sadd.s32 $0x400, s23;
	[tilespmem:s26+$0x10470] =	vst v3  }
0x93: {  	s22 =	sshll.u32 s19, $0xB  }
0x94: {  	s22 =	sand.u32 $0x1800, s22  }
0x95: {  	s21 =	sshll.u32 s21, $0xD;
	s23 =	sadd.s32 s3, s22  }
0x96: {  	s31 =	sadd.s32 $0x2, s20;
	s23 =	sadd.s32 s21, s23  }
0x97: {  	[hbm4b:s23+s4] =	stream.linear.scatter [tilespmem:s13], [sflag:$0x3], $0x2000, $0x38;
	[tilespmem:$0x14000] =	vst v63  }
0x98: {  	s24 =	sshrl.u32 s31, $0x3;
	s23 =	sshll.u32 s31, $0xC  }
0x99: {  	s24 =	sadd.s32 s5, s24;
	s23 =	sand.u32 $0x6000, s23  }
0x9a: {  	s24 =	sshll.u32 s24, $0xF;
	s23 =	sadd.s32 s2, s23  }
0x9b: {  	s23 =	sadd.s32 s24, s23  }
0x9c: {  	[tilespmem:s4], [sflag:$0x1] =	stream.linear.gather [hbm4b:s23+s4], $0x8000, $0x38;
	[tilespmem:$0x14000] =	vst v63  }
0x9d: {  	_ =	swait.ge [sflag:s14], $0x8000  }
0x9e: {  	[sflag:s14] =	ssyncset.done $0x0  }
0x9f: {  	s23 =	simm.s32 @!p0 $0x4;
	[sflag:s14] =	ssyncadd.s32 $0xFFFF8000  }
0xa0: {  	_ =	swait.ge @!p0 [sflag:s23], $0x2000  }
0xa1: {  	s25 =	simm.s32 $0x0;
	s26 =	simm.s32 $0x0;
	[sflag:s23] =	ssyncset.done @!p0 $0x0  }
0xa2: {  	s24 =	simm.s32 $0x0;
	[sflag:s23] =	ssyncadd.s32 @!p0 $0xFFFFE000;
	s23 =	simm.s32 $0x0  }
.LBB2_5:
0xa3: {  	s28 =	sand.u32 $0x7000, s24;
	s29 =	sand.u32 $0x300, s26  }
0xa4: {  	s29 =	sor.u32 s29, s28  }
0xa5: {  	s28 =	sor.u32 $0x8000, s29  }
0xa6: {  	v2 =	vld.idx.msk [tilespmem:v0+s28+$0x0], $0xffff  }
0xa7: {  	s30 =	sor.u32 $0x8080, s29;
	v3 =	vld.idx.msk [tilespmem:v1+s28+$0x0], $0xffff  }
0xa8: {  	v4 =	vld.idx.msk [tilespmem:v0+s30+$0x0], $0xffff  }
0xa9: {  	s31 =	sor.u32 $0x8020, s29;
	v5 =	vld.idx.msk [tilespmem:v1+s30+$0x0], $0xffff  }
0xaa: {  	v6 =	vld.idx.msk [tilespmem:v0+s31+$0x0], $0xffff  }
0xab: {  	v7 =	vld.idx.msk [tilespmem:v1+s31+$0x0], $0xffff;
	s30 =	sor.u32 $0x80A0, s29  }
0xac: {  	v8 =	vld.idx.msk [tilespmem:v0+s30+$0x0], $0xffff  }
0xad: {  	s31 =	sor.u32 $0x8040, s29;
	v9 =	vld.idx.msk [tilespmem:v1+s30+$0x0], $0xffff  }
0xae: {  	v10 =	vld.idx.msk [tilespmem:v0+s31+$0x0], $0xffff  }
0xaf: {  	v11 =	vld.idx.msk [tilespmem:v1+s31+$0x0], $0xffff;
	s30 =	sor.u32 $0x80C0, s29  }
0xb0: {  	v12 =	vld.idx.msk [tilespmem:v0+s30+$0x0], $0xffff  }
0xb1: {  	s31 =	sor.u32 $0x8060, s29;
	v13 =	vld.idx.msk [tilespmem:v1+s30+$0x0], $0xffff;
	v2 =	vmax.f32 v2, $0.0e+00  }
0xb2: {  	v14 =	vld.idx.msk [tilespmem:v0+s31+$0x0], $0xffff;
	v3 =	vmax.f32 v3, $0.0e+00;
	v4 =	vmax.f32 v4, $0.0e+00;
	v5 =	vmax.f32 v5, $0.0e+00  }
0xb3: {  	v15 =	vld.idx.msk [tilespmem:v1+s31+$0x0], $0xffff;
	s30 =	sor.u32 $0x80E0, s29;
	v6 =	vmax.f32 v6, $0.0e+00;
	v7 =	vmax.f32 v7, $0.0e+00;
	v8 =	vmax.f32 v8, $0.0e+00  }
0xb4: {  	v16 =	vld.idx.msk [tilespmem:v0+s30+$0x0], $0xffff;
	v9 =	vmax.f32 v9, $0.0e+00;
	v10 =	vmax.f32 v10, $0.0e+00;
	v11 =	vmax.f32 v11, $0.0e+00  }
0xb5: {  	s31 =	sor.u32 $0x8400, s29;
	v17 =	vld.idx.msk [tilespmem:v1+s30+$0x0], $0xffff;
	v28 =	vadd.f32 v3, v2;
	v2 =	vmul.f32 v2, v2;
	v3 =	vmul.f32 v3, v3  }
0xb6: {  	v18 =	vld.idx.msk [tilespmem:v0+s31+$0x0], $0xffff;
	v29 =	vadd.f32 v5, v4;
	v4 =	vmul.f32 v4, v4;
	v5 =	vmul.f32 v5, v5  }
0xb7: {  	v19 =	vld.idx.msk [tilespmem:v1+s31+$0x0], $0xffff;
	s30 =	sor.u32 $0x8480, s29;
	v32 =	vadd.f32 v7, v6;
	v6 =	vmul.f32 v6, v6;
	v7 =	vmul.f32 v7, v7  }
0xb8: {  	v20 =	vld.idx.msk [tilespmem:v0+s30+$0x0], $0xffff;
	v12 =	vmax.f32 v12, $0.0e+00;
	v13 =	vmax.f32 v13, $0.0e+00;
	v14 =	vmax.f32 v14, $0.0e+00  }
0xb9: {  	s31 =	sor.u32 $0x8420, s29;
	v21 =	vld.idx.msk [tilespmem:v1+s30+$0x0], $0xffff;
	v15 =	vmax.f32 v15, $0.0e+00;
	v33 =	vadd.f32 v9, v8;
	v58 =	vmul.f32 v9, v9  }
0xba: {  	v22 =	vld.idx.msk [tilespmem:v0+s31+$0x0], $0xffff;
	v35 =	vadd.f32 v11, v10;
	v59 =	vmul.f32 v10, v10;
	v60 =	vmul.f32 v11, v11  }
0xbb: {  	v23 =	vld.idx.msk [tilespmem:v1+s31+$0x0], $0xffff;
	v16 =	vmax.f32 v16, $0.0e+00;
	v17 =	vmax.f32 v17, $0.0e+00;
	v18 =	vmax.f32 v18, $0.0e+00  }
0xbc: {  	s30 =	sor.u32 $0x84A0, s29;
	v19 =	vmax.f32 v19, $0.0e+00;
	v28 =	vadd.f32 v29, v28;
	v36 =	vadd.f32 v13, v12  }
0xbd: {  	v24 =	vld.idx.msk [tilespmem:v0+s30+$0x0], $0xffff;
	v38 =	vadd.f32 v15, v14;
	v2 =	vadd.f32 v3, v2;
	v3 =	vmul.f32 v8, v8  }
0xbe: {  	s31 =	sor.u32 $0x8440, s29;
	v25 =	vld.idx.msk [tilespmem:v1+s30+$0x0], $0xffff;
	v4 =	vadd.f32 v5, v4;
	v6 =	vadd.f32 v7, v6;
	v61 =	vmul.f32 v12, v12  }
0xbf: {  	v26 =	vld.idx.msk [tilespmem:v0+s31+$0x0], $0xffff;
	v62 =	vmul.f32 v13, v13;
	v63 =	vmul.f32 v14, v14;
	v20 =	vmax.f32 v20, $0.0e+00  }
0xc0: {  	v27 =	vld.idx.msk [tilespmem:v1+s31+$0x0], $0xffff;
	s30 =	sor.u32 $0x84C0, s29;
	v21 =	vmax.f32 v21, $0.0e+00;
	v22 =	vmax.f32 v22, $0.0e+00;
	v23 =	vmax.f32 v23, $0.0e+00  }
0xc1: {  	v30 =	vld.idx.msk [tilespmem:v0+s30+$0x0], $0xffff;
	v39 =	vadd.f32 v17, v16;
	v41 =	vadd.f32 v19, v18;
	v43 =	vmul.f32 v16, v16  }
0xc2: {  	s31 =	sor.u32 $0x8460, s29;
	v31 =	vld.idx.msk [tilespmem:v1+s30+$0x0], $0xffff;
	v32 =	vadd.f32 v33, v32;
	v44 =	vmul.f32 v17, v17;
	v45 =	vmul.f32 v18, v18  }
0xc3: {  	v47 =	vld.idx.msk [tilespmem:v0+s31+$0x0], $0xffff;
	v46 =	vmul.f32 v19, v19;
	v5 =	vadd.f32 v60, v59;
	v24 =	vmax.f32 v24, $0.0e+00  }
0xc4: {  	v34 =	vld.idx.msk [tilespmem:v1+s31+$0x0], $0xffff;
	v25 =	vmax.f32 v25, $0.0e+00;
	v26 =	vmax.f32 v26, $0.0e+00;
	v42 =	vadd.f32 v21, v20  }
0xc5: {  	s30 =	sor.u32 $0x84E0, s29;
	v27 =	vmax.f32 v27, $0.0e+00;
	v48 =	vadd.f32 v36, v35;
	v51 =	vadd.f32 v23, v22  }
0xc6: {  	v37 =	vld.idx.msk [tilespmem:v0+s30+$0x0], $0xffff;
	v28 =	vmax.f32 v28, $1.199999980e-38;
	v3 =	vadd.f32 v58, v3;
	v2 =	vadd.f32 v4, v2  }
0xc7: {  	v40 =	vld.idx.msk [tilespmem:v1+s30+$0x0], $0xffff;
	v7 =	vadd.f32 v62, v61;
	v30 =	vmax.f32 v30, $0.0e+00;
	v31 =	vmax.f32 v31, $0.0e+00  }
0xc8: {  	v49 =	vadd.f32 v39, v38;
	v29 =	vmax.f32 v47, $0.0e+00;
	v52 =	vadd.f32 v25, v24  }
0xc9: {  	v34 =	vmax.f32 v34, $0.0e+00;
	v53 =	vadd.f32 v27, v26;
	v32 =	vmax.f32 v32, $1.199999980e-38  }
0xca: {  	v47 =	vmul.f32 v20, v20;
	(erf) = vrcp.f32 v28;
	v4 =	vadd.f32 v44, v43  }
0xcb: {  	v50 =	vadd.f32 v42, v41;
	v54 =	vadd.f32 v31, v30;
	v37 =	vmax.f32 v37, $0.0e+00  }
0xcc: {  	v40 =	vmax.f32 v40, $0.0e+00;
	v33 =	vmax.f32 v48, $1.199999980e-38;
	v56 =	vadd.f32 v34, v29  }
0xcd: {  	v42 =	vmul.f32 v15, v15;
	v3 =	vadd.f32 v3, v6;
	v48 =	vmul.f32 v21, v21  }
0xce: {  	(erf) = vrcp.f32 v32;
	v5 =	vadd.f32 v7, v5;
	v6 =	vadd.f32 v46, v45  }
0xcf: {  	v58 =	vmul.f32 v34, v34;
	v35 =	vmax.f32 v49, $1.199999980e-38;
	v49 =	vmul.f32 v22, v22  }
0xd0: {  	v38 =	vadd.f32 v52, v51;
	(erf) = vrcp.f32 v33;
	v51 =	vmul.f32 v24, v24  }
0xd1: {  	v57 =	vadd.f32 v40, v37;
	v52 =	vmul.f32 v25, v25;
	v60 =	vmul.f32 v37, v37  }
0xd2: {  	v55 =	vadd.f32 v54, v53;
	v36 =	vmax.f32 v50, $1.199999980e-38;
	(erf) = vrcp.f32 v35  }
0xd3: {  	v38 =	vmax.f32 v38, $1.199999980e-38;
	v41 =	vadd.f32 v57, v56;
	(erf) = vrcp.f32 v36  }
0xd4: {  	v62 =	vmul.f32 v40, v40;
	v39 =	vmax.f32 v55, $1.199999980e-38;
	(erf) = vrcp.f32 v38  }
0xd5: {  	v50 =	vmul.f32 v23, v23;
	v41 =	vmax.f32 v41, $1.199999980e-38;
	(erf) = vrcp.f32 v39  }
0xd6: {  	v8 =	vadd.f32 v42, v63;
	v53 =	vmul.f32 v26, v26;
	(erf) = vrcp.f32 v41  }
0xd7: {  	v9 =	vadd.f32 v48, v47;
	v54 =	vmul.f32 v27, v27;
	v56 =	vmul.f32 v31, v31  }
0xd8: {  	v7 =	vadd.f32 v52, v51;
	v57 =	vmul.f32 v29, v29;
	v4 =	vadd.f32 v4, v8;
	v59 =	vpop (erf)  }
0xd9: {  	s31 =	sand.u32 $0x1800, s26;
	s30 =	sand.u32 $0x380, s25;
	v11 =	vadd.f32 v50, v49;
	v55 =	vmul.f32 v30, v30;
	v2 =	vmul.f32 v59, v2;
	v61 =	vpop (erf)  }
0xda: {  	s28 =	sor.u32 s30, s31;
	v6 =	vadd.f32 v9, v6;
	v10 =	vadd.f32 v54, v53;
	v3 =	vmul.f32 v61, v3;
	v63 =	vpop (erf)  }
0xdb: {  	v9 =	vadd.f32 v62, v60;
	v12 =	vadd.f32 v56, v55;
	[tilespmem:s28+$0x12000] =	vst v2;
	v2 =	vmul.f32 v63, v5;
	v19 =	vpop (erf)  }
0xdc: {  	v8 =	vadd.f32 v58, v57;
	v7 =	vadd.f32 v7, v11;
	[tilespmem:s28+$0x12010] =	vst v3;
	v3 =	vmul.f32 v19, v4;
	v20 =	vpop (erf)  }
0xdd: {  	v21 =	vadd.f32 v12, v10;
	[tilespmem:s28+$0x12020] =	vst v2;
	v2 =	vmul.f32 v20, v6;
	v22 =	vpop (erf)  }
0xde: {  	v23 =	vadd.f32 v9, v8;
	[tilespmem:s28+$0x12030] =	vst v3;
	v3 =	vmul.f32 v22, v7;
	v24 =	vpop (erf)  }
0xdf: {  	[tilespmem:s28+$0x12040] =	vst v2;
	v2 =	vmul.f32 v24, v21;
	v25 =	vpop (erf)  }
0xe0: {  	[tilespmem:s28+$0x12050] =	vst v3;
	v3 =	vmul.f32 v25, v23  }
0xe1: {  	[tilespmem:s28+$0x12060] =	vst v2  }
0xe2: {  	s31 =	sor.u32 $0x8800, s29;
	[tilespmem:s28+$0x12070] =	vst v3  }
0xe3: {  	v2 =	vld.idx.msk [tilespmem:v0+s31+$0x0], $0xffff  }
0xe4: {  	s30 =	sor.u32 $0x8860, s29;
	v3 =	vld.idx.msk [tilespmem:v1+s31+$0x0], $0xffff  }
0xe5: {  	v36 =	vld.idx.msk [tilespmem:v0+s30+$0x0], $0xffff  }
0xe6: {  	s31 =	sor.u32 $0x8880, s29;
	v37 =	vld.idx.msk [tilespmem:v1+s30+$0x0], $0xffff  }
0xe7: {  	v26 =	vld.idx.msk [tilespmem:v0+s31+$0x0], $0xffff  }
0xe8: {  	v27 =	vld.idx.msk [tilespmem:v1+s31+$0x0], $0xffff;
	s31 =	sor.u32 $0x8820, s29  }
0xe9: {  	v28 =	vld.idx.msk [tilespmem:v0+s31+$0x0], $0xffff  }
0xea: {  	v29 =	vld.idx.msk [tilespmem:v1+s31+$0x0], $0xffff;
	s31 =	sor.u32 $0x88A0, s29  }
0xeb: {  	v30 =	vld.idx.msk [tilespmem:v0+s31+$0x0], $0xffff  }
0xec: {  	v31 =	vld.idx.msk [tilespmem:v1+s31+$0x0], $0xffff;
	s31 =	sor.u32 $0x8840, s29  }
0xed: {  	v32 =	vld.idx.msk [tilespmem:v0+s31+$0x0], $0xffff  }
0xee: {  	v33 =	vld.idx.msk [tilespmem:v1+s31+$0x0], $0xffff;
	s31 =	sor.u32 $0x88C0, s29;
	v2 =	vmax.f32 v2, $0.0e+00  }
0xef: {  	v34 =	vld.idx.msk [tilespmem:v0+s31+$0x0], $0xffff;
	v3 =	vmax.f32 v3, $0.0e+00;
	v14 =	vmax.f32 v36, $0.0e+00;
	v15 =	vmax.f32 v37, $0.0e+00  }
0xf0: {  	v35 =	vld.idx.msk [tilespmem:v1+s31+$0x0], $0xffff;
	s31 =	sand.u32 $0x3, s23;
	v4 =	vmax.f32 v26, $0.0e+00;
	v5 =	vmax.f32 v27, $0.0e+00;
	v50 =	vadd.f32 v3, v2  }
0xf1: {  	s29 =	sor.u32 $0x88E0, s29;
	s31 =	sshll.u32 s31, $0x8;
	v61 =	vadd.f32 v15, v14;
	v2 =	vmul.f32 v2, v2;
	v3 =	vmul.f32 v3, v3  }
0xf2: {  	v38 =	vld.idx.msk [tilespmem:v0+s29+$0x0], $0xffff;
	s30 =	sadd.s32 s31, s24;
	v6 =	vmax.f32 v28, $0.0e+00;
	v7 =	vmax.f32 v29, $0.0e+00;
	v51 =	vadd.f32 v5, v4  }
0xf3: {  	v39 =	vld.idx.msk [tilespmem:v1+s29+$0x0], $0xffff;
	v4 =	vmul.f32 v4, v4;
	v5 =	vmul.f32 v5, v5;
	s29 =	sor.u32 $0xC00, s30;
	v8 =	vmax.f32 v30, $0.0e+00  }
0xf4: {  	s31 =	sadd.s32 $0x80, s30;
	v9 =	vmax.f32 v31, $0.0e+00;
	v55 =	vadd.f32 v7, v6;
	v6 =	vmul.f32 v6, v6;
	v40 =	vld.idx.msk [tilespmem:v0+s29+$0x8000], $0xffff  }
0xf5: {  	v7 =	vmul.f32 v7, v7;
	v2 =	vadd.f32 v3, v2;
	v41 =	vld.idx.msk [tilespmem:v1+s29+$0x8000], $0xffff;
	s29 =	sor.u32 $0xC00, s31;
	v10 =	vmax.f32 v32, $0.0e+00  }
0xf6: {  	v11 =	vmax.f32 v33, $0.0e+00;
	v28 =	vadd.f32 v51, v50;
	v56 =	vadd.f32 v9, v8;
	v42 =	vld.idx.msk [tilespmem:v0+s29+$0x8000], $0xffff  }
0xf7: {  	v3 =	vmul.f32 v8, v8;
	v4 =	vadd.f32 v5, v4;
	v43 =	vld.idx.msk [tilespmem:v1+s29+$0x8000], $0xffff;
	s29 =	sor.u32 $0xC20, s30;
	v12 =	vmax.f32 v34, $0.0e+00  }
0xf8: {  	v16 =	vmax.f32 v38, $0.0e+00;
	v17 =	vmax.f32 v39, $0.0e+00;
	v58 =	vadd.f32 v11, v10;
	v44 =	vld.idx.msk [tilespmem:v0+s29+$0x8000], $0xffff  }
0xf9: {  	v13 =	vmax.f32 v35, $0.0e+00;
	v6 =	vadd.f32 v7, v6;
	v45 =	vld.idx.msk [tilespmem:v1+s29+$0x8000], $0xffff;
	s29 =	sor.u32 $0xC20, s31;
	v62 =	vadd.f32 v17, v16  }
0xfa: {  	v32 =	vadd.f32 v56, v55;
	v16 =	vmul.f32 v16, v16;
	v17 =	vmul.f32 v17, v17;
	v46 =	vld.idx.msk [tilespmem:v0+s29+$0x8000], $0xffff  }
0xfb: {  	v59 =	vadd.f32 v13, v12;
	v28 =	vmax.f32 v28, $1.199999980e-38;
	v2 =	vadd.f32 v4, v2;
	v47 =	vld.idx.msk [tilespmem:v1+s29+$0x8000], $0xffff;
	s29 =	sor.u32 $0xC40, s30  }
0xfc: {  	(erf) = vrcp.f32 v28;
	v48 =	vld.idx.msk [tilespmem:v0+s29+$0x8000], $0xffff;
	v32 =	vmax.f32 v32, $1.199999980e-38;
	v4 =	vadd.f32 v17, v16  }
0xfd: {  	s30 =	sor.u32 $0xC60, s30;
	v49 =	vld.idx.msk [tilespmem:v1+s29+$0x8000], $0xffff;
	v18 =	vmax.f32 v40, $0.0e+00;
	v19 =	vmax.f32 v41, $0.0e+00;
	(erf) = vrcp.f32 v32  }
0xfe: {  	v54 =	vld.idx.msk [tilespmem:v0+s30+$0x8000], $0xffff;
	v20 =	vmax.f32 v42, $0.0e+00;
	v21 =	vmax.f32 v43, $0.0e+00;
	v22 =	vmax.f32 v44, $0.0e+00  }
0xff: {  	s29 =	sor.u32 $0xC40, s31;
	v57 =	vld.idx.msk [tilespmem:v1+s30+$0x8000], $0xffff;
	v23 =	vmax.f32 v45, $0.0e+00;
	v45 =	vadd.f32 v19, v18;
	v18 =	vmul.f32 v18, v18  }
0x100: {  	v52 =	vld.idx.msk [tilespmem:v0+s29+$0x8000], $0xffff;
	v19 =	vmul.f32 v19, v19;
	v42 =	vmul.f32 v21, v21;
	v24 =	vmax.f32 v46, $0.0e+00  }
0x101: {  	s31 =	sor.u32 $0xC60, s31;
	v53 =	vld.idx.msk [tilespmem:v1+s29+$0x8000], $0xffff;
	v25 =	vmax.f32 v47, $0.0e+00;
	v47 =	vadd.f32 v59, v58;
	v58 =	vmul.f32 v10, v10  }
0x102: {  	v60 =	vld.idx.msk [tilespmem:v0+s31+$0x8000], $0xffff;
	v46 =	vadd.f32 v21, v20;
	v59 =	vmul.f32 v11, v11;
	v20 =	vmul.f32 v20, v20  }
0x103: {  	v63 =	vld.idx.msk [tilespmem:v1+s31+$0x8000], $0xffff;
	v50 =	vadd.f32 v23, v22;
	v43 =	vmul.f32 v22, v22;
	v44 =	vmul.f32 v23, v23  }
0x104: {  	v26 =	vmax.f32 v48, $0.0e+00;
	v27 =	vmax.f32 v49, $0.0e+00;
	v48 =	vadd.f32 v62, v61  }
0x105: {  	v29 =	vmax.f32 v54, $0.0e+00;
	v34 =	vmax.f32 v57, $0.0e+00;
	v57 =	vmul.f32 v9, v9  }
0x106: {  	v51 =	vadd.f32 v25, v24;
	v61 =	vmul.f32 v13, v13;
	v62 =	vmul.f32 v14, v14  }
0x107: {  	v30 =	vmax.f32 v52, $0.0e+00;
	v31 =	vmax.f32 v53, $0.0e+00;
	v49 =	vadd.f32 v46, v45  }
0x108: {  	v52 =	vadd.f32 v27, v26;
	v37 =	vmax.f32 v60, $0.0e+00;
	v40 =	vmax.f32 v63, $0.0e+00  }
0x109: {  	v33 =	vmax.f32 v47, $1.199999980e-38;
	v55 =	vadd.f32 v34, v29;
	v60 =	vmul.f32 v12, v12  }
0x10a: {  	v63 =	vmul.f32 v15, v15;
	v5 =	vadd.f32 v59, v58;
	v45 =	vmul.f32 v24, v24  }
0x10b: {  	v46 =	vmul.f32 v25, v25;
	v9 =	vadd.f32 v42, v20;
	v11 =	vadd.f32 v44, v43  }
0x10c: {  	v47 =	vmul.f32 v26, v26;
	v53 =	vadd.f32 v31, v30;
	v38 =	vadd.f32 v51, v50  }
0x10d: {  	v56 =	vadd.f32 v40, v37;
	v35 =	vmax.f32 v48, $1.199999980e-38;
	(erf) = vrcp.f32 v33  }
0x10e: {  	v3 =	vadd.f32 v57, v3;
	v48 =	vmul.f32 v27, v27;
	v50 =	vmul.f32 v31, v31  }
0x10f: {  	v36 =	vmax.f32 v49, $1.199999980e-38;
	(erf) = vrcp.f32 v35;
	v54 =	vadd.f32 v53, v52  }
0x110: {  	v38 =	vmax.f32 v38, $1.199999980e-38;
	v41 =	vadd.f32 v56, v55;
	(erf) = vrcp.f32 v36  }
0x111: {  	v57 =	vmul.f32 v40, v40;
	(erf) = vrcp.f32 v38;
	v39 =	vmax.f32 v54, $1.199999980e-38  }
0x112: {  	v7 =	vadd.f32 v61, v60;
	v41 =	vmax.f32 v41, $1.199999980e-38;
	(erf) = vrcp.f32 v39  }
0x113: {  	v8 =	vadd.f32 v63, v62;
	v49 =	vmul.f32 v30, v30;
	(erf) = vrcp.f32 v41  }
0x114: {  	v3 =	vadd.f32 v3, v6;
	v6 =	vadd.f32 v19, v18;
	v52 =	vmul.f32 v29, v29  }
0x115: {  	v51 =	vpop (erf);
	v53 =	vmul.f32 v34, v34;
	v55 =	vmul.f32 v37, v37;
	v10 =	vadd.f32 v48, v47  }
0x116: {  	v5 =	vadd.f32 v7, v5;
	v4 =	vadd.f32 v4, v8;
	v2 =	vmul.f32 v51, v2;
	v54 =	vpop (erf)  }
0x117: {  	v7 =	vadd.f32 v46, v45;
	v12 =	vadd.f32 v50, v49;
	v3 =	vmul.f32 v54, v3;
	v56 =	vpop (erf)  }
0x118: {  	v6 =	vadd.f32 v9, v6;
	v8 =	vadd.f32 v53, v52;
	[tilespmem:s28+$0x12400] =	vst v2;
	v58 =	vpop (erf);
	v2 =	vmul.f32 v56, v5  }
0x119: {  	v9 =	vadd.f32 v57, v55;
	v7 =	vadd.f32 v7, v11;
	[tilespmem:s28+$0x12410] =	vst v3;
	v59 =	vpop (erf);
	v3 =	vmul.f32 v58, v4  }
0x11a: {  	p0 =	sne.s32 s26, $0x1F00;
	v10 =	vadd.f32 v12, v10;
	v60 =	vpop (erf);
	[tilespmem:s28+$0x12420] =	vst v2;
	v2 =	vmul.f32 v59, v6  }
.Ltmp1:
0x11b: {  	v62 =	vadd.f32 v9, v8;
	[tilespmem:s28+$0x12430] =	vst v3;
	v3 =	vmul.f32 v60, v7;
	v61 =	vpop (erf);
	(pc) =	sbr.rel @p0 .LBB2_5-.Ltmp1, $4  }
0x11c: {  	[tilespmem:s28+$0x12440] =	vst v2;
	v2 =	vmul.f32 v61, v10;
	v63 =	vpop (erf)  }
0x11d: {  	[tilespmem:s28+$0x12450] =	vst v3;
	v3 =	vmul.f32 v63, v62  }
0x11e: {  	s26 =	sadd.s32 $0x100, s26;
	[tilespmem:s28+$0x12460] =	vst v2  }
0x11f: {  	s25 =	sadd.s32 $0x80, s25;
	s23 =	sadd.s32 $0x1, s23;
	s24 =	sadd.s32 $0x400, s24;
	[tilespmem:s28+$0x12470] =	vst v3  }
0x120: {  	s22 =	sadd.s32 s22, s3  }
0x121: {  	s19 =	sadd.s32 $0x1, s19;
	s21 =	sadd.s32 s21, s22  }
0x122: {  	s20 =	sadd.s32 $0x3, s20;
	p0 =	sne.s32 s19, $0x5F;
	s21 =	sadd.s32 $0x400, s21  }
0x123: {  	[hbm4b:s21+s4] =	stream.linear.scatter [tilespmem:s15], [sflag:$0x4], $0x2000, $0x38;
	[tilespmem:$0x14000] =	vst v63  }
.Ltmp2:
0x124: {  	s31 =	sshrl.u32 s20, $0x3;
	s20 =	sshll.u32 s20, $0xC;
	(pc) =	sbr.rel @p0 .LBB2_2-.Ltmp2, $4  }
0x125: {  	s20 =	sand.u32 $0x7000, s20;
	s21 =	sadd.s32 s5, s31  }
0x126: {  	s20 =	sadd.s32 s2, s20;
	s21 =	sshll.u32 s21, $0xF  }
0x127: {  	s20 =	sadd.s32 s21, s20  }
0x128: {  	[tilespmem:s11], [sflag:$0x2] =	stream.linear.gather [hbm4b:s20+s4], $0x8000, $0x38;
	[tilespmem:$0x14000] =	vst v63  }
0x129: {  	_ =	swait.ge [sflag:s12], $0x8000  }
0x12a: {  	[sflag:s12] =	ssyncset.done $0x0  }
0x12b: {  	[sflag:s12] =	ssyncadd.s32 $0xFFFF8000  }
0x12c: {  	_ =	swait.ge [sflag:s16], $0x2000  }
0x12d: {  	s19 =	simm.s32 $0x0;
	s20 =	simm.s32 $0x0;
	[sflag:s16] =	ssyncset.done $0x0  }
0x12e: {  	s21 =	simm.s32 $0x0;
	s22 =	simm.s32 $0x0;
	[sflag:s16] =	ssyncadd.s32 $0xFFFFE000  }
.LBB2_8:
0x12f: {  	s23 =	sand.u32 $0x7000, s20;
	s24 =	sand.u32 $0x300, s22  }
0x130: {  	s24 =	sor.u32 s24, s23  }
0x131: {  	v2 =	vld.idx.msk [tilespmem:v0+s24+$0x0], $0xffff  }
0x132: {  	v3 =	vld.idx.msk [tilespmem:v1+s24+$0x0], $0xffff;
	s23 =	sor.u32 $0x80, s24  }
0x133: {  	v4 =	vld.idx.msk [tilespmem:v0+s23+$0x0], $0xffff  }
0x134: {  	s26 =	sor.u32 $0x20, s24;
	v5 =	vld.idx.msk [tilespmem:v1+s23+$0x0], $0xffff  }
0x135: {  	v6 =	vld.idx.msk [tilespmem:v0+s26+$0x0], $0xffff  }
0x136: {  	s28 =	sor.u32 $0xA0, s24;
	v7 =	vld.idx.msk [tilespmem:v1+s26+$0x0], $0xffff  }
0x137: {  	v8 =	vld.idx.msk [tilespmem:v0+s28+$0x0], $0xffff  }
0x138: {  	s29 =	sor.u32 $0x40, s24;
	v9 =	vld.idx.msk [tilespmem:v1+s28+$0x0], $0xffff  }
0x139: {  	v10 =	vld.idx.msk [tilespmem:v0+s29+$0x0], $0xffff  }
0x13a: {  	s30 =	sor.u32 $0xC0, s24;
	v11 =	vld.idx.msk [tilespmem:v1+s29+$0x0], $0xffff  }
0x13b: {  	v12 =	vld.idx.msk [tilespmem:v0+s30+$0x0], $0xffff  }
0x13c: {  	s31 =	sor.u32 $0x60, s24;
	v13 =	vld.idx.msk [tilespmem:v1+s30+$0x0], $0xffff  }
0x13d: {  	v14 =	vld.idx.msk [tilespmem:v0+s31+$0x0], $0xffff  }
0x13e: {  	s25 =	sor.u32 $0xE0, s24;
	v15 =	vld.idx.msk [tilespmem:v1+s31+$0x0], $0xffff  }
0x13f: {  	v16 =	vld.idx.msk [tilespmem:v0+s25+$0x0], $0xffff  }
0x140: {  	v17 =	vld.idx.msk [tilespmem:v1+s25+$0x0], $0xffff;
	s26 =	sor.u32 $0x400, s24  }
0x141: {  	v18 =	vld.idx.msk [tilespmem:v0+s26+$0x0], $0xffff  }
0x142: {  	s28 =	sor.u32 $0x480, s24;
	v19 =	vld.idx.msk [tilespmem:v1+s26+$0x0], $0xffff  }
0x143: {  	v20 =	vld.idx.msk [tilespmem:v0+s28+$0x0], $0xffff;
	v2 =	vmax.f32 v2, $0.0e+00  }
0x144: {  	s29 =	sor.u32 $0x420, s24;
	v21 =	vld.idx.msk [tilespmem:v1+s28+$0x0], $0xffff;
	v3 =	vmax.f32 v3, $0.0e+00;
	v4 =	vmax.f32 v4, $0.0e+00;
	v5 =	vmax.f32 v5, $0.0e+00  }
0x145: {  	v22 =	vld.idx.msk [tilespmem:v0+s29+$0x0], $0xffff;
	v6 =	vmax.f32 v6, $0.0e+00;
	v7 =	vmax.f32 v7, $0.0e+00;
	v8 =	vmax.f32 v8, $0.0e+00  }
0x146: {  	s30 =	sor.u32 $0x4A0, s24;
	v23 =	vld.idx.msk [tilespmem:v1+s29+$0x0], $0xffff;
	v9 =	vmax.f32 v9, $0.0e+00;
	v10 =	vmax.f32 v10, $0.0e+00;
	v11 =	vmax.f32 v11, $0.0e+00  }
0x147: {  	v24 =	vld.idx.msk [tilespmem:v0+s30+$0x0], $0xffff;
	v12 =	vmax.f32 v12, $0.0e+00;
	v13 =	vmax.f32 v13, $0.0e+00;
	v14 =	vmax.f32 v14, $0.0e+00  }
0x148: {  	s31 =	sor.u32 $0x440, s24;
	v25 =	vld.idx.msk [tilespmem:v1+s30+$0x0], $0xffff;
	v15 =	vmax.f32 v15, $0.0e+00;
	v16 =	vmax.f32 v16, $0.0e+00;
	v17 =	vmax.f32 v17, $0.0e+00  }
0x149: {  	v26 =	vld.idx.msk [tilespmem:v0+s31+$0x0], $0xffff;
	v28 =	vadd.f32 v3, v2;
	v2 =	vmul.f32 v2, v2;
	v3 =	vmul.f32 v3, v3  }
0x14a: {  	v18 =	vmax.f32 v18, $0.0e+00;
	v29 =	vadd.f32 v5, v4;
	v19 =	vmax.f32 v19, $0.0e+00  }
0x14b: {  	v20 =	vmax.f32 v20, $0.0e+00;
	v21 =	vmax.f32 v21, $0.0e+00;
	v22 =	vmax.f32 v22, $0.0e+00  }
0x14c: {  	s25 =	sor.u32 $0x4C0, s24;
	v27 =	vld.idx.msk [tilespmem:v1+s31+$0x0], $0xffff;
	v23 =	vmax.f32 v23, $0.0e+00;
	v24 =	vmax.f32 v24, $0.0e+00;
	v32 =	vadd.f32 v7, v6  }
0x14d: {  	v30 =	vld.idx.msk [tilespmem:v0+s25+$0x0], $0xffff;
	v33 =	vadd.f32 v9, v8;
	v25 =	vmax.f32 v25, $0.0e+00;
	v35 =	vadd.f32 v11, v10  }
0x14e: {  	v31 =	vld.idx.msk [tilespmem:v1+s25+$0x0], $0xffff;
	v36 =	vadd.f32 v13, v12;
	v26 =	vmax.f32 v26, $0.0e+00;
	v4 =	vmul.f32 v4, v4  }
0x14f: {  	s26 =	sor.u32 $0x460, s24;
	v38 =	vadd.f32 v15, v14;
	v5 =	vmul.f32 v5, v5;
	v6 =	vmul.f32 v6, v6  }
0x150: {  	s28 =	sor.u32 $0x4E0, s24;
	v34 =	vld.idx.msk [tilespmem:v1+s26+$0x0], $0xffff;
	v39 =	vadd.f32 v17, v16;
	v7 =	vmul.f32 v7, v7;
	v58 =	vmul.f32 v9, v9  }
0x151: {  	v37 =	vld.idx.msk [tilespmem:v0+s28+$0x0], $0xffff;
	v27 =	vmax.f32 v27, $0.0e+00;
	v59 =	vmul.f32 v10, v10;
	v60 =	vmul.f32 v11, v11  }
0x152: {  	v40 =	vld.idx.msk [tilespmem:v1+s28+$0x0], $0xffff;
	v30 =	vmax.f32 v30, $0.0e+00;
	v61 =	vmul.f32 v12, v12;
	v62 =	vmul.f32 v13, v13  }
0x153: {  	v31 =	vmax.f32 v31, $0.0e+00;
	v63 =	vmul.f32 v14, v14;
	v43 =	vmul.f32 v16, v16  }
0x154: {  	v44 =	vmul.f32 v17, v17;
	v41 =	vadd.f32 v19, v18;
	v42 =	vadd.f32 v21, v20  }
0x155: {  	v47 =	vld.idx.msk [tilespmem:v0+s26+$0x0], $0xffff;
	v51 =	vadd.f32 v23, v22;
	v52 =	vadd.f32 v25, v24;
	v34 =	vmax.f32 v34, $0.0e+00  }
0x156: {  	v53 =	vadd.f32 v27, v26;
	v54 =	vadd.f32 v31, v30;
	v37 =	vmax.f32 v37, $0.0e+00  }
0x157: {  	v40 =	vmax.f32 v40, $0.0e+00;
	v2 =	vadd.f32 v3, v2;
	v3 =	vmul.f32 v8, v8  }
0x158: {  	v45 =	vmul.f32 v18, v18;
	v28 =	vadd.f32 v29, v28;
	v32 =	vadd.f32 v33, v32  }
0x159: {  	v46 =	vmul.f32 v19, v19;
	v48 =	vadd.f32 v36, v35;
	v49 =	vadd.f32 v39, v38  }
0x15a: {  	v29 =	vmax.f32 v47, $0.0e+00;
	v57 =	vadd.f32 v40, v37;
	v4 =	vadd.f32 v5, v4  }
0x15b: {  	v6 =	vadd.f32 v7, v6;
	v5 =	vadd.f32 v60, v59;
	v47 =	vmul.f32 v20, v20  }
0x15c: {  	v7 =	vadd.f32 v62, v61;
	v60 =	vmul.f32 v37, v37;
	v50 =	vadd.f32 v42, v41  }
0x15d: {  	v62 =	vmul.f32 v40, v40;
	v38 =	vadd.f32 v52, v51;
	v55 =	vadd.f32 v54, v53  }
0x15e: {  	v56 =	vadd.f32 v34, v29;
	v42 =	vmul.f32 v15, v15;
	v51 =	vmul.f32 v24, v24  }
0x15f: {  	v3 =	vadd.f32 v58, v3;
	v52 =	vmul.f32 v25, v25;
	v53 =	vmul.f32 v26, v26  }
0x160: {  	v54 =	vmul.f32 v27, v27;
	v58 =	vmul.f32 v34, v34;
	v28 =	vmax.f32 v28, $1.199999980e-38  }
0x161: {  	v32 =	vmax.f32 v32, $1.199999980e-38;
	v33 =	vmax.f32 v48, $1.199999980e-38;
	(erf) = vrcp.f32 v28  }
0x162: {  	v35 =	vmax.f32 v49, $1.199999980e-38;
	v48 =	vmul.f32 v21, v21;
	(erf) = vrcp.f32 v32  }
0x163: {  	v2 =	vadd.f32 v4, v2;
	v49 =	vmul.f32 v22, v22;
	(erf) = vrcp.f32 v33  }
0x164: {  	v4 =	vadd.f32 v44, v43;
	v36 =	vmax.f32 v50, $1.199999980e-38;
	(erf) = vrcp.f32 v35  }
0x165: {  	v38 =	vmax.f32 v38, $1.199999980e-38;
	v41 =	vadd.f32 v57, v56;
	(erf) = vrcp.f32 v36  }
0x166: {  	v5 =	vadd.f32 v7, v5;
	v39 =	vmax.f32 v55, $1.199999980e-38;
	(erf) = vrcp.f32 v38  }
0x167: {  	v3 =	vadd.f32 v3, v6;
	v41 =	vmax.f32 v41, $1.199999980e-38;
	(erf) = vrcp.f32 v39  }
0x168: {  	v8 =	vadd.f32 v42, v63;
	v50 =	vmul.f32 v23, v23;
	(erf) = vrcp.f32 v41  }
0x169: {  	v6 =	vadd.f32 v46, v45;
	v55 =	vmul.f32 v30, v30;
	v56 =	vmul.f32 v31, v31  }
0x16a: {  	v7 =	vadd.f32 v52, v51;
	v57 =	vmul.f32 v29, v29;
	v10 =	vadd.f32 v54, v53;
	v59 =	vpop (erf)  }
0x16b: {  	s29 =	sand.u32 $0x1800, s22;
	s25 =	sand.u32 $0x380, s21;
	v9 =	vadd.f32 v48, v47;
	v4 =	vadd.f32 v4, v8;
	v2 =	vmul.f32 v59, v2;
	v61 =	vpop (erf)  }
0x16c: {  	s23 =	sor.u32 s25, s29;
	v11 =	vadd.f32 v50, v49;
	v12 =	vadd.f32 v56, v55;
	v3 =	vmul.f32 v61, v3;
	v63 =	vpop (erf)  }
0x16d: {  	v8 =	vadd.f32 v58, v57;
	v6 =	vadd.f32 v9, v6;
	[tilespmem:s23+$0x10000] =	vst v2;
	v2 =	vmul.f32 v63, v5;
	v19 =	vpop (erf)  }
0x16e: {  	v9 =	vadd.f32 v62, v60;
	v7 =	vadd.f32 v7, v11;
	[tilespmem:s23+$0x10010] =	vst v3;
	v3 =	vmul.f32 v19, v4;
	v20 =	vpop (erf)  }
0x16f: {  	v21 =	vadd.f32 v12, v10;
	[tilespmem:s23+$0x10020] =	vst v2;
	v2 =	vmul.f32 v20, v6;
	v22 =	vpop (erf)  }
0x170: {  	v23 =	vadd.f32 v9, v8;
	[tilespmem:s23+$0x10030] =	vst v3;
	v3 =	vmul.f32 v22, v7;
	v24 =	vpop (erf)  }
0x171: {  	[tilespmem:s23+$0x10040] =	vst v2;
	v2 =	vmul.f32 v24, v21;
	v25 =	vpop (erf)  }
0x172: {  	[tilespmem:s23+$0x10050] =	vst v3;
	v3 =	vmul.f32 v25, v23  }
0x173: {  	[tilespmem:s23+$0x10060] =	vst v2  }
0x174: {  	s30 =	sor.u32 $0x800, s24;
	[tilespmem:s23+$0x10070] =	vst v3  }
0x175: {  	v2 =	vld.idx.msk [tilespmem:v0+s30+$0x0], $0xffff  }
0x176: {  	s31 =	sor.u32 $0x880, s24;
	v3 =	vld.idx.msk [tilespmem:v1+s30+$0x0], $0xffff  }
0x177: {  	v26 =	vld.idx.msk [tilespmem:v0+s31+$0x0], $0xffff  }
0x178: {  	s26 =	sor.u32 $0x820, s24;
	v27 =	vld.idx.msk [tilespmem:v1+s31+$0x0], $0xffff  }
0x179: {  	v28 =	vld.idx.msk [tilespmem:v0+s26+$0x0], $0xffff  }
0x17a: {  	s28 =	sor.u32 $0x8A0, s24;
	v29 =	vld.idx.msk [tilespmem:v1+s26+$0x0], $0xffff  }
0x17b: {  	v30 =	vld.idx.msk [tilespmem:v0+s28+$0x0], $0xffff  }
0x17c: {  	s29 =	sor.u32 $0x840, s24;
	v31 =	vld.idx.msk [tilespmem:v1+s28+$0x0], $0xffff  }
0x17d: {  	v32 =	vld.idx.msk [tilespmem:v0+s29+$0x0], $0xffff  }
0x17e: {  	v33 =	vld.idx.msk [tilespmem:v1+s29+$0x0], $0xffff;
	s30 =	sor.u32 $0x8C0, s24  }
0x17f: {  	v34 =	vld.idx.msk [tilespmem:v0+s30+$0x0], $0xffff  }
0x180: {  	s31 =	sor.u32 $0x860, s24;
	v35 =	vld.idx.msk [tilespmem:v1+s30+$0x0], $0xffff  }
0x181: {  	s26 =	sand.u32 $0x3, s19;
	v36 =	vld.idx.msk [tilespmem:v0+s31+$0x0], $0xffff  }
0x182: {  	s24 =	sor.u32 $0x8E0, s24;
	s26 =	sshll.u32 s26, $0x8;
	v37 =	vld.idx.msk [tilespmem:v1+s31+$0x0], $0xffff  }
0x183: {  	v38 =	vld.idx.msk [tilespmem:v0+s24+$0x0], $0xffff;
	s25 =	sadd.s32 s26, s20;
	v2 =	vmax.f32 v2, $0.0e+00  }
0x184: {  	v39 =	vld.idx.msk [tilespmem:v1+s24+$0x0], $0xffff;
	s28 =	sor.u32 $0xC00, s25;
	v3 =	vmax.f32 v3, $0.0e+00;
	v4 =	vmax.f32 v26, $0.0e+00;
	v5 =	vmax.f32 v27, $0.0e+00  }
0x185: {  	v40 =	vld.idx.msk [tilespmem:v0+s28+$0x0], $0xffff;
	v6 =	vmax.f32 v28, $0.0e+00;
	v7 =	vmax.f32 v29, $0.0e+00;
	v8 =	vmax.f32 v30, $0.0e+00  }
0x186: {  	s30 =	sor.u32 $0xC20, s25;
	v41 =	vld.idx.msk [tilespmem:v1+s28+$0x0], $0xffff;
	v9 =	vmax.f32 v31, $0.0e+00;
	v10 =	vmax.f32 v32, $0.0e+00;
	v11 =	vmax.f32 v33, $0.0e+00  }
0x187: {  	s26 =	sadd.s32 $0x80, s25;
	v44 =	vld.idx.msk [tilespmem:v0+s30+$0x0], $0xffff;
	v12 =	vmax.f32 v34, $0.0e+00;
	v13 =	vmax.f32 v35, $0.0e+00;
	v14 =	vmax.f32 v36, $0.0e+00  }
0x188: {  	s29 =	sor.u32 $0xC00, s26;
	v45 =	vld.idx.msk [tilespmem:v1+s30+$0x0], $0xffff;
	v15 =	vmax.f32 v37, $0.0e+00;
	v16 =	vmax.f32 v38, $0.0e+00;
	v50 =	vadd.f32 v3, v2  }
0x189: {  	v42 =	vld.idx.msk [tilespmem:v0+s29+$0x0], $0xffff;
	v17 =	vmax.f32 v39, $0.0e+00;
	v51 =	vadd.f32 v5, v4;
	v55 =	vadd.f32 v7, v6  }
0x18a: {  	s31 =	sor.u32 $0xC20, s26;
	v43 =	vld.idx.msk [tilespmem:v1+s29+$0x0], $0xffff;
	v56 =	vadd.f32 v9, v8;
	v2 =	vmul.f32 v2, v2;
	v3 =	vmul.f32 v3, v3  }
0x18b: {  	v46 =	vld.idx.msk [tilespmem:v0+s31+$0x0], $0xffff;
	v58 =	vadd.f32 v11, v10;
	v4 =	vmul.f32 v4, v4;
	v5 =	vmul.f32 v5, v5  }
0x18c: {  	s28 =	sor.u32 $0xC40, s25;
	v47 =	vld.idx.msk [tilespmem:v1+s31+$0x0], $0xffff;
	v6 =	vmul.f32 v6, v6;
	v7 =	vmul.f32 v7, v7;
	v59 =	vadd.f32 v13, v12  }
0x18d: {  	v48 =	vld.idx.msk [tilespmem:v0+s28+$0x0], $0xffff;
	v61 =	vadd.f32 v15, v14;
	v62 =	vadd.f32 v17, v16;
	v16 =	vmul.f32 v16, v16  }
0x18e: {  	s30 =	sor.u32 $0xC60, s25;
	v49 =	vld.idx.msk [tilespmem:v1+s28+$0x0], $0xffff;
	v17 =	vmul.f32 v17, v17;
	v28 =	vadd.f32 v51, v50;
	v32 =	vadd.f32 v56, v55  }
0x18f: {  	v54 =	vld.idx.msk [tilespmem:v0+s30+$0x0], $0xffff;
	v2 =	vadd.f32 v3, v2;
	v3 =	vmul.f32 v8, v8;
	v4 =	vadd.f32 v5, v4  }
0x190: {  	v57 =	vld.idx.msk [tilespmem:v1+s30+$0x0], $0xffff;
	v6 =	vadd.f32 v7, v6;
	v18 =	vmax.f32 v40, $0.0e+00;
	v19 =	vmax.f32 v41, $0.0e+00  }
0x191: {  	v22 =	vmax.f32 v44, $0.0e+00;
	v23 =	vmax.f32 v45, $0.0e+00;
	v20 =	vmax.f32 v42, $0.0e+00  }
0x192: {  	v21 =	vmax.f32 v43, $0.0e+00;
	v24 =	vmax.f32 v46, $0.0e+00;
	v25 =	vmax.f32 v47, $0.0e+00  }
0x193: {  	s29 =	sor.u32 $0xC40, s26;
	v26 =	vmax.f32 v48, $0.0e+00;
	v27 =	vmax.f32 v49, $0.0e+00;
	v45 =	vadd.f32 v19, v18  }
0x194: {  	v52 =	vld.idx.msk [tilespmem:v0+s29+$0x0], $0xffff;
	v47 =	vadd.f32 v59, v58;
	v48 =	vadd.f32 v62, v61;
	v29 =	vmax.f32 v54, $0.0e+00  }
0x195: {  	s31 =	sor.u32 $0xC60, s26;
	v53 =	vld.idx.msk [tilespmem:v1+s29+$0x0], $0xffff;
	v50 =	vadd.f32 v23, v22;
	v34 =	vmax.f32 v57, $0.0e+00;
	v57 =	vmul.f32 v9, v9  }
0x196: {  	v60 =	vld.idx.msk [tilespmem:v0+s31+$0x0], $0xffff;
	v28 =	vmax.f32 v28, $1.199999980e-38;
	v58 =	vmul.f32 v10, v10;
	v59 =	vmul.f32 v11, v11  }
0x197: {  	v63 =	vld.idx.msk [tilespmem:v1+s31+$0x0], $0xffff;
	v32 =	vmax.f32 v32, $1.199999980e-38;
	v61 =	vmul.f32 v13, v13;
	v62 =	vmul.f32 v14, v14  }
0x198: {  	v2 =	vadd.f32 v4, v2;
	v18 =	vmul.f32 v18, v18;
	v19 =	vmul.f32 v19, v19  }
0x199: {  	v43 =	vmul.f32 v22, v22;
	v4 =	vadd.f32 v17, v16;
	v44 =	vmul.f32 v23, v23  }
0x19a: {  	v46 =	vadd.f32 v21, v20;
	v30 =	vmax.f32 v52, $0.0e+00;
	v31 =	vmax.f32 v53, $0.0e+00  }
0x19b: {  	v51 =	vadd.f32 v25, v24;
	v52 =	vadd.f32 v27, v26;
	v37 =	vmax.f32 v60, $0.0e+00  }
0x19c: {  	v40 =	vmax.f32 v63, $0.0e+00;
	v60 =	vmul.f32 v12, v12;
	v63 =	vmul.f32 v15, v15  }
0x19d: {  	v55 =	vadd.f32 v34, v29;
	v20 =	vmul.f32 v20, v20;
	(erf) = vrcp.f32 v28  }
0x19e: {  	v42 =	vmul.f32 v21, v21;
	v53 =	vadd.f32 v31, v30;
	v33 =	vmax.f32 v47, $1.199999980e-38  }
0x19f: {  	v56 =	vadd.f32 v40, v37;
	v35 =	vmax.f32 v48, $1.199999980e-38;
	v3 =	vadd.f32 v57, v3  }
0x1a0: {  	v5 =	vadd.f32 v59, v58;
	(erf) = vrcp.f32 v32;
	v47 =	vmul.f32 v26, v26  }
0x1a1: {  	v48 =	vmul.f32 v27, v27;
	v11 =	vadd.f32 v44, v43;
	v49 =	vadd.f32 v46, v45  }
0x1a2: {  	v57 =	vmul.f32 v40, v40;
	v38 =	vadd.f32 v51, v50;
	v7 =	vadd.f32 v61, v60  }
0x1a3: {  	v8 =	vadd.f32 v63, v62;
	(erf) = vrcp.f32 v33;
	v45 =	vmul.f32 v24, v24  }
0x1a4: {  	v54 =	vadd.f32 v53, v52;
	(erf) = vrcp.f32 v35;
	v36 =	vmax.f32 v49, $1.199999980e-38  }
0x1a5: {  	v41 =	vadd.f32 v56, v55;
	v38 =	vmax.f32 v38, $1.199999980e-38;
	(erf) = vrcp.f32 v36  }
0x1a6: {  	v46 =	vmul.f32 v25, v25;
	v39 =	vmax.f32 v54, $1.199999980e-38;
	(erf) = vrcp.f32 v38  }
0x1a7: {  	v9 =	vadd.f32 v42, v20;
	v41 =	vmax.f32 v41, $1.199999980e-38;
	(erf) = vrcp.f32 v39  }
0x1a8: {  	v50 =	vmul.f32 v31, v31;
	v3 =	vadd.f32 v3, v6;
	(erf) = vrcp.f32 v41  }
0x1a9: {  	v6 =	vadd.f32 v19, v18;
	v52 =	vmul.f32 v29, v29;
	v53 =	vmul.f32 v34, v34  }
0x1aa: {  	v55 =	vmul.f32 v37, v37;
	v10 =	vadd.f32 v48, v47;
	v5 =	vadd.f32 v7, v5;
	v51 =	vpop (erf)  }
0x1ab: {  	v4 =	vadd.f32 v4, v8;
	v49 =	vmul.f32 v30, v30;
	v54 =	vpop (erf);
	v2 =	vmul.f32 v51, v2  }
0x1ac: {  	v7 =	vadd.f32 v46, v45;
	v6 =	vadd.f32 v9, v6;
	v56 =	vpop (erf);
	v3 =	vmul.f32 v54, v3  }
0x1ad: {  	v8 =	vadd.f32 v53, v52;
	v12 =	vadd.f32 v50, v49;
	v58 =	vpop (erf);
	[tilespmem:s23+$0x10400] =	vst v2;
	v2 =	vmul.f32 v56, v5  }
0x1ae: {  	v9 =	vadd.f32 v57, v55;
	v7 =	vadd.f32 v7, v11;
	[tilespmem:s23+$0x10410] =	vst v3;
	v3 =	vmul.f32 v58, v4;
	v59 =	vpop (erf)  }
0x1af: {  	p0 =	sne.s32 s22, $0x1F00;
	v10 =	vadd.f32 v12, v10;
	[tilespmem:s23+$0x10420] =	vst v2;
	v60 =	vpop (erf);
	v2 =	vmul.f32 v59, v6  }
.Ltmp3:
0x1b0: {  	v62 =	vadd.f32 v9, v8;
	[tilespmem:s23+$0x10430] =	vst v3;
	v61 =	vpop (erf);
	v3 =	vmul.f32 v60, v7;
	(pc) =	sbr.rel @p0 .LBB2_8-.Ltmp3, $4  }
0x1b1: {  	[tilespmem:s23+$0x10440] =	vst v2;
	v2 =	vmul.f32 v61, v10;
	v63 =	vpop (erf)  }
0x1b2: {  	[tilespmem:s23+$0x10450] =	vst v3;
	v3 =	vmul.f32 v63, v62  }
0x1b3: {  	s21 =	sadd.s32 $0x80, s21;
	[tilespmem:s23+$0x10460] =	vst v2  }
0x1b4: {  	s22 =	sadd.s32 $0x100, s22;
	s19 =	sadd.s32 $0x1, s19;
	s20 =	sadd.s32 $0x400, s20;
	[tilespmem:s23+$0x10470] =	vst v3  }
0x1b5: {  	s19 =	simm.s32 $0x0  }
0x1b6: {  	[hbm4b:s8+s19] =	stream.linear.scatter [tilespmem:s13], [sflag:$0x3], $0x2000, $0x38;
	[tilespmem:$0x14000] =	vst v63  }
0x1b7: {  	_ =	swait.ge [sflag:s14], $0x8000  }
0x1b8: {  	[sflag:s14] =	ssyncset.done $0x0  }
0x1b9: {  	[sflag:s14] =	ssyncadd.s32 $0xFFFF8000  }
0x1ba: {  	_ =	swait.ge [sflag:s17], $0x2000  }
0x1bb: {  	s20 =	simm.s32 $0x0;
	[sflag:s17] =	ssyncset.done $0x0  }
0x1bc: {  	s21 =	simm.s32 $0x0;
	s22 =	simm.s32 $0x0;
	[sflag:s17] =	ssyncadd.s32 $0xFFFFE000  }
.LBB2_10:
0x1bd: {  	s23 =	sand.u32 $0x7000, s20;
	s24 =	sand.u32 $0x300, s22  }
0x1be: {  	s24 =	sor.u32 s24, s23  }
0x1bf: {  	s23 =	sor.u32 $0x8000, s24  }
0x1c0: {  	v2 =	vld.idx.msk [tilespmem:v0+s23+$0x0], $0xffff  }
0x1c1: {  	s25 =	sor.u32 $0x8080, s24;
	v3 =	vld.idx.msk [tilespmem:v1+s23+$0x0], $0xffff  }
0x1c2: {  	v4 =	vld.idx.msk [tilespmem:v0+s25+$0x0], $0xffff  }
0x1c3: {  	s26 =	sor.u32 $0x8020, s24;
	v5 =	vld.idx.msk [tilespmem:v1+s25+$0x0], $0xffff  }
0x1c4: {  	v6 =	vld.idx.msk [tilespmem:v0+s26+$0x0], $0xffff  }
0x1c5: {  	s28 =	sor.u32 $0x80A0, s24;
	v7 =	vld.idx.msk [tilespmem:v1+s26+$0x0], $0xffff  }
0x1c6: {  	v8 =	vld.idx.msk [tilespmem:v0+s28+$0x0], $0xffff  }
0x1c7: {  	s29 =	sor.u32 $0x8040, s24;
	v9 =	vld.idx.msk [tilespmem:v1+s28+$0x0], $0xffff  }
0x1c8: {  	v10 =	vld.idx.msk [tilespmem:v0+s29+$0x0], $0xffff  }
0x1c9: {  	s30 =	sor.u32 $0x80C0, s24;
	v11 =	vld.idx.msk [tilespmem:v1+s29+$0x0], $0xffff  }
0x1ca: {  	v12 =	vld.idx.msk [tilespmem:v0+s30+$0x0], $0xffff  }
0x1cb: {  	s31 =	sor.u32 $0x8060, s24;
	v13 =	vld.idx.msk [tilespmem:v1+s30+$0x0], $0xffff  }
0x1cc: {  	v14 =	vld.idx.msk [tilespmem:v0+s31+$0x0], $0xffff  }
0x1cd: {  	v15 =	vld.idx.msk [tilespmem:v1+s31+$0x0], $0xffff;
	s25 =	sor.u32 $0x80E0, s24  }
0x1ce: {  	v16 =	vld.idx.msk [tilespmem:v0+s25+$0x0], $0xffff  }
0x1cf: {  	s26 =	sor.u32 $0x8400, s24;
	v17 =	vld.idx.msk [tilespmem:v1+s25+$0x0], $0xffff  }
0x1d0: {  	v18 =	vld.idx.msk [tilespmem:v0+s26+$0x0], $0xffff  }
0x1d1: {  	s28 =	sor.u32 $0x8480, s24;
	v19 =	vld.idx.msk [tilespmem:v1+s26+$0x0], $0xffff  }
0x1d2: {  	v20 =	vld.idx.msk [tilespmem:v0+s28+$0x0], $0xffff  }
0x1d3: {  	s29 =	sor.u32 $0x8420, s24;
	v21 =	vld.idx.msk [tilespmem:v1+s28+$0x0], $0xffff;
	v2 =	vmax.f32 v2, $0.0e+00  }
0x1d4: {  	v22 =	vld.idx.msk [tilespmem:v0+s29+$0x0], $0xffff;
	v3 =	vmax.f32 v3, $0.0e+00;
	v4 =	vmax.f32 v4, $0.0e+00;
	v5 =	vmax.f32 v5, $0.0e+00  }
0x1d5: {  	s30 =	sor.u32 $0x84A0, s24;
	v23 =	vld.idx.msk [tilespmem:v1+s29+$0x0], $0xffff;
	v6 =	vmax.f32 v6, $0.0e+00;
	v7 =	vmax.f32 v7, $0.0e+00;
	v8 =	vmax.f32 v8, $0.0e+00  }
0x1d6: {  	v24 =	vld.idx.msk [tilespmem:v0+s30+$0x0], $0xffff;
	v9 =	vmax.f32 v9, $0.0e+00;
	v10 =	vmax.f32 v10, $0.0e+00;
	v11 =	vmax.f32 v11, $0.0e+00  }
0x1d7: {  	v25 =	vld.idx.msk [tilespmem:v1+s30+$0x0], $0xffff;
	v12 =	vmax.f32 v12, $0.0e+00;
	v13 =	vmax.f32 v13, $0.0e+00;
	v14 =	vmax.f32 v14, $0.0e+00  }
0x1d8: {  	v15 =	vmax.f32 v15, $0.0e+00;
	v16 =	vmax.f32 v16, $0.0e+00;
	v17 =	vmax.f32 v17, $0.0e+00  }
0x1d9: {  	s31 =	sor.u32 $0x8440, s24;
	v18 =	vmax.f32 v18, $0.0e+00;
	v28 =	vadd.f32 v3, v2;
	v29 =	vadd.f32 v5, v4  }
0x1da: {  	v26 =	vld.idx.msk [tilespmem:v0+s31+$0x0], $0xffff;
	v19 =	vmax.f32 v19, $0.0e+00;
	v20 =	vmax.f32 v20, $0.0e+00;
	v21 =	vmax.f32 v21, $0.0e+00  }
0x1db: {  	v22 =	vmax.f32 v22, $0.0e+00;
	v23 =	vmax.f32 v23, $0.0e+00;
	v24 =	vmax.f32 v24, $0.0e+00  }
0x1dc: {  	v27 =	vld.idx.msk [tilespmem:v1+s31+$0x0], $0xffff;
	s25 =	sor.u32 $0x84C0, s24;
	v32 =	vadd.f32 v7, v6;
	v33 =	vadd.f32 v9, v8;
	v25 =	vmax.f32 v25, $0.0e+00  }
0x1dd: {  	v30 =	vld.idx.msk [tilespmem:v0+s25+$0x0], $0xffff;
	v35 =	vadd.f32 v11, v10;
	v2 =	vmul.f32 v2, v2;
	v3 =	vmul.f32 v3, v3  }
0x1de: {  	s26 =	sor.u32 $0x8460, s24;
	v31 =	vld.idx.msk [tilespmem:v1+s25+$0x0], $0xffff;
	v36 =	vadd.f32 v13, v12;
	v4 =	vmul.f32 v4, v4;
	v5 =	vmul.f32 v5, v5  }
0x1df: {  	s28 =	sor.u32 $0x84E0, s24;
	v34 =	vld.idx.msk [tilespmem:v1+s26+$0x0], $0xffff;
	v26 =	vmax.f32 v26, $0.0e+00;
	v6 =	vmul.f32 v6, v6;
	v7 =	vmul.f32 v7, v7  }
0x1e0: {  	v37 =	vld.idx.msk [tilespmem:v0+s28+$0x0], $0xffff;
	v38 =	vadd.f32 v15, v14;
	v58 =	vmul.f32 v9, v9;
	v59 =	vmul.f32 v10, v10  }
0x1e1: {  	v40 =	vld.idx.msk [tilespmem:v1+s28+$0x0], $0xffff;
	v27 =	vmax.f32 v27, $0.0e+00;
	v60 =	vmul.f32 v11, v11;
	v61 =	vmul.f32 v12, v12  }
0x1e2: {  	v62 =	vmul.f32 v13, v13;
	v63 =	vmul.f32 v14, v14;
	v39 =	vadd.f32 v17, v16  }
0x1e3: {  	v41 =	vadd.f32 v19, v18;
	v42 =	vadd.f32 v21, v20;
	v30 =	vmax.f32 v30, $0.0e+00  }
0x1e4: {  	v47 =	vld.idx.msk [tilespmem:v0+s26+$0x0], $0xffff;
	v31 =	vmax.f32 v31, $0.0e+00;
	v51 =	vadd.f32 v23, v22;
	v52 =	vadd.f32 v25, v24  }
0x1e5: {  	v34 =	vmax.f32 v34, $0.0e+00;
	v53 =	vadd.f32 v27, v26;
	v37 =	vmax.f32 v37, $0.0e+00  }
0x1e6: {  	v40 =	vmax.f32 v40, $0.0e+00;
	v43 =	vmul.f32 v16, v16;
	v44 =	vmul.f32 v17, v17  }
0x1e7: {  	v45 =	vmul.f32 v18, v18;
	v28 =	vadd.f32 v29, v28;
	v32 =	vadd.f32 v33, v32  }
0x1e8: {  	v46 =	vmul.f32 v19, v19;
	v48 =	vadd.f32 v36, v35;
	v54 =	vadd.f32 v31, v30  }
0x1e9: {  	v29 =	vmax.f32 v47, $0.0e+00;
	v57 =	vadd.f32 v40, v37;
	v2 =	vadd.f32 v3, v2  }
0x1ea: {  	v3 =	vmul.f32 v8, v8;
	v4 =	vadd.f32 v5, v4;
	v6 =	vadd.f32 v7, v6  }
0x1eb: {  	v5 =	vadd.f32 v60, v59;
	v47 =	vmul.f32 v20, v20;
	v7 =	vadd.f32 v62, v61  }
0x1ec: {  	v60 =	vmul.f32 v37, v37;
	v62 =	vmul.f32 v40, v40;
	v49 =	vadd.f32 v39, v38  }
0x1ed: {  	v50 =	vadd.f32 v42, v41;
	v38 =	vadd.f32 v52, v51;
	v42 =	vmul.f32 v15, v15  }
0x1ee: {  	v56 =	vadd.f32 v34, v29;
	v51 =	vmul.f32 v24, v24;
	v52 =	vmul.f32 v25, v25  }
0x1ef: {  	v28 =	vmax.f32 v28, $1.199999980e-38;
	v32 =	vmax.f32 v32, $1.199999980e-38;
	v55 =	vadd.f32 v54, v53  }
0x1f0: {  	v33 =	vmax.f32 v48, $1.199999980e-38;
	v3 =	vadd.f32 v58, v3;
	v2 =	vadd.f32 v4, v2  }
0x1f1: {  	v48 =	vmul.f32 v21, v21;
	v4 =	vadd.f32 v44, v43;
	(erf) = vrcp.f32 v28  }
0x1f2: {  	v5 =	vadd.f32 v7, v5;
	v53 =	vmul.f32 v26, v26;
	(erf) = vrcp.f32 v32  }
0x1f3: {  	v54 =	vmul.f32 v27, v27;
	v35 =	vmax.f32 v49, $1.199999980e-38;
	(erf) = vrcp.f32 v33  }
0x1f4: {  	v58 =	vmul.f32 v34, v34;
	v36 =	vmax.f32 v50, $1.199999980e-38;
	(erf) = vrcp.f32 v35  }
0x1f5: {  	v38 =	vmax.f32 v38, $1.199999980e-38;
	v41 =	vadd.f32 v57, v56;
	(erf) = vrcp.f32 v36  }
0x1f6: {  	v49 =	vmul.f32 v22, v22;
	v39 =	vmax.f32 v55, $1.199999980e-38;
	(erf) = vrcp.f32 v38  }
0x1f7: {  	v50 =	vmul.f32 v23, v23;
	v41 =	vmax.f32 v41, $1.199999980e-38;
	(erf) = vrcp.f32 v39  }
0x1f8: {  	v8 =	vadd.f32 v42, v63;
	v56 =	vmul.f32 v31, v31;
	(erf) = vrcp.f32 v41  }
0x1f9: {  	v7 =	vadd.f32 v52, v51;
	v57 =	vmul.f32 v29, v29;
	v3 =	vadd.f32 v3, v6  }
0x1fa: {  	v6 =	vadd.f32 v46, v45;
	v9 =	vadd.f32 v48, v47;
	v55 =	vmul.f32 v30, v30;
	v59 =	vpop (erf)  }
0x1fb: {  	s29 =	sand.u32 $0x1800, s22;
	s25 =	sand.u32 $0x380, s21;
	v10 =	vadd.f32 v54, v53;
	v4 =	vadd.f32 v4, v8;
	v2 =	vmul.f32 v59, v2;
	v61 =	vpop (erf)  }
0x1fc: {  	s23 =	sor.u32 s25, s29;
	v11 =	vadd.f32 v50, v49;
	v8 =	vadd.f32 v58, v57;
	v3 =	vmul.f32 v61, v3;
	v63 =	vpop (erf)  }
0x1fd: {  	v6 =	vadd.f32 v9, v6;
	v12 =	vadd.f32 v56, v55;
	[tilespmem:s23+$0x12000] =	vst v2;
	v2 =	vmul.f32 v63, v5;
	v19 =	vpop (erf)  }
0x1fe: {  	v9 =	vadd.f32 v62, v60;
	v7 =	vadd.f32 v7, v11;
	[tilespmem:s23+$0x12010] =	vst v3;
	v3 =	vmul.f32 v19, v4;
	v20 =	vpop (erf)  }
0x1ff: {  	v21 =	vadd.f32 v12, v10;
	[tilespmem:s23+$0x12020] =	vst v2;
	v2 =	vmul.f32 v20, v6;
	v22 =	vpop (erf)  }
0x200: {  	v23 =	vadd.f32 v9, v8;
	[tilespmem:s23+$0x12030] =	vst v3;
	v3 =	vmul.f32 v22, v7;
	v24 =	vpop (erf)  }
0x201: {  	[tilespmem:s23+$0x12040] =	vst v2;
	v2 =	vmul.f32 v24, v21;
	v25 =	vpop (erf)  }
0x202: {  	[tilespmem:s23+$0x12050] =	vst v3;
	v3 =	vmul.f32 v25, v23  }
0x203: {  	[tilespmem:s23+$0x12060] =	vst v2  }
0x204: {  	s30 =	sor.u32 $0x8800, s24;
	[tilespmem:s23+$0x12070] =	vst v3  }
0x205: {  	v2 =	vld.idx.msk [tilespmem:v0+s30+$0x0], $0xffff  }
0x206: {  	s31 =	sor.u32 $0x8880, s24;
	v3 =	vld.idx.msk [tilespmem:v1+s30+$0x0], $0xffff  }
0x207: {  	v26 =	vld.idx.msk [tilespmem:v0+s31+$0x0], $0xffff  }
0x208: {  	s26 =	sor.u32 $0x8820, s24;
	v27 =	vld.idx.msk [tilespmem:v1+s31+$0x0], $0xffff  }
0x209: {  	v28 =	vld.idx.msk [tilespmem:v0+s26+$0x0], $0xffff  }
0x20a: {  	s28 =	sor.u32 $0x88A0, s24;
	v29 =	vld.idx.msk [tilespmem:v1+s26+$0x0], $0xffff  }
0x20b: {  	v30 =	vld.idx.msk [tilespmem:v0+s28+$0x0], $0xffff  }
0x20c: {  	s29 =	sor.u32 $0x8840, s24;
	v31 =	vld.idx.msk [tilespmem:v1+s28+$0x0], $0xffff  }
0x20d: {  	v32 =	vld.idx.msk [tilespmem:v0+s29+$0x0], $0xffff  }
0x20e: {  	v33 =	vld.idx.msk [tilespmem:v1+s29+$0x0], $0xffff;
	s30 =	sor.u32 $0x88C0, s24  }
0x20f: {  	v34 =	vld.idx.msk [tilespmem:v0+s30+$0x0], $0xffff  }
0x210: {  	s31 =	sor.u32 $0x8860, s24;
	v35 =	vld.idx.msk [tilespmem:v1+s30+$0x0], $0xffff  }
0x211: {  	s26 =	sand.u32 $0x3, s19;
	v36 =	vld.idx.msk [tilespmem:v0+s31+$0x0], $0xffff  }
0x212: {  	s24 =	sor.u32 $0x88E0, s24;
	s26 =	sshll.u32 s26, $0x8;
	v37 =	vld.idx.msk [tilespmem:v1+s31+$0x0], $0xffff  }
0x213: {  	v38 =	vld.idx.msk [tilespmem:v0+s24+$0x0], $0xffff;
	s25 =	sadd.s32 s26, s20;
	v2 =	vmax.f32 v2, $0.0e+00  }
0x214: {  	v39 =	vld.idx.msk [tilespmem:v1+s24+$0x0], $0xffff;
	s28 =	sor.u32 $0xC00, s25;
	v3 =	vmax.f32 v3, $0.0e+00;
	v4 =	vmax.f32 v26, $0.0e+00;
	v5 =	vmax.f32 v27, $0.0e+00  }
0x215: {  	v40 =	vld.idx.msk [tilespmem:v0+s28+$0x8000], $0xffff;
	v6 =	vmax.f32 v28, $0.0e+00;
	v7 =	vmax.f32 v29, $0.0e+00;
	v8 =	vmax.f32 v30, $0.0e+00  }
0x216: {  	s30 =	sor.u32 $0xC20, s25;
	v41 =	vld.idx.msk [tilespmem:v1+s28+$0x8000], $0xffff;
	v9 =	vmax.f32 v31, $0.0e+00;
	v10 =	vmax.f32 v32, $0.0e+00;
	v11 =	vmax.f32 v33, $0.0e+00  }
0x217: {  	s26 =	sadd.s32 $0x80, s25;
	v44 =	vld.idx.msk [tilespmem:v0+s30+$0x8000], $0xffff;
	v12 =	vmax.f32 v34, $0.0e+00;
	v13 =	vmax.f32 v35, $0.0e+00;
	v14 =	vmax.f32 v36, $0.0e+00  }
0x218: {  	s29 =	sor.u32 $0xC00, s26;
	v45 =	vld.idx.msk [tilespmem:v1+s30+$0x8000], $0xffff;
	v15 =	vmax.f32 v37, $0.0e+00;
	v16 =	vmax.f32 v38, $0.0e+00;
	v50 =	vadd.f32 v3, v2  }
0x219: {  	v42 =	vld.idx.msk [tilespmem:v0+s29+$0x8000], $0xffff;
	v17 =	vmax.f32 v39, $0.0e+00;
	v51 =	vadd.f32 v5, v4;
	v55 =	vadd.f32 v7, v6  }
0x21a: {  	s31 =	sor.u32 $0xC20, s26;
	v43 =	vld.idx.msk [tilespmem:v1+s29+$0x8000], $0xffff;
	v56 =	vadd.f32 v9, v8;
	v2 =	vmul.f32 v2, v2;
	v3 =	vmul.f32 v3, v3  }
0x21b: {  	v46 =	vld.idx.msk [tilespmem:v0+s31+$0x8000], $0xffff;
	v58 =	vadd.f32 v11, v10;
	v4 =	vmul.f32 v4, v4;
	v5 =	vmul.f32 v5, v5  }
0x21c: {  	s28 =	sor.u32 $0xC40, s25;
	v47 =	vld.idx.msk [tilespmem:v1+s31+$0x8000], $0xffff;
	v6 =	vmul.f32 v6, v6;
	v7 =	vmul.f32 v7, v7;
	v59 =	vadd.f32 v13, v12  }
0x21d: {  	v48 =	vld.idx.msk [tilespmem:v0+s28+$0x8000], $0xffff;
	v61 =	vadd.f32 v15, v14;
	v62 =	vadd.f32 v17, v16;
	v16 =	vmul.f32 v16, v16  }
0x21e: {  	s30 =	sor.u32 $0xC60, s25;
	v49 =	vld.idx.msk [tilespmem:v1+s28+$0x8000], $0xffff;
	v17 =	vmul.f32 v17, v17;
	v28 =	vadd.f32 v51, v50;
	v32 =	vadd.f32 v56, v55  }
0x21f: {  	v54 =	vld.idx.msk [tilespmem:v0+s30+$0x8000], $0xffff;
	v2 =	vadd.f32 v3, v2;
	v3 =	vmul.f32 v8, v8;
	v4 =	vadd.f32 v5, v4  }
0x220: {  	v57 =	vld.idx.msk [tilespmem:v1+s30+$0x8000], $0xffff;
	v6 =	vadd.f32 v7, v6;
	v18 =	vmax.f32 v40, $0.0e+00;
	v19 =	vmax.f32 v41, $0.0e+00  }
0x221: {  	v22 =	vmax.f32 v44, $0.0e+00;
	v23 =	vmax.f32 v45, $0.0e+00;
	v20 =	vmax.f32 v42, $0.0e+00  }
0x222: {  	v21 =	vmax.f32 v43, $0.0e+00;
	v24 =	vmax.f32 v46, $0.0e+00;
	v25 =	vmax.f32 v47, $0.0e+00  }
0x223: {  	s29 =	sor.u32 $0xC40, s26;
	v26 =	vmax.f32 v48, $0.0e+00;
	v27 =	vmax.f32 v49, $0.0e+00;
	v45 =	vadd.f32 v19, v18  }
0x224: {  	v52 =	vld.idx.msk [tilespmem:v0+s29+$0x8000], $0xffff;
	v47 =	vadd.f32 v59, v58;
	v48 =	vadd.f32 v62, v61;
	v29 =	vmax.f32 v54, $0.0e+00  }
0x225: {  	s31 =	sor.u32 $0xC60, s26;
	v53 =	vld.idx.msk [tilespmem:v1+s29+$0x8000], $0xffff;
	v50 =	vadd.f32 v23, v22;
	v34 =	vmax.f32 v57, $0.0e+00;
	v57 =	vmul.f32 v9, v9  }
0x226: {  	v60 =	vld.idx.msk [tilespmem:v0+s31+$0x8000], $0xffff;
	v28 =	vmax.f32 v28, $1.199999980e-38;
	v58 =	vmul.f32 v10, v10;
	v59 =	vmul.f32 v11, v11  }
0x227: {  	v63 =	vld.idx.msk [tilespmem:v1+s31+$0x8000], $0xffff;
	v32 =	vmax.f32 v32, $1.199999980e-38;
	v61 =	vmul.f32 v13, v13;
	v62 =	vmul.f32 v14, v14  }
0x228: {  	v2 =	vadd.f32 v4, v2;
	v18 =	vmul.f32 v18, v18;
	v19 =	vmul.f32 v19, v19  }
0x229: {  	v43 =	vmul.f32 v22, v22;
	v4 =	vadd.f32 v17, v16;
	v44 =	vmul.f32 v23, v23  }
0x22a: {  	v46 =	vadd.f32 v21, v20;
	v30 =	vmax.f32 v52, $0.0e+00;
	v31 =	vmax.f32 v53, $0.0e+00  }
0x22b: {  	v51 =	vadd.f32 v25, v24;
	v52 =	vadd.f32 v27, v26;
	v37 =	vmax.f32 v60, $0.0e+00  }
0x22c: {  	v40 =	vmax.f32 v63, $0.0e+00;
	v60 =	vmul.f32 v12, v12;
	v63 =	vmul.f32 v15, v15  }
0x22d: {  	v55 =	vadd.f32 v34, v29;
	v20 =	vmul.f32 v20, v20;
	(erf) = vrcp.f32 v28  }
0x22e: {  	v42 =	vmul.f32 v21, v21;
	v53 =	vadd.f32 v31, v30;
	v33 =	vmax.f32 v47, $1.199999980e-38  }
0x22f: {  	v56 =	vadd.f32 v40, v37;
	v35 =	vmax.f32 v48, $1.199999980e-38;
	v3 =	vadd.f32 v57, v3  }
0x230: {  	v5 =	vadd.f32 v59, v58;
	(erf) = vrcp.f32 v32;
	v47 =	vmul.f32 v26, v26  }
0x231: {  	v48 =	vmul.f32 v27, v27;
	v11 =	vadd.f32 v44, v43;
	v49 =	vadd.f32 v46, v45  }
0x232: {  	v57 =	vmul.f32 v40, v40;
	v38 =	vadd.f32 v51, v50;
	v7 =	vadd.f32 v61, v60  }
0x233: {  	v8 =	vadd.f32 v63, v62;
	(erf) = vrcp.f32 v33;
	v45 =	vmul.f32 v24, v24  }
0x234: {  	v54 =	vadd.f32 v53, v52;
	(erf) = vrcp.f32 v35;
	v36 =	vmax.f32 v49, $1.199999980e-38  }
0x235: {  	v41 =	vadd.f32 v56, v55;
	v38 =	vmax.f32 v38, $1.199999980e-38;
	(erf) = vrcp.f32 v36  }
0x236: {  	v46 =	vmul.f32 v25, v25;
	v39 =	vmax.f32 v54, $1.199999980e-38;
	(erf) = vrcp.f32 v38  }
0x237: {  	v9 =	vadd.f32 v42, v20;
	v41 =	vmax.f32 v41, $1.199999980e-38;
	(erf) = vrcp.f32 v39  }
0x238: {  	v50 =	vmul.f32 v31, v31;
	v3 =	vadd.f32 v3, v6;
	(erf) = vrcp.f32 v41  }
0x239: {  	v6 =	vadd.f32 v19, v18;
	v52 =	vmul.f32 v29, v29;
	v53 =	vmul.f32 v34, v34  }
0x23a: {  	v55 =	vmul.f32 v37, v37;
	v10 =	vadd.f32 v48, v47;
	v5 =	vadd.f32 v7, v5;
	v51 =	vpop (erf)  }
0x23b: {  	v4 =	vadd.f32 v4, v8;
	v49 =	vmul.f32 v30, v30;
	v54 =	vpop (erf);
	v2 =	vmul.f32 v51, v2  }
0x23c: {  	v7 =	vadd.f32 v46, v45;
	v6 =	vadd.f32 v9, v6;
	v56 =	vpop (erf);
	v3 =	vmul.f32 v54, v3  }
0x23d: {  	v8 =	vadd.f32 v53, v52;
	v12 =	vadd.f32 v50, v49;
	v58 =	vpop (erf);
	[tilespmem:s23+$0x12400] =	vst v2;
	v2 =	vmul.f32 v56, v5  }
0x23e: {  	v9 =	vadd.f32 v57, v55;
	v7 =	vadd.f32 v7, v11;
	[tilespmem:s23+$0x12410] =	vst v3;
	v3 =	vmul.f32 v58, v4;
	v59 =	vpop (erf)  }
0x23f: {  	p0 =	sne.s32 s22, $0x1F00;
	v10 =	vadd.f32 v12, v10;
	[tilespmem:s23+$0x12420] =	vst v2;
	v60 =	vpop (erf);
	v2 =	vmul.f32 v59, v6  }
.Ltmp4:
0x240: {  	v62 =	vadd.f32 v9, v8;
	[tilespmem:s23+$0x12430] =	vst v3;
	v61 =	vpop (erf);
	v3 =	vmul.f32 v60, v7;
	(pc) =	sbr.rel @p0 .LBB2_10-.Ltmp4, $4  }
0x241: {  	[tilespmem:s23+$0x12440] =	vst v2;
	v2 =	vmul.f32 v61, v10;
	v63 =	vpop (erf)  }
0x242: {  	[tilespmem:s23+$0x12450] =	vst v3;
	v3 =	vmul.f32 v63, v62  }
0x243: {  	s22 =	sadd.s32 $0x100, s22;
	[tilespmem:s23+$0x12460] =	vst v2  }
0x244: {  	s21 =	sadd.s32 $0x80, s21;
	s19 =	sadd.s32 $0x1, s19;
	s20 =	sadd.s32 $0x400, s20;
	[tilespmem:s23+$0x12470] =	vst v3  }
0x245: {  	[hbm4b:s9+s4] =	stream.linear.scatter [tilespmem:s15], [sflag:$0x4], $0x2000, $0x38;
	[tilespmem:$0x14000] =	vst v63  }
0x246: {  	s18 =	sadd.s32 $0x1, s18  }
0x247: {  	_ =	swait.ge [sflag:s16], $0x2000;
	p0 =	sne.s32 s18, s10  }
.Ltmp5:
0x248: {  	[sflag:s16] =	ssyncset.done $0x0;
	(pc) =	sbr.rel @p0 .LBB2_1-.Ltmp5, $4  }
0x249: {  	[sflag:s16] =	ssyncadd.s32 $0xFFFFE000  }
0x24a: {  	_ =	swait.ge [sflag:s17], $0x2000  }
0x24b: {  	[sflag:s17] =	ssyncset.done $0x0  }
0x24c: {  	[sflag:s17] =	ssyncadd.s32 $0xFFFFE000  }
0x24d: {  	_ =	sfence.sel $0x180000  }
0x24e: {  	[bflag:$0x0] =	sbarrier.arrive $0xFFFF  }
0x24f: {  	p0 =	sne.s32 s0, $0x0;
	_ =	strace $0x90000047  }
0x250: {  	s0 =	sadd.s32 @!p0 $0x100000, s1;
	[bflag:$0x2] =	sbarrier.arrive $0xFFFF  }
0x251: {  	[sflag:s0] =	ssyncadd.tile.s32 @!p0 $0x1;
	_ =	shalt  }
.Lfunc_end2:
_tile_overlayer_lowered:
.L_overlay_start_2:
0x252: {  	(tag) =	ssettag $0x2  }
0x253: {  	s0 =	rddreg [dreg:$0x0];
	s2 =	stileid.u32  }
0x254: {  	s1 =	rddreg [dreg:$0x1];
	p0 =	sne.s32 s2, $0x0  }
0x255: {  	s3 =	rddreg [dreg:$0x2];
	[bflag:$0x3] =	sbarrier.arrive $0xFFFF;
	s2 =	simm.s32 @!p0 $0x1C05  }
0x256: {  	[timem:s3], [sflag:s2] =	dma.local @!p0 [hbm:s0], s1  }
0x257: {  	s0 =	simm.s32 @!p0 $0x5  }
0x258: {  	_ =	swait.ge @!p0 [sflag:s0], s1  }
0x259: {  	s1 =	ssub.s32 @!p0 $0x0, s1;
	[sflag:s0] =	ssyncset.done @!p0 $0x0  }
0x25a: {  	[sflag:s0] =	ssyncadd.s32 @!p0 s1  }
0x25b: {  	[bflag:$0x3] =	sbarrier.arrive $0xFFFF  }
0x25c: {  	_ =	shalt  }

</sc_bundles>
